<compile_context>
chip_gen: v7x
topology: tpu7x:2x2x1
jax: 0.10.2.dev20260603
libtpu: 0.0.44.dev20260713+nightly
codegen_flags: <defaults>
</compile_context>

<pallas_src>
import functools

import jax
import jax.numpy as jnp
from jax import lax
from jax.experimental import pallas as pl
from jax.experimental.pallas import tpu as pltpu
from jax.experimental.pallas import tpu_sc as plsc

BATCH = 4096
SEQ = 200
EMB_DIM = 64
PAD_DIM = 128
VOCAB = 1000000

NC = 2
NS = 16
NW = NC * NS
L = 16

N_BLOCKS = VOCAB // PAD_DIM
BLOCKS_PER_W = N_BLOCKS // NW + 1
BLK_WORDS = PAD_DIM * EMB_DIM
STRIDE = EMB_DIM + 1

B_TOTAL = BATCH * SEQ
B_PER_W = B_TOTAL // NW
IDX_MINOR = 128
N_STREAMS = B_PER_W // IDX_MINOR
GROUP = 4
ROWS_PER_CHUNK = GROUP * IDX_MINOR
N_CHUNKS = N_STREAMS // GROUP
N_HALF = N_CHUNKS // 2


def _make_relayout():
    mesh = plsc.VectorSubcoreMesh(core_axis_name="c", subcore_axis_name="s")

    @functools.partial(
        pl.kernel,
        out_type=jax.ShapeDtypeStruct((VOCAB * EMB_DIM,), jnp.float32),
        mesh=mesh,
        scratch_types=[
            pltpu.VMEM((EMB_DIM, PAD_DIM), jnp.float32),
            pltpu.VMEM((EMB_DIM, PAD_DIM), jnp.float32),
            pltpu.VMEM((PAD_DIM * STRIDE,), jnp.float32),
            pltpu.VMEM((PAD_DIM * STRIDE,), jnp.float32),
            pltpu.VMEM((BLK_WORDS,), jnp.float32),
            pltpu.VMEM((BLK_WORDS,), jnp.float32),
            pltpu.SemaphoreType.DMA,
            pltpu.SemaphoreType.DMA,
            pltpu.SemaphoreType.DMA,
            pltpu.SemaphoreType.DMA,
        ],
        compiler_params=pltpu.CompilerParams(
            use_tc_tiling_on_sc=True, needs_layout_passes=False),
    )
    def relayout(tt_hbm, tail_hbm, out_hbm, in_a, in_b, st_a, st_b,
                 tr_a, tr_b, sem_ia, sem_ib, sem_oa, sem_ob):
        wid = lax.axis_index("s") * NC + lax.axis_index("c")
        iota65 = lax.iota(jnp.int32, L) * STRIDE

        def blk(n):
            return n * NW + wid

        def fire_in(it, buf, sem):
            off = pl.multiple_of(it * PAD_DIM, PAD_DIM)
            pltpu.async_copy(
                tt_hbm.at[:, pl.ds(off, PAD_DIM)], buf, sem)

        def wait_in(buf, sem):
            pltpu.make_async_copy(
                tt_hbm.at[:, pl.ds(0, PAD_DIM)], buf, sem).wait()

        def transpose(buf, st, n_i=PAD_DIM):
            @plsc.parallel_loop(0, EMB_DIM, unroll=8)
            def _(d):
                for ib in range(n_i // L):
                    v = buf[d, pl.ds(ib * L, L)]
                    plsc.store_scatter(
                        st, [iota65 + (ib * L * STRIDE + d)], v)

        def compact(st, tr, n_i=PAD_DIM):
            @plsc.parallel_loop(0, n_i, unroll=8)
            def _(i):
                for k in range(EMB_DIM // L):
                    tr[pl.ds(i * EMB_DIM + k * L, L)] = (
                        st[pl.ds(i * STRIDE + k * L, L)])

        def fire_out(it, tr, sem):
            off = pl.multiple_of(it * BLK_WORDS, BLK_WORDS)
            pltpu.async_copy(
                tr, out_hbm.at[pl.ds(off, BLK_WORDS)], sem)

        def wait_out(tr, sem):
            pltpu.make_async_copy(
                tr, out_hbm.at[pl.ds(0, BLK_WORDS)], sem).wait()

        fire_in(blk(0), in_a, sem_ia)

        def body(k, carry):
            n0 = 2 * k

            @pl.when(blk(n0 + 1) < N_BLOCKS)
            def _():
                fire_in(blk(n0 + 1), in_b, sem_ib)

            @pl.when(blk(n0) < N_BLOCKS)
            def _():
                wait_in(in_a, sem_ia)

                @pl.when(k > 0)
                def _():
                    wait_out(tr_a, sem_oa)
                transpose(in_a, st_a)
                compact(st_a, tr_a)
                fire_out(blk(n0), tr_a, sem_oa)

            @pl.when(blk(n0 + 2) < N_BLOCKS)
            def _():
                fire_in(blk(n0 + 2), in_a, sem_ia)

            @pl.when(blk(n0 + 1) < N_BLOCKS)
            def _():
                wait_in(in_b, sem_ib)

                @pl.when(k > 0)
                def _():
                    wait_out(tr_b, sem_ob)
                transpose(in_b, st_b)
                compact(st_b, tr_b)
                fire_out(blk(n0 + 1), tr_b, sem_ob)
            return carry

        n_iters = (BLOCKS_PER_W + 1) // 2
        lax.fori_loop(0, n_iters, body, 0)

        wait_out(tr_a, sem_oa)
        wait_out(tr_b, sem_ob)

        @pl.when(wid == 0)
        def _():
            pltpu.sync_copy(tail_hbm, in_a)
            transpose(in_a, st_a, n_i=EMB_DIM)
            compact(st_a, tr_a, n_i=EMB_DIM)
            pltpu.sync_copy(
                tr_a.at[pl.ds(0, BLK_WORDS // 2)],
                out_hbm.at[pl.ds(N_BLOCKS * BLK_WORDS, BLK_WORDS // 2)])

    return relayout


N_GBLOCKS = SEQ * (BATCH // PAD_DIM)
GBLK_PER_W = N_GBLOCKS // NW
DT = EMB_DIM // 8
ST2_WORDS = EMB_DIM * (PAD_DIM + 1)
OBLK_WORDS = PAD_DIM * EMB_DIM


def _make_gather():
    mesh = plsc.VectorSubcoreMesh(core_axis_name="c", subcore_axis_name="s")

    @functools.partial(
        pl.kernel,
        out_type=jax.ShapeDtypeStruct((SEQ * DT * 32 * 8 * PAD_DIM,),
                                      jnp.float32),
        mesh=mesh,
        scratch_types=[
            pltpu.VMEM((GBLK_PER_W, IDX_MINOR), jnp.int32),
            pltpu.VMEM((IDX_MINOR, EMB_DIM), jnp.float32),
            pltpu.VMEM((IDX_MINOR, EMB_DIM), jnp.float32),
            pltpu.VMEM((ST2_WORDS,), jnp.float32),
            pltpu.VMEM((OBLK_WORDS,), jnp.float32),
            pltpu.VMEM((OBLK_WORDS,), jnp.float32),
            pltpu.SemaphoreType.DMA,
            pltpu.SemaphoreType.DMA,
            pltpu.SemaphoreType.DMA,
            pltpu.SemaphoreType.DMA,
        ],
        compiler_params=pltpu.CompilerParams(
            use_tc_tiling_on_sc=False, needs_layout_passes=False),
    )
    def emb(x_hbm, table_hbm, out_hbm, idx_v, buf_a, buf_b, st2, trc_a,
            trc_b, sem_a, sem_b, sem_oa, sem_ob):
        wid = lax.axis_index("s") * NC + lax.axis_index("c")
        g0 = wid * GBLK_PER_W
        jvec = lax.iota(jnp.int32, L) * (PAD_DIM + 1)
        pltpu.sync_copy(x_hbm.at[pl.ds(g0, GBLK_PER_W), :], idx_v)

        def fire(c, buf, sem):
            pltpu.async_copy(table_hbm.at[idx_v.at[c]], buf, sem)

        def drain(c, buf, sem):
            pltpu.make_async_copy(
                table_hbm.at[idx_v.at[c]], buf, sem).wait()

        def transpose(buf):
            @plsc.parallel_loop(0, IDX_MINOR, unroll=8)
            def _(bb):
                for k in range(EMB_DIM // L):
                    v = buf[bb, pl.ds(k * L, L)]
                    plsc.store_scatter(
                        st2, [jvec + (k * L * (PAD_DIM + 1) + bb)], v)

        def compact(trc):
            @plsc.parallel_loop(0, EMB_DIM, unroll=8)
            def _(m):
                for k in range(PAD_DIM // L):
                    trc[pl.ds(m * PAD_DIM + k * L, L)] = (
                        st2[pl.ds(m * (PAD_DIM + 1) + k * L, L)])

        def fire_out(c, trc, sem):
            s = c // 32
            bt = c - s * 32
            base = s * (DT * 32 * 8 * PAD_DIM) + bt * (8 * PAD_DIM)
            for dt in range(DT):
                off = pl.multiple_of(base + dt * (32 * 8 * PAD_DIM),
                                     8 * PAD_DIM)
                pltpu.async_copy(
                    trc.at[pl.ds(dt * 8 * PAD_DIM, 8 * PAD_DIM)],
                    out_hbm.at[pl.ds(off, 8 * PAD_DIM)], sem)

        def wait_out(trc, sem):
            for dt in range(DT):
                pltpu.make_async_copy(
                    trc.at[pl.ds(dt * 8 * PAD_DIM, 8 * PAD_DIM)],
                    out_hbm.at[pl.ds(0, 8 * PAD_DIM)], sem).wait()

        fire(0, buf_a, sem_a)

        def body(k, carry):
            c0 = 2 * k
            fire(c0 + 1, buf_b, sem_b)
            drain(c0, buf_a, sem_a)
            transpose(buf_a)

            @pl.when(k > 0)
            def _():
                wait_out(trc_a, sem_oa)
            compact(trc_a)
            fire_out(g0 + c0, trc_a, sem_oa)

            @pl.when(k < GBLK_PER_W // 2 - 1)
            def _():
                fire(c0 + 2, buf_a, sem_a)

            drain(c0 + 1, buf_b, sem_b)
            transpose(buf_b)

            @pl.when(k > 0)
            def _():
                wait_out(trc_b, sem_ob)
            compact(trc_b)
            fire_out(g0 + c0 + 1, trc_b, sem_ob)
            return carry

        lax.fori_loop(0, GBLK_PER_W // 2, body, 0)
        wait_out(trc_a, sem_oa)
        wait_out(trc_b, sem_ob)

    return emb


_relayout = _make_relayout()
_emb = _make_gather()


@jax.jit
def kernel(x, table):
    xt_r = x.T.reshape(N_GBLOCKS, IDX_MINOR).astype(jnp.int32)
    tail_p = jnp.pad(table[N_BLOCKS * PAD_DIM:].T,
                     ((0, 0), (0, PAD_DIM - EMB_DIM)))
    table_lin = _relayout(table.T, tail_p).reshape(VOCAB, EMB_DIM)
    o5 = _emb(xt_r, table_lin).reshape(SEQ, DT, 32, 8, PAD_DIM)
    return o5.transpose(2, 4, 0, 1, 3).reshape(BATCH, SEQ, EMB_DIM)

# --- scband reference (transcript-rebuilt; emitter-appended) ---
"""Pipeline reference for scband-embedding-layer-22531398435511 (READ-ONLY COPY).

The authoritative reference and input builder live on the scoring server;
editing this copy changes nothing except your own understanding.
"""

import jax, jax.numpy as jnp
import numpy as np

VOCAB = 1000000
EMB_DIM = 64
BATCH = 4096
SEQ = 200

def setup_inputs(seed: int = 0) -> dict:
    key = jax.random.key(seed)
    k_idx, k_tab = jax.random.split(key)
    x = jax.random.randint(k_idx, (BATCH, SEQ), 0, VOCAB, dtype=jnp.int64 if jax.config.jax_enable_x64 else jnp.int32)
    table = jax.random.normal(k_tab, (VOCAB, EMB_DIM), dtype=jnp.float32) * 0.02
    return {"x": x, "table": table}

def reference(x, table):
    # EmbeddingLayer.forward: self.emb(x) -> row gather from pretrained table
    return jnp.take(table, x, axis=0)

if __name__ == "__main__":
    import jax
    _d = setup_inputs()
    print(jax.jit(kernel)(*tuple(_d.values())))

</pallas_src>

<mosaic_0001>
#map = affine_map<(d0, d1) -> (0, 0)>
#map1 = affine_map<(d0, d1) -> (0)>
module attributes {stable_mosaic.version = 14 : i64} {
  func.func @relayout(%arg0: i32, %arg1: i32, %arg2: memref<64x1000000xf32, #tpu.memory_space<hbm>>, %arg3: memref<64x128xf32, #tpu.memory_space<hbm>>, %arg4: memref<64000000xf32, #tpu.memory_space<hbm>>, %arg5: memref<64x128xf32, #tpu.memory_space<vmem>>, %arg6: memref<64x128xf32, #tpu.memory_space<vmem>>, %arg7: memref<8320xf32, #tpu.memory_space<vmem>>, %arg8: memref<8320xf32, #tpu.memory_space<vmem>>, %arg9: memref<8192xf32, #tpu.memory_space<vmem>>, %arg10: memref<8192xf32, #tpu.memory_space<vmem>>, %arg11: memref<!tpu.dma_semaphore, #tpu.memory_space<semaphore_mem>>, %arg12: memref<!tpu.dma_semaphore, #tpu.memory_space<semaphore_mem>>, %arg13: memref<!tpu.dma_semaphore, #tpu.memory_space<semaphore_mem>>, %arg14: memref<!tpu.dma_semaphore, #tpu.memory_space<semaphore_mem>>) attributes {dimension_semantics = [#tpu.dimension_semantics<core_parallel>, #tpu.dimension_semantics<subcore_parallel>], iteration_bounds = array<i64: 2, 16>, scalar_prefetch = 0 : i64, scratch_operands = 10 : i64, tpu.core_type = #tpu.core_type<sc_vector_subcore>, window_params = [{transform_indices = #map}, {transform_indices = #map}, {transform_indices = #map1}]} {
    %mul3A = arith.constant 2 : i32
    %mul3A_0 = arith.muli %arg1, %mul3A : i32
    %add3A = arith.addi %mul3A_0, %arg0 : i32
    %iota3A = tpu.iota {dimensions = array<i32: 0>} : vector<16xi32>
    %mul3A_1 = arith.constant 65 : i32
    %mul3A_2 = vector.broadcast %mul3A_1 : i32 to vector<16xi32>
    %mul3A_3 = arith.muli %iota3A, %mul3A_2 : vector<16xi32>
    %add3A_4 = arith.constant 0 : i32
    %add3A_5 = arith.addi %add3A_4, %add3A : i32
    %mul3A_6 = arith.constant 128 : i32
    %mul3A_7 = arith.muli %add3A_5, %mul3A_6 : i32
    %multiple_of3A = tpu.assume_multiple %mul3A_7, 128 : i32
    %dma_start3A = arith.constant 0 : i32
    %dma_start3A_8 = tpu.memref_slice %arg2[%dma_start3A, %multiple_of3A] : memref<64x1000000xf32, #tpu.memory_space<hbm>> -> memref<64x128xf32, #tpu.memory_space<hbm>>
    %dma_start3A_9 = arith.constant 0 : i32
    %dma_start3A_10 = tpu.memref_slice %arg2[%dma_start3A_9, %multiple_of3A] : memref<64x1000000xf32, #tpu.memory_space<hbm>> -> memref<64x128xf32, #tpu.memory_space<hbm>>
    tpu.enqueue_dma source(%dma_start3A_10 : memref<64x128xf32, #tpu.memory_space<hbm>>) target(%arg5 : memref<64x128xf32, #tpu.memory_space<vmem>>) target_semaphore(%arg11 : memref<!tpu.dma_semaphore, #tpu.memory_space<semaphore_mem>>)
    %scan3A = arith.constant 0 : i32
    %scan3A_11 = arith.constant 0 : i32
    %scan3A_12 = arith.constant 123 : i32
    %scan3A_13 = arith.addi %scan3A_11, %scan3A_12 : i32
    %scan3A_14 = arith.constant 1 : i32
    scf.for %scan3A_25 = %scan3A_11 to %scan3A_13 step %scan3A_14  : i32 {
      %mul3A_26 = arith.constant 2 : i32
      %mul3A_27 = arith.muli %mul3A_26, %scan3A_25 : i32
      %add3A_28 = arith.constant 1 : i32
      %add3A_29 = arith.addi %mul3A_27, %add3A_28 : i32
      %mul3A_30 = arith.constant 32 : i32
      %mul3A_31 = arith.muli %add3A_29, %mul3A_30 : i32
      %add3A_32 = arith.addi %mul3A_31, %add3A : i32
      %lt3A = arith.constant 7812 : i32
      %lt3A_33 = arith.cmpi slt, %add3A_32, %lt3A : i32
      %convert_element_type3A_34 = arith.extui %lt3A_33 : i1 to i32
      %cond3A_35 = arith.constant 0 : i32
      %cond3A_36 = arith.cmpi ne, %convert_element_type3A_34, %cond3A_35 : i32
      scf.if %cond3A_36 {
        %add3A_65 = arith.constant 1 : i32
        %add3A_66 = arith.addi %mul3A_27, %add3A_65 : i32
        %mul3A_67 = arith.constant 32 : i32
        %mul3A_68 = arith.muli %add3A_66, %mul3A_67 : i32
        %add3A_69 = arith.addi %mul3A_68, %add3A : i32
        %mul3A_70 = arith.constant 128 : i32
        %mul3A_71 = arith.muli %add3A_69, %mul3A_70 : i32
        %multiple_of3A_72 = tpu.assume_multiple %mul3A_71, 128 : i32
        %dma_start3A_73 = arith.constant 0 : i32
        %dma_start3A_74 = tpu.memref_slice %arg2[%dma_start3A_73, %multiple_of3A_72] : memref<64x1000000xf32, #tpu.memory_space<hbm>> -> memref<64x128xf32, #tpu.memory_space<hbm>>
        %dma_start3A_75 = arith.constant 0 : i32
        %dma_start3A_76 = tpu.memref_slice %arg2[%dma_start3A_75, %multiple_of3A_72] : memref<64x1000000xf32, #tpu.memory_space<hbm>> -> memref<64x128xf32, #tpu.memory_space<hbm>>
        tpu.enqueue_dma source(%dma_start3A_76 : memref<64x128xf32, #tpu.memory_space<hbm>>) target(%arg6 : memref<64x128xf32, #tpu.memory_space<vmem>>) target_semaphore(%arg12 : memref<!tpu.dma_semaphore, #tpu.memory_space<semaphore_mem>>)
      } else {
      }
      %mul3A_37 = arith.constant 32 : i32
      %mul3A_38 = arith.muli %mul3A_27, %mul3A_37 : i32
      %add3A_39 = arith.addi %mul3A_38, %add3A : i32
      %lt3A_40 = arith.constant 7812 : i32
      %lt3A_41 = arith.cmpi slt, %add3A_39, %lt3A_40 : i32
      %convert_element_type3A_42 = arith.extui %lt3A_41 : i1 to i32
      %cond3A_43 = arith.constant 0 : i32
      %cond3A_44 = arith.cmpi ne, %convert_element_type3A_42, %cond3A_43 : i32
      scf.if %cond3A_44 {
        %dma_wait3A_65 = arith.constant 0 : i32
        %dma_wait3A_66 = arith.constant 0 : i32
        %dma_wait3A_67 = tpu.memref_slice %arg2[%dma_wait3A_65, %dma_wait3A_66] : memref<64x1000000xf32, #tpu.memory_space<hbm>> -> memref<64x128xf32, #tpu.memory_space<hbm>>
        %dma_wait3A_68 = arith.constant 0 : i32
        %dma_wait3A_69 = arith.constant 0 : i32
        %dma_wait3A_70 = tpu.memref_slice %arg2[%dma_wait3A_68, %dma_wait3A_69] : memref<64x1000000xf32, #tpu.memory_space<hbm>> -> memref<64x128xf32, #tpu.memory_space<hbm>>
        tpu.wait_dma2 semaphore(%arg11 : memref<!tpu.dma_semaphore, #tpu.memory_space<semaphore_mem>>) src(%dma_wait3A_70 : memref<64x128xf32, #tpu.memory_space<hbm>>) dst(%arg5 : memref<64x128xf32, #tpu.memory_space<vmem>>)
        %gt3A = arith.constant 0 : i32
        %gt3A_71 = arith.cmpi sgt, %scan3A_25, %gt3A : i32
        %convert_element_type3A_72 = arith.extui %gt3A_71 : i1 to i32
        %cond3A_73 = arith.constant 0 : i32
        %cond3A_74 = arith.cmpi ne, %convert_element_type3A_72, %cond3A_73 : i32
        scf.if %cond3A_74 {
          %dma_wait3A_88 = arith.constant 0 : i32
          %dma_wait3A_89 = tpu.memref_slice %arg4[%dma_wait3A_88] : memref<64000000xf32, #tpu.memory_space<hbm>> -> memref<8192xf32, #tpu.memory_space<hbm>>
          %dma_wait3A_90 = arith.constant 0 : i32
          %dma_wait3A_91 = tpu.memref_slice %arg4[%dma_wait3A_90] : memref<64000000xf32, #tpu.memory_space<hbm>> -> memref<8192xf32, #tpu.memory_space<hbm>>
          tpu.wait_dma2 semaphore(%arg13 : memref<!tpu.dma_semaphore, #tpu.memory_space<semaphore_mem>>) src(%arg9 : memref<8192xf32, #tpu.memory_space<vmem>>) dst(%dma_wait3A_91 : memref<8192xf32, #tpu.memory_space<hbm>>)
        } else {
        }
        %parallel_loop3A = arith.constant 0 : i32
        %parallel_loop3A_75 = arith.constant 64 : i32
        %parallel_loop3A_76 = arith.constant 1 : i32
        scf.for %parallel_loop3A_88 = %parallel_loop3A to %parallel_loop3A_75 step %parallel_loop3A_76  : i32 {
          %parallel_loop3A_89 = arith.index_cast %parallel_loop3A_88 : i32 to index
          %parallel_loop3A_90 = arith.constant 0 : index
          %parallel_loop3A_91 = tpu.vector_load %arg5[%parallel_loop3A_89, %parallel_loop3A_90] {strides = array<i32>} : memref<64x128xf32, #tpu.memory_space<vmem>>, vector<16xf32>,
          %parallel_loop3A_92 = arith.constant 0 : i32
          %parallel_loop3A_93 = arith.addi %parallel_loop3A_92, %parallel_loop3A_88 : i32
          %parallel_loop3A_94 = vector.broadcast %parallel_loop3A_93 : i32 to vector<16xi32>
          %parallel_loop3A_95 = arith.addi %mul3A_3, %parallel_loop3A_94 : vector<16xi32>
          tpu.vector_store_idx %arg7[%parallel_loop3A_95], %parallel_loop3A_91 : memref<8320xf32, #tpu.memory_space<vmem>>[vector<16xi32>], vector<16xf32>,
          %parallel_loop3A_96 = arith.index_cast %parallel_loop3A_88 : i32 to index
          %parallel_loop3A_97 = arith.constant 16 : index
          %parallel_loop3A_98 = tpu.vector_load %arg5[%parallel_loop3A_96, %parallel_loop3A_97] {strides = array<i32>} : memref<64x128xf32, #tpu.memory_space<vmem>>, vector<16xf32>,
          %parallel_loop3A_99 = arith.constant 1040 : i32
          %parallel_loop3A_100 = arith.addi %parallel_loop3A_99, %parallel_loop3A_88 : i32
          %parallel_loop3A_101 = vector.broadcast %parallel_loop3A_100 : i32 to vector<16xi32>
          %parallel_loop3A_102 = arith.addi %mul3A_3, %parallel_loop3A_101 : vector<16xi32>
          tpu.vector_store_idx %arg7[%parallel_loop3A_102], %parallel_loop3A_98 : memref<8320xf32, #tpu.memory_space<vmem>>[vector<16xi32>], vector<16xf32>,
          %parallel_loop3A_103 = arith.index_cast %parallel_loop3A_88 : i32 to index
          %parallel_loop3A_104 = arith.constant 32 : index
          %parallel_loop3A_105 = tpu.vector_load %arg5[%parallel_loop3A_103, %parallel_loop3A_104] {strides = array<i32>} : memref<64x128xf32, #tpu.memory_space<vmem>>, vector<16xf32>,
          %parallel_loop3A_106 = arith.constant 2080 : i32
          %parallel_loop3A_107 = arith.addi %parallel_loop3A_106, %parallel_loop3A_88 : i32
          %parallel_loop3A_108 = vector.broadcast %parallel_loop3A_107 : i32 to vector<16xi32>
          %parallel_loop3A_109 = arith.addi %mul3A_3, %parallel_loop3A_108 : vector<16xi32>
          tpu.vector_store_idx %arg7[%parallel_loop3A_109], %parallel_loop3A_105 : memref<8320xf32, #tpu.memory_space<vmem>>[vector<16xi32>], vector<16xf32>,
          %parallel_loop3A_110 = arith.index_cast %parallel_loop3A_88 : i32 to index
          %parallel_loop3A_111 = arith.constant 48 : index
          %parallel_loop3A_112 = tpu.vector_load %arg5[%parallel_loop3A_110, %parallel_loop3A_111] {strides = array<i32>} : memref<64x128xf32, #tpu.memory_space<vmem>>, vector<16xf32>,
          %parallel_loop3A_113 = arith.constant 3120 : i32
          %parallel_loop3A_114 = arith.addi %parallel_loop3A_113, %parallel_loop3A_88 : i32
          %parallel_loop3A_115 = vector.broadcast %parallel_loop3A_114 : i32 to vector<16xi32>
          %parallel_loop3A_116 = arith.addi %mul3A_3, %parallel_loop3A_115 : vector<16xi32>
          tpu.vector_store_idx %arg7[%parallel_loop3A_116], %parallel_loop3A_112 : memref<8320xf32, #tpu.memory_space<vmem>>[vector<16xi32>], vector<16xf32>,
          %parallel_loop3A_117 = arith.index_cast %parallel_loop3A_88 : i32 to index
          %parallel_loop3A_118 = arith.constant 64 : index
          %parallel_loop3A_119 = tpu.vector_load %arg5[%parallel_loop3A_117, %parallel_loop3A_118] {strides = array<i32>} : memref<64x128xf32, #tpu.memory_space<vmem>>, vector<16xf32>,
          %parallel_loop3A_120 = arith.constant 4160 : i32
          %parallel_loop3A_121 = arith.addi %parallel_loop3A_120, %parallel_loop3A_88 : i32
          %parallel_loop3A_122 = vector.broadcast %parallel_loop3A_121 : i32 to vector<16xi32>
          %parallel_loop3A_123 = arith.addi %mul3A_3, %parallel_loop3A_122 : vector<16xi32>
          tpu.vector_store_idx %arg7[%parallel_loop3A_123], %parallel_loop3A_119 : memref<8320xf32, #tpu.memory_space<vmem>>[vector<16xi32>], vector<16xf32>,
          %parallel_loop3A_124 = arith.index_cast %parallel_loop3A_88 : i32 to index
          %parallel_loop3A_125 = arith.constant 80 : index
          %parallel_loop3A_126 = tpu.vector_load %arg5[%parallel_loop3A_124, %parallel_loop3A_125] {strides = array<i32>} : memref<64x128xf32, #tpu.memory_space<vmem>>, vector<16xf32>,
          %parallel_loop3A_127 = arith.constant 5200 : i32
          %parallel_loop3A_128 = arith.addi %parallel_loop3A_127, %parallel_loop3A_88 : i32
          %parallel_loop3A_129 = vector.broadcast %parallel_loop3A_128 : i32 to vector<16xi32>
          %parallel_loop3A_130 = arith.addi %mul3A_3, %parallel_loop3A_129 : vector<16xi32>
          tpu.vector_store_idx %arg7[%parallel_loop3A_130], %parallel_loop3A_126 : memref<8320xf32, #tpu.memory_space<vmem>>[vector<16xi32>], vector<16xf32>,
          %parallel_loop3A_131 = arith.index_cast %parallel_loop3A_88 : i32 to index
          %parallel_loop3A_132 = arith.constant 96 : index
          %parallel_loop3A_133 = tpu.vector_load %arg5[%parallel_loop3A_131, %parallel_loop3A_132] {strides = array<i32>} : memref<64x128xf32, #tpu.memory_space<vmem>>, vector<16xf32>,
          %parallel_loop3A_134 = arith.constant 6240 : i32
          %parallel_loop3A_135 = arith.addi %parallel_loop3A_134, %parallel_loop3A_88 : i32
          %parallel_loop3A_136 = vector.broadcast %parallel_loop3A_135 : i32 to vector<16xi32>
          %parallel_loop3A_137 = arith.addi %mul3A_3, %parallel_loop3A_136 : vector<16xi32>
          tpu.vector_store_idx %arg7[%parallel_loop3A_137], %parallel_loop3A_133 : memref<8320xf32, #tpu.memory_space<vmem>>[vector<16xi32>], vector<16xf32>,
          %parallel_loop3A_138 = arith.index_cast %parallel_loop3A_88 : i32 to index
          %parallel_loop3A_139 = arith.constant 112 : index
          %parallel_loop3A_140 = tpu.vector_load %arg5[%parallel_loop3A_138, %parallel_loop3A_139] {strides = array<i32>} : memref<64x128xf32, #tpu.memory_space<vmem>>, vector<16xf32>,
          %parallel_loop3A_141 = arith.constant 7280 : i32
          %parallel_loop3A_142 = arith.addi %parallel_loop3A_141, %parallel_loop3A_88 : i32
          %parallel_loop3A_143 = vector.broadcast %parallel_loop3A_142 : i32 to vector<16xi32>
          %parallel_loop3A_144 = arith.addi %mul3A_3, %parallel_loop3A_143 : vector<16xi32>
          tpu.vector_store_idx %arg7[%parallel_loop3A_144], %parallel_loop3A_140 : memref<8320xf32, #tpu.memory_space<vmem>>[vector<16xi32>], vector<16xf32>,
        } {sc.loop_unroll_factor = 8 : i64, sc.parallel_access}
        %parallel_loop3A_77 = arith.constant 0 : i32
        %parallel_loop3A_78 = arith.constant 128 : i32
        %parallel_loop3A_79 = arith.constant 1 : i32
        scf.for %parallel_loop3A_88 = %parallel_loop3A_77 to %parallel_loop3A_78 step %parallel_loop3A_79  : i32 {
          %parallel_loop3A_89 = arith.constant 65 : i32
          %parallel_loop3A_90 = arith.muli %parallel_loop3A_88, %parallel_loop3A_89 : i32
          %parallel_loop3A_91 = arith.constant 0 : i32
          %parallel_loop3A_92 = arith.addi %parallel_loop3A_90, %parallel_loop3A_91 : i32
          %parallel_loop3A_93 = arith.index_cast %parallel_loop3A_92 : i32 to index
          %parallel_loop3A_94 = tpu.vector_load %arg7[%parallel_loop3A_93] {strides = array<i32>} : memref<8320xf32, #tpu.memory_space<vmem>>, vector<16xf32>,
          %parallel_loop3A_95 = arith.constant 64 : i32
          %parallel_loop3A_96 = arith.muli %parallel_loop3A_88, %parallel_loop3A_95 : i32
          %parallel_loop3A_97 = arith.constant 0 : i32
          %parallel_loop3A_98 = arith.addi %parallel_loop3A_96, %parallel_loop3A_97 : i32
          %parallel_loop3A_99 = arith.index_cast %parallel_loop3A_98 : i32 to index
          %parallel_loop3A_100 = tpu.vector_load %arg9[%parallel_loop3A_99] {strides = array<i32>} : memref<8192xf32, #tpu.memory_space<vmem>>, vector<16xf32>,
          tpu.vector_store %arg9[%parallel_loop3A_99], %parallel_loop3A_94 {strides = array<i32>} : memref<8192xf32, #tpu.memory_space<vmem>>, vector<16xf32>,
          %parallel_loop3A_101 = arith.constant 65 : i32
          %parallel_loop3A_102 = arith.muli %parallel_loop3A_88, %parallel_loop3A_101 : i32
          %parallel_loop3A_103 = arith.constant 16 : i32
          %parallel_loop3A_104 = arith.addi %parallel_loop3A_102, %parallel_loop3A_103 : i32
          %parallel_loop3A_105 = arith.index_cast %parallel_loop3A_104 : i32 to index
          %parallel_loop3A_106 = tpu.vector_load %arg7[%parallel_loop3A_105] {strides = array<i32>} : memref<8320xf32, #tpu.memory_space<vmem>>, vector<16xf32>,
          %parallel_loop3A_107 = arith.constant 64 : i32
          %parallel_loop3A_108 = arith.muli %parallel_loop3A_88, %parallel_loop3A_107 : i32
          %parallel_loop3A_109 = arith.constant 16 : i32
          %parallel_loop3A_110 = arith.addi %parallel_loop3A_108, %parallel_loop3A_109 : i32
          %parallel_loop3A_111 = arith.index_cast %parallel_loop3A_110 : i32 to index
          %parallel_loop3A_112 = tpu.vector_load %arg9[%parallel_loop3A_111] {strides = array<i32>} : memref<8192xf32, #tpu.memory_space<vmem>>, vector<16xf32>,
          tpu.vector_store %arg9[%parallel_loop3A_111], %parallel_loop3A_106 {strides = array<i32>} : memref<8192xf32, #tpu.memory_space<vmem>>, vector<16xf32>,
          %parallel_loop3A_113 = arith.constant 65 : i32
          %parallel_loop3A_114 = arith.muli %parallel_loop3A_88, %parallel_loop3A_113 : i32
          %parallel_loop3A_115 = arith.constant 32 : i32
          %parallel_loop3A_116 = arith.addi %parallel_loop3A_114, %parallel_loop3A_115 : i32
          %parallel_loop3A_117 = arith.index_cast %parallel_loop3A_116 : i32 to index
          %parallel_loop3A_118 = tpu.vector_load %arg7[%parallel_loop3A_117] {strides = array<i32>} : memref<8320xf32, #tpu.memory_space<vmem>>, vector<16xf32>,
          %parallel_loop3A_119 = arith.constant 64 : i32
          %parallel_loop3A_120 = arith.muli %parallel_loop3A_88, %parallel_loop3A_119 : i32
          %parallel_loop3A_121 = arith.constant 32 : i32
          %parallel_loop3A_122 = arith.addi %parallel_loop3A_120, %parallel_loop3A_121 : i32
          %parallel_loop3A_123 = arith.index_cast %parallel_loop3A_122 : i32 to index
          %parallel_loop3A_124 = tpu.vector_load %arg9[%parallel_loop3A_123] {strides = array<i32>} : memref<8192xf32, #tpu.memory_space<vmem>>, vector<16xf32>,
          tpu.vector_store %arg9[%parallel_loop3A_123], %parallel_loop3A_118 {strides = array<i32>} : memref<8192xf32, #tpu.memory_space<vmem>>, vector<16xf32>,
          %parallel_loop3A_125 = arith.constant 65 : i32
          %parallel_loop3A_126 = arith.muli %parallel_loop3A_88, %parallel_loop3A_125 : i32
          %parallel_loop3A_127 = arith.constant 48 : i32
          %parallel_loop3A_128 = arith.addi %parallel_loop3A_126, %parallel_loop3A_127 : i32
          %parallel_loop3A_129 = arith.index_cast %parallel_loop3A_128 : i32 to index
          %parallel_loop3A_130 = tpu.vector_load %arg7[%parallel_loop3A_129] {strides = array<i32>} : memref<8320xf32, #tpu.memory_space<vmem>>, vector<16xf32>,
          %parallel_loop3A_131 = arith.constant 64 : i32
          %parallel_loop3A_132 = arith.muli %parallel_loop3A_88, %parallel_loop3A_131 : i32
          %parallel_loop3A_133 = arith.constant 48 : i32
          %parallel_loop3A_134 = arith.addi %parallel_loop3A_132, %parallel_loop3A_133 : i32
          %parallel_loop3A_135 = arith.index_cast %parallel_loop3A_134 : i32 to index
          %parallel_loop3A_136 = tpu.vector_load %arg9[%parallel_loop3A_135] {strides = array<i32>} : memref<8192xf32, #tpu.memory_space<vmem>>, vector<16xf32>,
          tpu.vector_store %arg9[%parallel_loop3A_135], %parallel_loop3A_130 {strides = array<i32>} : memref<8192xf32, #tpu.memory_space<vmem>>, vector<16xf32>,
        } {sc.loop_unroll_factor = 8 : i64, sc.parallel_access}
        %mul3A_80 = arith.constant 32 : i32
        %mul3A_81 = arith.muli %mul3A_27, %mul3A_80 : i32
        %add3A_82 = arith.addi %mul3A_81, %add3A : i32
        %mul3A_83 = arith.constant 8192 : i32
        %mul3A_84 = arith.muli %add3A_82, %mul3A_83 : i32
        %multiple_of3A_85 = tpu.assume_multiple %mul3A_84, 8192 : i32
        %dma_start3A_86 = tpu.memref_slice %arg4[%multiple_of3A_85] : memref<64000000xf32, #tpu.memory_space<hbm>> -> memref<8192xf32, #tpu.memory_space<hbm>>
        %dma_start3A_87 = tpu.memref_slice %arg4[%multiple_of3A_85] : memref<64000000xf32, #tpu.memory_space<hbm>> -> memref<8192xf32, #tpu.memory_space<hbm>>
        tpu.enqueue_dma source(%arg9 : memref<8192xf32, #tpu.memory_space<vmem>>) target(%dma_start3A_87 : memref<8192xf32, #tpu.memory_space<hbm>>) target_semaphore(%arg13 : memref<!tpu.dma_semaphore, #tpu.memory_space<semaphore_mem>>)
      } else {
      }
      %add3A_45 = arith.constant 2 : i32
      %add3A_46 = arith.addi %mul3A_27, %add3A_45 : i32
      %mul3A_47 = arith.constant 32 : i32
      %mul3A_48 = arith.muli %add3A_46, %mul3A_47 : i32
      %add3A_49 = arith.addi %mul3A_48, %add3A : i32
      %lt3A_50 = arith.constant 7812 : i32
      %lt3A_51 = arith.cmpi slt, %add3A_49, %lt3A_50 : i32
      %convert_element_type3A_52 = arith.extui %lt3A_51 : i1 to i32
      %cond3A_53 = arith.constant 0 : i32
      %cond3A_54 = arith.cmpi ne, %convert_element_type3A_52, %cond3A_53 : i32
      scf.if %cond3A_54 {
        %add3A_65 = arith.constant 2 : i32
        %add3A_66 = arith.addi %mul3A_27, %add3A_65 : i32
        %mul3A_67 = arith.constant 32 : i32
        %mul3A_68 = arith.muli %add3A_66, %mul3A_67 : i32
        %add3A_69 = arith.addi %mul3A_68, %add3A : i32
        %mul3A_70 = arith.constant 128 : i32
        %mul3A_71 = arith.muli %add3A_69, %mul3A_70 : i32
        %multiple_of3A_72 = tpu.assume_multiple %mul3A_71, 128 : i32
        %dma_start3A_73 = arith.constant 0 : i32
        %dma_start3A_74 = tpu.memref_slice %arg2[%dma_start3A_73, %multiple_of3A_72] : memref<64x1000000xf32, #tpu.memory_space<hbm>> -> memref<64x128xf32, #tpu.memory_space<hbm>>
        %dma_start3A_75 = arith.constant 0 : i32
        %dma_start3A_76 = tpu.memref_slice %arg2[%dma_start3A_75, %multiple_of3A_72] : memref<64x1000000xf32, #tpu.memory_space<hbm>> -> memref<64x128xf32, #tpu.memory_space<hbm>>
        tpu.enqueue_dma source(%dma_start3A_76 : memref<64x128xf32, #tpu.memory_space<hbm>>) target(%arg5 : memref<64x128xf32, #tpu.memory_space<vmem>>) target_semaphore(%arg11 : memref<!tpu.dma_semaphore, #tpu.memory_space<semaphore_mem>>)
      } else {
      }
      %add3A_55 = arith.constant 1 : i32
      %add3A_56 = arith.addi %mul3A_27, %add3A_55 : i32
      %mul3A_57 = arith.constant 32 : i32
      %mul3A_58 = arith.muli %add3A_56, %mul3A_57 : i32
      %add3A_59 = arith.addi %mul3A_58, %add3A : i32
      %lt3A_60 = arith.constant 7812 : i32
      %lt3A_61 = arith.cmpi slt, %add3A_59, %lt3A_60 : i32
      %convert_element_type3A_62 = arith.extui %lt3A_61 : i1 to i32
      %cond3A_63 = arith.constant 0 : i32
      %cond3A_64 = arith.cmpi ne, %convert_element_type3A_62, %cond3A_63 : i32
      scf.if %cond3A_64 {
        %dma_wait3A_65 = arith.constant 0 : i32
        %dma_wait3A_66 = arith.constant 0 : i32
        %dma_wait3A_67 = tpu.memref_slice %arg2[%dma_wait3A_65, %dma_wait3A_66] : memref<64x1000000xf32, #tpu.memory_space<hbm>> -> memref<64x128xf32, #tpu.memory_space<hbm>>
        %dma_wait3A_68 = arith.constant 0 : i32
        %dma_wait3A_69 = arith.constant 0 : i32
        %dma_wait3A_70 = tpu.memref_slice %arg2[%dma_wait3A_68, %dma_wait3A_69] : memref<64x1000000xf32, #tpu.memory_space<hbm>> -> memref<64x128xf32, #tpu.memory_space<hbm>>
        tpu.wait_dma2 semaphore(%arg12 : memref<!tpu.dma_semaphore, #tpu.memory_space<semaphore_mem>>) src(%dma_wait3A_70 : memref<64x128xf32, #tpu.memory_space<hbm>>) dst(%arg6 : memref<64x128xf32, #tpu.memory_space<vmem>>)
        %gt3A = arith.constant 0 : i32
        %gt3A_71 = arith.cmpi sgt, %scan3A_25, %gt3A : i32
        %convert_element_type3A_72 = arith.extui %gt3A_71 : i1 to i32
        %cond3A_73 = arith.constant 0 : i32
        %cond3A_74 = arith.cmpi ne, %convert_element_type3A_72, %cond3A_73 : i32
        scf.if %cond3A_74 {
          %dma_wait3A_90 = arith.constant 0 : i32
          %dma_wait3A_91 = tpu.memref_slice %arg4[%dma_wait3A_90] : memref<64000000xf32, #tpu.memory_space<hbm>> -> memref<8192xf32, #tpu.memory_space<hbm>>
          %dma_wait3A_92 = arith.constant 0 : i32
          %dma_wait3A_93 = tpu.memref_slice %arg4[%dma_wait3A_92] : memref<64000000xf32, #tpu.memory_space<hbm>> -> memref<8192xf32, #tpu.memory_space<hbm>>
          tpu.wait_dma2 semaphore(%arg14 : memref<!tpu.dma_semaphore, #tpu.memory_space<semaphore_mem>>) src(%arg10 : memref<8192xf32, #tpu.memory_space<vmem>>) dst(%dma_wait3A_93 : memref<8192xf32, #tpu.memory_space<hbm>>)
        } else {
        }
        %parallel_loop3A = arith.constant 0 : i32
        %parallel_loop3A_75 = arith.constant 64 : i32
        %parallel_loop3A_76 = arith.constant 1 : i32
        scf.for %parallel_loop3A_90 = %parallel_loop3A to %parallel_loop3A_75 step %parallel_loop3A_76  : i32 {
          %parallel_loop3A_91 = arith.index_cast %parallel_loop3A_90 : i32 to index
          %parallel_loop3A_92 = arith.constant 0 : index
          %parallel_loop3A_93 = tpu.vector_load %arg6[%parallel_loop3A_91, %parallel_loop3A_92] {strides = array<i32>} : memref<64x128xf32, #tpu.memory_space<vmem>>, vector<16xf32>,
          %parallel_loop3A_94 = arith.constant 0 : i32
          %parallel_loop3A_95 = arith.addi %parallel_loop3A_94, %parallel_loop3A_90 : i32
          %parallel_loop3A_96 = vector.broadcast %parallel_loop3A_95 : i32 to vector<16xi32>
          %parallel_loop3A_97 = arith.addi %mul3A_3, %parallel_loop3A_96 : vector<16xi32>
          tpu.vector_store_idx %arg8[%parallel_loop3A_97], %parallel_loop3A_93 : memref<8320xf32, #tpu.memory_space<vmem>>[vector<16xi32>], vector<16xf32>,
          %parallel_loop3A_98 = arith.index_cast %parallel_loop3A_90 : i32 to index
          %parallel_loop3A_99 = arith.constant 16 : index
          %parallel_loop3A_100 = tpu.vector_load %arg6[%parallel_loop3A_98, %parallel_loop3A_99] {strides = array<i32>} : memref<64x128xf32, #tpu.memory_space<vmem>>, vector<16xf32>,
          %parallel_loop3A_101 = arith.constant 1040 : i32
          %parallel_loop3A_102 = arith.addi %parallel_loop3A_101, %parallel_loop3A_90 : i32
          %parallel_loop3A_103 = vector.broadcast %parallel_loop3A_102 : i32 to vector<16xi32>
          %parallel_loop3A_104 = arith.addi %mul3A_3, %parallel_loop3A_103 : vector<16xi32>
          tpu.vector_store_idx %arg8[%parallel_loop3A_104], %parallel_loop3A_100 : memref<8320xf32, #tpu.memory_space<vmem>>[vector<16xi32>], vector<16xf32>,
          %parallel_loop3A_105 = arith.index_cast %parallel_loop3A_90 : i32 to index
          %parallel_loop3A_106 = arith.constant 32 : index
          %parallel_loop3A_107 = tpu.vector_load %arg6[%parallel_loop3A_105, %parallel_loop3A_106] {strides = array<i32>} : memref<64x128xf32, #tpu.memory_space<vmem>>, vector<16xf32>,
          %parallel_loop3A_108 = arith.constant 2080 : i32
          %parallel_loop3A_109 = arith.addi %parallel_loop3A_108, %parallel_loop3A_90 : i32
          %parallel_loop3A_110 = vector.broadcast %parallel_loop3A_109 : i32 to vector<16xi32>
          %parallel_loop3A_111 = arith.addi %mul3A_3, %parallel_loop3A_110 : vector<16xi32>
          tpu.vector_store_idx %arg8[%parallel_loop3A_111], %parallel_loop3A_107 : memref<8320xf32, #tpu.memory_space<vmem>>[vector<16xi32>], vector<16xf32>,
          %parallel_loop3A_112 = arith.index_cast %parallel_loop3A_90 : i32 to index
          %parallel_loop3A_113 = arith.constant 48 : index
          %parallel_loop3A_114 = tpu.vector_load %arg6[%parallel_loop3A_112, %parallel_loop3A_113] {strides = array<i32>} : memref<64x128xf32, #tpu.memory_space<vmem>>, vector<16xf32>,
          %parallel_loop3A_115 = arith.constant 3120 : i32
          %parallel_loop3A_116 = arith.addi %parallel_loop3A_115, %parallel_loop3A_90 : i32
          %parallel_loop3A_117 = vector.broadcast %parallel_loop3A_116 : i32 to vector<16xi32>
          %parallel_loop3A_118 = arith.addi %mul3A_3, %parallel_loop3A_117 : vector<16xi32>
          tpu.vector_store_idx %arg8[%parallel_loop3A_118], %parallel_loop3A_114 : memref<8320xf32, #tpu.memory_space<vmem>>[vector<16xi32>], vector<16xf32>,
          %parallel_loop3A_119 = arith.index_cast %parallel_loop3A_90 : i32 to index
          %parallel_loop3A_120 = arith.constant 64 : index
          %parallel_loop3A_121 = tpu.vector_load %arg6[%parallel_loop3A_119, %parallel_loop3A_120] {strides = array<i32>} : memref<64x128xf32, #tpu.memory_space<vmem>>, vector<16xf32>,
          %parallel_loop3A_122 = arith.constant 4160 : i32
          %parallel_loop3A_123 = arith.addi %parallel_loop3A_122, %parallel_loop3A_90 : i32
          %parallel_loop3A_124 = vector.broadcast %parallel_loop3A_123 : i32 to vector<16xi32>
          %parallel_loop3A_125 = arith.addi %mul3A_3, %parallel_loop3A_124 : vector<16xi32>
          tpu.vector_store_idx %arg8[%parallel_loop3A_125], %parallel_loop3A_121 : memref<8320xf32, #tpu.memory_space<vmem>>[vector<16xi32>], vector<16xf32>,
          %parallel_loop3A_126 = arith.index_cast %parallel_loop3A_90 : i32 to index
          %parallel_loop3A_127 = arith.constant 80 : index
          %parallel_loop3A_128 = tpu.vector_load %arg6[%parallel_loop3A_126, %parallel_loop3A_127] {strides = array<i32>} : memref<64x128xf32, #tpu.memory_space<vmem>>, vector<16xf32>,
          %parallel_loop3A_129 = arith.constant 5200 : i32
          %parallel_loop3A_130 = arith.addi %parallel_loop3A_129, %parallel_loop3A_90 : i32
          %parallel_loop3A_131 = vector.broadcast %parallel_loop3A_130 : i32 to vector<16xi32>
          %parallel_loop3A_132 = arith.addi %mul3A_3, %parallel_loop3A_131 : vector<16xi32>
          tpu.vector_store_idx %arg8[%parallel_loop3A_132], %parallel_loop3A_128 : memref<8320xf32, #tpu.memory_space<vmem>>[vector<16xi32>], vector<16xf32>,
          %parallel_loop3A_133 = arith.index_cast %parallel_loop3A_90 : i32 to index
          %parallel_loop3A_134 = arith.constant 96 : index
          %parallel_loop3A_135 = tpu.vector_load %arg6[%parallel_loop3A_133, %parallel_loop3A_134] {strides = array<i32>} : memref<64x128xf32, #tpu.memory_space<vmem>>, vector<16xf32>,
          %parallel_loop3A_136 = arith.constant 6240 : i32
          %parallel_loop3A_137 = arith.addi %parallel_loop3A_136, %parallel_loop3A_90 : i32
          %parallel_loop3A_138 = vector.broadcast %parallel_loop3A_137 : i32 to vector<16xi32>
          %parallel_loop3A_139 = arith.addi %mul3A_3, %parallel_loop3A_138 : vector<16xi32>
          tpu.vector_store_idx %arg8[%parallel_loop3A_139], %parallel_loop3A_135 : memref<8320xf32, #tpu.memory_space<vmem>>[vector<16xi32>], vector<16xf32>,
          %parallel_loop3A_140 = arith.index_cast %parallel_loop3A_90 : i32 to index
          %parallel_loop3A_141 = arith.constant 112 : index
          %parallel_loop3A_142 = tpu.vector_load %arg6[%parallel_loop3A_140, %parallel_loop3A_141] {strides = array<i32>} : memref<64x128xf32, #tpu.memory_space<vmem>>, vector<16xf32>,
          %parallel_loop3A_143 = arith.constant 7280 : i32
          %parallel_loop3A_144 = arith.addi %parallel_loop3A_143, %parallel_loop3A_90 : i32
          %parallel_loop3A_145 = vector.broadcast %parallel_loop3A_144 : i32 to vector<16xi32>
          %parallel_loop3A_146 = arith.addi %mul3A_3, %parallel_loop3A_145 : vector<16xi32>
          tpu.vector_store_idx %arg8[%parallel_loop3A_146], %parallel_loop3A_142 : memref<8320xf32, #tpu.memory_space<vmem>>[vector<16xi32>], vector<16xf32>,
        } {sc.loop_unroll_factor = 8 : i64, sc.parallel_access}
        %parallel_loop3A_77 = arith.constant 0 : i32
        %parallel_loop3A_78 = arith.constant 128 : i32
        %parallel_loop3A_79 = arith.constant 1 : i32
        scf.for %parallel_loop3A_90 = %parallel_loop3A_77 to %parallel_loop3A_78 step %parallel_loop3A_79  : i32 {
          %parallel_loop3A_91 = arith.constant 65 : i32
          %parallel_loop3A_92 = arith.muli %parallel_loop3A_90, %parallel_loop3A_91 : i32
          %parallel_loop3A_93 = arith.constant 0 : i32
          %parallel_loop3A_94 = arith.addi %parallel_loop3A_92, %parallel_loop3A_93 : i32
          %parallel_loop3A_95 = arith.index_cast %parallel_loop3A_94 : i32 to index
          %parallel_loop3A_96 = tpu.vector_load %arg8[%parallel_loop3A_95] {strides = array<i32>} : memref<8320xf32, #tpu.memory_space<vmem>>, vector<16xf32>,
          %parallel_loop3A_97 = arith.constant 64 : i32
          %parallel_loop3A_98 = arith.muli %parallel_loop3A_90, %parallel_loop3A_97 : i32
          %parallel_loop3A_99 = arith.constant 0 : i32
          %parallel_loop3A_100 = arith.addi %parallel_loop3A_98, %parallel_loop3A_99 : i32
          %parallel_loop3A_101 = arith.index_cast %parallel_loop3A_100 : i32 to index
          %parallel_loop3A_102 = tpu.vector_load %arg10[%parallel_loop3A_101] {strides = array<i32>} : memref<8192xf32, #tpu.memory_space<vmem>>, vector<16xf32>,
          tpu.vector_store %arg10[%parallel_loop3A_101], %parallel_loop3A_96 {strides = array<i32>} : memref<8192xf32, #tpu.memory_space<vmem>>, vector<16xf32>,
          %parallel_loop3A_103 = arith.constant 65 : i32
          %parallel_loop3A_104 = arith.muli %parallel_loop3A_90, %parallel_loop3A_103 : i32
          %parallel_loop3A_105 = arith.constant 16 : i32
          %parallel_loop3A_106 = arith.addi %parallel_loop3A_104, %parallel_loop3A_105 : i32
          %parallel_loop3A_107 = arith.index_cast %parallel_loop3A_106 : i32 to index
          %parallel_loop3A_108 = tpu.vector_load %arg8[%parallel_loop3A_107] {strides = array<i32>} : memref<8320xf32, #tpu.memory_space<vmem>>, vector<16xf32>,
          %parallel_loop3A_109 = arith.constant 64 : i32
          %parallel_loop3A_110 = arith.muli %parallel_loop3A_90, %parallel_loop3A_109 : i32
          %parallel_loop3A_111 = arith.constant 16 : i32
          %parallel_loop3A_112 = arith.addi %parallel_loop3A_110, %parallel_loop3A_111 : i32
          %parallel_loop3A_113 = arith.index_cast %parallel_loop3A_112 : i32 to index
          %parallel_loop3A_114 = tpu.vector_load %arg10[%parallel_loop3A_113] {strides = array<i32>} : memref<8192xf32, #tpu.memory_space<vmem>>, vector<16xf32>,
          tpu.vector_store %arg10[%parallel_loop3A_113], %parallel_loop3A_108 {strides = array<i32>} : memref<8192xf32, #tpu.memory_space<vmem>>, vector<16xf32>,
          %parallel_loop3A_115 = arith.constant 65 : i32
          %parallel_loop3A_116 = arith.muli %parallel_loop3A_90, %parallel_loop3A_115 : i32
          %parallel_loop3A_117 = arith.constant 32 : i32
          %parallel_loop3A_118 = arith.addi %parallel_loop3A_116, %parallel_loop3A_117 : i32
          %parallel_loop3A_119 = arith.index_cast %parallel_loop3A_118 : i32 to index
          %parallel_loop3A_120 = tpu.vector_load %arg8[%parallel_loop3A_119] {strides = array<i32>} : memref<8320xf32, #tpu.memory_space<vmem>>, vector<16xf32>,
          %parallel_loop3A_121 = arith.constant 64 : i32
          %parallel_loop3A_122 = arith.muli %parallel_loop3A_90, %parallel_loop3A_121 : i32
          %parallel_loop3A_123 = arith.constant 32 : i32
          %parallel_loop3A_124 = arith.addi %parallel_loop3A_122, %parallel_loop3A_123 : i32
          %parallel_loop3A_125 = arith.index_cast %parallel_loop3A_124 : i32 to index
          %parallel_loop3A_126 = tpu.vector_load %arg10[%parallel_loop3A_125] {strides = array<i32>} : memref<8192xf32, #tpu.memory_space<vmem>>, vector<16xf32>,
          tpu.vector_store %arg10[%parallel_loop3A_125], %parallel_loop3A_120 {strides = array<i32>} : memref<8192xf32, #tpu.memory_space<vmem>>, vector<16xf32>,
          %parallel_loop3A_127 = arith.constant 65 : i32
          %parallel_loop3A_128 = arith.muli %parallel_loop3A_90, %parallel_loop3A_127 : i32
          %parallel_loop3A_129 = arith.constant 48 : i32
          %parallel_loop3A_130 = arith.addi %parallel_loop3A_128, %parallel_loop3A_129 : i32
          %parallel_loop3A_131 = arith.index_cast %parallel_loop3A_130 : i32 to index
          %parallel_loop3A_132 = tpu.vector_load %arg8[%parallel_loop3A_131] {strides = array<i32>} : memref<8320xf32, #tpu.memory_space<vmem>>, vector<16xf32>,
          %parallel_loop3A_133 = arith.constant 64 : i32
          %parallel_loop3A_134 = arith.muli %parallel_loop3A_90, %parallel_loop3A_133 : i32
          %parallel_loop3A_135 = arith.constant 48 : i32
          %parallel_loop3A_136 = arith.addi %parallel_loop3A_134, %parallel_loop3A_135 : i32
          %parallel_loop3A_137 = arith.index_cast %parallel_loop3A_136 : i32 to index
          %parallel_loop3A_138 = tpu.vector_load %arg10[%parallel_loop3A_137] {strides = array<i32>} : memref<8192xf32, #tpu.memory_space<vmem>>, vector<16xf32>,
          tpu.vector_store %arg10[%parallel_loop3A_137], %parallel_loop3A_132 {strides = array<i32>} : memref<8192xf32, #tpu.memory_space<vmem>>, vector<16xf32>,
        } {sc.loop_unroll_factor = 8 : i64, sc.parallel_access}
        %add3A_80 = arith.constant 1 : i32
        %add3A_81 = arith.addi %mul3A_27, %add3A_80 : i32
        %mul3A_82 = arith.constant 32 : i32
        %mul3A_83 = arith.muli %add3A_81, %mul3A_82 : i32
        %add3A_84 = arith.addi %mul3A_83, %add3A : i32
        %mul3A_85 = arith.constant 8192 : i32
        %mul3A_86 = arith.muli %add3A_84, %mul3A_85 : i32
        %multiple_of3A_87 = tpu.assume_multiple %mul3A_86, 8192 : i32
        %dma_start3A_88 = tpu.memref_slice %arg4[%multiple_of3A_87] : memref<64000000xf32, #tpu.memory_space<hbm>> -> memref<8192xf32, #tpu.memory_space<hbm>>
        %dma_start3A_89 = tpu.memref_slice %arg4[%multiple_of3A_87] : memref<64000000xf32, #tpu.memory_space<hbm>> -> memref<8192xf32, #tpu.memory_space<hbm>>
        tpu.enqueue_dma source(%arg10 : memref<8192xf32, #tpu.memory_space<vmem>>) target(%dma_start3A_89 : memref<8192xf32, #tpu.memory_space<hbm>>) target_semaphore(%arg14 : memref<!tpu.dma_semaphore, #tpu.memory_space<semaphore_mem>>)
      } else {
      }
    }
    %scan3A_15 = arith.constant 123 : i32
    %dma_wait3A = arith.constant 0 : i32
    %dma_wait3A_16 = tpu.memref_slice %arg4[%dma_wait3A] : memref<64000000xf32, #tpu.memory_space<hbm>> -> memref<8192xf32, #tpu.memory_space<hbm>>
    %dma_wait3A_17 = arith.constant 0 : i32
    %dma_wait3A_18 = tpu.memref_slice %arg4[%dma_wait3A_17] : memref<64000000xf32, #tpu.memory_space<hbm>> -> memref<8192xf32, #tpu.memory_space<hbm>>
    tpu.wait_dma2 semaphore(%arg13 : memref<!tpu.dma_semaphore, #tpu.memory_space<semaphore_mem>>) src(%arg9 : memref<8192xf32, #tpu.memory_space<vmem>>) dst(%dma_wait3A_18 : memref<8192xf32, #tpu.memory_space<hbm>>)
    %dma_wait3A_19 = arith.constant 0 : i32
    %dma_wait3A_20 = tpu.memref_slice %arg4[%dma_wait3A_19] : memref<64000000xf32, #tpu.memory_space<hbm>> -> memref<8192xf32, #tpu.memory_space<hbm>>
    %dma_wait3A_21 = arith.constant 0 : i32
    %dma_wait3A_22 = tpu.memref_slice %arg4[%dma_wait3A_21] : memref<64000000xf32, #tpu.memory_space<hbm>> -> memref<8192xf32, #tpu.memory_space<hbm>>
    tpu.wait_dma2 semaphore(%arg14 : memref<!tpu.dma_semaphore, #tpu.memory_space<semaphore_mem>>) src(%arg10 : memref<8192xf32, #tpu.memory_space<vmem>>) dst(%dma_wait3A_22 : memref<8192xf32, #tpu.memory_space<hbm>>)
    %eq3A = arith.constant 0 : i32
    %eq3A_23 = arith.cmpi eq, %add3A, %eq3A : i32
    %convert_element_type3A = arith.extui %eq3A_23 : i1 to i32
    %cond3A = arith.constant 0 : i32
    %cond3A_24 = arith.cmpi ne, %convert_element_type3A, %cond3A : i32
    scf.if %cond3A_24 {
      "tpu.region"() ({
        %run_scoped3A = tpu.sem_alloc : memref<!tpu.dma_semaphore, #tpu.memory_space<semaphore_mem>>
        tpu.enqueue_dma source(%arg3 : memref<64x128xf32, #tpu.memory_space<hbm>>) target(%arg5 : memref<64x128xf32, #tpu.memory_space<vmem>>) target_semaphore(%run_scoped3A : memref<!tpu.dma_semaphore, #tpu.memory_space<semaphore_mem>>)
        tpu.wait_dma2 semaphore(%run_scoped3A : memref<!tpu.dma_semaphore, #tpu.memory_space<semaphore_mem>>) src(%arg3 : memref<64x128xf32, #tpu.memory_space<hbm>>) dst(%arg5 : memref<64x128xf32, #tpu.memory_space<vmem>>)
        tpu.yield
      }) : () -> ()
      %parallel_loop3A = arith.constant 0 : i32
      %parallel_loop3A_25 = arith.constant 64 : i32
      %parallel_loop3A_26 = arith.constant 1 : i32
      scf.for %parallel_loop3A_30 = %parallel_loop3A to %parallel_loop3A_25 step %parallel_loop3A_26  : i32 {
        %parallel_loop3A_31 = arith.index_cast %parallel_loop3A_30 : i32 to index
        %parallel_loop3A_32 = arith.constant 0 : index
        %parallel_loop3A_33 = tpu.vector_load %arg5[%parallel_loop3A_31, %parallel_loop3A_32] {strides = array<i32>} : memref<64x128xf32, #tpu.memory_space<vmem>>, vector<16xf32>,
        %parallel_loop3A_34 = arith.constant 0 : i32
        %parallel_loop3A_35 = arith.addi %parallel_loop3A_34, %parallel_loop3A_30 : i32
        %parallel_loop3A_36 = vector.broadcast %parallel_loop3A_35 : i32 to vector<16xi32>
        %parallel_loop3A_37 = arith.addi %mul3A_3, %parallel_loop3A_36 : vector<16xi32>
        tpu.vector_store_idx %arg7[%parallel_loop3A_37], %parallel_loop3A_33 : memref<8320xf32, #tpu.memory_space<vmem>>[vector<16xi32>], vector<16xf32>,
        %parallel_loop3A_38 = arith.index_cast %parallel_loop3A_30 : i32 to index
        %parallel_loop3A_39 = arith.constant 16 : index
        %parallel_loop3A_40 = tpu.vector_load %arg5[%parallel_loop3A_38, %parallel_loop3A_39] {strides = array<i32>} : memref<64x128xf32, #tpu.memory_space<vmem>>, vector<16xf32>,
        %parallel_loop3A_41 = arith.constant 1040 : i32
        %parallel_loop3A_42 = arith.addi %parallel_loop3A_41, %parallel_loop3A_30 : i32
        %parallel_loop3A_43 = vector.broadcast %parallel_loop3A_42 : i32 to vector<16xi32>
        %parallel_loop3A_44 = arith.addi %mul3A_3, %parallel_loop3A_43 : vector<16xi32>
        tpu.vector_store_idx %arg7[%parallel_loop3A_44], %parallel_loop3A_40 : memref<8320xf32, #tpu.memory_space<vmem>>[vector<16xi32>], vector<16xf32>,
        %parallel_loop3A_45 = arith.index_cast %parallel_loop3A_30 : i32 to index
        %parallel_loop3A_46 = arith.constant 32 : index
        %parallel_loop3A_47 = tpu.vector_load %arg5[%parallel_loop3A_45, %parallel_loop3A_46] {strides = array<i32>} : memref<64x128xf32, #tpu.memory_space<vmem>>, vector<16xf32>,
        %parallel_loop3A_48 = arith.constant 2080 : i32
        %parallel_loop3A_49 = arith.addi %parallel_loop3A_48, %parallel_loop3A_30 : i32
        %parallel_loop3A_50 = vector.broadcast %parallel_loop3A_49 : i32 to vector<16xi32>
        %parallel_loop3A_51 = arith.addi %mul3A_3, %parallel_loop3A_50 : vector<16xi32>
        tpu.vector_store_idx %arg7[%parallel_loop3A_51], %parallel_loop3A_47 : memref<8320xf32, #tpu.memory_space<vmem>>[vector<16xi32>], vector<16xf32>,
        %parallel_loop3A_52 = arith.index_cast %parallel_loop3A_30 : i32 to index
        %parallel_loop3A_53 = arith.constant 48 : index
        %parallel_loop3A_54 = tpu.vector_load %arg5[%parallel_loop3A_52, %parallel_loop3A_53] {strides = array<i32>} : memref<64x128xf32, #tpu.memory_space<vmem>>, vector<16xf32>,
        %parallel_loop3A_55 = arith.constant 3120 : i32
        %parallel_loop3A_56 = arith.addi %parallel_loop3A_55, %parallel_loop3A_30 : i32
        %parallel_loop3A_57 = vector.broadcast %parallel_loop3A_56 : i32 to vector<16xi32>
        %parallel_loop3A_58 = arith.addi %mul3A_3, %parallel_loop3A_57 : vector<16xi32>
        tpu.vector_store_idx %arg7[%parallel_loop3A_58], %parallel_loop3A_54 : memref<8320xf32, #tpu.memory_space<vmem>>[vector<16xi32>], vector<16xf32>,
      } {sc.loop_unroll_factor = 8 : i64, sc.parallel_access}
      %parallel_loop3A_27 = arith.constant 0 : i32
      %parallel_loop3A_28 = arith.constant 64 : i32
      %parallel_loop3A_29 = arith.constant 1 : i32
      scf.for %parallel_loop3A_30 = %parallel_loop3A_27 to %parallel_loop3A_28 step %parallel_loop3A_29  : i32 {
        %parallel_loop3A_31 = arith.constant 65 : i32
        %parallel_loop3A_32 = arith.muli %parallel_loop3A_30, %parallel_loop3A_31 : i32
        %parallel_loop3A_33 = arith.constant 0 : i32
        %parallel_loop3A_34 = arith.addi %parallel_loop3A_32, %parallel_loop3A_33 : i32
        %parallel_loop3A_35 = arith.index_cast %parallel_loop3A_34 : i32 to index
        %parallel_loop3A_36 = tpu.vector_load %arg7[%parallel_loop3A_35] {strides = array<i32>} : memref<8320xf32, #tpu.memory_space<vmem>>, vector<16xf32>,
        %parallel_loop3A_37 = arith.constant 64 : i32
        %parallel_loop3A_38 = arith.muli %parallel_loop3A_30, %parallel_loop3A_37 : i32
        %parallel_loop3A_39 = arith.constant 0 : i32
        %parallel_loop3A_40 = arith.addi %parallel_loop3A_38, %parallel_loop3A_39 : i32
        %parallel_loop3A_41 = arith.index_cast %parallel_loop3A_40 : i32 to index
        %parallel_loop3A_42 = tpu.vector_load %arg9[%parallel_loop3A_41] {strides = array<i32>} : memref<8192xf32, #tpu.memory_space<vmem>>, vector<16xf32>,
        tpu.vector_store %arg9[%parallel_loop3A_41], %parallel_loop3A_36 {strides = array<i32>} : memref<8192xf32, #tpu.memory_space<vmem>>, vector<16xf32>,
        %parallel_loop3A_43 = arith.constant 65 : i32
        %parallel_loop3A_44 = arith.muli %parallel_loop3A_30, %parallel_loop3A_43 : i32
        %parallel_loop3A_45 = arith.constant 16 : i32
        %parallel_loop3A_46 = arith.addi %parallel_loop3A_44, %parallel_loop3A_45 : i32
        %parallel_loop3A_47 = arith.index_cast %parallel_loop3A_46 : i32 to index
        %parallel_loop3A_48 = tpu.vector_load %arg7[%parallel_loop3A_47] {strides = array<i32>} : memref<8320xf32, #tpu.memory_space<vmem>>, vector<16xf32>,
        %parallel_loop3A_49 = arith.constant 64 : i32
        %parallel_loop3A_50 = arith.muli %parallel_loop3A_30, %parallel_loop3A_49 : i32
        %parallel_loop3A_51 = arith.constant 16 : i32
        %parallel_loop3A_52 = arith.addi %parallel_loop3A_50, %parallel_loop3A_51 : i32
        %parallel_loop3A_53 = arith.index_cast %parallel_loop3A_52 : i32 to index
        %parallel_loop3A_54 = tpu.vector_load %arg9[%parallel_loop3A_53] {strides = array<i32>} : memref<8192xf32, #tpu.memory_space<vmem>>, vector<16xf32>,
        tpu.vector_store %arg9[%parallel_loop3A_53], %parallel_loop3A_48 {strides = array<i32>} : memref<8192xf32, #tpu.memory_space<vmem>>, vector<16xf32>,
        %parallel_loop3A_55 = arith.constant 65 : i32
        %parallel_loop3A_56 = arith.muli %parallel_loop3A_30, %parallel_loop3A_55 : i32
        %parallel_loop3A_57 = arith.constant 32 : i32
        %parallel_loop3A_58 = arith.addi %parallel_loop3A_56, %parallel_loop3A_57 : i32
        %parallel_loop3A_59 = arith.index_cast %parallel_loop3A_58 : i32 to index
        %parallel_loop3A_60 = tpu.vector_load %arg7[%parallel_loop3A_59] {strides = array<i32>} : memref<8320xf32, #tpu.memory_space<vmem>>, vector<16xf32>,
        %parallel_loop3A_61 = arith.constant 64 : i32
        %parallel_loop3A_62 = arith.muli %parallel_loop3A_30, %parallel_loop3A_61 : i32
        %parallel_loop3A_63 = arith.constant 32 : i32
        %parallel_loop3A_64 = arith.addi %parallel_loop3A_62, %parallel_loop3A_63 : i32
        %parallel_loop3A_65 = arith.index_cast %parallel_loop3A_64 : i32 to index
        %parallel_loop3A_66 = tpu.vector_load %arg9[%parallel_loop3A_65] {strides = array<i32>} : memref<8192xf32, #tpu.memory_space<vmem>>, vector<16xf32>,
        tpu.vector_store %arg9[%parallel_loop3A_65], %parallel_loop3A_60 {strides = array<i32>} : memref<8192xf32, #tpu.memory_space<vmem>>, vector<16xf32>,
        %parallel_loop3A_67 = arith.constant 65 : i32
        %parallel_loop3A_68 = arith.muli %parallel_loop3A_30, %parallel_loop3A_67 : i32
        %parallel_loop3A_69 = arith.constant 48 : i32
        %parallel_loop3A_70 = arith.addi %parallel_loop3A_68, %parallel_loop3A_69 : i32
        %parallel_loop3A_71 = arith.index_cast %parallel_loop3A_70 : i32 to index
        %parallel_loop3A_72 = tpu.vector_load %arg7[%parallel_loop3A_71] {strides = array<i32>} : memref<8320xf32, #tpu.memory_space<vmem>>, vector<16xf32>,
        %parallel_loop3A_73 = arith.constant 64 : i32
        %parallel_loop3A_74 = arith.muli %parallel_loop3A_30, %parallel_loop3A_73 : i32
        %parallel_loop3A_75 = arith.constant 48 : i32
        %parallel_loop3A_76 = arith.addi %parallel_loop3A_74, %parallel_loop3A_75 : i32
        %parallel_loop3A_77 = arith.index_cast %parallel_loop3A_76 : i32 to index
        %parallel_loop3A_78 = tpu.vector_load %arg9[%parallel_loop3A_77] {strides = array<i32>} : memref<8192xf32, #tpu.memory_space<vmem>>, vector<16xf32>,
        tpu.vector_store %arg9[%parallel_loop3A_77], %parallel_loop3A_72 {strides = array<i32>} : memref<8192xf32, #tpu.memory_space<vmem>>, vector<16xf32>,
      } {sc.loop_unroll_factor = 8 : i64, sc.parallel_access}
      "tpu.region"() ({
        %run_scoped3A = tpu.sem_alloc : memref<!tpu.dma_semaphore, #tpu.memory_space<semaphore_mem>>
        %dma_start3A_30 = arith.constant 0 : i32
        %dma_start3A_31 = tpu.memref_slice %arg9[%dma_start3A_30] : memref<8192xf32, #tpu.memory_space<vmem>> -> memref<4096xf32, #tpu.memory_space<vmem>>
        %dma_start3A_32 = arith.constant 63995904 : i32
        %dma_start3A_33 = tpu.memref_slice %arg4[%dma_start3A_32] : memref<64000000xf32, #tpu.memory_space<hbm>> -> memref<4096xf32, #tpu.memory_space<hbm>>
        %dma_start3A_34 = arith.constant 63995904 : i32
        %dma_start3A_35 = tpu.memref_slice %arg4[%dma_start3A_34] : memref<64000000xf32, #tpu.memory_space<hbm>> -> memref<4096xf32, #tpu.memory_space<hbm>>
        %dma_start3A_36 = arith.constant 0 : i32
        %dma_start3A_37 = tpu.memref_slice %arg9[%dma_start3A_36] : memref<8192xf32, #tpu.memory_space<vmem>> -> memref<4096xf32, #tpu.memory_space<vmem>>
        tpu.enqueue_dma source(%dma_start3A_37 : memref<4096xf32, #tpu.memory_space<vmem>>) target(%dma_start3A_35 : memref<4096xf32, #tpu.memory_space<hbm>>) target_semaphore(%run_scoped3A : memref<!tpu.dma_semaphore, #tpu.memory_space<semaphore_mem>>)
        %dma_wait3A_38 = arith.constant 0 : i32
        %dma_wait3A_39 = tpu.memref_slice %arg9[%dma_wait3A_38] : memref<8192xf32, #tpu.memory_space<vmem>> -> memref<4096xf32, #tpu.memory_space<vmem>>
        %dma_wait3A_40 = arith.constant 63995904 : i32
        %dma_wait3A_41 = tpu.memref_slice %arg4[%dma_wait3A_40] : memref<64000000xf32, #tpu.memory_space<hbm>> -> memref<4096xf32, #tpu.memory_space<hbm>>
        %dma_wait3A_42 = arith.constant 63995904 : i32
        %dma_wait3A_43 = tpu.memref_slice %arg4[%dma_wait3A_42] : memref<64000000xf32, #tpu.memory_space<hbm>> -> memref<4096xf32, #tpu.memory_space<hbm>>
        %dma_wait3A_44 = arith.constant 0 : i32
        %dma_wait3A_45 = tpu.memref_slice %arg9[%dma_wait3A_44] : memref<8192xf32, #tpu.memory_space<vmem>> -> memref<4096xf32, #tpu.memory_space<vmem>>
        tpu.wait_dma2 semaphore(%run_scoped3A : memref<!tpu.dma_semaphore, #tpu.memory_space<semaphore_mem>>) src(%dma_wait3A_45 : memref<4096xf32, #tpu.memory_space<vmem>>) dst(%dma_wait3A_43 : memref<4096xf32, #tpu.memory_space<hbm>>)
        tpu.yield
      }) : () -> ()
    } else {
    }
    return
  }
}

#map = affine_map<(d0, d1) -> (0, 0)>
#map1 = affine_map<(d0, d1) -> (0)>
module attributes {stable_mosaic.version = 14 : i64} {
  func.func @emb(%arg0: i32, %arg1: i32, %arg2: memref<6400x128xi32, #tpu.memory_space<hbm>>, %arg3: memref<1000000x64xf32, #tpu.memory_space<hbm>>, %arg4: memref<52428800xf32, #tpu.memory_space<hbm>>, %arg5: memref<200x128xi32, #tpu.memory_space<vmem>>, %arg6: memref<128x64xf32, #tpu.memory_space<vmem>>, %arg7: memref<128x64xf32, #tpu.memory_space<vmem>>, %arg8: memref<8256xf32, #tpu.memory_space<vmem>>, %arg9: memref<8192xf32, #tpu.memory_space<vmem>>, %arg10: memref<8192xf32, #tpu.memory_space<vmem>>, %arg11: memref<!tpu.dma_semaphore, #tpu.memory_space<semaphore_mem>>, %arg12: memref<!tpu.dma_semaphore, #tpu.memory_space<semaphore_mem>>, %arg13: memref<!tpu.dma_semaphore, #tpu.memory_space<semaphore_mem>>, %arg14: memref<!tpu.dma_semaphore, #tpu.memory_space<semaphore_mem>>) attributes {dimension_semantics = [#tpu.dimension_semantics<core_parallel>, #tpu.dimension_semantics<subcore_parallel>], iteration_bounds = array<i64: 2, 16>, scalar_prefetch = 0 : i64, scratch_operands = 10 : i64, tpu.core_type = #tpu.core_type<sc_vector_subcore>, window_params = [{transform_indices = #map}, {transform_indices = #map}, {transform_indices = #map1}]} {
    %mul3A = arith.constant 2 : i32
    %mul3A_0 = arith.muli %arg1, %mul3A : i32
    %add3A = arith.addi %mul3A_0, %arg0 : i32
    %mul3A_1 = arith.constant 200 : i32
    %mul3A_2 = arith.muli %add3A, %mul3A_1 : i32
    %iota3A = tpu.iota {dimensions = array<i32: 0>} : vector<16xi32>
    %mul3A_3 = arith.constant 129 : i32
    %mul3A_4 = vector.broadcast %mul3A_3 : i32 to vector<16xi32>
    %mul3A_5 = arith.muli %iota3A, %mul3A_4 : vector<16xi32>
    "tpu.region"() ({
      %run_scoped3A = tpu.sem_alloc : memref<!tpu.dma_semaphore, #tpu.memory_space<semaphore_mem>>
      %dma_start3A_144 = arith.constant 0 : i32
      %dma_start3A_145 = tpu.memref_slice %arg2[%mul3A_2, %dma_start3A_144] : memref<6400x128xi32, #tpu.memory_space<hbm>> -> memref<200x128xi32, #tpu.memory_space<hbm>>
      %dma_start3A_146 = arith.constant 0 : i32
      %dma_start3A_147 = tpu.memref_slice %arg2[%mul3A_2, %dma_start3A_146] : memref<6400x128xi32, #tpu.memory_space<hbm>> -> memref<200x128xi32, #tpu.memory_space<hbm>>
      tpu.enqueue_dma source(%dma_start3A_147 : memref<200x128xi32, #tpu.memory_space<hbm>>) target(%arg5 : memref<200x128xi32, #tpu.memory_space<vmem>>) target_semaphore(%run_scoped3A : memref<!tpu.dma_semaphore, #tpu.memory_space<semaphore_mem>>)
      %dma_wait3A_148 = arith.constant 0 : i32
      %dma_wait3A_149 = tpu.memref_slice %arg2[%mul3A_2, %dma_wait3A_148] : memref<6400x128xi32, #tpu.memory_space<hbm>> -> memref<200x128xi32, #tpu.memory_space<hbm>>
      %dma_wait3A_150 = arith.constant 0 : i32
      %dma_wait3A_151 = tpu.memref_slice %arg2[%mul3A_2, %dma_wait3A_150] : memref<6400x128xi32, #tpu.memory_space<hbm>> -> memref<200x128xi32, #tpu.memory_space<hbm>>
      tpu.wait_dma2 semaphore(%run_scoped3A : memref<!tpu.dma_semaphore, #tpu.memory_space<semaphore_mem>>) src(%dma_wait3A_151 : memref<200x128xi32, #tpu.memory_space<hbm>>) dst(%arg5 : memref<200x128xi32, #tpu.memory_space<vmem>>)
      tpu.yield
    }) : () -> ()
    %dma_start3A = arith.constant 0 : i32
    %dma_start3A_6 = arith.constant 0 : i32
    %dma_start3A_7 = tpu.memref_slice %arg5[%dma_start3A, %dma_start3A_6] : memref<200x128xi32, #tpu.memory_space<vmem>> -> memref<1x128xi32, #tpu.memory_space<vmem>>
    %dma_start3A_8 = tpu.memref_squeeze %dma_start3A_7 : memref<1x128xi32, #tpu.memory_space<vmem>> -> memref<128xi32, #tpu.memory_space<vmem>>
    %dma_start3A_9 = arith.constant 0 : i32
    %dma_start3A_10 = arith.constant 0 : i32
    %dma_start3A_11 = tpu.memref_slice %arg3[%dma_start3A_9, %dma_start3A_10] : memref<1000000x64xf32, #tpu.memory_space<hbm>> -> memref<1000000x64xf32, #tpu.memory_space<hbm>>
    tpu.enqueue_indirect_dma source(%dma_start3A_11 : memref<1000000x64xf32, #tpu.memory_space<hbm>>) target(%arg6 : memref<128x64xf32, #tpu.memory_space<vmem>>) offsets(%dma_start3A_8 : memref<128xi32, #tpu.memory_space<vmem>>) semaphore(%arg11 : memref<!tpu.dma_semaphore, #tpu.memory_space<semaphore_mem>>)
    %scan3A = arith.constant 0 : i32
    %scan3A_12 = arith.constant 0 : i32
    %scan3A_13 = arith.constant 100 : i32
    %scan3A_14 = arith.addi %scan3A_12, %scan3A_13 : i32
    %scan3A_15 = arith.constant 1 : i32
    scf.for %scan3A_144 = %scan3A_12 to %scan3A_14 step %scan3A_15  : i32 {
      %mul3A_145 = arith.constant 2 : i32
      %mul3A_146 = arith.muli %mul3A_145, %scan3A_144 : i32
      %add3A_147 = arith.constant 1 : i32
      %add3A_148 = arith.addi %mul3A_146, %add3A_147 : i32
      %dma_start3A_149 = arith.constant 0 : i32
      %dma_start3A_150 = tpu.memref_slice %arg5[%add3A_148, %dma_start3A_149] : memref<200x128xi32, #tpu.memory_space<vmem>> -> memref<1x128xi32, #tpu.memory_space<vmem>>
      %dma_start3A_151 = tpu.memref_squeeze %dma_start3A_150 : memref<1x128xi32, #tpu.memory_space<vmem>> -> memref<128xi32, #tpu.memory_space<vmem>>
      %dma_start3A_152 = arith.constant 0 : i32
      %dma_start3A_153 = arith.constant 0 : i32
      %dma_start3A_154 = tpu.memref_slice %arg3[%dma_start3A_152, %dma_start3A_153] : memref<1000000x64xf32, #tpu.memory_space<hbm>> -> memref<1000000x64xf32, #tpu.memory_space<hbm>>
      tpu.enqueue_indirect_dma source(%dma_start3A_154 : memref<1000000x64xf32, #tpu.memory_space<hbm>>) target(%arg7 : memref<128x64xf32, #tpu.memory_space<vmem>>) offsets(%dma_start3A_151 : memref<128xi32, #tpu.memory_space<vmem>>) semaphore(%arg12 : memref<!tpu.dma_semaphore, #tpu.memory_space<semaphore_mem>>)
      %dma_wait3A_155 = arith.constant 0 : i32
      %dma_wait3A_156 = tpu.memref_slice %arg5[%mul3A_146, %dma_wait3A_155] : memref<200x128xi32, #tpu.memory_space<vmem>> -> memref<1x128xi32, #tpu.memory_space<vmem>>
      %dma_wait3A_157 = tpu.memref_squeeze %dma_wait3A_156 : memref<1x128xi32, #tpu.memory_space<vmem>> -> memref<128xi32, #tpu.memory_space<vmem>>
      %dma_wait3A_158 = arith.constant 0 : i32
      %dma_wait3A_159 = arith.constant 0 : i32
      %dma_wait3A_160 = tpu.memref_slice %arg3[%dma_wait3A_158, %dma_wait3A_159] : memref<1000000x64xf32, #tpu.memory_space<hbm>> -> memref<1000000x64xf32, #tpu.memory_space<hbm>>
      tpu.wait_indirect_dma semaphore(%arg11 : memref<!tpu.dma_semaphore, #tpu.memory_space<semaphore_mem>>) src(%dma_wait3A_160 : memref<1000000x64xf32, #tpu.memory_space<hbm>>) dst(%arg6 : memref<128x64xf32, #tpu.memory_space<vmem>>)
      %parallel_loop3A = arith.constant 0 : i32
      %parallel_loop3A_161 = arith.constant 128 : i32
      %parallel_loop3A_162 = arith.constant 1 : i32
      scf.for %parallel_loop3A_394 = %parallel_loop3A to %parallel_loop3A_161 step %parallel_loop3A_162  : i32 {
        %parallel_loop3A_395 = arith.index_cast %parallel_loop3A_394 : i32 to index
        %parallel_loop3A_396 = arith.constant 0 : index
        %parallel_loop3A_397 = tpu.vector_load %arg6[%parallel_loop3A_395, %parallel_loop3A_396] {strides = array<i32>} : memref<128x64xf32, #tpu.memory_space<vmem>>, vector<16xf32>,
        %parallel_loop3A_398 = arith.constant 0 : i32
        %parallel_loop3A_399 = arith.addi %parallel_loop3A_398, %parallel_loop3A_394 : i32
        %parallel_loop3A_400 = vector.broadcast %parallel_loop3A_399 : i32 to vector<16xi32>
        %parallel_loop3A_401 = arith.addi %mul3A_5, %parallel_loop3A_400 : vector<16xi32>
        tpu.vector_store_idx %arg8[%parallel_loop3A_401], %parallel_loop3A_397 : memref<8256xf32, #tpu.memory_space<vmem>>[vector<16xi32>], vector<16xf32>,
        %parallel_loop3A_402 = arith.index_cast %parallel_loop3A_394 : i32 to index
        %parallel_loop3A_403 = arith.constant 16 : index
        %parallel_loop3A_404 = tpu.vector_load %arg6[%parallel_loop3A_402, %parallel_loop3A_403] {strides = array<i32>} : memref<128x64xf32, #tpu.memory_space<vmem>>, vector<16xf32>,
        %parallel_loop3A_405 = arith.constant 2064 : i32
        %parallel_loop3A_406 = arith.addi %parallel_loop3A_405, %parallel_loop3A_394 : i32
        %parallel_loop3A_407 = vector.broadcast %parallel_loop3A_406 : i32 to vector<16xi32>
        %parallel_loop3A_408 = arith.addi %mul3A_5, %parallel_loop3A_407 : vector<16xi32>
        tpu.vector_store_idx %arg8[%parallel_loop3A_408], %parallel_loop3A_404 : memref<8256xf32, #tpu.memory_space<vmem>>[vector<16xi32>], vector<16xf32>,
        %parallel_loop3A_409 = arith.index_cast %parallel_loop3A_394 : i32 to index
        %parallel_loop3A_410 = arith.constant 32 : index
        %parallel_loop3A_411 = tpu.vector_load %arg6[%parallel_loop3A_409, %parallel_loop3A_410] {strides = array<i32>} : memref<128x64xf32, #tpu.memory_space<vmem>>, vector<16xf32>,
        %parallel_loop3A_412 = arith.constant 4128 : i32
        %parallel_loop3A_413 = arith.addi %parallel_loop3A_412, %parallel_loop3A_394 : i32
        %parallel_loop3A_414 = vector.broadcast %parallel_loop3A_413 : i32 to vector<16xi32>
        %parallel_loop3A_415 = arith.addi %mul3A_5, %parallel_loop3A_414 : vector<16xi32>
        tpu.vector_store_idx %arg8[%parallel_loop3A_415], %parallel_loop3A_411 : memref<8256xf32, #tpu.memory_space<vmem>>[vector<16xi32>], vector<16xf32>,
        %parallel_loop3A_416 = arith.index_cast %parallel_loop3A_394 : i32 to index
        %parallel_loop3A_417 = arith.constant 48 : index
        %parallel_loop3A_418 = tpu.vector_load %arg6[%parallel_loop3A_416, %parallel_loop3A_417] {strides = array<i32>} : memref<128x64xf32, #tpu.memory_space<vmem>>, vector<16xf32>,
        %parallel_loop3A_419 = arith.constant 6192 : i32
        %parallel_loop3A_420 = arith.addi %parallel_loop3A_419, %parallel_loop3A_394 : i32
        %parallel_loop3A_421 = vector.broadcast %parallel_loop3A_420 : i32 to vector<16xi32>
        %parallel_loop3A_422 = arith.addi %mul3A_5, %parallel_loop3A_421 : vector<16xi32>
        tpu.vector_store_idx %arg8[%parallel_loop3A_422], %parallel_loop3A_418 : memref<8256xf32, #tpu.memory_space<vmem>>[vector<16xi32>], vector<16xf32>,
      } {sc.loop_unroll_factor = 8 : i64, sc.parallel_access}
      %gt3A = arith.constant 0 : i32
      %gt3A_163 = arith.cmpi sgt, %scan3A_144, %gt3A : i32
      %convert_element_type3A = arith.extui %gt3A_163 : i1 to i32
      %cond3A = arith.constant 0 : i32
      %cond3A_164 = arith.cmpi ne, %convert_element_type3A, %cond3A : i32
      scf.if %cond3A_164 {
        %dma_wait3A_394 = arith.constant 0 : i32
        %dma_wait3A_395 = tpu.memref_slice %arg9[%dma_wait3A_394] : memref<8192xf32, #tpu.memory_space<vmem>> -> memref<1024xf32, #tpu.memory_space<vmem>>
        %dma_wait3A_396 = arith.constant 0 : i32
        %dma_wait3A_397 = tpu.memref_slice %arg4[%dma_wait3A_396] : memref<52428800xf32, #tpu.memory_space<hbm>> -> memref<1024xf32, #tpu.memory_space<hbm>>
        %dma_wait3A_398 = arith.constant 0 : i32
        %dma_wait3A_399 = tpu.memref_slice %arg4[%dma_wait3A_398] : memref<52428800xf32, #tpu.memory_space<hbm>> -> memref<1024xf32, #tpu.memory_space<hbm>>
        %dma_wait3A_400 = arith.constant 0 : i32
        %dma_wait3A_401 = tpu.memref_slice %arg9[%dma_wait3A_400] : memref<8192xf32, #tpu.memory_space<vmem>> -> memref<1024xf32, #tpu.memory_space<vmem>>
        tpu.wait_dma2 semaphore(%arg13 : memref<!tpu.dma_semaphore, #tpu.memory_space<semaphore_mem>>) src(%dma_wait3A_401 : memref<1024xf32, #tpu.memory_space<vmem>>) dst(%dma_wait3A_399 : memref<1024xf32, #tpu.memory_space<hbm>>)
        %dma_wait3A_402 = arith.constant 1024 : i32
        %dma_wait3A_403 = tpu.memref_slice %arg9[%dma_wait3A_402] : memref<8192xf32, #tpu.memory_space<vmem>> -> memref<1024xf32, #tpu.memory_space<vmem>>
        %dma_wait3A_404 = arith.constant 0 : i32
        %dma_wait3A_405 = tpu.memref_slice %arg4[%dma_wait3A_404] : memref<52428800xf32, #tpu.memory_space<hbm>> -> memref<1024xf32, #tpu.memory_space<hbm>>
        %dma_wait3A_406 = arith.constant 0 : i32
        %dma_wait3A_407 = tpu.memref_slice %arg4[%dma_wait3A_406] : memref<52428800xf32, #tpu.memory_space<hbm>> -> memref<1024xf32, #tpu.memory_space<hbm>>
        %dma_wait3A_408 = arith.constant 1024 : i32
        %dma_wait3A_409 = tpu.memref_slice %arg9[%dma_wait3A_408] : memref<8192xf32, #tpu.memory_space<vmem>> -> memref<1024xf32, #tpu.memory_space<vmem>>
        tpu.wait_dma2 semaphore(%arg13 : memref<!tpu.dma_semaphore, #tpu.memory_space<semaphore_mem>>) src(%dma_wait3A_409 : memref<1024xf32, #tpu.memory_space<vmem>>) dst(%dma_wait3A_407 : memref<1024xf32, #tpu.memory_space<hbm>>)
        %dma_wait3A_410 = arith.constant 2048 : i32
        %dma_wait3A_411 = tpu.memref_slice %arg9[%dma_wait3A_410] : memref<8192xf32, #tpu.memory_space<vmem>> -> memref<1024xf32, #tpu.memory_space<vmem>>
        %dma_wait3A_412 = arith.constant 0 : i32
        %dma_wait3A_413 = tpu.memref_slice %arg4[%dma_wait3A_412] : memref<52428800xf32, #tpu.memory_space<hbm>> -> memref<1024xf32, #tpu.memory_space<hbm>>
        %dma_wait3A_414 = arith.constant 0 : i32
        %dma_wait3A_415 = tpu.memref_slice %arg4[%dma_wait3A_414] : memref<52428800xf32, #tpu.memory_space<hbm>> -> memref<1024xf32, #tpu.memory_space<hbm>>
        %dma_wait3A_416 = arith.constant 2048 : i32
        %dma_wait3A_417 = tpu.memref_slice %arg9[%dma_wait3A_416] : memref<8192xf32, #tpu.memory_space<vmem>> -> memref<1024xf32, #tpu.memory_space<vmem>>
        tpu.wait_dma2 semaphore(%arg13 : memref<!tpu.dma_semaphore, #tpu.memory_space<semaphore_mem>>) src(%dma_wait3A_417 : memref<1024xf32, #tpu.memory_space<vmem>>) dst(%dma_wait3A_415 : memref<1024xf32, #tpu.memory_space<hbm>>)
        %dma_wait3A_418 = arith.constant 3072 : i32
        %dma_wait3A_419 = tpu.memref_slice %arg9[%dma_wait3A_418] : memref<8192xf32, #tpu.memory_space<vmem>> -> memref<1024xf32, #tpu.memory_space<vmem>>
        %dma_wait3A_420 = arith.constant 0 : i32
        %dma_wait3A_421 = tpu.memref_slice %arg4[%dma_wait3A_420] : memref<52428800xf32, #tpu.memory_space<hbm>> -> memref<1024xf32, #tpu.memory_space<hbm>>
        %dma_wait3A_422 = arith.constant 0 : i32
        %dma_wait3A_423 = tpu.memref_slice %arg4[%dma_wait3A_422] : memref<52428800xf32, #tpu.memory_space<hbm>> -> memref<1024xf32, #tpu.memory_space<hbm>>
        %dma_wait3A_424 = arith.constant 3072 : i32
        %dma_wait3A_425 = tpu.memref_slice %arg9[%dma_wait3A_424] : memref<8192xf32, #tpu.memory_space<vmem>> -> memref<1024xf32, #tpu.memory_space<vmem>>
        tpu.wait_dma2 semaphore(%arg13 : memref<!tpu.dma_semaphore, #tpu.memory_space<semaphore_mem>>) src(%dma_wait3A_425 : memref<1024xf32, #tpu.memory_space<vmem>>) dst(%dma_wait3A_423 : memref<1024xf32, #tpu.memory_space<hbm>>)
        %dma_wait3A_426 = arith.constant 4096 : i32
        %dma_wait3A_427 = tpu.memref_slice %arg9[%dma_wait3A_426] : memref<8192xf32, #tpu.memory_space<vmem>> -> memref<1024xf32, #tpu.memory_space<vmem>>
        %dma_wait3A_428 = arith.constant 0 : i32
        %dma_wait3A_429 = tpu.memref_slice %arg4[%dma_wait3A_428] : memref<52428800xf32, #tpu.memory_space<hbm>> -> memref<1024xf32, #tpu.memory_space<hbm>>
        %dma_wait3A_430 = arith.constant 0 : i32
        %dma_wait3A_431 = tpu.memref_slice %arg4[%dma_wait3A_430] : memref<52428800xf32, #tpu.memory_space<hbm>> -> memref<1024xf32, #tpu.memory_space<hbm>>
        %dma_wait3A_432 = arith.constant 4096 : i32
        %dma_wait3A_433 = tpu.memref_slice %arg9[%dma_wait3A_432] : memref<8192xf32, #tpu.memory_space<vmem>> -> memref<1024xf32, #tpu.memory_space<vmem>>
        tpu.wait_dma2 semaphore(%arg13 : memref<!tpu.dma_semaphore, #tpu.memory_space<semaphore_mem>>) src(%dma_wait3A_433 : memref<1024xf32, #tpu.memory_space<vmem>>) dst(%dma_wait3A_431 : memref<1024xf32, #tpu.memory_space<hbm>>)
        %dma_wait3A_434 = arith.constant 5120 : i32
        %dma_wait3A_435 = tpu.memref_slice %arg9[%dma_wait3A_434] : memref<8192xf32, #tpu.memory_space<vmem>> -> memref<1024xf32, #tpu.memory_space<vmem>>
        %dma_wait3A_436 = arith.constant 0 : i32
        %dma_wait3A_437 = tpu.memref_slice %arg4[%dma_wait3A_436] : memref<52428800xf32, #tpu.memory_space<hbm>> -> memref<1024xf32, #tpu.memory_space<hbm>>
        %dma_wait3A_438 = arith.constant 0 : i32
        %dma_wait3A_439 = tpu.memref_slice %arg4[%dma_wait3A_438] : memref<52428800xf32, #tpu.memory_space<hbm>> -> memref<1024xf32, #tpu.memory_space<hbm>>
        %dma_wait3A_440 = arith.constant 5120 : i32
        %dma_wait3A_441 = tpu.memref_slice %arg9[%dma_wait3A_440] : memref<8192xf32, #tpu.memory_space<vmem>> -> memref<1024xf32, #tpu.memory_space<vmem>>
        tpu.wait_dma2 semaphore(%arg13 : memref<!tpu.dma_semaphore, #tpu.memory_space<semaphore_mem>>) src(%dma_wait3A_441 : memref<1024xf32, #tpu.memory_space<vmem>>) dst(%dma_wait3A_439 : memref<1024xf32, #tpu.memory_space<hbm>>)
        %dma_wait3A_442 = arith.constant 6144 : i32
        %dma_wait3A_443 = tpu.memref_slice %arg9[%dma_wait3A_442] : memref<8192xf32, #tpu.memory_space<vmem>> -> memref<1024xf32, #tpu.memory_space<vmem>>
        %dma_wait3A_444 = arith.constant 0 : i32
        %dma_wait3A_445 = tpu.memref_slice %arg4[%dma_wait3A_444] : memref<52428800xf32, #tpu.memory_space<hbm>> -> memref<1024xf32, #tpu.memory_space<hbm>>
        %dma_wait3A_446 = arith.constant 0 : i32
        %dma_wait3A_447 = tpu.memref_slice %arg4[%dma_wait3A_446] : memref<52428800xf32, #tpu.memory_space<hbm>> -> memref<1024xf32, #tpu.memory_space<hbm>>
        %dma_wait3A_448 = arith.constant 6144 : i32
        %dma_wait3A_449 = tpu.memref_slice %arg9[%dma_wait3A_448] : memref<8192xf32, #tpu.memory_space<vmem>> -> memref<1024xf32, #tpu.memory_space<vmem>>
        tpu.wait_dma2 semaphore(%arg13 : memref<!tpu.dma_semaphore, #tpu.memory_space<semaphore_mem>>) src(%dma_wait3A_449 : memref<1024xf32, #tpu.memory_space<vmem>>) dst(%dma_wait3A_447 : memref<1024xf32, #tpu.memory_space<hbm>>)
        %dma_wait3A_450 = arith.constant 7168 : i32
        %dma_wait3A_451 = tpu.memref_slice %arg9[%dma_wait3A_450] : memref<8192xf32, #tpu.memory_space<vmem>> -> memref<1024xf32, #tpu.memory_space<vmem>>
        %dma_wait3A_452 = arith.constant 0 : i32
        %dma_wait3A_453 = tpu.memref_slice %arg4[%dma_wait3A_452] : memref<52428800xf32, #tpu.memory_space<hbm>> -> memref<1024xf32, #tpu.memory_space<hbm>>
        %dma_wait3A_454 = arith.constant 0 : i32
        %dma_wait3A_455 = tpu.memref_slice %arg4[%dma_wait3A_454] : memref<52428800xf32, #tpu.memory_space<hbm>> -> memref<1024xf32, #tpu.memory_space<hbm>>
        %dma_wait3A_456 = arith.constant 7168 : i32
        %dma_wait3A_457 = tpu.memref_slice %arg9[%dma_wait3A_456] : memref<8192xf32, #tpu.memory_space<vmem>> -> memref<1024xf32, #tpu.memory_space<vmem>>
        tpu.wait_dma2 semaphore(%arg13 : memref<!tpu.dma_semaphore, #tpu.memory_space<semaphore_mem>>) src(%dma_wait3A_457 : memref<1024xf32, #tpu.memory_space<vmem>>) dst(%dma_wait3A_455 : memref<1024xf32, #tpu.memory_space<hbm>>)
      } else {
      }
      %parallel_loop3A_165 = arith.constant 0 : i32
      %parallel_loop3A_166 = arith.constant 64 : i32
      %parallel_loop3A_167 = arith.constant 1 : i32
      scf.for %parallel_loop3A_394 = %parallel_loop3A_165 to %parallel_loop3A_166 step %parallel_loop3A_167  : i32 {
        %parallel_loop3A_395 = arith.constant 129 : i32
        %parallel_loop3A_396 = arith.muli %parallel_loop3A_394, %parallel_loop3A_395 : i32
        %parallel_loop3A_397 = arith.constant 0 : i32
        %parallel_loop3A_398 = arith.addi %parallel_loop3A_396, %parallel_loop3A_397 : i32
        %parallel_loop3A_399 = arith.index_cast %parallel_loop3A_398 : i32 to index
        %parallel_loop3A_400 = tpu.vector_load %arg8[%parallel_loop3A_399] {strides = array<i32>} : memref<8256xf32, #tpu.memory_space<vmem>>, vector<16xf32>,
        %parallel_loop3A_401 = arith.constant 128 : i32
        %parallel_loop3A_402 = arith.muli %parallel_loop3A_394, %parallel_loop3A_401 : i32
        %parallel_loop3A_403 = arith.constant 0 : i32
        %parallel_loop3A_404 = arith.addi %parallel_loop3A_402, %parallel_loop3A_403 : i32
        %parallel_loop3A_405 = arith.index_cast %parallel_loop3A_404 : i32 to index
        %parallel_loop3A_406 = tpu.vector_load %arg9[%parallel_loop3A_405] {strides = array<i32>} : memref<8192xf32, #tpu.memory_space<vmem>>, vector<16xf32>,
        tpu.vector_store %arg9[%parallel_loop3A_405], %parallel_loop3A_400 {strides = array<i32>} : memref<8192xf32, #tpu.memory_space<vmem>>, vector<16xf32>,
        %parallel_loop3A_407 = arith.constant 129 : i32
        %parallel_loop3A_408 = arith.muli %parallel_loop3A_394, %parallel_loop3A_407 : i32
        %parallel_loop3A_409 = arith.constant 16 : i32
        %parallel_loop3A_410 = arith.addi %parallel_loop3A_408, %parallel_loop3A_409 : i32
        %parallel_loop3A_411 = arith.index_cast %parallel_loop3A_410 : i32 to index
        %parallel_loop3A_412 = tpu.vector_load %arg8[%parallel_loop3A_411] {strides = array<i32>} : memref<8256xf32, #tpu.memory_space<vmem>>, vector<16xf32>,
        %parallel_loop3A_413 = arith.constant 128 : i32
        %parallel_loop3A_414 = arith.muli %parallel_loop3A_394, %parallel_loop3A_413 : i32
        %parallel_loop3A_415 = arith.constant 16 : i32
        %parallel_loop3A_416 = arith.addi %parallel_loop3A_414, %parallel_loop3A_415 : i32
        %parallel_loop3A_417 = arith.index_cast %parallel_loop3A_416 : i32 to index
        %parallel_loop3A_418 = tpu.vector_load %arg9[%parallel_loop3A_417] {strides = array<i32>} : memref<8192xf32, #tpu.memory_space<vmem>>, vector<16xf32>,
        tpu.vector_store %arg9[%parallel_loop3A_417], %parallel_loop3A_412 {strides = array<i32>} : memref<8192xf32, #tpu.memory_space<vmem>>, vector<16xf32>,
        %parallel_loop3A_419 = arith.constant 129 : i32
        %parallel_loop3A_420 = arith.muli %parallel_loop3A_394, %parallel_loop3A_419 : i32
        %parallel_loop3A_421 = arith.constant 32 : i32
        %parallel_loop3A_422 = arith.addi %parallel_loop3A_420, %parallel_loop3A_421 : i32
        %parallel_loop3A_423 = arith.index_cast %parallel_loop3A_422 : i32 to index
        %parallel_loop3A_424 = tpu.vector_load %arg8[%parallel_loop3A_423] {strides = array<i32>} : memref<8256xf32, #tpu.memory_space<vmem>>, vector<16xf32>,
        %parallel_loop3A_425 = arith.constant 128 : i32
        %parallel_loop3A_426 = arith.muli %parallel_loop3A_394, %parallel_loop3A_425 : i32
        %parallel_loop3A_427 = arith.constant 32 : i32
        %parallel_loop3A_428 = arith.addi %parallel_loop3A_426, %parallel_loop3A_427 : i32
        %parallel_loop3A_429 = arith.index_cast %parallel_loop3A_428 : i32 to index
        %parallel_loop3A_430 = tpu.vector_load %arg9[%parallel_loop3A_429] {strides = array<i32>} : memref<8192xf32, #tpu.memory_space<vmem>>, vector<16xf32>,
        tpu.vector_store %arg9[%parallel_loop3A_429], %parallel_loop3A_424 {strides = array<i32>} : memref<8192xf32, #tpu.memory_space<vmem>>, vector<16xf32>,
        %parallel_loop3A_431 = arith.constant 129 : i32
        %parallel_loop3A_432 = arith.muli %parallel_loop3A_394, %parallel_loop3A_431 : i32
        %parallel_loop3A_433 = arith.constant 48 : i32
        %parallel_loop3A_434 = arith.addi %parallel_loop3A_432, %parallel_loop3A_433 : i32
        %parallel_loop3A_435 = arith.index_cast %parallel_loop3A_434 : i32 to index
        %parallel_loop3A_436 = tpu.vector_load %arg8[%parallel_loop3A_435] {strides = array<i32>} : memref<8256xf32, #tpu.memory_space<vmem>>, vector<16xf32>,
        %parallel_loop3A_437 = arith.constant 128 : i32
        %parallel_loop3A_438 = arith.muli %parallel_loop3A_394, %parallel_loop3A_437 : i32
        %parallel_loop3A_439 = arith.constant 48 : i32
        %parallel_loop3A_440 = arith.addi %parallel_loop3A_438, %parallel_loop3A_439 : i32
        %parallel_loop3A_441 = arith.index_cast %parallel_loop3A_440 : i32 to index
        %parallel_loop3A_442 = tpu.vector_load %arg9[%parallel_loop3A_441] {strides = array<i32>} : memref<8192xf32, #tpu.memory_space<vmem>>, vector<16xf32>,
        tpu.vector_store %arg9[%parallel_loop3A_441], %parallel_loop3A_436 {strides = array<i32>} : memref<8192xf32, #tpu.memory_space<vmem>>, vector<16xf32>,
        %parallel_loop3A_443 = arith.constant 129 : i32
        %parallel_loop3A_444 = arith.muli %parallel_loop3A_394, %parallel_loop3A_443 : i32
        %parallel_loop3A_445 = arith.constant 64 : i32
        %parallel_loop3A_446 = arith.addi %parallel_loop3A_444, %parallel_loop3A_445 : i32
        %parallel_loop3A_447 = arith.index_cast %parallel_loop3A_446 : i32 to index
        %parallel_loop3A_448 = tpu.vector_load %arg8[%parallel_loop3A_447] {strides = array<i32>} : memref<8256xf32, #tpu.memory_space<vmem>>, vector<16xf32>,
        %parallel_loop3A_449 = arith.constant 128 : i32
        %parallel_loop3A_450 = arith.muli %parallel_loop3A_394, %parallel_loop3A_449 : i32
        %parallel_loop3A_451 = arith.constant 64 : i32
        %parallel_loop3A_452 = arith.addi %parallel_loop3A_450, %parallel_loop3A_451 : i32
        %parallel_loop3A_453 = arith.index_cast %parallel_loop3A_452 : i32 to index
        %parallel_loop3A_454 = tpu.vector_load %arg9[%parallel_loop3A_453] {strides = array<i32>} : memref<8192xf32, #tpu.memory_space<vmem>>, vector<16xf32>,
        tpu.vector_store %arg9[%parallel_loop3A_453], %parallel_loop3A_448 {strides = array<i32>} : memref<8192xf32, #tpu.memory_space<vmem>>, vector<16xf32>,
        %parallel_loop3A_455 = arith.constant 129 : i32
        %parallel_loop3A_456 = arith.muli %parallel_loop3A_394, %parallel_loop3A_455 : i32
        %parallel_loop3A_457 = arith.constant 80 : i32
        %parallel_loop3A_458 = arith.addi %parallel_loop3A_456, %parallel_loop3A_457 : i32
        %parallel_loop3A_459 = arith.index_cast %parallel_loop3A_458 : i32 to index
        %parallel_loop3A_460 = tpu.vector_load %arg8[%parallel_loop3A_459] {strides = array<i32>} : memref<8256xf32, #tpu.memory_space<vmem>>, vector<16xf32>,
        %parallel_loop3A_461 = arith.constant 128 : i32
        %parallel_loop3A_462 = arith.muli %parallel_loop3A_394, %parallel_loop3A_461 : i32
        %parallel_loop3A_463 = arith.constant 80 : i32
        %parallel_loop3A_464 = arith.addi %parallel_loop3A_462, %parallel_loop3A_463 : i32
        %parallel_loop3A_465 = arith.index_cast %parallel_loop3A_464 : i32 to index
        %parallel_loop3A_466 = tpu.vector_load %arg9[%parallel_loop3A_465] {strides = array<i32>} : memref<8192xf32, #tpu.memory_space<vmem>>, vector<16xf32>,
        tpu.vector_store %arg9[%parallel_loop3A_465], %parallel_loop3A_460 {strides = array<i32>} : memref<8192xf32, #tpu.memory_space<vmem>>, vector<16xf32>,
        %parallel_loop3A_467 = arith.constant 129 : i32
        %parallel_loop3A_468 = arith.muli %parallel_loop3A_394, %parallel_loop3A_467 : i32
        %parallel_loop3A_469 = arith.constant 96 : i32
        %parallel_loop3A_470 = arith.addi %parallel_loop3A_468, %parallel_loop3A_469 : i32
        %parallel_loop3A_471 = arith.index_cast %parallel_loop3A_470 : i32 to index
        %parallel_loop3A_472 = tpu.vector_load %arg8[%parallel_loop3A_471] {strides = array<i32>} : memref<8256xf32, #tpu.memory_space<vmem>>, vector<16xf32>,
        %parallel_loop3A_473 = arith.constant 128 : i32
        %parallel_loop3A_474 = arith.muli %parallel_loop3A_394, %parallel_loop3A_473 : i32
        %parallel_loop3A_475 = arith.constant 96 : i32
        %parallel_loop3A_476 = arith.addi %parallel_loop3A_474, %parallel_loop3A_475 : i32
        %parallel_loop3A_477 = arith.index_cast %parallel_loop3A_476 : i32 to index
        %parallel_loop3A_478 = tpu.vector_load %arg9[%parallel_loop3A_477] {strides = array<i32>} : memref<8192xf32, #tpu.memory_space<vmem>>, vector<16xf32>,
        tpu.vector_store %arg9[%parallel_loop3A_477], %parallel_loop3A_472 {strides = array<i32>} : memref<8192xf32, #tpu.memory_space<vmem>>, vector<16xf32>,
        %parallel_loop3A_479 = arith.constant 129 : i32
        %parallel_loop3A_480 = arith.muli %parallel_loop3A_394, %parallel_loop3A_479 : i32
        %parallel_loop3A_481 = arith.constant 112 : i32
        %parallel_loop3A_482 = arith.addi %parallel_loop3A_480, %parallel_loop3A_481 : i32
        %parallel_loop3A_483 = arith.index_cast %parallel_loop3A_482 : i32 to index
        %parallel_loop3A_484 = tpu.vector_load %arg8[%parallel_loop3A_483] {strides = array<i32>} : memref<8256xf32, #tpu.memory_space<vmem>>, vector<16xf32>,
        %parallel_loop3A_485 = arith.constant 128 : i32
        %parallel_loop3A_486 = arith.muli %parallel_loop3A_394, %parallel_loop3A_485 : i32
        %parallel_loop3A_487 = arith.constant 112 : i32
        %parallel_loop3A_488 = arith.addi %parallel_loop3A_486, %parallel_loop3A_487 : i32
        %parallel_loop3A_489 = arith.index_cast %parallel_loop3A_488 : i32 to index
        %parallel_loop3A_490 = tpu.vector_load %arg9[%parallel_loop3A_489] {strides = array<i32>} : memref<8192xf32, #tpu.memory_space<vmem>>, vector<16xf32>,
        tpu.vector_store %arg9[%parallel_loop3A_489], %parallel_loop3A_484 {strides = array<i32>} : memref<8192xf32, #tpu.memory_space<vmem>>, vector<16xf32>,
      } {sc.loop_unroll_factor = 8 : i64, sc.parallel_access}
      %add3A_168 = arith.addi %mul3A_2, %mul3A_146 : i32
      %jit3A = arith.constant 32 : i32
      %div3A = arith.divsi %add3A_168, %jit3A : i32
      %sign3A = arith.constant 0 : i32
      %sign3A_169 = arith.cmpi sgt, %add3A_168, %sign3A : i32
      %sign3A_170 = arith.extui %sign3A_169 : i1 to i32
      %sign3A_171 = arith.constant 0 : i32
      %sign3A_172 = arith.cmpi slt, %add3A_168, %sign3A_171 : i32
      %sign3A_173 = arith.extui %sign3A_172 : i1 to i32
      %sign3A_174 = arith.subi %sign3A_170, %sign3A_173 : i32
      %sign3A_175 = arith.constant 0 : i32
      %sign3A_176 = arith.cmpi sgt, %jit3A, %sign3A_175 : i32
      %sign3A_177 = arith.extui %sign3A_176 : i1 to i32
      %sign3A_178 = arith.constant 0 : i32
      %sign3A_179 = arith.cmpi slt, %jit3A, %sign3A_178 : i32
      %sign3A_180 = arith.extui %sign3A_179 : i1 to i32
      %sign3A_181 = arith.subi %sign3A_177, %sign3A_180 : i32
      %ne3A = arith.cmpi ne, %sign3A_174, %sign3A_181 : i32
      %rem3A = arith.remsi %add3A_168, %jit3A : i32
      %ne3A_182 = arith.constant 0 : i32
      %ne3A_183 = arith.cmpi ne, %rem3A, %ne3A_182 : i32
      %and3A = arith.andi %ne3A, %ne3A_183 : i1
      %sub3A = arith.constant 1 : i32
      %sub3A_184 = arith.subi %div3A, %sub3A : i32
      %select_n3A = arith.select %and3A, %sub3A_184, %div3A : i32
      %mul3A_185 = arith.constant 32 : i32
      %mul3A_186 = arith.muli %select_n3A, %mul3A_185 : i32
      %sub3A_187 = arith.subi %add3A_168, %mul3A_186 : i32
      %mul3A_188 = arith.constant 262144 : i32
      %mul3A_189 = arith.muli %select_n3A, %mul3A_188 : i32
      %mul3A_190 = arith.constant 1024 : i32
      %mul3A_191 = arith.muli %sub3A_187, %mul3A_190 : i32
      %add3A_192 = arith.addi %mul3A_189, %mul3A_191 : i32
      %add3A_193 = arith.constant 0 : i32
      %add3A_194 = arith.addi %add3A_192, %add3A_193 : i32
      %multiple_of3A = tpu.assume_multiple %add3A_194, 1024 : i32
      %dma_start3A_195 = arith.constant 0 : i32
      %dma_start3A_196 = tpu.memref_slice %arg9[%dma_start3A_195] : memref<8192xf32, #tpu.memory_space<vmem>> -> memref<1024xf32, #tpu.memory_space<vmem>>
      %dma_start3A_197 = tpu.memref_slice %arg4[%multiple_of3A] : memref<52428800xf32, #tpu.memory_space<hbm>> -> memref<1024xf32, #tpu.memory_space<hbm>>
      %dma_start3A_198 = tpu.memref_slice %arg4[%multiple_of3A] : memref<52428800xf32, #tpu.memory_space<hbm>> -> memref<1024xf32, #tpu.memory_space<hbm>>
      %dma_start3A_199 = arith.constant 0 : i32
      %dma_start3A_200 = tpu.memref_slice %arg9[%dma_start3A_199] : memref<8192xf32, #tpu.memory_space<vmem>> -> memref<1024xf32, #tpu.memory_space<vmem>>
      tpu.enqueue_dma source(%dma_start3A_200 : memref<1024xf32, #tpu.memory_space<vmem>>) target(%dma_start3A_198 : memref<1024xf32, #tpu.memory_space<hbm>>) target_semaphore(%arg13 : memref<!tpu.dma_semaphore, #tpu.memory_space<semaphore_mem>>)
      %add3A_201 = arith.constant 32768 : i32
      %add3A_202 = arith.addi %add3A_192, %add3A_201 : i32
      %multiple_of3A_203 = tpu.assume_multiple %add3A_202, 1024 : i32
      %dma_start3A_204 = arith.constant 1024 : i32
      %dma_start3A_205 = tpu.memref_slice %arg9[%dma_start3A_204] : memref<8192xf32, #tpu.memory_space<vmem>> -> memref<1024xf32, #tpu.memory_space<vmem>>
      %dma_start3A_206 = tpu.memref_slice %arg4[%multiple_of3A_203] : memref<52428800xf32, #tpu.memory_space<hbm>> -> memref<1024xf32, #tpu.memory_space<hbm>>
      %dma_start3A_207 = tpu.memref_slice %arg4[%multiple_of3A_203] : memref<52428800xf32, #tpu.memory_space<hbm>> -> memref<1024xf32, #tpu.memory_space<hbm>>
      %dma_start3A_208 = arith.constant 1024 : i32
      %dma_start3A_209 = tpu.memref_slice %arg9[%dma_start3A_208] : memref<8192xf32, #tpu.memory_space<vmem>> -> memref<1024xf32, #tpu.memory_space<vmem>>
      tpu.enqueue_dma source(%dma_start3A_209 : memref<1024xf32, #tpu.memory_space<vmem>>) target(%dma_start3A_207 : memref<1024xf32, #tpu.memory_space<hbm>>) target_semaphore(%arg13 : memref<!tpu.dma_semaphore, #tpu.memory_space<semaphore_mem>>)
      %add3A_210 = arith.constant 65536 : i32
      %add3A_211 = arith.addi %add3A_192, %add3A_210 : i32
      %multiple_of3A_212 = tpu.assume_multiple %add3A_211, 1024 : i32
      %dma_start3A_213 = arith.constant 2048 : i32
      %dma_start3A_214 = tpu.memref_slice %arg9[%dma_start3A_213] : memref<8192xf32, #tpu.memory_space<vmem>> -> memref<1024xf32, #tpu.memory_space<vmem>>
      %dma_start3A_215 = tpu.memref_slice %arg4[%multiple_of3A_212] : memref<52428800xf32, #tpu.memory_space<hbm>> -> memref<1024xf32, #tpu.memory_space<hbm>>
      %dma_start3A_216 = tpu.memref_slice %arg4[%multiple_of3A_212] : memref<52428800xf32, #tpu.memory_space<hbm>> -> memref<1024xf32, #tpu.memory_space<hbm>>
      %dma_start3A_217 = arith.constant 2048 : i32
      %dma_start3A_218 = tpu.memref_slice %arg9[%dma_start3A_217] : memref<8192xf32, #tpu.memory_space<vmem>> -> memref<1024xf32, #tpu.memory_space<vmem>>
      tpu.enqueue_dma source(%dma_start3A_218 : memref<1024xf32, #tpu.memory_space<vmem>>) target(%dma_start3A_216 : memref<1024xf32, #tpu.memory_space<hbm>>) target_semaphore(%arg13 : memref<!tpu.dma_semaphore, #tpu.memory_space<semaphore_mem>>)
      %add3A_219 = arith.constant 98304 : i32
      %add3A_220 = arith.addi %add3A_192, %add3A_219 : i32
      %multiple_of3A_221 = tpu.assume_multiple %add3A_220, 1024 : i32
      %dma_start3A_222 = arith.constant 3072 : i32
      %dma_start3A_223 = tpu.memref_slice %arg9[%dma_start3A_222] : memref<8192xf32, #tpu.memory_space<vmem>> -> memref<1024xf32, #tpu.memory_space<vmem>>
      %dma_start3A_224 = tpu.memref_slice %arg4[%multiple_of3A_221] : memref<52428800xf32, #tpu.memory_space<hbm>> -> memref<1024xf32, #tpu.memory_space<hbm>>
      %dma_start3A_225 = tpu.memref_slice %arg4[%multiple_of3A_221] : memref<52428800xf32, #tpu.memory_space<hbm>> -> memref<1024xf32, #tpu.memory_space<hbm>>
      %dma_start3A_226 = arith.constant 3072 : i32
      %dma_start3A_227 = tpu.memref_slice %arg9[%dma_start3A_226] : memref<8192xf32, #tpu.memory_space<vmem>> -> memref<1024xf32, #tpu.memory_space<vmem>>
      tpu.enqueue_dma source(%dma_start3A_227 : memref<1024xf32, #tpu.memory_space<vmem>>) target(%dma_start3A_225 : memref<1024xf32, #tpu.memory_space<hbm>>) target_semaphore(%arg13 : memref<!tpu.dma_semaphore, #tpu.memory_space<semaphore_mem>>)
      %add3A_228 = arith.constant 131072 : i32
      %add3A_229 = arith.addi %add3A_192, %add3A_228 : i32
      %multiple_of3A_230 = tpu.assume_multiple %add3A_229, 1024 : i32
      %dma_start3A_231 = arith.constant 4096 : i32
      %dma_start3A_232 = tpu.memref_slice %arg9[%dma_start3A_231] : memref<8192xf32, #tpu.memory_space<vmem>> -> memref<1024xf32, #tpu.memory_space<vmem>>
      %dma_start3A_233 = tpu.memref_slice %arg4[%multiple_of3A_230] : memref<52428800xf32, #tpu.memory_space<hbm>> -> memref<1024xf32, #tpu.memory_space<hbm>>
      %dma_start3A_234 = tpu.memref_slice %arg4[%multiple_of3A_230] : memref<52428800xf32, #tpu.memory_space<hbm>> -> memref<1024xf32, #tpu.memory_space<hbm>>
      %dma_start3A_235 = arith.constant 4096 : i32
      %dma_start3A_236 = tpu.memref_slice %arg9[%dma_start3A_235] : memref<8192xf32, #tpu.memory_space<vmem>> -> memref<1024xf32, #tpu.memory_space<vmem>>
      tpu.enqueue_dma source(%dma_start3A_236 : memref<1024xf32, #tpu.memory_space<vmem>>) target(%dma_start3A_234 : memref<1024xf32, #tpu.memory_space<hbm>>) target_semaphore(%arg13 : memref<!tpu.dma_semaphore, #tpu.memory_space<semaphore_mem>>)
      %add3A_237 = arith.constant 163840 : i32
      %add3A_238 = arith.addi %add3A_192, %add3A_237 : i32
      %multiple_of3A_239 = tpu.assume_multiple %add3A_238, 1024 : i32
      %dma_start3A_240 = arith.constant 5120 : i32
      %dma_start3A_241 = tpu.memref_slice %arg9[%dma_start3A_240] : memref<8192xf32, #tpu.memory_space<vmem>> -> memref<1024xf32, #tpu.memory_space<vmem>>
      %dma_start3A_242 = tpu.memref_slice %arg4[%multiple_of3A_239] : memref<52428800xf32, #tpu.memory_space<hbm>> -> memref<1024xf32, #tpu.memory_space<hbm>>
      %dma_start3A_243 = tpu.memref_slice %arg4[%multiple_of3A_239] : memref<52428800xf32, #tpu.memory_space<hbm>> -> memref<1024xf32, #tpu.memory_space<hbm>>
      %dma_start3A_244 = arith.constant 5120 : i32
      %dma_start3A_245 = tpu.memref_slice %arg9[%dma_start3A_244] : memref<8192xf32, #tpu.memory_space<vmem>> -> memref<1024xf32, #tpu.memory_space<vmem>>
      tpu.enqueue_dma source(%dma_start3A_245 : memref<1024xf32, #tpu.memory_space<vmem>>) target(%dma_start3A_243 : memref<1024xf32, #tpu.memory_space<hbm>>) target_semaphore(%arg13 : memref<!tpu.dma_semaphore, #tpu.memory_space<semaphore_mem>>)
      %add3A_246 = arith.constant 196608 : i32
      %add3A_247 = arith.addi %add3A_192, %add3A_246 : i32
      %multiple_of3A_248 = tpu.assume_multiple %add3A_247, 1024 : i32
      %dma_start3A_249 = arith.constant 6144 : i32
      %dma_start3A_250 = tpu.memref_slice %arg9[%dma_start3A_249] : memref<8192xf32, #tpu.memory_space<vmem>> -> memref<1024xf32, #tpu.memory_space<vmem>>
      %dma_start3A_251 = tpu.memref_slice %arg4[%multiple_of3A_248] : memref<52428800xf32, #tpu.memory_space<hbm>> -> memref<1024xf32, #tpu.memory_space<hbm>>
      %dma_start3A_252 = tpu.memref_slice %arg4[%multiple_of3A_248] : memref<52428800xf32, #tpu.memory_space<hbm>> -> memref<1024xf32, #tpu.memory_space<hbm>>
      %dma_start3A_253 = arith.constant 6144 : i32
      %dma_start3A_254 = tpu.memref_slice %arg9[%dma_start3A_253] : memref<8192xf32, #tpu.memory_space<vmem>> -> memref<1024xf32, #tpu.memory_space<vmem>>
      tpu.enqueue_dma source(%dma_start3A_254 : memref<1024xf32, #tpu.memory_space<vmem>>) target(%dma_start3A_252 : memref<1024xf32, #tpu.memory_space<hbm>>) target_semaphore(%arg13 : memref<!tpu.dma_semaphore, #tpu.memory_space<semaphore_mem>>)
      %add3A_255 = arith.constant 229376 : i32
      %add3A_256 = arith.addi %add3A_192, %add3A_255 : i32
      %multiple_of3A_257 = tpu.assume_multiple %add3A_256, 1024 : i32
      %dma_start3A_258 = arith.constant 7168 : i32
      %dma_start3A_259 = tpu.memref_slice %arg9[%dma_start3A_258] : memref<8192xf32, #tpu.memory_space<vmem>> -> memref<1024xf32, #tpu.memory_space<vmem>>
      %dma_start3A_260 = tpu.memref_slice %arg4[%multiple_of3A_257] : memref<52428800xf32, #tpu.memory_space<hbm>> -> memref<1024xf32, #tpu.memory_space<hbm>>
      %dma_start3A_261 = tpu.memref_slice %arg4[%multiple_of3A_257] : memref<52428800xf32, #tpu.memory_space<hbm>> -> memref<1024xf32, #tpu.memory_space<hbm>>
      %dma_start3A_262 = arith.constant 7168 : i32
      %dma_start3A_263 = tpu.memref_slice %arg9[%dma_start3A_262] : memref<8192xf32, #tpu.memory_space<vmem>> -> memref<1024xf32, #tpu.memory_space<vmem>>
      tpu.enqueue_dma source(%dma_start3A_263 : memref<1024xf32, #tpu.memory_space<vmem>>) target(%dma_start3A_261 : memref<1024xf32, #tpu.memory_space<hbm>>) target_semaphore(%arg13 : memref<!tpu.dma_semaphore, #tpu.memory_space<semaphore_mem>>)
      %lt3A = arith.constant 99 : i32
      %lt3A_264 = arith.cmpi slt, %scan3A_144, %lt3A : i32
      %convert_element_type3A_265 = arith.extui %lt3A_264 : i1 to i32
      %cond3A_266 = arith.constant 0 : i32
      %cond3A_267 = arith.cmpi ne, %convert_element_type3A_265, %cond3A_266 : i32
      scf.if %cond3A_267 {
        %add3A_394 = arith.constant 2 : i32
        %add3A_395 = arith.addi %mul3A_146, %add3A_394 : i32
        %dma_start3A_396 = arith.constant 0 : i32
        %dma_start3A_397 = tpu.memref_slice %arg5[%add3A_395, %dma_start3A_396] : memref<200x128xi32, #tpu.memory_space<vmem>> -> memref<1x128xi32, #tpu.memory_space<vmem>>
        %dma_start3A_398 = tpu.memref_squeeze %dma_start3A_397 : memref<1x128xi32, #tpu.memory_space<vmem>> -> memref<128xi32, #tpu.memory_space<vmem>>
        %dma_start3A_399 = arith.constant 0 : i32
        %dma_start3A_400 = arith.constant 0 : i32
        %dma_start3A_401 = tpu.memref_slice %arg3[%dma_start3A_399, %dma_start3A_400] : memref<1000000x64xf32, #tpu.memory_space<hbm>> -> memref<1000000x64xf32, #tpu.memory_space<hbm>>
        tpu.enqueue_indirect_dma source(%dma_start3A_401 : memref<1000000x64xf32, #tpu.memory_space<hbm>>) target(%arg6 : memref<128x64xf32, #tpu.memory_space<vmem>>) offsets(%dma_start3A_398 : memref<128xi32, #tpu.memory_space<vmem>>) semaphore(%arg11 : memref<!tpu.dma_semaphore, #tpu.memory_space<semaphore_mem>>)
      } else {
      }
      %add3A_268 = arith.constant 1 : i32
      %add3A_269 = arith.addi %mul3A_146, %add3A_268 : i32
      %dma_wait3A_270 = arith.constant 0 : i32
      %dma_wait3A_271 = tpu.memref_slice %arg5[%add3A_269, %dma_wait3A_270] : memref<200x128xi32, #tpu.memory_space<vmem>> -> memref<1x128xi32, #tpu.memory_space<vmem>>
      %dma_wait3A_272 = tpu.memref_squeeze %dma_wait3A_271 : memref<1x128xi32, #tpu.memory_space<vmem>> -> memref<128xi32, #tpu.memory_space<vmem>>
      %dma_wait3A_273 = arith.constant 0 : i32
      %dma_wait3A_274 = arith.constant 0 : i32
      %dma_wait3A_275 = tpu.memref_slice %arg3[%dma_wait3A_273, %dma_wait3A_274] : memref<1000000x64xf32, #tpu.memory_space<hbm>> -> memref<1000000x64xf32, #tpu.memory_space<hbm>>
      tpu.wait_indirect_dma semaphore(%arg12 : memref<!tpu.dma_semaphore, #tpu.memory_space<semaphore_mem>>) src(%dma_wait3A_275 : memref<1000000x64xf32, #tpu.memory_space<hbm>>) dst(%arg7 : memref<128x64xf32, #tpu.memory_space<vmem>>)
      %parallel_loop3A_276 = arith.constant 0 : i32
      %parallel_loop3A_277 = arith.constant 128 : i32
      %parallel_loop3A_278 = arith.constant 1 : i32
      scf.for %parallel_loop3A_394 = %parallel_loop3A_276 to %parallel_loop3A_277 step %parallel_loop3A_278  : i32 {
        %parallel_loop3A_395 = arith.index_cast %parallel_loop3A_394 : i32 to index
        %parallel_loop3A_396 = arith.constant 0 : index
        %parallel_loop3A_397 = tpu.vector_load %arg7[%parallel_loop3A_395, %parallel_loop3A_396] {strides = array<i32>} : memref<128x64xf32, #tpu.memory_space<vmem>>, vector<16xf32>,
        %parallel_loop3A_398 = arith.constant 0 : i32
        %parallel_loop3A_399 = arith.addi %parallel_loop3A_398, %parallel_loop3A_394 : i32
        %parallel_loop3A_400 = vector.broadcast %parallel_loop3A_399 : i32 to vector<16xi32>
        %parallel_loop3A_401 = arith.addi %mul3A_5, %parallel_loop3A_400 : vector<16xi32>
        tpu.vector_store_idx %arg8[%parallel_loop3A_401], %parallel_loop3A_397 : memref<8256xf32, #tpu.memory_space<vmem>>[vector<16xi32>], vector<16xf32>,
        %parallel_loop3A_402 = arith.index_cast %parallel_loop3A_394 : i32 to index
        %parallel_loop3A_403 = arith.constant 16 : index
        %parallel_loop3A_404 = tpu.vector_load %arg7[%parallel_loop3A_402, %parallel_loop3A_403] {strides = array<i32>} : memref<128x64xf32, #tpu.memory_space<vmem>>, vector<16xf32>,
        %parallel_loop3A_405 = arith.constant 2064 : i32
        %parallel_loop3A_406 = arith.addi %parallel_loop3A_405, %parallel_loop3A_394 : i32
        %parallel_loop3A_407 = vector.broadcast %parallel_loop3A_406 : i32 to vector<16xi32>
        %parallel_loop3A_408 = arith.addi %mul3A_5, %parallel_loop3A_407 : vector<16xi32>
        tpu.vector_store_idx %arg8[%parallel_loop3A_408], %parallel_loop3A_404 : memref<8256xf32, #tpu.memory_space<vmem>>[vector<16xi32>], vector<16xf32>,
        %parallel_loop3A_409 = arith.index_cast %parallel_loop3A_394 : i32 to index
        %parallel_loop3A_410 = arith.constant 32 : index
        %parallel_loop3A_411 = tpu.vector_load %arg7[%parallel_loop3A_409, %parallel_loop3A_410] {strides = array<i32>} : memref<128x64xf32, #tpu.memory_space<vmem>>, vector<16xf32>,
        %parallel_loop3A_412 = arith.constant 4128 : i32
        %parallel_loop3A_413 = arith.addi %parallel_loop3A_412, %parallel_loop3A_394 : i32
        %parallel_loop3A_414 = vector.broadcast %parallel_loop3A_413 : i32 to vector<16xi32>
        %parallel_loop3A_415 = arith.addi %mul3A_5, %parallel_loop3A_414 : vector<16xi32>
        tpu.vector_store_idx %arg8[%parallel_loop3A_415], %parallel_loop3A_411 : memref<8256xf32, #tpu.memory_space<vmem>>[vector<16xi32>], vector<16xf32>,
        %parallel_loop3A_416 = arith.index_cast %parallel_loop3A_394 : i32 to index
        %parallel_loop3A_417 = arith.constant 48 : index
        %parallel_loop3A_418 = tpu.vector_load %arg7[%parallel_loop3A_416, %parallel_loop3A_417] {strides = array<i32>} : memref<128x64xf32, #tpu.memory_space<vmem>>, vector<16xf32>,
        %parallel_loop3A_419 = arith.constant 6192 : i32
        %parallel_loop3A_420 = arith.addi %parallel_loop3A_419, %parallel_loop3A_394 : i32
        %parallel_loop3A_421 = vector.broadcast %parallel_loop3A_420 : i32 to vector<16xi32>
        %parallel_loop3A_422 = arith.addi %mul3A_5, %parallel_loop3A_421 : vector<16xi32>
        tpu.vector_store_idx %arg8[%parallel_loop3A_422], %parallel_loop3A_418 : memref<8256xf32, #tpu.memory_space<vmem>>[vector<16xi32>], vector<16xf32>,
      } {sc.loop_unroll_factor = 8 : i64, sc.parallel_access}
      %gt3A_279 = arith.constant 0 : i32
      %gt3A_280 = arith.cmpi sgt, %scan3A_144, %gt3A_279 : i32
      %convert_element_type3A_281 = arith.extui %gt3A_280 : i1 to i32
      %cond3A_282 = arith.constant 0 : i32
      %cond3A_283 = arith.cmpi ne, %convert_element_type3A_281, %cond3A_282 : i32
      scf.if %cond3A_283 {
        %dma_wait3A_394 = arith.constant 0 : i32
        %dma_wait3A_395 = tpu.memref_slice %arg10[%dma_wait3A_394] : memref<8192xf32, #tpu.memory_space<vmem>> -> memref<1024xf32, #tpu.memory_space<vmem>>
        %dma_wait3A_396 = arith.constant 0 : i32
        %dma_wait3A_397 = tpu.memref_slice %arg4[%dma_wait3A_396] : memref<52428800xf32, #tpu.memory_space<hbm>> -> memref<1024xf32, #tpu.memory_space<hbm>>
        %dma_wait3A_398 = arith.constant 0 : i32
        %dma_wait3A_399 = tpu.memref_slice %arg4[%dma_wait3A_398] : memref<52428800xf32, #tpu.memory_space<hbm>> -> memref<1024xf32, #tpu.memory_space<hbm>>
        %dma_wait3A_400 = arith.constant 0 : i32
        %dma_wait3A_401 = tpu.memref_slice %arg10[%dma_wait3A_400] : memref<8192xf32, #tpu.memory_space<vmem>> -> memref<1024xf32, #tpu.memory_space<vmem>>
        tpu.wait_dma2 semaphore(%arg14 : memref<!tpu.dma_semaphore, #tpu.memory_space<semaphore_mem>>) src(%dma_wait3A_401 : memref<1024xf32, #tpu.memory_space<vmem>>) dst(%dma_wait3A_399 : memref<1024xf32, #tpu.memory_space<hbm>>)
        %dma_wait3A_402 = arith.constant 1024 : i32
        %dma_wait3A_403 = tpu.memref_slice %arg10[%dma_wait3A_402] : memref<8192xf32, #tpu.memory_space<vmem>> -> memref<1024xf32, #tpu.memory_space<vmem>>
        %dma_wait3A_404 = arith.constant 0 : i32
        %dma_wait3A_405 = tpu.memref_slice %arg4[%dma_wait3A_404] : memref<52428800xf32, #tpu.memory_space<hbm>> -> memref<1024xf32, #tpu.memory_space<hbm>>
        %dma_wait3A_406 = arith.constant 0 : i32
        %dma_wait3A_407 = tpu.memref_slice %arg4[%dma_wait3A_406] : memref<52428800xf32, #tpu.memory_space<hbm>> -> memref<1024xf32, #tpu.memory_space<hbm>>
        %dma_wait3A_408 = arith.constant 1024 : i32
        %dma_wait3A_409 = tpu.memref_slice %arg10[%dma_wait3A_408] : memref<8192xf32, #tpu.memory_space<vmem>> -> memref<1024xf32, #tpu.memory_space<vmem>>
        tpu.wait_dma2 semaphore(%arg14 : memref<!tpu.dma_semaphore, #tpu.memory_space<semaphore_mem>>) src(%dma_wait3A_409 : memref<1024xf32, #tpu.memory_space<vmem>>) dst(%dma_wait3A_407 : memref<1024xf32, #tpu.memory_space<hbm>>)
        %dma_wait3A_410 = arith.constant 2048 : i32
        %dma_wait3A_411 = tpu.memref_slice %arg10[%dma_wait3A_410] : memref<8192xf32, #tpu.memory_space<vmem>> -> memref<1024xf32, #tpu.memory_space<vmem>>
        %dma_wait3A_412 = arith.constant 0 : i32
        %dma_wait3A_413 = tpu.memref_slice %arg4[%dma_wait3A_412] : memref<52428800xf32, #tpu.memory_space<hbm>> -> memref<1024xf32, #tpu.memory_space<hbm>>
        %dma_wait3A_414 = arith.constant 0 : i32
        %dma_wait3A_415 = tpu.memref_slice %arg4[%dma_wait3A_414] : memref<52428800xf32, #tpu.memory_space<hbm>> -> memref<1024xf32, #tpu.memory_space<hbm>>
        %dma_wait3A_416 = arith.constant 2048 : i32
        %dma_wait3A_417 = tpu.memref_slice %arg10[%dma_wait3A_416] : memref<8192xf32, #tpu.memory_space<vmem>> -> memref<1024xf32, #tpu.memory_space<vmem>>
        tpu.wait_dma2 semaphore(%arg14 : memref<!tpu.dma_semaphore, #tpu.memory_space<semaphore_mem>>) src(%dma_wait3A_417 : memref<1024xf32, #tpu.memory_space<vmem>>) dst(%dma_wait3A_415 : memref<1024xf32, #tpu.memory_space<hbm>>)
        %dma_wait3A_418 = arith.constant 3072 : i32
        %dma_wait3A_419 = tpu.memref_slice %arg10[%dma_wait3A_418] : memref<8192xf32, #tpu.memory_space<vmem>> -> memref<1024xf32, #tpu.memory_space<vmem>>
        %dma_wait3A_420 = arith.constant 0 : i32
        %dma_wait3A_421 = tpu.memref_slice %arg4[%dma_wait3A_420] : memref<52428800xf32, #tpu.memory_space<hbm>> -> memref<1024xf32, #tpu.memory_space<hbm>>
        %dma_wait3A_422 = arith.constant 0 : i32
        %dma_wait3A_423 = tpu.memref_slice %arg4[%dma_wait3A_422] : memref<52428800xf32, #tpu.memory_space<hbm>> -> memref<1024xf32, #tpu.memory_space<hbm>>
        %dma_wait3A_424 = arith.constant 3072 : i32
        %dma_wait3A_425 = tpu.memref_slice %arg10[%dma_wait3A_424] : memref<8192xf32, #tpu.memory_space<vmem>> -> memref<1024xf32, #tpu.memory_space<vmem>>
        tpu.wait_dma2 semaphore(%arg14 : memref<!tpu.dma_semaphore, #tpu.memory_space<semaphore_mem>>) src(%dma_wait3A_425 : memref<1024xf32, #tpu.memory_space<vmem>>) dst(%dma_wait3A_423 : memref<1024xf32, #tpu.memory_space<hbm>>)
        %dma_wait3A_426 = arith.constant 4096 : i32
        %dma_wait3A_427 = tpu.memref_slice %arg10[%dma_wait3A_426] : memref<8192xf32, #tpu.memory_space<vmem>> -> memref<1024xf32, #tpu.memory_space<vmem>>
        %dma_wait3A_428 = arith.constant 0 : i32
        %dma_wait3A_429 = tpu.memref_slice %arg4[%dma_wait3A_428] : memref<52428800xf32, #tpu.memory_space<hbm>> -> memref<1024xf32, #tpu.memory_space<hbm>>
        %dma_wait3A_430 = arith.constant 0 : i32
        %dma_wait3A_431 = tpu.memref_slice %arg4[%dma_wait3A_430] : memref<52428800xf32, #tpu.memory_space<hbm>> -> memref<1024xf32, #tpu.memory_space<hbm>>
        %dma_wait3A_432 = arith.constant 4096 : i32
        %dma_wait3A_433 = tpu.memref_slice %arg10[%dma_wait3A_432] : memref<8192xf32, #tpu.memory_space<vmem>> -> memref<1024xf32, #tpu.memory_space<vmem>>
        tpu.wait_dma2 semaphore(%arg14 : memref<!tpu.dma_semaphore, #tpu.memory_space<semaphore_mem>>) src(%dma_wait3A_433 : memref<1024xf32, #tpu.memory_space<vmem>>) dst(%dma_wait3A_431 : memref<1024xf32, #tpu.memory_space<hbm>>)
        %dma_wait3A_434 = arith.constant 5120 : i32
        %dma_wait3A_435 = tpu.memref_slice %arg10[%dma_wait3A_434] : memref<8192xf32, #tpu.memory_space<vmem>> -> memref<1024xf32, #tpu.memory_space<vmem>>
        %dma_wait3A_436 = arith.constant 0 : i32
        %dma_wait3A_437 = tpu.memref_slice %arg4[%dma_wait3A_436] : memref<52428800xf32, #tpu.memory_space<hbm>> -> memref<1024xf32, #tpu.memory_space<hbm>>
        %dma_wait3A_438 = arith.constant 0 : i32
        %dma_wait3A_439 = tpu.memref_slice %arg4[%dma_wait3A_438] : memref<52428800xf32, #tpu.memory_space<hbm>> -> memref<1024xf32, #tpu.memory_space<hbm>>
        %dma_wait3A_440 = arith.constant 5120 : i32
        %dma_wait3A_441 = tpu.memref_slice %arg10[%dma_wait3A_440] : memref<8192xf32, #tpu.memory_space<vmem>> -> memref<1024xf32, #tpu.memory_space<vmem>>
        tpu.wait_dma2 semaphore(%arg14 : memref<!tpu.dma_semaphore, #tpu.memory_space<semaphore_mem>>) src(%dma_wait3A_441 : memref<1024xf32, #tpu.memory_space<vmem>>) dst(%dma_wait3A_439 : memref<1024xf32, #tpu.memory_space<hbm>>)
        %dma_wait3A_442 = arith.constant 6144 : i32
        %dma_wait3A_443 = tpu.memref_slice %arg10[%dma_wait3A_442] : memref<8192xf32, #tpu.memory_space<vmem>> -> memref<1024xf32, #tpu.memory_space<vmem>>
        %dma_wait3A_444 = arith.constant 0 : i32
        %dma_wait3A_445 = tpu.memref_slice %arg4[%dma_wait3A_444] : memref<52428800xf32, #tpu.memory_space<hbm>> -> memref<1024xf32, #tpu.memory_space<hbm>>
        %dma_wait3A_446 = arith.constant 0 : i32
        %dma_wait3A_447 = tpu.memref_slice %arg4[%dma_wait3A_446] : memref<52428800xf32, #tpu.memory_space<hbm>> -> memref<1024xf32, #tpu.memory_space<hbm>>
        %dma_wait3A_448 = arith.constant 6144 : i32
        %dma_wait3A_449 = tpu.memref_slice %arg10[%dma_wait3A_448] : memref<8192xf32, #tpu.memory_space<vmem>> -> memref<1024xf32, #tpu.memory_space<vmem>>
        tpu.wait_dma2 semaphore(%arg14 : memref<!tpu.dma_semaphore, #tpu.memory_space<semaphore_mem>>) src(%dma_wait3A_449 : memref<1024xf32, #tpu.memory_space<vmem>>) dst(%dma_wait3A_447 : memref<1024xf32, #tpu.memory_space<hbm>>)
        %dma_wait3A_450 = arith.constant 7168 : i32
        %dma_wait3A_451 = tpu.memref_slice %arg10[%dma_wait3A_450] : memref<8192xf32, #tpu.memory_space<vmem>> -> memref<1024xf32, #tpu.memory_space<vmem>>
        %dma_wait3A_452 = arith.constant 0 : i32
        %dma_wait3A_453 = tpu.memref_slice %arg4[%dma_wait3A_452] : memref<52428800xf32, #tpu.memory_space<hbm>> -> memref<1024xf32, #tpu.memory_space<hbm>>
        %dma_wait3A_454 = arith.constant 0 : i32
        %dma_wait3A_455 = tpu.memref_slice %arg4[%dma_wait3A_454] : memref<52428800xf32, #tpu.memory_space<hbm>> -> memref<1024xf32, #tpu.memory_space<hbm>>
        %dma_wait3A_456 = arith.constant 7168 : i32
        %dma_wait3A_457 = tpu.memref_slice %arg10[%dma_wait3A_456] : memref<8192xf32, #tpu.memory_space<vmem>> -> memref<1024xf32, #tpu.memory_space<vmem>>
        tpu.wait_dma2 semaphore(%arg14 : memref<!tpu.dma_semaphore, #tpu.memory_space<semaphore_mem>>) src(%dma_wait3A_457 : memref<1024xf32, #tpu.memory_space<vmem>>) dst(%dma_wait3A_455 : memref<1024xf32, #tpu.memory_space<hbm>>)
      } else {
      }
      %parallel_loop3A_284 = arith.constant 0 : i32
      %parallel_loop3A_285 = arith.constant 64 : i32
      %parallel_loop3A_286 = arith.constant 1 : i32
      scf.for %parallel_loop3A_394 = %parallel_loop3A_284 to %parallel_loop3A_285 step %parallel_loop3A_286  : i32 {
        %parallel_loop3A_395 = arith.constant 129 : i32
        %parallel_loop3A_396 = arith.muli %parallel_loop3A_394, %parallel_loop3A_395 : i32
        %parallel_loop3A_397 = arith.constant 0 : i32
        %parallel_loop3A_398 = arith.addi %parallel_loop3A_396, %parallel_loop3A_397 : i32
        %parallel_loop3A_399 = arith.index_cast %parallel_loop3A_398 : i32 to index
        %parallel_loop3A_400 = tpu.vector_load %arg8[%parallel_loop3A_399] {strides = array<i32>} : memref<8256xf32, #tpu.memory_space<vmem>>, vector<16xf32>,
        %parallel_loop3A_401 = arith.constant 128 : i32
        %parallel_loop3A_402 = arith.muli %parallel_loop3A_394, %parallel_loop3A_401 : i32
        %parallel_loop3A_403 = arith.constant 0 : i32
        %parallel_loop3A_404 = arith.addi %parallel_loop3A_402, %parallel_loop3A_403 : i32
        %parallel_loop3A_405 = arith.index_cast %parallel_loop3A_404 : i32 to index
        %parallel_loop3A_406 = tpu.vector_load %arg10[%parallel_loop3A_405] {strides = array<i32>} : memref<8192xf32, #tpu.memory_space<vmem>>, vector<16xf32>,
        tpu.vector_store %arg10[%parallel_loop3A_405], %parallel_loop3A_400 {strides = array<i32>} : memref<8192xf32, #tpu.memory_space<vmem>>, vector<16xf32>,
        %parallel_loop3A_407 = arith.constant 129 : i32
        %parallel_loop3A_408 = arith.muli %parallel_loop3A_394, %parallel_loop3A_407 : i32
        %parallel_loop3A_409 = arith.constant 16 : i32
        %parallel_loop3A_410 = arith.addi %parallel_loop3A_408, %parallel_loop3A_409 : i32
        %parallel_loop3A_411 = arith.index_cast %parallel_loop3A_410 : i32 to index
        %parallel_loop3A_412 = tpu.vector_load %arg8[%parallel_loop3A_411] {strides = array<i32>} : memref<8256xf32, #tpu.memory_space<vmem>>, vector<16xf32>,
        %parallel_loop3A_413 = arith.constant 128 : i32
        %parallel_loop3A_414 = arith.muli %parallel_loop3A_394, %parallel_loop3A_413 : i32
        %parallel_loop3A_415 = arith.constant 16 : i32
        %parallel_loop3A_416 = arith.addi %parallel_loop3A_414, %parallel_loop3A_415 : i32
        %parallel_loop3A_417 = arith.index_cast %parallel_loop3A_416 : i32 to index
        %parallel_loop3A_418 = tpu.vector_load %arg10[%parallel_loop3A_417] {strides = array<i32>} : memref<8192xf32, #tpu.memory_space<vmem>>, vector<16xf32>,
        tpu.vector_store %arg10[%parallel_loop3A_417], %parallel_loop3A_412 {strides = array<i32>} : memref<8192xf32, #tpu.memory_space<vmem>>, vector<16xf32>,
        %parallel_loop3A_419 = arith.constant 129 : i32
        %parallel_loop3A_420 = arith.muli %parallel_loop3A_394, %parallel_loop3A_419 : i32
        %parallel_loop3A_421 = arith.constant 32 : i32
        %parallel_loop3A_422 = arith.addi %parallel_loop3A_420, %parallel_loop3A_421 : i32
        %parallel_loop3A_423 = arith.index_cast %parallel_loop3A_422 : i32 to index
        %parallel_loop3A_424 = tpu.vector_load %arg8[%parallel_loop3A_423] {strides = array<i32>} : memref<8256xf32, #tpu.memory_space<vmem>>, vector<16xf32>,
        %parallel_loop3A_425 = arith.constant 128 : i32
        %parallel_loop3A_426 = arith.muli %parallel_loop3A_394, %parallel_loop3A_425 : i32
        %parallel_loop3A_427 = arith.constant 32 : i32
        %parallel_loop3A_428 = arith.addi %parallel_loop3A_426, %parallel_loop3A_427 : i32
        %parallel_loop3A_429 = arith.index_cast %parallel_loop3A_428 : i32 to index
        %parallel_loop3A_430 = tpu.vector_load %arg10[%parallel_loop3A_429] {strides = array<i32>} : memref<8192xf32, #tpu.memory_space<vmem>>, vector<16xf32>,
        tpu.vector_store %arg10[%parallel_loop3A_429], %parallel_loop3A_424 {strides = array<i32>} : memref<8192xf32, #tpu.memory_space<vmem>>, vector<16xf32>,
        %parallel_loop3A_431 = arith.constant 129 : i32
        %parallel_loop3A_432 = arith.muli %parallel_loop3A_394, %parallel_loop3A_431 : i32
        %parallel_loop3A_433 = arith.constant 48 : i32
        %parallel_loop3A_434 = arith.addi %parallel_loop3A_432, %parallel_loop3A_433 : i32
        %parallel_loop3A_435 = arith.index_cast %parallel_loop3A_434 : i32 to index
        %parallel_loop3A_436 = tpu.vector_load %arg8[%parallel_loop3A_435] {strides = array<i32>} : memref<8256xf32, #tpu.memory_space<vmem>>, vector<16xf32>,
        %parallel_loop3A_437 = arith.constant 128 : i32
        %parallel_loop3A_438 = arith.muli %parallel_loop3A_394, %parallel_loop3A_437 : i32
        %parallel_loop3A_439 = arith.constant 48 : i32
        %parallel_loop3A_440 = arith.addi %parallel_loop3A_438, %parallel_loop3A_439 : i32
        %parallel_loop3A_441 = arith.index_cast %parallel_loop3A_440 : i32 to index
        %parallel_loop3A_442 = tpu.vector_load %arg10[%parallel_loop3A_441] {strides = array<i32>} : memref<8192xf32, #tpu.memory_space<vmem>>, vector<16xf32>,
        tpu.vector_store %arg10[%parallel_loop3A_441], %parallel_loop3A_436 {strides = array<i32>} : memref<8192xf32, #tpu.memory_space<vmem>>, vector<16xf32>,
        %parallel_loop3A_443 = arith.constant 129 : i32
        %parallel_loop3A_444 = arith.muli %parallel_loop3A_394, %parallel_loop3A_443 : i32
        %parallel_loop3A_445 = arith.constant 64 : i32
        %parallel_loop3A_446 = arith.addi %parallel_loop3A_444, %parallel_loop3A_445 : i32
        %parallel_loop3A_447 = arith.index_cast %parallel_loop3A_446 : i32 to index
        %parallel_loop3A_448 = tpu.vector_load %arg8[%parallel_loop3A_447] {strides = array<i32>} : memref<8256xf32, #tpu.memory_space<vmem>>, vector<16xf32>,
        %parallel_loop3A_449 = arith.constant 128 : i32
        %parallel_loop3A_450 = arith.muli %parallel_loop3A_394, %parallel_loop3A_449 : i32
        %parallel_loop3A_451 = arith.constant 64 : i32
        %parallel_loop3A_452 = arith.addi %parallel_loop3A_450, %parallel_loop3A_451 : i32
        %parallel_loop3A_453 = arith.index_cast %parallel_loop3A_452 : i32 to index
        %parallel_loop3A_454 = tpu.vector_load %arg10[%parallel_loop3A_453] {strides = array<i32>} : memref<8192xf32, #tpu.memory_space<vmem>>, vector<16xf32>,
        tpu.vector_store %arg10[%parallel_loop3A_453], %parallel_loop3A_448 {strides = array<i32>} : memref<8192xf32, #tpu.memory_space<vmem>>, vector<16xf32>,
        %parallel_loop3A_455 = arith.constant 129 : i32
        %parallel_loop3A_456 = arith.muli %parallel_loop3A_394, %parallel_loop3A_455 : i32
        %parallel_loop3A_457 = arith.constant 80 : i32
        %parallel_loop3A_458 = arith.addi %parallel_loop3A_456, %parallel_loop3A_457 : i32
        %parallel_loop3A_459 = arith.index_cast %parallel_loop3A_458 : i32 to index
        %parallel_loop3A_460 = tpu.vector_load %arg8[%parallel_loop3A_459] {strides = array<i32>} : memref<8256xf32, #tpu.memory_space<vmem>>, vector<16xf32>,
        %parallel_loop3A_461 = arith.constant 128 : i32
        %parallel_loop3A_462 = arith.muli %parallel_loop3A_394, %parallel_loop3A_461 : i32
        %parallel_loop3A_463 = arith.constant 80 : i32
        %parallel_loop3A_464 = arith.addi %parallel_loop3A_462, %parallel_loop3A_463 : i32
        %parallel_loop3A_465 = arith.index_cast %parallel_loop3A_464 : i32 to index
        %parallel_loop3A_466 = tpu.vector_load %arg10[%parallel_loop3A_465] {strides = array<i32>} : memref<8192xf32, #tpu.memory_space<vmem>>, vector<16xf32>,
        tpu.vector_store %arg10[%parallel_loop3A_465], %parallel_loop3A_460 {strides = array<i32>} : memref<8192xf32, #tpu.memory_space<vmem>>, vector<16xf32>,
        %parallel_loop3A_467 = arith.constant 129 : i32
        %parallel_loop3A_468 = arith.muli %parallel_loop3A_394, %parallel_loop3A_467 : i32
        %parallel_loop3A_469 = arith.constant 96 : i32
        %parallel_loop3A_470 = arith.addi %parallel_loop3A_468, %parallel_loop3A_469 : i32
        %parallel_loop3A_471 = arith.index_cast %parallel_loop3A_470 : i32 to index
        %parallel_loop3A_472 = tpu.vector_load %arg8[%parallel_loop3A_471] {strides = array<i32>} : memref<8256xf32, #tpu.memory_space<vmem>>, vector<16xf32>,
        %parallel_loop3A_473 = arith.constant 128 : i32
        %parallel_loop3A_474 = arith.muli %parallel_loop3A_394, %parallel_loop3A_473 : i32
        %parallel_loop3A_475 = arith.constant 96 : i32
        %parallel_loop3A_476 = arith.addi %parallel_loop3A_474, %parallel_loop3A_475 : i32
        %parallel_loop3A_477 = arith.index_cast %parallel_loop3A_476 : i32 to index
        %parallel_loop3A_478 = tpu.vector_load %arg10[%parallel_loop3A_477] {strides = array<i32>} : memref<8192xf32, #tpu.memory_space<vmem>>, vector<16xf32>,
        tpu.vector_store %arg10[%parallel_loop3A_477], %parallel_loop3A_472 {strides = array<i32>} : memref<8192xf32, #tpu.memory_space<vmem>>, vector<16xf32>,
        %parallel_loop3A_479 = arith.constant 129 : i32
        %parallel_loop3A_480 = arith.muli %parallel_loop3A_394, %parallel_loop3A_479 : i32
        %parallel_loop3A_481 = arith.constant 112 : i32
        %parallel_loop3A_482 = arith.addi %parallel_loop3A_480, %parallel_loop3A_481 : i32
        %parallel_loop3A_483 = arith.index_cast %parallel_loop3A_482 : i32 to index
        %parallel_loop3A_484 = tpu.vector_load %arg8[%parallel_loop3A_483] {strides = array<i32>} : memref<8256xf32, #tpu.memory_space<vmem>>, vector<16xf32>,
        %parallel_loop3A_485 = arith.constant 128 : i32
        %parallel_loop3A_486 = arith.muli %parallel_loop3A_394, %parallel_loop3A_485 : i32
        %parallel_loop3A_487 = arith.constant 112 : i32
        %parallel_loop3A_488 = arith.addi %parallel_loop3A_486, %parallel_loop3A_487 : i32
        %parallel_loop3A_489 = arith.index_cast %parallel_loop3A_488 : i32 to index
        %parallel_loop3A_490 = tpu.vector_load %arg10[%parallel_loop3A_489] {strides = array<i32>} : memref<8192xf32, #tpu.memory_space<vmem>>, vector<16xf32>,
        tpu.vector_store %arg10[%parallel_loop3A_489], %parallel_loop3A_484 {strides = array<i32>} : memref<8192xf32, #tpu.memory_space<vmem>>, vector<16xf32>,
      } {sc.loop_unroll_factor = 8 : i64, sc.parallel_access}
      %add3A_287 = arith.addi %mul3A_2, %mul3A_146 : i32
      %add3A_288 = arith.constant 1 : i32
      %add3A_289 = arith.addi %add3A_287, %add3A_288 : i32
      %jit3A_290 = arith.constant 32 : i32
      %div3A_291 = arith.divsi %add3A_289, %jit3A_290 : i32
      %sign3A_292 = arith.constant 0 : i32
      %sign3A_293 = arith.cmpi sgt, %add3A_289, %sign3A_292 : i32
      %sign3A_294 = arith.extui %sign3A_293 : i1 to i32
      %sign3A_295 = arith.constant 0 : i32
      %sign3A_296 = arith.cmpi slt, %add3A_289, %sign3A_295 : i32
      %sign3A_297 = arith.extui %sign3A_296 : i1 to i32
      %sign3A_298 = arith.subi %sign3A_294, %sign3A_297 : i32
      %sign3A_299 = arith.constant 0 : i32
      %sign3A_300 = arith.cmpi sgt, %jit3A_290, %sign3A_299 : i32
      %sign3A_301 = arith.extui %sign3A_300 : i1 to i32
      %sign3A_302 = arith.constant 0 : i32
      %sign3A_303 = arith.cmpi slt, %jit3A_290, %sign3A_302 : i32
      %sign3A_304 = arith.extui %sign3A_303 : i1 to i32
      %sign3A_305 = arith.subi %sign3A_301, %sign3A_304 : i32
      %ne3A_306 = arith.cmpi ne, %sign3A_298, %sign3A_305 : i32
      %rem3A_307 = arith.remsi %add3A_289, %jit3A_290 : i32
      %ne3A_308 = arith.constant 0 : i32
      %ne3A_309 = arith.cmpi ne, %rem3A_307, %ne3A_308 : i32
      %and3A_310 = arith.andi %ne3A_306, %ne3A_309 : i1
      %sub3A_311 = arith.constant 1 : i32
      %sub3A_312 = arith.subi %div3A_291, %sub3A_311 : i32
      %select_n3A_313 = arith.select %and3A_310, %sub3A_312, %div3A_291 : i32
      %mul3A_314 = arith.constant 32 : i32
      %mul3A_315 = arith.muli %select_n3A_313, %mul3A_314 : i32
      %sub3A_316 = arith.subi %add3A_289, %mul3A_315 : i32
      %mul3A_317 = arith.constant 262144 : i32
      %mul3A_318 = arith.muli %select_n3A_313, %mul3A_317 : i32
      %mul3A_319 = arith.constant 1024 : i32
      %mul3A_320 = arith.muli %sub3A_316, %mul3A_319 : i32
      %add3A_321 = arith.addi %mul3A_318, %mul3A_320 : i32
      %add3A_322 = arith.constant 0 : i32
      %add3A_323 = arith.addi %add3A_321, %add3A_322 : i32
      %multiple_of3A_324 = tpu.assume_multiple %add3A_323, 1024 : i32
      %dma_start3A_325 = arith.constant 0 : i32
      %dma_start3A_326 = tpu.memref_slice %arg10[%dma_start3A_325] : memref<8192xf32, #tpu.memory_space<vmem>> -> memref<1024xf32, #tpu.memory_space<vmem>>
      %dma_start3A_327 = tpu.memref_slice %arg4[%multiple_of3A_324] : memref<52428800xf32, #tpu.memory_space<hbm>> -> memref<1024xf32, #tpu.memory_space<hbm>>
      %dma_start3A_328 = tpu.memref_slice %arg4[%multiple_of3A_324] : memref<52428800xf32, #tpu.memory_space<hbm>> -> memref<1024xf32, #tpu.memory_space<hbm>>
      %dma_start3A_329 = arith.constant 0 : i32
      %dma_start3A_330 = tpu.memref_slice %arg10[%dma_start3A_329] : memref<8192xf32, #tpu.memory_space<vmem>> -> memref<1024xf32, #tpu.memory_space<vmem>>
      tpu.enqueue_dma source(%dma_start3A_330 : memref<1024xf32, #tpu.memory_space<vmem>>) target(%dma_start3A_328 : memref<1024xf32, #tpu.memory_space<hbm>>) target_semaphore(%arg14 : memref<!tpu.dma_semaphore, #tpu.memory_space<semaphore_mem>>)
      %add3A_331 = arith.constant 32768 : i32
      %add3A_332 = arith.addi %add3A_321, %add3A_331 : i32
      %multiple_of3A_333 = tpu.assume_multiple %add3A_332, 1024 : i32
      %dma_start3A_334 = arith.constant 1024 : i32
      %dma_start3A_335 = tpu.memref_slice %arg10[%dma_start3A_334] : memref<8192xf32, #tpu.memory_space<vmem>> -> memref<1024xf32, #tpu.memory_space<vmem>>
      %dma_start3A_336 = tpu.memref_slice %arg4[%multiple_of3A_333] : memref<52428800xf32, #tpu.memory_space<hbm>> -> memref<1024xf32, #tpu.memory_space<hbm>>
      %dma_start3A_337 = tpu.memref_slice %arg4[%multiple_of3A_333] : memref<52428800xf32, #tpu.memory_space<hbm>> -> memref<1024xf32, #tpu.memory_space<hbm>>
      %dma_start3A_338 = arith.constant 1024 : i32
      %dma_start3A_339 = tpu.memref_slice %arg10[%dma_start3A_338] : memref<8192xf32, #tpu.memory_space<vmem>> -> memref<1024xf32, #tpu.memory_space<vmem>>
      tpu.enqueue_dma source(%dma_start3A_339 : memref<1024xf32, #tpu.memory_space<vmem>>) target(%dma_start3A_337 : memref<1024xf32, #tpu.memory_space<hbm>>) target_semaphore(%arg14 : memref<!tpu.dma_semaphore, #tpu.memory_space<semaphore_mem>>)
      %add3A_340 = arith.constant 65536 : i32
      %add3A_341 = arith.addi %add3A_321, %add3A_340 : i32
      %multiple_of3A_342 = tpu.assume_multiple %add3A_341, 1024 : i32
      %dma_start3A_343 = arith.constant 2048 : i32
      %dma_start3A_344 = tpu.memref_slice %arg10[%dma_start3A_343] : memref<8192xf32, #tpu.memory_space<vmem>> -> memref<1024xf32, #tpu.memory_space<vmem>>
      %dma_start3A_345 = tpu.memref_slice %arg4[%multiple_of3A_342] : memref<52428800xf32, #tpu.memory_space<hbm>> -> memref<1024xf32, #tpu.memory_space<hbm>>
      %dma_start3A_346 = tpu.memref_slice %arg4[%multiple_of3A_342] : memref<52428800xf32, #tpu.memory_space<hbm>> -> memref<1024xf32, #tpu.memory_space<hbm>>
      %dma_start3A_347 = arith.constant 2048 : i32
      %dma_start3A_348 = tpu.memref_slice %arg10[%dma_start3A_347] : memref<8192xf32, #tpu.memory_space<vmem>> -> memref<1024xf32, #tpu.memory_space<vmem>>
      tpu.enqueue_dma source(%dma_start3A_348 : memref<1024xf32, #tpu.memory_space<vmem>>) target(%dma_start3A_346 : memref<1024xf32, #tpu.memory_space<hbm>>) target_semaphore(%arg14 : memref<!tpu.dma_semaphore, #tpu.memory_space<semaphore_mem>>)
      %add3A_349 = arith.constant 98304 : i32
      %add3A_350 = arith.addi %add3A_321, %add3A_349 : i32
      %multiple_of3A_351 = tpu.assume_multiple %add3A_350, 1024 : i32
      %dma_start3A_352 = arith.constant 3072 : i32
      %dma_start3A_353 = tpu.memref_slice %arg10[%dma_start3A_352] : memref<8192xf32, #tpu.memory_space<vmem>> -> memref<1024xf32, #tpu.memory_space<vmem>>
      %dma_start3A_354 = tpu.memref_slice %arg4[%multiple_of3A_351] : memref<52428800xf32, #tpu.memory_space<hbm>> -> memref<1024xf32, #tpu.memory_space<hbm>>
      %dma_start3A_355 = tpu.memref_slice %arg4[%multiple_of3A_351] : memref<52428800xf32, #tpu.memory_space<hbm>> -> memref<1024xf32, #tpu.memory_space<hbm>>
      %dma_start3A_356 = arith.constant 3072 : i32
      %dma_start3A_357 = tpu.memref_slice %arg10[%dma_start3A_356] : memref<8192xf32, #tpu.memory_space<vmem>> -> memref<1024xf32, #tpu.memory_space<vmem>>
      tpu.enqueue_dma source(%dma_start3A_357 : memref<1024xf32, #tpu.memory_space<vmem>>) target(%dma_start3A_355 : memref<1024xf32, #tpu.memory_space<hbm>>) target_semaphore(%arg14 : memref<!tpu.dma_semaphore, #tpu.memory_space<semaphore_mem>>)
      %add3A_358 = arith.constant 131072 : i32
      %add3A_359 = arith.addi %add3A_321, %add3A_358 : i32
      %multiple_of3A_360 = tpu.assume_multiple %add3A_359, 1024 : i32
      %dma_start3A_361 = arith.constant 4096 : i32
      %dma_start3A_362 = tpu.memref_slice %arg10[%dma_start3A_361] : memref<8192xf32, #tpu.memory_space<vmem>> -> memref<1024xf32, #tpu.memory_space<vmem>>
      %dma_start3A_363 = tpu.memref_slice %arg4[%multiple_of3A_360] : memref<52428800xf32, #tpu.memory_space<hbm>> -> memref<1024xf32, #tpu.memory_space<hbm>>
      %dma_start3A_364 = tpu.memref_slice %arg4[%multiple_of3A_360] : memref<52428800xf32, #tpu.memory_space<hbm>> -> memref<1024xf32, #tpu.memory_space<hbm>>
      %dma_start3A_365 = arith.constant 4096 : i32
      %dma_start3A_366 = tpu.memref_slice %arg10[%dma_start3A_365] : memref<8192xf32, #tpu.memory_space<vmem>> -> memref<1024xf32, #tpu.memory_space<vmem>>
      tpu.enqueue_dma source(%dma_start3A_366 : memref<1024xf32, #tpu.memory_space<vmem>>) target(%dma_start3A_364 : memref<1024xf32, #tpu.memory_space<hbm>>) target_semaphore(%arg14 : memref<!tpu.dma_semaphore, #tpu.memory_space<semaphore_mem>>)
      %add3A_367 = arith.constant 163840 : i32
      %add3A_368 = arith.addi %add3A_321, %add3A_367 : i32
      %multiple_of3A_369 = tpu.assume_multiple %add3A_368, 1024 : i32
      %dma_start3A_370 = arith.constant 5120 : i32
      %dma_start3A_371 = tpu.memref_slice %arg10[%dma_start3A_370] : memref<8192xf32, #tpu.memory_space<vmem>> -> memref<1024xf32, #tpu.memory_space<vmem>>
      %dma_start3A_372 = tpu.memref_slice %arg4[%multiple_of3A_369] : memref<52428800xf32, #tpu.memory_space<hbm>> -> memref<1024xf32, #tpu.memory_space<hbm>>
      %dma_start3A_373 = tpu.memref_slice %arg4[%multiple_of3A_369] : memref<52428800xf32, #tpu.memory_space<hbm>> -> memref<1024xf32, #tpu.memory_space<hbm>>
      %dma_start3A_374 = arith.constant 5120 : i32
      %dma_start3A_375 = tpu.memref_slice %arg10[%dma_start3A_374] : memref<8192xf32, #tpu.memory_space<vmem>> -> memref<1024xf32, #tpu.memory_space<vmem>>
      tpu.enqueue_dma source(%dma_start3A_375 : memref<1024xf32, #tpu.memory_space<vmem>>) target(%dma_start3A_373 : memref<1024xf32, #tpu.memory_space<hbm>>) target_semaphore(%arg14 : memref<!tpu.dma_semaphore, #tpu.memory_space<semaphore_mem>>)
      %add3A_376 = arith.constant 196608 : i32
      %add3A_377 = arith.addi %add3A_321, %add3A_376 : i32
      %multiple_of3A_378 = tpu.assume_multiple %add3A_377, 1024 : i32
      %dma_start3A_379 = arith.constant 6144 : i32
      %dma_start3A_380 = tpu.memref_slice %arg10[%dma_start3A_379] : memref<8192xf32, #tpu.memory_space<vmem>> -> memref<1024xf32, #tpu.memory_space<vmem>>
      %dma_start3A_381 = tpu.memref_slice %arg4[%multiple_of3A_378] : memref<52428800xf32, #tpu.memory_space<hbm>> -> memref<1024xf32, #tpu.memory_space<hbm>>
      %dma_start3A_382 = tpu.memref_slice %arg4[%multiple_of3A_378] : memref<52428800xf32, #tpu.memory_space<hbm>> -> memref<1024xf32, #tpu.memory_space<hbm>>
      %dma_start3A_383 = arith.constant 6144 : i32
      %dma_start3A_384 = tpu.memref_slice %arg10[%dma_start3A_383] : memref<8192xf32, #tpu.memory_space<vmem>> -> memref<1024xf32, #tpu.memory_space<vmem>>
      tpu.enqueue_dma source(%dma_start3A_384 : memref<1024xf32, #tpu.memory_space<vmem>>) target(%dma_start3A_382 : memref<1024xf32, #tpu.memory_space<hbm>>) target_semaphore(%arg14 : memref<!tpu.dma_semaphore, #tpu.memory_space<semaphore_mem>>)
      %add3A_385 = arith.constant 229376 : i32
      %add3A_386 = arith.addi %add3A_321, %add3A_385 : i32
      %multiple_of3A_387 = tpu.assume_multiple %add3A_386, 1024 : i32
      %dma_start3A_388 = arith.constant 7168 : i32
      %dma_start3A_389 = tpu.memref_slice %arg10[%dma_start3A_388] : memref<8192xf32, #tpu.memory_space<vmem>> -> memref<1024xf32, #tpu.memory_space<vmem>>
      %dma_start3A_390 = tpu.memref_slice %arg4[%multiple_of3A_387] : memref<52428800xf32, #tpu.memory_space<hbm>> -> memref<1024xf32, #tpu.memory_space<hbm>>
      %dma_start3A_391 = tpu.memref_slice %arg4[%multiple_of3A_387] : memref<52428800xf32, #tpu.memory_space<hbm>> -> memref<1024xf32, #tpu.memory_space<hbm>>
      %dma_start3A_392 = arith.constant 7168 : i32
      %dma_start3A_393 = tpu.memref_slice %arg10[%dma_start3A_392] : memref<8192xf32, #tpu.memory_space<vmem>> -> memref<1024xf32, #tpu.memory_space<vmem>>
      tpu.enqueue_dma source(%dma_start3A_393 : memref<1024xf32, #tpu.memory_space<vmem>>) target(%dma_start3A_391 : memref<1024xf32, #tpu.memory_space<hbm>>) target_semaphore(%arg14 : memref<!tpu.dma_semaphore, #tpu.memory_space<semaphore_mem>>)
    }
    %scan3A_16 = arith.constant 100 : i32
    %dma_wait3A = arith.constant 0 : i32
    %dma_wait3A_17 = tpu.memref_slice %arg9[%dma_wait3A] : memref<8192xf32, #tpu.memory_space<vmem>> -> memref<1024xf32, #tpu.memory_space<vmem>>
    %dma_wait3A_18 = arith.constant 0 : i32
    %dma_wait3A_19 = tpu.memref_slice %arg4[%dma_wait3A_18] : memref<52428800xf32, #tpu.memory_space<hbm>> -> memref<1024xf32, #tpu.memory_space<hbm>>
    %dma_wait3A_20 = arith.constant 0 : i32
    %dma_wait3A_21 = tpu.memref_slice %arg4[%dma_wait3A_20] : memref<52428800xf32, #tpu.memory_space<hbm>> -> memref<1024xf32, #tpu.memory_space<hbm>>
    %dma_wait3A_22 = arith.constant 0 : i32
    %dma_wait3A_23 = tpu.memref_slice %arg9[%dma_wait3A_22] : memref<8192xf32, #tpu.memory_space<vmem>> -> memref<1024xf32, #tpu.memory_space<vmem>>
    tpu.wait_dma2 semaphore(%arg13 : memref<!tpu.dma_semaphore, #tpu.memory_space<semaphore_mem>>) src(%dma_wait3A_23 : memref<1024xf32, #tpu.memory_space<vmem>>) dst(%dma_wait3A_21 : memref<1024xf32, #tpu.memory_space<hbm>>)
    %dma_wait3A_24 = arith.constant 1024 : i32
    %dma_wait3A_25 = tpu.memref_slice %arg9[%dma_wait3A_24] : memref<8192xf32, #tpu.memory_space<vmem>> -> memref<1024xf32, #tpu.memory_space<vmem>>
    %dma_wait3A_26 = arith.constant 0 : i32
    %dma_wait3A_27 = tpu.memref_slice %arg4[%dma_wait3A_26] : memref<52428800xf32, #tpu.memory_space<hbm>> -> memref<1024xf32, #tpu.memory_space<hbm>>
    %dma_wait3A_28 = arith.constant 0 : i32
    %dma_wait3A_29 = tpu.memref_slice %arg4[%dma_wait3A_28] : memref<52428800xf32, #tpu.memory_space<hbm>> -> memref<1024xf32, #tpu.memory_space<hbm>>
    %dma_wait3A_30 = arith.constant 1024 : i32
    %dma_wait3A_31 = tpu.memref_slice %arg9[%dma_wait3A_30] : memref<8192xf32, #tpu.memory_space<vmem>> -> memref<1024xf32, #tpu.memory_space<vmem>>
    tpu.wait_dma2 semaphore(%arg13 : memref<!tpu.dma_semaphore, #tpu.memory_space<semaphore_mem>>) src(%dma_wait3A_31 : memref<1024xf32, #tpu.memory_space<vmem>>) dst(%dma_wait3A_29 : memref<1024xf32, #tpu.memory_space<hbm>>)
    %dma_wait3A_32 = arith.constant 2048 : i32
    %dma_wait3A_33 = tpu.memref_slice %arg9[%dma_wait3A_32] : memref<8192xf32, #tpu.memory_space<vmem>> -> memref<1024xf32, #tpu.memory_space<vmem>>
    %dma_wait3A_34 = arith.constant 0 : i32
    %dma_wait3A_35 = tpu.memref_slice %arg4[%dma_wait3A_34] : memref<52428800xf32, #tpu.memory_space<hbm>> -> memref<1024xf32, #tpu.memory_space<hbm>>
    %dma_wait3A_36 = arith.constant 0 : i32
    %dma_wait3A_37 = tpu.memref_slice %arg4[%dma_wait3A_36] : memref<52428800xf32, #tpu.memory_space<hbm>> -> memref<1024xf32, #tpu.memory_space<hbm>>
    %dma_wait3A_38 = arith.constant 2048 : i32
    %dma_wait3A_39 = tpu.memref_slice %arg9[%dma_wait3A_38] : memref<8192xf32, #tpu.memory_space<vmem>> -> memref<1024xf32, #tpu.memory_space<vmem>>
    tpu.wait_dma2 semaphore(%arg13 : memref<!tpu.dma_semaphore, #tpu.memory_space<semaphore_mem>>) src(%dma_wait3A_39 : memref<1024xf32, #tpu.memory_space<vmem>>) dst(%dma_wait3A_37 : memref<1024xf32, #tpu.memory_space<hbm>>)
    %dma_wait3A_40 = arith.constant 3072 : i32
    %dma_wait3A_41 = tpu.memref_slice %arg9[%dma_wait3A_40] : memref<8192xf32, #tpu.memory_space<vmem>> -> memref<1024xf32, #tpu.memory_space<vmem>>
    %dma_wait3A_42 = arith.constant 0 : i32
    %dma_wait3A_43 = tpu.memref_slice %arg4[%dma_wait3A_42] : memref<52428800xf32, #tpu.memory_space<hbm>> -> memref<1024xf32, #tpu.memory_space<hbm>>
    %dma_wait3A_44 = arith.constant 0 : i32
    %dma_wait3A_45 = tpu.memref_slice %arg4[%dma_wait3A_44] : memref<52428800xf32, #tpu.memory_space<hbm>> -> memref<1024xf32, #tpu.memory_space<hbm>>
    %dma_wait3A_46 = arith.constant 3072 : i32
    %dma_wait3A_47 = tpu.memref_slice %arg9[%dma_wait3A_46] : memref<8192xf32, #tpu.memory_space<vmem>> -> memref<1024xf32, #tpu.memory_space<vmem>>
    tpu.wait_dma2 semaphore(%arg13 : memref<!tpu.dma_semaphore, #tpu.memory_space<semaphore_mem>>) src(%dma_wait3A_47 : memref<1024xf32, #tpu.memory_space<vmem>>) dst(%dma_wait3A_45 : memref<1024xf32, #tpu.memory_space<hbm>>)
    %dma_wait3A_48 = arith.constant 4096 : i32
    %dma_wait3A_49 = tpu.memref_slice %arg9[%dma_wait3A_48] : memref<8192xf32, #tpu.memory_space<vmem>> -> memref<1024xf32, #tpu.memory_space<vmem>>
    %dma_wait3A_50 = arith.constant 0 : i32
    %dma_wait3A_51 = tpu.memref_slice %arg4[%dma_wait3A_50] : memref<52428800xf32, #tpu.memory_space<hbm>> -> memref<1024xf32, #tpu.memory_space<hbm>>
    %dma_wait3A_52 = arith.constant 0 : i32
    %dma_wait3A_53 = tpu.memref_slice %arg4[%dma_wait3A_52] : memref<52428800xf32, #tpu.memory_space<hbm>> -> memref<1024xf32, #tpu.memory_space<hbm>>
    %dma_wait3A_54 = arith.constant 4096 : i32
    %dma_wait3A_55 = tpu.memref_slice %arg9[%dma_wait3A_54] : memref<8192xf32, #tpu.memory_space<vmem>> -> memref<1024xf32, #tpu.memory_space<vmem>>
    tpu.wait_dma2 semaphore(%arg13 : memref<!tpu.dma_semaphore, #tpu.memory_space<semaphore_mem>>) src(%dma_wait3A_55 : memref<1024xf32, #tpu.memory_space<vmem>>) dst(%dma_wait3A_53 : memref<1024xf32, #tpu.memory_space<hbm>>)
    %dma_wait3A_56 = arith.constant 5120 : i32
    %dma_wait3A_57 = tpu.memref_slice %arg9[%dma_wait3A_56] : memref<8192xf32, #tpu.memory_space<vmem>> -> memref<1024xf32, #tpu.memory_space<vmem>>
    %dma_wait3A_58 = arith.constant 0 : i32
    %dma_wait3A_59 = tpu.memref_slice %arg4[%dma_wait3A_58] : memref<52428800xf32, #tpu.memory_space<hbm>> -> memref<1024xf32, #tpu.memory_space<hbm>>
    %dma_wait3A_60 = arith.constant 0 : i32
    %dma_wait3A_61 = tpu.memref_slice %arg4[%dma_wait3A_60] : memref<52428800xf32, #tpu.memory_space<hbm>> -> memref<1024xf32, #tpu.memory_space<hbm>>
    %dma_wait3A_62 = arith.constant 5120 : i32
    %dma_wait3A_63 = tpu.memref_slice %arg9[%dma_wait3A_62] : memref<8192xf32, #tpu.memory_space<vmem>> -> memref<1024xf32, #tpu.memory_space<vmem>>
    tpu.wait_dma2 semaphore(%arg13 : memref<!tpu.dma_semaphore, #tpu.memory_space<semaphore_mem>>) src(%dma_wait3A_63 : memref<1024xf32, #tpu.memory_space<vmem>>) dst(%dma_wait3A_61 : memref<1024xf32, #tpu.memory_space<hbm>>)
    %dma_wait3A_64 = arith.constant 6144 : i32
    %dma_wait3A_65 = tpu.memref_slice %arg9[%dma_wait3A_64] : memref<8192xf32, #tpu.memory_space<vmem>> -> memref<1024xf32, #tpu.memory_space<vmem>>
    %dma_wait3A_66 = arith.constant 0 : i32
    %dma_wait3A_67 = tpu.memref_slice %arg4[%dma_wait3A_66] : memref<52428800xf32, #tpu.memory_space<hbm>> -> memref<1024xf32, #tpu.memory_space<hbm>>
    %dma_wait3A_68 = arith.constant 0 : i32
    %dma_wait3A_69 = tpu.memref_slice %arg4[%dma_wait3A_68] : memref<52428800xf32, #tpu.memory_space<hbm>> -> memref<1024xf32, #tpu.memory_space<hbm>>
    %dma_wait3A_70 = arith.constant 6144 : i32
    %dma_wait3A_71 = tpu.memref_slice %arg9[%dma_wait3A_70] : memref<8192xf32, #tpu.memory_space<vmem>> -> memref<1024xf32, #tpu.memory_space<vmem>>
    tpu.wait_dma2 semaphore(%arg13 : memref<!tpu.dma_semaphore, #tpu.memory_space<semaphore_mem>>) src(%dma_wait3A_71 : memref<1024xf32, #tpu.memory_space<vmem>>) dst(%dma_wait3A_69 : memref<1024xf32, #tpu.memory_space<hbm>>)
    %dma_wait3A_72 = arith.constant 7168 : i32
    %dma_wait3A_73 = tpu.memref_slice %arg9[%dma_wait3A_72] : memref<8192xf32, #tpu.memory_space<vmem>> -> memref<1024xf32, #tpu.memory_space<vmem>>
    %dma_wait3A_74 = arith.constant 0 : i32
    %dma_wait3A_75 = tpu.memref_slice %arg4[%dma_wait3A_74] : memref<52428800xf32, #tpu.memory_space<hbm>> -> memref<1024xf32, #tpu.memory_space<hbm>>
    %dma_wait3A_76 = arith.constant 0 : i32
    %dma_wait3A_77 = tpu.memref_slice %arg4[%dma_wait3A_76] : memref<52428800xf32, #tpu.memory_space<hbm>> -> memref<1024xf32, #tpu.memory_space<hbm>>
    %dma_wait3A_78 = arith.constant 7168 : i32
    %dma_wait3A_79 = tpu.memref_slice %arg9[%dma_wait3A_78] : memref<8192xf32, #tpu.memory_space<vmem>> -> memref<1024xf32, #tpu.memory_space<vmem>>
    tpu.wait_dma2 semaphore(%arg13 : memref<!tpu.dma_semaphore, #tpu.memory_space<semaphore_mem>>) src(%dma_wait3A_79 : memref<1024xf32, #tpu.memory_space<vmem>>) dst(%dma_wait3A_77 : memref<1024xf32, #tpu.memory_space<hbm>>)
    %dma_wait3A_80 = arith.constant 0 : i32
    %dma_wait3A_81 = tpu.memref_slice %arg10[%dma_wait3A_80] : memref<8192xf32, #tpu.memory_space<vmem>> -> memref<1024xf32, #tpu.memory_space<vmem>>
    %dma_wait3A_82 = arith.constant 0 : i32
    %dma_wait3A_83 = tpu.memref_slice %arg4[%dma_wait3A_82] : memref<52428800xf32, #tpu.memory_space<hbm>> -> memref<1024xf32, #tpu.memory_space<hbm>>
    %dma_wait3A_84 = arith.constant 0 : i32
    %dma_wait3A_85 = tpu.memref_slice %arg4[%dma_wait3A_84] : memref<52428800xf32, #tpu.memory_space<hbm>> -> memref<1024xf32, #tpu.memory_space<hbm>>
    %dma_wait3A_86 = arith.constant 0 : i32
    %dma_wait3A_87 = tpu.memref_slice %arg10[%dma_wait3A_86] : memref<8192xf32, #tpu.memory_space<vmem>> -> memref<1024xf32, #tpu.memory_space<vmem>>
    tpu.wait_dma2 semaphore(%arg14 : memref<!tpu.dma_semaphore, #tpu.memory_space<semaphore_mem>>) src(%dma_wait3A_87 : memref<1024xf32, #tpu.memory_space<vmem>>) dst(%dma_wait3A_85 : memref<1024xf32, #tpu.memory_space<hbm>>)
    %dma_wait3A_88 = arith.constant 1024 : i32
    %dma_wait3A_89 = tpu.memref_slice %arg10[%dma_wait3A_88] : memref<8192xf32, #tpu.memory_space<vmem>> -> memref<1024xf32, #tpu.memory_space<vmem>>
    %dma_wait3A_90 = arith.constant 0 : i32
    %dma_wait3A_91 = tpu.memref_slice %arg4[%dma_wait3A_90] : memref<52428800xf32, #tpu.memory_space<hbm>> -> memref<1024xf32, #tpu.memory_space<hbm>>
    %dma_wait3A_92 = arith.constant 0 : i32
    %dma_wait3A_93 = tpu.memref_slice %arg4[%dma_wait3A_92] : memref<52428800xf32, #tpu.memory_space<hbm>> -> memref<1024xf32, #tpu.memory_space<hbm>>
    %dma_wait3A_94 = arith.constant 1024 : i32
    %dma_wait3A_95 = tpu.memref_slice %arg10[%dma_wait3A_94] : memref<8192xf32, #tpu.memory_space<vmem>> -> memref<1024xf32, #tpu.memory_space<vmem>>
    tpu.wait_dma2 semaphore(%arg14 : memref<!tpu.dma_semaphore, #tpu.memory_space<semaphore_mem>>) src(%dma_wait3A_95 : memref<1024xf32, #tpu.memory_space<vmem>>) dst(%dma_wait3A_93 : memref<1024xf32, #tpu.memory_space<hbm>>)
    %dma_wait3A_96 = arith.constant 2048 : i32
    %dma_wait3A_97 = tpu.memref_slice %arg10[%dma_wait3A_96] : memref<8192xf32, #tpu.memory_space<vmem>> -> memref<1024xf32, #tpu.memory_space<vmem>>
    %dma_wait3A_98 = arith.constant 0 : i32
    %dma_wait3A_99 = tpu.memref_slice %arg4[%dma_wait3A_98] : memref<52428800xf32, #tpu.memory_space<hbm>> -> memref<1024xf32, #tpu.memory_space<hbm>>
    %dma_wait3A_100 = arith.constant 0 : i32
    %dma_wait3A_101 = tpu.memref_slice %arg4[%dma_wait3A_100] : memref<52428800xf32, #tpu.memory_space<hbm>> -> memref<1024xf32, #tpu.memory_space<hbm>>
    %dma_wait3A_102 = arith.constant 2048 : i32
    %dma_wait3A_103 = tpu.memref_slice %arg10[%dma_wait3A_102] : memref<8192xf32, #tpu.memory_space<vmem>> -> memref<1024xf32, #tpu.memory_space<vmem>>
    tpu.wait_dma2 semaphore(%arg14 : memref<!tpu.dma_semaphore, #tpu.memory_space<semaphore_mem>>) src(%dma_wait3A_103 : memref<1024xf32, #tpu.memory_space<vmem>>) dst(%dma_wait3A_101 : memref<1024xf32, #tpu.memory_space<hbm>>)
    %dma_wait3A_104 = arith.constant 3072 : i32
    %dma_wait3A_105 = tpu.memref_slice %arg10[%dma_wait3A_104] : memref<8192xf32, #tpu.memory_space<vmem>> -> memref<1024xf32, #tpu.memory_space<vmem>>
    %dma_wait3A_106 = arith.constant 0 : i32
    %dma_wait3A_107 = tpu.memref_slice %arg4[%dma_wait3A_106] : memref<52428800xf32, #tpu.memory_space<hbm>> -> memref<1024xf32, #tpu.memory_space<hbm>>
    %dma_wait3A_108 = arith.constant 0 : i32
    %dma_wait3A_109 = tpu.memref_slice %arg4[%dma_wait3A_108] : memref<52428800xf32, #tpu.memory_space<hbm>> -> memref<1024xf32, #tpu.memory_space<hbm>>
    %dma_wait3A_110 = arith.constant 3072 : i32
    %dma_wait3A_111 = tpu.memref_slice %arg10[%dma_wait3A_110] : memref<8192xf32, #tpu.memory_space<vmem>> -> memref<1024xf32, #tpu.memory_space<vmem>>
    tpu.wait_dma2 semaphore(%arg14 : memref<!tpu.dma_semaphore, #tpu.memory_space<semaphore_mem>>) src(%dma_wait3A_111 : memref<1024xf32, #tpu.memory_space<vmem>>) dst(%dma_wait3A_109 : memref<1024xf32, #tpu.memory_space<hbm>>)
    %dma_wait3A_112 = arith.constant 4096 : i32
    %dma_wait3A_113 = tpu.memref_slice %arg10[%dma_wait3A_112] : memref<8192xf32, #tpu.memory_space<vmem>> -> memref<1024xf32, #tpu.memory_space<vmem>>
    %dma_wait3A_114 = arith.constant 0 : i32
    %dma_wait3A_115 = tpu.memref_slice %arg4[%dma_wait3A_114] : memref<52428800xf32, #tpu.memory_space<hbm>> -> memref<1024xf32, #tpu.memory_space<hbm>>
    %dma_wait3A_116 = arith.constant 0 : i32
    %dma_wait3A_117 = tpu.memref_slice %arg4[%dma_wait3A_116] : memref<52428800xf32, #tpu.memory_space<hbm>> -> memref<1024xf32, #tpu.memory_space<hbm>>
    %dma_wait3A_118 = arith.constant 4096 : i32
    %dma_wait3A_119 = tpu.memref_slice %arg10[%dma_wait3A_118] : memref<8192xf32, #tpu.memory_space<vmem>> -> memref<1024xf32, #tpu.memory_space<vmem>>
    tpu.wait_dma2 semaphore(%arg14 : memref<!tpu.dma_semaphore, #tpu.memory_space<semaphore_mem>>) src(%dma_wait3A_119 : memref<1024xf32, #tpu.memory_space<vmem>>) dst(%dma_wait3A_117 : memref<1024xf32, #tpu.memory_space<hbm>>)
    %dma_wait3A_120 = arith.constant 5120 : i32
    %dma_wait3A_121 = tpu.memref_slice %arg10[%dma_wait3A_120] : memref<8192xf32, #tpu.memory_space<vmem>> -> memref<1024xf32, #tpu.memory_space<vmem>>
    %dma_wait3A_122 = arith.constant 0 : i32
    %dma_wait3A_123 = tpu.memref_slice %arg4[%dma_wait3A_122] : memref<52428800xf32, #tpu.memory_space<hbm>> -> memref<1024xf32, #tpu.memory_space<hbm>>
    %dma_wait3A_124 = arith.constant 0 : i32
    %dma_wait3A_125 = tpu.memref_slice %arg4[%dma_wait3A_124] : memref<52428800xf32, #tpu.memory_space<hbm>> -> memref<1024xf32, #tpu.memory_space<hbm>>
    %dma_wait3A_126 = arith.constant 5120 : i32
    %dma_wait3A_127 = tpu.memref_slice %arg10[%dma_wait3A_126] : memref<8192xf32, #tpu.memory_space<vmem>> -> memref<1024xf32, #tpu.memory_space<vmem>>
    tpu.wait_dma2 semaphore(%arg14 : memref<!tpu.dma_semaphore, #tpu.memory_space<semaphore_mem>>) src(%dma_wait3A_127 : memref<1024xf32, #tpu.memory_space<vmem>>) dst(%dma_wait3A_125 : memref<1024xf32, #tpu.memory_space<hbm>>)
    %dma_wait3A_128 = arith.constant 6144 : i32
    %dma_wait3A_129 = tpu.memref_slice %arg10[%dma_wait3A_128] : memref<8192xf32, #tpu.memory_space<vmem>> -> memref<1024xf32, #tpu.memory_space<vmem>>
    %dma_wait3A_130 = arith.constant 0 : i32
    %dma_wait3A_131 = tpu.memref_slice %arg4[%dma_wait3A_130] : memref<52428800xf32, #tpu.memory_space<hbm>> -> memref<1024xf32, #tpu.memory_space<hbm>>
    %dma_wait3A_132 = arith.constant 0 : i32
    %dma_wait3A_133 = tpu.memref_slice %arg4[%dma_wait3A_132] : memref<52428800xf32, #tpu.memory_space<hbm>> -> memref<1024xf32, #tpu.memory_space<hbm>>
    %dma_wait3A_134 = arith.constant 6144 : i32
    %dma_wait3A_135 = tpu.memref_slice %arg10[%dma_wait3A_134] : memref<8192xf32, #tpu.memory_space<vmem>> -> memref<1024xf32, #tpu.memory_space<vmem>>
    tpu.wait_dma2 semaphore(%arg14 : memref<!tpu.dma_semaphore, #tpu.memory_space<semaphore_mem>>) src(%dma_wait3A_135 : memref<1024xf32, #tpu.memory_space<vmem>>) dst(%dma_wait3A_133 : memref<1024xf32, #tpu.memory_space<hbm>>)
    %dma_wait3A_136 = arith.constant 7168 : i32
    %dma_wait3A_137 = tpu.memref_slice %arg10[%dma_wait3A_136] : memref<8192xf32, #tpu.memory_space<vmem>> -> memref<1024xf32, #tpu.memory_space<vmem>>
    %dma_wait3A_138 = arith.constant 0 : i32
    %dma_wait3A_139 = tpu.memref_slice %arg4[%dma_wait3A_138] : memref<52428800xf32, #tpu.memory_space<hbm>> -> memref<1024xf32, #tpu.memory_space<hbm>>
    %dma_wait3A_140 = arith.constant 0 : i32
    %dma_wait3A_141 = tpu.memref_slice %arg4[%dma_wait3A_140] : memref<52428800xf32, #tpu.memory_space<hbm>> -> memref<1024xf32, #tpu.memory_space<hbm>>
    %dma_wait3A_142 = arith.constant 7168 : i32
    %dma_wait3A_143 = tpu.memref_slice %arg10[%dma_wait3A_142] : memref<8192xf32, #tpu.memory_space<vmem>> -> memref<1024xf32, #tpu.memory_space<vmem>>
    tpu.wait_dma2 semaphore(%arg14 : memref<!tpu.dma_semaphore, #tpu.memory_space<semaphore_mem>>) src(%dma_wait3A_143 : memref<1024xf32, #tpu.memory_space<vmem>>) dst(%dma_wait3A_141 : memref<1024xf32, #tpu.memory_space<hbm>>)
    return
  }
}

</mosaic_0001>

<sc_bundles>
// kernel: kernel.4.cloned.1.call-start
scs
__scs_entry_jumppad:
0x0: {  	(pc) =	sbr.rel $0x88, $3  }
0x1: {  	(tag) =	ssettag $0x0;
	lr =	simm.s32 $0x1  }
0x2: {  	[smem:$0x3F9F] =	sst lr;
	_ =	strace $0xD0000000  }
0x3: {  	_ = 	snop  }
0x4: {  	_ = 	snop  }
0x5: {  	_ = 	snop  }
0x6: {  	_ = 	snop  }
0x7: {  	_ = 	snop  }
__scs_overlays_trampoline_lowered:
0x8: {  	[smem:$0x3FAE] =	sst s0  }
0x9: {  	[smem:$0x3FAF] =	sst s1  }
0xa: {  	[smem:$0x3FB0] =	sst s2  }
0xb: {  	[smem:$0x3FB1] =	sst s3  }
0xc: {  	[smem:$0x3FB2] =	sst s4  }
0xd: {  	[smem:$0x3FB3] =	sst s5  }
0xe: {  	[smem:$0x3FB4] =	sst s6  }
0xf: {  	[smem:$0x3FB5] =	sst s7  }
0x10: {  	[smem:$0x3FB6] =	sst s8  }
0x11: {  	[smem:$0x3FB7] =	sst s9;
	s0 =	simm.s32 @!p0 $0x0  }
0x12: {  	s1 =	sld [smem:$0x3F9D];
	s0 =	simm.s32 @p0 $0x1  }
0x13: {  	[smem:$0x3FB8] =	sst s0;
	s0 =	simm.s32 @!p1 $0x0  }
0x14: {  	s2 =	sld [smem:$0x3F9C];
	s0 =	simm.s32 @p1 $0x1  }
0x15: {  	[smem:$0x3FB9] =	sst s0;
	s0 =	simm.s32 @!p2 $0x0  }
0x16: {  	s3 =	sld [smem:$0x3FDB];
	s0 =	simm.s32 @p2 $0x1  }
0x17: {  	s4 =	simm.s32 $0x1BF5;
	[smem:$0x3FBB] =	sst s0  }
0x18: {  	s0 =	sld [smem:$0x3F9E];
	_ =	swait.ge [sflag:s4], $0x0  }
0x19: {  	s7 =	sld [smem:$0x3F9F]  }
0x1a: {  	s8 =	sadd.s32 $0xFFFFE003, lr  }
0x1b: {  	s9 =	sadd.s32 $0xFFFFFEF7, lr;
	s5 =	simm.s32 $0xFFFFFFFF;
	p2 =	slt.u32 s8, $0xFFFFF086  }
0x1c: {  	p1 =	slt.u32 s9, $0xF7A;
	s5 =	simm.s32 @!p2 $0x0  }
0x1d: {  	s5 =	simm.s32 @p1 $0x1;
	p0 =	seq.s32 s7, s2  }
0x1e: {  	s7 =	smul.u32 @!p0 $0xF7A, s2;
	p2 =	seq.s32 @!p0 s5, $0x0  }
0x1f: {  	s9 =	smul.u32 $0xF7A, s1;
	s8 =	simm.s32 @!p0 $0x1BF5;
	p2 =	por !p2, p0  }
0x20: {  	[sflag:s8] =	ssyncset.s32 @!p0 $0xFFFFF086;
	s6 =	sadd.s32 @!p0 s3, s7;
	s7 =	simm.s32 @!p0 $0x108  }
0x21: {  	s3 =	sadd.s32 s3, s9;
	s6 =	sadd.s32 @!p0 $0x88, s6;
	s7 =	simm.s32 @p2 $0x1082  }
0x22: {  	[simem:s7], [sflag:s8] =	dma.local @!p0 [hbm:s6], $0xF7A  }
0x23: {  	s9 =	sor.u32 $0xD0000000, s2;
	s6 =	simm.s32 $0x108;
	_ =	swait.ge @!p0 [sflag:s8], $0x0  }
0x24: {  	s3 =	sadd.s32 $0x88, s3;
	s6 =	simm.s32 @!p1 $0x1082;
	[sflag:s4] =	ssyncset.s32 $0xFFFFF086  }
0x25: {  	[simem:s6], [sflag:s4] =	dma.local [hbm:s3], $0xF7A  }
0x26: {  	[smem:$0x3F9F] =	sst s1;
	(tag) =	ssettag s2;
	_ =	strace s9  }
0x27: {  	s1 =	sld [smem:$0x3FAF]  }
0x28: {  	s2 =	sld [smem:$0x3FB0]  }
0x29: {  	s4 =	sld [smem:$0x3FB2]  }
0x2a: {  	p0 =	seq.s32 s5, $0x0;
	s5 =	sld [smem:$0x3FB3]  }
0x2b: {  	s6 =	sld [smem:$0x3FB4]  }
0x2c: {  	s7 =	sld [smem:$0x3FB5]  }
0x2d: {  	s3 =	simm.s32 $0x108;
	s8 =	sld [smem:$0x3FB6]  }
0x2e: {  	s3 =	simm.s32 @!p0 $0x1082;
	s9 =	sld [smem:$0x3FB7]  }
0x2f: {  	lr =	sadd.s32 s0, s3;
	s0 =	sld [smem:$0x3FAE]  }
0x30: {  	s3 =	sld [smem:$0x3FB1]  }
0x31: {  	[smem:$0x3FBA] =	sst s10  }
0x32: {  	s10 =	sld [smem:$0x3FB8];
	_ =	sdelay $0x3  }
0x33: {  	p0 =	seq.s32 s10, $0x1;
	s10 =	sld [smem:$0x3FBA];
	_ =	sdelay $0x3  }
0x34: {  	[smem:$0x3FBA] =	sst s10  }
0x35: {  	s10 =	sld [smem:$0x3FB9];
	_ =	sdelay $0x3  }
0x36: {  	p1 =	seq.s32 s10, $0x1;
	s10 =	sld [smem:$0x3FBA];
	_ =	sdelay $0x3  }
0x37: {  	[smem:$0x3FBA] =	sst s10  }
0x38: {  	s10 =	sld [smem:$0x3FBB]  }
0x39: {  	_ = 	snop;
	(pc) =	sbr.ind lr, $3  }
0x3a: {  	_ = 	snop  }
0x3b: {  	_ = 	snop  }
0x3c: {  	p2 =	seq.s32 s10, $0x1;
	s10 =	sld [smem:$0x3FBA]  }
0x3d: {  	_ =	shalt  }
0x3e: {  	_ =	shalt  }
0x3f: {  	_ =	shalt  }
0x40: {  	_ =	shalt  }
0x41: {  	_ =	shalt  }
0x42: {  	_ =	shalt  }
0x43: {  	_ =	shalt  }
0x44: {  	_ =	shalt  }
0x45: {  	_ =	shalt  }
0x46: {  	_ =	shalt  }
0x47: {  	_ =	shalt  }
0x48: {  	_ =	shalt  }
0x49: {  	_ =	shalt  }
0x4a: {  	_ =	shalt  }
0x4b: {  	_ =	shalt  }
0x4c: {  	_ =	shalt  }
0x4d: {  	_ =	shalt  }
0x4e: {  	_ =	shalt  }
0x4f: {  	_ =	shalt  }
0x50: {  	_ =	shalt  }
0x51: {  	_ =	shalt  }
0x52: {  	_ =	shalt  }
0x53: {  	_ =	shalt  }
0x54: {  	_ =	shalt  }
0x55: {  	_ =	shalt  }
0x56: {  	_ =	shalt  }
0x57: {  	_ =	shalt  }
0x58: {  	_ =	shalt  }
0x59: {  	_ =	shalt  }
0x5a: {  	_ =	shalt  }
0x5b: {  	_ =	shalt  }
0x5c: {  	_ =	shalt  }
0x5d: {  	_ =	shalt  }
0x5e: {  	_ =	shalt  }
0x5f: {  	_ =	shalt  }
0x60: {  	_ =	shalt  }
0x61: {  	_ =	shalt  }
0x62: {  	_ =	shalt  }
0x63: {  	_ =	shalt  }
0x64: {  	_ =	shalt  }
0x65: {  	_ =	shalt  }
0x66: {  	_ =	shalt  }
0x67: {  	_ =	shalt  }
0x68: {  	_ =	shalt  }
0x69: {  	_ =	shalt  }
0x6a: {  	_ =	shalt  }
0x6b: {  	_ =	shalt  }
0x6c: {  	_ =	shalt  }
0x6d: {  	_ =	shalt  }
0x6e: {  	_ =	shalt  }
0x6f: {  	_ =	shalt  }
0x70: {  	_ =	shalt  }
0x71: {  	_ =	shalt  }
0x72: {  	_ =	shalt  }
0x73: {  	_ =	shalt  }
0x74: {  	_ =	shalt  }
0x75: {  	_ =	shalt  }
0x76: {  	_ =	shalt  }
0x77: {  	_ =	shalt  }
0x78: {  	_ =	shalt  }
0x79: {  	_ =	shalt  }
0x7a: {  	_ =	shalt  }
0x7b: {  	_ =	shalt  }
0x7c: {  	_ =	shalt  }
0x7d: {  	_ =	shalt  }
0x7e: {  	_ =	shalt  }
0x7f: {  	_ =	shalt  }
0x80: {  	_ =	shalt  }
0x81: {  	_ =	shalt  }
0x82: {  	_ =	shalt  }
0x83: {  	_ =	shalt  }
0x84: {  	_ =	shalt  }
0x85: {  	_ =	shalt  }
0x86: {  	_ =	shalt  }
0x87: {  	_ =	shalt  }
.Lfunc_end0:
.L_simem_size_0:
called_computation_lowered:
.L_overlay_start_0:
0x88: {  	s2 =	sld [smem:$0x3FD9]  }
0x89: {  	s3 =	sld [smem:$0x3FFE];
	_ =	sdelay $0x1  }
0x8a: {  	s1 =	srdreg.scid  }
0x8b: {  	s0 =	sand.u32 $0x1, s1  }
0x8c: {  	s17 =	sshll.u32 s0, $0xA;
	s2 =	sadd.s32 s3, s2  }
0x8d: {  	s2 =	sadd.s32 s2, s17  }
0x8e: {  	[smem:$0x3FC6] =	sst s2  }
0x8f: {  	_ = 	snop  }
0x90: {  	s2 =	sld [smem:$0x3FC8]  }
0x91: {  	s18 =	sld [smem:$0x3FD0];
	(tm) =	ssettm $0x1  }
0x92: {  	s4 =	sld [smem:$0x3FFB];
	_ =	sdelay $0x3  }
0x93: {  	_ =	strace s4  }
0x94: {  	s4 =	sld [smem:$0x3FFC];
	_ =	sdelay $0x3  }
0x95: {  	_ =	strace s4  }
0x96: {  	s4 =	sld [smem:$0x3FFD];
	_ =	sdelay $0x3  }
0x97: {  	_ =	strace s4  }
0x98: {  	_ =	strace $0x8FFFFFFF  }
0x99: {  	s19 =	sld [smem:$0x3FDB];
	_ =	sdelay $0x1  }
0x9a: {  	s5 =	simm.s32 $_scs_section_size  }
0x9b: {  	s6 =	simm.s32 $_size__tile_overlayer_lowered;
	s7 =	simm.s32 $_tile_overlayer_lowered  }
0x9c: {  	s22 =	simm.s32 $0x1BFF;
	s21 =	sshll.u32 s7, $0x1;
	s4 =	sadd.s32 s5, s19  }
0x9d: {  	s8 =	simm.s32 $0x0;
	s20 =	sshll.u32 s6, $0x1;
	s6 =	sadd.s32 s21, s4  }
0x9e: {  	[timem:s8], [sflag:s22] =	dma.local [hbm:s6], s20  }
0x9f: {  	_ =	swait.ge [sflag:s22], s20  }
0xa0: {  	s5 =	ssub.s32 $0x0, s20;
	[sflag:s22] =	ssyncset.done $0x0  }
0xa1: {  	[sflag:s22] =	ssyncadd.s32 s5;
	_ =	sdelay $0x1  }
0xa2: {  	s23 =	simm.s32 $0x1B8B  }
0xa3: {  	_ =	swait.ge [sflag:s23], $0x1  }
0xa4: {  	[sflag:s23] =	ssyncset.done $0x0  }
0xa5: {  	s25 =	simm.s32 $0x1B8E;
	s24 =	sld [smem:$0x3FFE];
	[sflag:s23] =	ssyncadd.s32 $0xFFFFFFFF  }
0xa6: {  	s26 =	simm.s32 $execute0_lowered;
	[smem:$0x3FD2] =	sst s25  }
0xa7: {  	s6 =	sshll.u32 s26, $0x1;
	_ =	strace $0x80000046;
	[dreg:$0x1] =	wrdreg $0xFFFFFFFF  }
0xa8: {  	s28 =	simm.s32 $_size_execute0_lowered;
	s4 =	sadd.s32 s4, s6;
	[dreg:$0x0] =	wrdreg $0x0  }
0xa9: {  	s6 =	sshll.u32 s28, $0x1;
	[dreg:$0x2] =	wrdreg s4  }
0xaa: {  	[dreg:$0x3] =	wrdreg s6  }
0xab: {  	[dreg:$0x4] =	wrdreg $0xC0  }
0xac: {  	_ =	task [dreg:s8], $0x5FFFF  }
0xad: {  	[dreg:$0x1] =	wrdreg $0xFFFFFFFF  }
0xae: {  	[dreg:$0x0] =	wrdreg $0x60  }
0xaf: {  	[dreg:$0x2] =	wrdreg s2  }
0xb0: {  	[dreg:$0x3] =	wrdreg s18  }
0xb1: {  	[dreg:$0x4] =	wrdreg s24  }
0xb2: {  	[dreg:$0x5] =	wrdreg $0x9  }
0xb3: {  	_ =	task.clear_ibuf [dreg:s8], $0x6FFFF;
	_ =	strace $0x90000046  }
0xb4: {  	s29 =	simm.s32 $0x9;
	_ =	strace $0x80000048  }
0xb5: {  	_ =	swait.ge [sflag:s29], $0x1  }
0xb6: {  	[sflag:s29] =	ssyncadd.s32 $0xFFFFFFFF  }
0xb7: {  	_ =	strace $0x90000048  }
0xb8: {  	_ =	sfence  }
0xb9: {  	s30 =	sld [smem:$0x0];
	_ =	sdelay $0x2  }
0xba: {  	s31 =	sshll.u32 s1, $0xD;
	s1 =	sshrl.u32 s1, $0x2  }
0xbb: {  	s3 =	sand.u32 $0x4000, s31;
	s1 =	sadd.s32 s1, s30  }
0xbc: {  	s0 =	sor.u32 s3, s0;
	s1 =	sshll.u32 s1, $0x11  }
0xbd: {  	s0 =	sor.u32 s1, s0  }
0xbe: {  	s0 =	sadd.s32 $0x8F2B, s0  }
0xbf: {  	[sflag:s0] =	ssyncadd.remote.s32 $0x1  }
0xc0: {  	_ =	sfence.sel $0xFFFF  }
0xc1: {  	[dreg:$0x0] =	wrdreg $0xFFFFFFFF;
	(pc) =	sbr.abs _section_cstart, $3  }
0xc2: {  	[dreg:$0x1] =	wrdreg $0xFFFFFFFF  }
0xc3: {  	_ =	task.clear_ibuf [dreg:s8], $0x2FFFF;
	_ =	strace $0x9FFFFFFF  }
0xc4: {  	(tm) =	ssettm $0x7FFFFFFF  }
0xc5: {  	_ =	shalt  }
tec
execute0_lowered:
.L_overlay_start_1:
0x0: {  	(tag) =	ssettag $0x1  }
0x1: {  	s1 =	rddreg [dreg:$0x0]  }
0x2: {  	s0 =	rddreg [dreg:$0x2]  }
0x3: {  	s4 =	simm.s32 $0x0;
	s3 =	srdreg.scid;
	s2 =	stileid.u32  }
0x4: {  	s13 =	simm.s32 $0x1;
	s14 =	simm.s32 $0x4000;
	s15 =	simm.s32 $0x8100  }
0x5: {  	s16 =	simm.s32 $0x2;
	s17 =	simm.s32 $0x6080;
	s18 =	simm.s32 $0xA100  }
0x6: {  	s20 =	simm.s32 $0x4;
	[smem:$0x7FF] =	sst s4;
	s3 =	sand.u32 $0x1, s3  }
0x7: {  	s5 =	sshll.u32 s2, $0x1;
	s6 =	sadd.s32 $0xA00, s0;
	s0 =	sadd.s32 $0x7A1A00, s0  }
.Ltmp0:
0x8: {  	s7 =	ssub.s32 $0x2, s3;
	s5 =	sor.u32 s3, s5;
	(pc) =	sbr.rel .LBB2_1-.Ltmp0, $4  }
0x9: {  	_ =	strace $0x80000047;
	s29 =	sshrl.u32 s7, $0x1;
	s8 =	sshll.u32 s5, $0x7  }
0xa: {  	v0 =	vlaneseq.u32;
	[dreg:$0x5] =	wrdreg s0;
	s3 =	ssub.s32 s7, s29;
	s30 =	sadd.s32 s1, s8  }
0xb: {  	s22 =	simm.s32 $0x0;
	v0 =	vmul.u32 $0x41, v0;
	[dreg:$0x4] =	wrdreg s30;
	s31 =	smax.u32 s3, $0x1  }
0xc: {  	p0 =	sne.s32 s5, $0x0;
	s8 =	sor.u32 $0x40, s5;
	[dreg:$0x6] =	wrdreg s31  }
.LBB2_15:
0xd: {  	s0 =	simm.s32 $0x3  }
0xe: {  	_ =	swait.ge [sflag:s0], $0x2000  }
.Ltmp1:
0xf: {  	[sflag:s0] =	ssyncset.done $0x0;
	(pc) =	sbr.rel @!p0 .LBB2_16-.Ltmp1, $4  }
0x10: {  	[sflag:s0] =	ssyncadd.s32 $0xFFFFE000  }
0x11: {  	_ =	swait.ge [sflag:s20], $0x2000  }
0x12: {  	[sflag:s20] =	ssyncset.done $0x0  }
0x13: {  	[sflag:s20] =	ssyncadd.s32 $0xFFFFE000  }
.LBB2_21:
0x14: {  	s22 =	sadd.s32 $0x1, s22;
	s0 =	rddreg [dreg:$0x6]  }
0x15: {  	p1 =	sne.s32 s22, s0  }
.Ltmp2:
0x16: {  	_ = 	snop;
	(pc) =	sbr.rel @!p1 .LBB2_22-.Ltmp2, $1  }
0x17: {  	_ =	sdelay $0x3  }
.LBB2_1:
.Ltmp3:
0x18: {  	(pc) =	sbr.rel .LBB2_2-.Ltmp3, $4  }
0x19: {  	_ = 	snop  }
0x1a: {  	s0 =	rddreg [dreg:$0x4]  }
0x1b: {  	s2 =	simm.s32 $0x400;
	s3 =	simm.s32 $0x7A1400;
	s23 =	simm.s32 $0x0  }
0x1c: {  	[tilespmem:s4], [sflag:$0x1] =	stream.strided.gather [hbm4b:s0+s2], $0x2000, s3, s2, $0x38;
	[tilespmem:$0xC100] =	vst v63  }
.LBB2_13:
0x1d: {  	[tilespmem:s25+$0xFFFFFFB0] =	vst v1  }
0x1e: {  	[tilespmem:s3+$0xA100] =	vst v2  }
0x1f: {  	[tilespmem:s25+$0x30] =	vst v3  }
0x20: {  	[tilespmem:s0+$0xA100] =	vst v4;
	s31 =	sshll.u32 s24, $0xA  }
0x21: {  	[tilespmem:s25+$0xB0] =	vst v5;
	s0 =	sadd.s32 s6, s31  }
0x22: {  	[hbm4b:s0+s4] =	stream.linear.scatter [tilespmem:s18], [sflag:$0x4], $0x2000, $0x38;
	[tilespmem:$0xC100] =	vst v63  }
.LBB2_14:
0x23: {  	s23 =	sadd.s32 $0x1, s23  }
0x24: {  	p1 =	sne.s32 s23, $0x7B  }
.Ltmp4:
0x25: {  	_ = 	snop;
	(pc) =	sbr.rel @!p1 .LBB2_15-.Ltmp4, $1  }
0x26: {  	_ =	sdelay $0x3  }
.LBB2_2:
0x27: {  	s25 =	sshll.u32 s23, $0x6  }
0x28: {  	s26 =	sor.u32 s5, s25  }
0x29: {  	p3 =	sgt.u32 s26, $0x1E83  }
.Ltmp5:
0x2a: {  	s24 =	sor.u32 $0x20, s26;
	(pc) =	sbr.rel @p3 .LBB2_8-.Ltmp5, $4  }
0x2b: {  	p2 =	sgt.u32 s24, $0x1E83  }
0x2c: {  	p1 =	seq.s32 s23, $0x0;
	s0 =	sshll.u32 @!p2 s24, $0x7;
	s3 =	simm.s32 @!p2 $0x400  }
0x2d: {  	s28 =	simm.s32 @!p2 $0x7A1400;
	s29 =	simm.s32 @!p2 $0x2000;
	s0 =	sadd.s32 @!p2 s1, s0  }
0x2e: {  	[tilespmem:s29], [sflag:$0x2] =	stream.strided.gather @!p2 [hbm4b:s0+s3], $0x2000, s28, s3, $0x38;
	[tilespmem:$0xC100] =	vst v63  }
0x2f: {  	_ =	swait.ge [sflag:s13], $0x2000  }
0x30: {  	[sflag:s13] =	ssyncset.done $0x0  }
0x31: {  	s0 =	simm.s32 @!p1 $0x3;
	[sflag:s13] =	ssyncadd.s32 $0xFFFFE000  }
0x32: {  	_ =	swait.ge @!p1 [sflag:s0], $0x2000  }
0x33: {  	[sflag:s0] =	ssyncset.done @!p1 $0x0  }
0x34: {  	s29 =	simm.s32 $0x200;
	s10 =	simm.s32 $0x7;
	[sflag:s0] =	ssyncadd.s32 @!p1 $0xFFFFE000  }
0x35: {  	s3 =	simm.s32 $0x1;
	v2 =	vadd.s32 s10, v0;
	v1 =	vld [tilespmem:s29+$0x180]  }
0x36: {  	s11 =	simm.s32 $0x2;
	v4 =	vadd.s32 s3, v0;
	v3 =	vld [tilespmem:s29+$0xFFFFFE80]  }
0x37: {  	s12 =	simm.s32 $0x3;
	v6 =	vadd.s32 s11, v0;
	v5 =	vld [tilespmem:s29+$0xFFFFFF00]  }
0x38: {  	s19 =	simm.s32 $0x4;
	v8 =	vadd.s32 s12, v0;
	v7 =	vld [tilespmem:s29+$0xFFFFFF80]  }
0x39: {  	s21 =	simm.s32 $0x5;
	v10 =	vadd.s32 s19, v0;
	v9 =	vld [tilespmem:s29+$0x0]  }
0x3a: {  	s2 =	simm.s32 $0x6;
	v12 =	vadd.s32 s21, v0;
	v11 =	vld [tilespmem:s29+$0x80];
	[tilespmem:v2+s14+$0x0] =	vst.idx.msk $0xffff, v1  }
0x3b: {  	s7 =	simm.s32 $0x0;
	[tilespmem:v4+s14+$0x0] =	vst.idx.msk $0xffff, v3;
	v3 =	vld [tilespmem:s29+$0x100];
	v4 =	vadd.s32 s2, v0  }
0x3c: {  	s31 =	simm.s32 $0x417;
	[tilespmem:v6+s14+$0x0] =	vst.idx.msk $0xffff, v5;
	v5 =	vld [tilespmem:s29+$0xFFFFFE00];
	v6 =	vadd.s32 s7, v0  }
0x3d: {  	s9 =	simm.s32 $0x411;
	v2 =	vadd.s32 s31, v0;
	[tilespmem:v8+s14+$0x0] =	vst.idx.msk $0xffff, v7;
	v1 =	vld [tilespmem:s29+$0x190]  }
0x3e: {  	s10 =	simm.s32 $0x412;
	v8 =	vadd.s32 s9, v0;
	[tilespmem:v10+s14+$0x0] =	vst.idx.msk $0xffff, v9;
	v7 =	vld [tilespmem:s29+$0xFFFFFE90]  }
0x3f: {  	s11 =	simm.s32 $0x413;
	v10 =	vadd.s32 s10, v0;
	[tilespmem:v12+s14+$0x0] =	vst.idx.msk $0xffff, v11;
	v9 =	vld [tilespmem:s29+$0xFFFFFF10]  }
0x40: {  	s19 =	simm.s32 $0x414;
	v56 =	vadd.s32 s11, v0;
	v11 =	vld [tilespmem:s29+$0xFFFFFF90];
	[tilespmem:v4+s14+$0x0] =	vst.idx.msk $0xffff, v3  }
0x41: {  	s21 =	simm.s32 $0x415;
	[tilespmem:v6+s14+$0x0] =	vst.idx.msk $0xffff, v5;
	v3 =	vld [tilespmem:s29+$0x10];
	v4 =	vadd.s32 s19, v0  }
0x42: {  	s12 =	simm.s32 $0x827;
	v5 =	vld [tilespmem:s29+$0x90];
	v6 =	vadd.s32 s21, v0;
	[tilespmem:v2+s14+$0x0] =	vst.idx.msk $0xffff, v1  }
0x43: {  	s31 =	simm.s32 $0x416;
	v2 =	vadd.s32 s12, v0;
	[tilespmem:v8+s14+$0x0] =	vst.idx.msk $0xffff, v7;
	v1 =	vld [tilespmem:s29+$0x1A0]  }
0x44: {  	s2 =	simm.s32 $0x410;
	[tilespmem:v10+s14+$0x0] =	vst.idx.msk $0xffff, v9;
	v7 =	vld [tilespmem:s29+$0x110];
	v8 =	vadd.s32 s31, v0  }
0x45: {  	s7 =	simm.s32 $0x821;
	v9 =	vld [tilespmem:s29+$0xFFFFFE10];
	v10 =	vadd.s32 s2, v0;
	[tilespmem:v56+s14+$0x0] =	vst.idx.msk $0xffff, v11  }
0x46: {  	s10 =	simm.s32 $0x822;
	v57 =	vadd.s32 s7, v0;
	v11 =	vld [tilespmem:s29+$0xFFFFFEA0];
	[tilespmem:v4+s14+$0x0] =	vst.idx.msk $0xffff, v3  }
0x47: {  	s11 =	simm.s32 $0x823;
	v3 =	vld [tilespmem:s29+$0xFFFFFF20];
	v4 =	vadd.s32 s10, v0;
	[tilespmem:v6+s14+$0x0] =	vst.idx.msk $0xffff, v5  }
0x48: {  	s9 =	simm.s32 $0xC37;
	v5 =	vld [tilespmem:s29+$0xFFFFFFA0];
	v6 =	vadd.s32 s11, v0;
	[tilespmem:v2+s14+$0x0] =	vst.idx.msk $0xffff, v1  }
0x49: {  	s12 =	simm.s32 $0x824;
	[tilespmem:v8+s14+$0x0] =	vst.idx.msk $0xffff, v7;
	v2 =	vadd.s32 s9, v0;
	v1 =	vld [tilespmem:s29+$0x1B0]  }
0x4a: {  	s19 =	simm.s32 $0x825;
	[tilespmem:v10+s14+$0x0] =	vst.idx.msk $0xffff, v9;
	v7 =	vld [tilespmem:s29+$0x20];
	v8 =	vadd.s32 s12, v0  }
0x4b: {  	s21 =	simm.s32 $0x826;
	v9 =	vld [tilespmem:s29+$0xA0];
	v10 =	vadd.s32 s19, v0;
	[tilespmem:v57+s14+$0x0] =	vst.idx.msk $0xffff, v11  }
0x4c: {  	v58 =	vadd.s32 s21, v0;
	s2 =	simm.s32 $0x820;
	v11 =	vld [tilespmem:s29+$0x120];
	[tilespmem:v4+s14+$0x0] =	vst.idx.msk $0xffff, v3  }
0x4d: {  	s7 =	simm.s32 $0xC31;
	v3 =	vld [tilespmem:s29+$0xFFFFFE20];
	v4 =	vadd.s32 s2, v0;
	[tilespmem:v6+s14+$0x0] =	vst.idx.msk $0xffff, v5  }
0x4e: {  	s31 =	simm.s32 $0x1047;
	v5 =	vld [tilespmem:s29+$0xFFFFFEB0];
	v6 =	vadd.s32 s7, v0;
	[tilespmem:v2+s14+$0x0] =	vst.idx.msk $0xffff, v1  }
0x4f: {  	s9 =	simm.s32 $0xC32;
	[tilespmem:v8+s14+$0x0] =	vst.idx.msk $0xffff, v7;
	v2 =	vadd.s32 s31, v0;
	v1 =	vld [tilespmem:s29+$0x1C0]  }
0x50: {  	s10 =	simm.s32 $0xC33;
	v7 =	vld [tilespmem:s29+$0xFFFFFF30];
	v8 =	vadd.s32 s9, v0;
	[tilespmem:v10+s14+$0x0] =	vst.idx.msk $0xffff, v9  }
0x51: {  	s11 =	simm.s32 $0xC34;
	v9 =	vld [tilespmem:s29+$0xFFFFFFB0];
	v10 =	vadd.s32 s10, v0;
	[tilespmem:v58+s14+$0x0] =	vst.idx.msk $0xffff, v11  }
0x52: {  	v59 =	vadd.s32 s11, v0;
	s19 =	simm.s32 $0xC35;
	v11 =	vld [tilespmem:s29+$0x30];
	[tilespmem:v4+s14+$0x0] =	vst.idx.msk $0xffff, v3  }
0x53: {  	s21 =	simm.s32 $0xC36;
	[tilespmem:v6+s14+$0x0] =	vst.idx.msk $0xffff, v5;
	v3 =	vld [tilespmem:s29+$0xB0];
	v4 =	vadd.s32 s19, v0  }
0x54: {  	s12 =	simm.s32 $0x1457;
	v5 =	vld [tilespmem:s29+$0x130];
	v6 =	vadd.s32 s21, v0;
	[tilespmem:v2+s14+$0x0] =	vst.idx.msk $0xffff, v1  }
0x55: {  	s31 =	simm.s32 $0xC30;
	[tilespmem:v8+s14+$0x0] =	vst.idx.msk $0xffff, v7;
	v2 =	vadd.s32 s12, v0;
	v1 =	vld [tilespmem:s29+$0x1D0]  }
0x56: {  	s2 =	simm.s32 $0x1041;
	v7 =	vld [tilespmem:s29+$0xFFFFFE30];
	v8 =	vadd.s32 s31, v0;
	[tilespmem:v10+s14+$0x0] =	vst.idx.msk $0xffff, v9  }
0x57: {  	s3 =	simm.s32 $0x1042;
	v9 =	vld [tilespmem:s29+$0xFFFFFEC0];
	v10 =	vadd.s32 s2, v0;
	[tilespmem:v59+s14+$0x0] =	vst.idx.msk $0xffff, v11  }
0x58: {  	v60 =	vadd.s32 s3, v0;
	s9 =	simm.s32 $0x1043;
	v11 =	vld [tilespmem:s29+$0xFFFFFF40];
	[tilespmem:v4+s14+$0x0] =	vst.idx.msk $0xffff, v3  }
0x59: {  	s10 =	simm.s32 $0x1044;
	v3 =	vld [tilespmem:s29+$0xFFFFFFC0];
	v4 =	vadd.s32 s9, v0;
	[tilespmem:v6+s14+$0x0] =	vst.idx.msk $0xffff, v5  }
0x5a: {  	s7 =	simm.s32 $0x1867;
	v5 =	vld [tilespmem:s29+$0x40];
	v6 =	vadd.s32 s10, v0;
	[tilespmem:v2+s14+$0x0] =	vst.idx.msk $0xffff, v1  }
0x5b: {  	s11 =	simm.s32 $0x1045;
	[tilespmem:v8+s14+$0x0] =	vst.idx.msk $0xffff, v7;
	v2 =	vadd.s32 s7, v0;
	v1 =	vld [tilespmem:s29+$0x1E0]  }
0x5c: {  	s12 =	simm.s32 $0x1046;
	[tilespmem:v10+s14+$0x0] =	vst.idx.msk $0xffff, v9;
	v7 =	vld [tilespmem:s29+$0xC0];
	v8 =	vadd.s32 s11, v0  }
0x5d: {  	s19 =	simm.s32 $0x1040;
	v9 =	vld [tilespmem:s29+$0x140];
	v10 =	vadd.s32 s12, v0;
	[tilespmem:v60+s14+$0x0] =	vst.idx.msk $0xffff, v11  }
0x5e: {  	v61 =	vadd.s32 s19, v0;
	s31 =	simm.s32 $0x1451;
	v11 =	vld [tilespmem:s29+$0xFFFFFE40];
	[tilespmem:v4+s14+$0x0] =	vst.idx.msk $0xffff, v3  }
0x5f: {  	s2 =	simm.s32 $0x1452;
	v3 =	vld [tilespmem:s29+$0xFFFFFED0];
	v4 =	vadd.s32 s31, v0;
	[tilespmem:v6+s14+$0x0] =	vst.idx.msk $0xffff, v5  }
0x60: {  	s21 =	simm.s32 $0x1C77;
	v5 =	vld [tilespmem:s29+$0xFFFFFF50];
	v6 =	vadd.s32 s2, v0;
	[tilespmem:v2+s14+$0x0] =	vst.idx.msk $0xffff, v1  }
0x61: {  	s3 =	simm.s32 $0x1453;
	[tilespmem:v8+s14+$0x0] =	vst.idx.msk $0xffff, v7;
	v2 =	vadd.s32 s21, v0;
	v1 =	vld [tilespmem:s29+$0x1F0]  }
0x62: {  	s7 =	simm.s32 $0x1454;
	v7 =	vld [tilespmem:s29+$0xFFFFFFD0];
	v8 =	vadd.s32 s3, v0;
	[tilespmem:v10+s14+$0x0] =	vst.idx.msk $0xffff, v9  }
0x63: {  	s9 =	simm.s32 $0x1455;
	v9 =	vld [tilespmem:s29+$0x50];
	v10 =	vadd.s32 s7, v0;
	[tilespmem:v61+s14+$0x0] =	vst.idx.msk $0xffff, v11  }
0x64: {  	v62 =	vadd.s32 s9, v0;
	s11 =	simm.s32 $0x1450;
	v11 =	vld [tilespmem:s29+$0xD0];
	[tilespmem:v4+s14+$0x0] =	vst.idx.msk $0xffff, v3  }
0x65: {  	s10 =	simm.s32 $0x1456;
	v3 =	vld [tilespmem:s29+$0xFFFFFE50];
	v4 =	vadd.s32 s11, v0;
	[tilespmem:v6+s14+$0x0] =	vst.idx.msk $0xffff, v5  }
0x66: {  	s12 =	simm.s32 $0x1861;
	[tilespmem:v2+s14+$0x0] =	vst.idx.msk $0xffff, v1;
	v1 =	vld [tilespmem:s29+$0x150];
	v2 =	vadd.s32 s10, v0  }
0x67: {  	v6 =	vadd.s32 s12, v0;
	v5 =	vld [tilespmem:s29+$0xFFFFFEE0];
	[tilespmem:v8+s14+$0x0] =	vst.idx.msk $0xffff, v7  }
0x68: {  	s19 =	simm.s32 $0x1862;
	[tilespmem:v10+s14+$0x0] =	vst.idx.msk $0xffff, v9  }
0x69: {  	v7 =	vld [tilespmem:s29+$0xFFFFFF60];
	v8 =	vadd.s32 s19, v0;
	s21 =	simm.s32 $0x1863;
	[tilespmem:v62+s14+$0x0] =	vst.idx.msk $0xffff, v11  }
0x6a: {  	s31 =	simm.s32 $0x1864;
	v9 =	vld [tilespmem:s29+$0xFFFFFFE0];
	v10 =	vadd.s32 s21, v0;
	[tilespmem:v4+s14+$0x0] =	vst.idx.msk $0xffff, v3  }
0x6b: {  	v63 =	vadd.s32 s31, v0;
	s3 =	simm.s32 $0x1866;
	v11 =	vld [tilespmem:s29+$0x60];
	[tilespmem:v2+s14+$0x0] =	vst.idx.msk $0xffff, v1  }
0x6c: {  	s2 =	simm.s32 $0x1865;
	[tilespmem:v6+s14+$0x0] =	vst.idx.msk $0xffff, v5;
	v5 =	vadd.s32 s3, v0;
	v4 =	vld [tilespmem:s29+$0x160]  }
0x6d: {  	s7 =	simm.s32 $0x1860;
	v3 =	vadd.s32 s2, v0;
	v1 =	vld [tilespmem:s29+$0xE0]  }
0x6e: {  	s9 =	simm.s32 $0x1C71;
	v13 =	vadd.s32 s7, v0;
	v6 =	vld [tilespmem:s29+$0xFFFFFE60];
	[tilespmem:v8+s14+$0x0] =	vst.idx.msk $0xffff, v7  }
0x6f: {  	v14 =	vadd.s32 s9, v0;
	v7 =	vld [tilespmem:s29+$0xFFFFFEF0];
	s10 =	simm.s32 $0x1C72;
	[tilespmem:v10+s14+$0x0] =	vst.idx.msk $0xffff, v9  }
0x70: {  	s11 =	simm.s32 $0x1C73;
	v15 =	vld [tilespmem:s29+$0xFFFFFF70];
	[tilespmem:v63+s14+$0x0] =	vst.idx.msk $0xffff, v11;
	v16 =	vadd.s32 s10, v0  }
0x71: {  	s12 =	simm.s32 $0x1C74;
	v2 =	vld [tilespmem:s29+$0xFFFFFFF0];
	[tilespmem:v5+s14+$0x0] =	vst.idx.msk $0xffff, v4;
	v4 =	vadd.s32 s11, v0  }
0x72: {  	s19 =	simm.s32 $0x1C75;
	v8 =	vadd.s32 s12, v0;
	[tilespmem:v3+s14+$0x0] =	vst.idx.msk $0xffff, v1;
	v1 =	vld [tilespmem:s29+$0x70]  }
0x73: {  	s21 =	simm.s32 $0x1C76;
	[tilespmem:v13+s14+$0x0] =	vst.idx.msk $0xffff, v6;
	v3 =	vld [tilespmem:s29+$0xF0];
	v5 =	vadd.s32 s19, v0  }
0x74: {  	s28 =	simm.s32 $0x8;
	s31 =	simm.s32 $0x1C70;
	v9 =	vadd.s32 s21, v0;
	[tilespmem:v14+s14+$0x0] =	vst.idx.msk $0xffff, v7;
	v6 =	vld [tilespmem:s29+$0x170]  }
0x75: {  	s30 =	simm.s32 $0x10;
	s0 =	simm.s32 $0xF;
	v10 =	vadd.s32 s31, v0;
	v7 =	vld [tilespmem:s29+$0xFFFFFE70];
	[tilespmem:v16+s14+$0x0] =	vst.idx.msk $0xffff, v15;
	s29 =	simm.s32 $0x600  }
.LBB2_4:
0x76: {  	p3 =	slt.u32 s30, $0x38;
	s3 =	sadd.s32 $0x1, s28;
	v11 =	vld [tilespmem:s29+$0x180];
	v12 =	vadd.s32 s0, v0;
	[tilespmem:v4+s14+$0x0] =	vst.idx.msk $0xffff, v2  }
0x77: {  	s0 =	sadd.s32 $0x2, s28;
	v2 =	vld [tilespmem:s29+$0xFFFFFE80];
	v4 =	vadd.s32 s3, v0;
	[tilespmem:v8+s14+$0x0] =	vst.idx.msk $0xffff, v1  }
0x78: {  	v8 =	vadd.s32 s0, v0;
	s0 =	sadd.s32 $0x3, s28;
	v1 =	vld [tilespmem:s29+$0xFFFFFF00];
	[tilespmem:v5+s14+$0x0] =	vst.idx.msk $0xffff, v3  }
0x79: {  	v5 =	vadd.s32 s0, v0;
	s0 =	sadd.s32 $0x4, s28;
	v3 =	vld [tilespmem:s29+$0xFFFFFF80];
	[tilespmem:v9+s14+$0x0] =	vst.idx.msk $0xffff, v6  }
0x7a: {  	v9 =	vadd.s32 s0, v0;
	s0 =	sadd.s32 $0x5, s28;
	v6 =	vld [tilespmem:s29+$0x0];
	[tilespmem:v10+s14+$0x0] =	vst.idx.msk $0xffff, v7  }
0x7b: {  	v10 =	vadd.s32 s0, v0;
	s0 =	sadd.s32 $0x417, s28;
	v7 =	vld [tilespmem:s29+$0x80];
	[tilespmem:v12+s14+$0x0] =	vst.idx.msk $0xffff, v11  }
0x7c: {  	s3 =	sadd.s32 $0x6, s28;
	[tilespmem:v4+s14+$0x0] =	vst.idx.msk $0xffff, v2;
	v2 =	vld [tilespmem:s29+$0x190];
	v4 =	vadd.s32 s0, v0  }
0x7d: {  	[tilespmem:v8+s14+$0x0] =	vst.idx.msk $0xffff, v1;
	v1 =	vld [tilespmem:s29+$0x100];
	v8 =	vadd.s32 s3, v0  }
0x7e: {  	v12 =	vadd.s32 s28, v0;
	s0 =	sadd.s32 $0x411, s28;
	v11 =	vld [tilespmem:s29+$0xFFFFFE00];
	[tilespmem:v5+s14+$0x0] =	vst.idx.msk $0xffff, v3  }
0x7f: {  	v5 =	vadd.s32 s0, v0;
	s0 =	sadd.s32 $0x412, s28;
	v3 =	vld [tilespmem:s29+$0xFFFFFE90];
	[tilespmem:v9+s14+$0x0] =	vst.idx.msk $0xffff, v6  }
0x80: {  	v9 =	vadd.s32 s0, v0;
	s0 =	sadd.s32 $0x413, s28;
	v6 =	vld [tilespmem:s29+$0xFFFFFF10];
	[tilespmem:v10+s14+$0x0] =	vst.idx.msk $0xffff, v7  }
0x81: {  	v10 =	vadd.s32 s0, v0;
	s0 =	sadd.s32 $0x827, s28;
	v7 =	vld [tilespmem:s29+$0xFFFFFF90];
	[tilespmem:v4+s14+$0x0] =	vst.idx.msk $0xffff, v2  }
0x82: {  	s3 =	sadd.s32 $0x414, s28;
	v2 =	vadd.s32 s0, v0;
	[tilespmem:v8+s14+$0x0] =	vst.idx.msk $0xffff, v1;
	v1 =	vld [tilespmem:s29+$0x1A0]  }
0x83: {  	s0 =	sadd.s32 $0x415, s28;
	v8 =	vadd.s32 s3, v0;
	[tilespmem:v12+s14+$0x0] =	vst.idx.msk $0xffff, v11;
	v4 =	vld [tilespmem:s29+$0x10]  }
0x84: {  	[tilespmem:v5+s14+$0x0] =	vst.idx.msk $0xffff, v3;
	v3 =	vld [tilespmem:s29+$0x90];
	v5 =	vadd.s32 s0, v0;
	s0 =	sadd.s32 $0x416, s28  }
0x85: {  	s3 =	sadd.s32 $0x410, s28;
	[tilespmem:v9+s14+$0x0] =	vst.idx.msk $0xffff, v6;
	v6 =	vld [tilespmem:s29+$0x110];
	v9 =	vadd.s32 s0, v0  }
0x86: {  	v12 =	vadd.s32 s3, v0;
	s0 =	sadd.s32 $0x821, s28;
	v11 =	vld [tilespmem:s29+$0xFFFFFE10];
	[tilespmem:v10+s14+$0x0] =	vst.idx.msk $0xffff, v7  }
0x87: {  	v10 =	vadd.s32 s0, v0;
	s0 =	sadd.s32 $0xC37, s28;
	v7 =	vld [tilespmem:s29+$0xFFFFFEA0];
	[tilespmem:v2+s14+$0x0] =	vst.idx.msk $0xffff, v1  }
0x88: {  	s3 =	sadd.s32 $0x822, s28;
	v2 =	vadd.s32 s0, v0;
	[tilespmem:v8+s14+$0x0] =	vst.idx.msk $0xffff, v4;
	v1 =	vld [tilespmem:s29+$0x1B0]  }
0x89: {  	s0 =	sadd.s32 $0x823, s28;
	v8 =	vadd.s32 s3, v0;
	v4 =	vld [tilespmem:s29+$0xFFFFFF20];
	[tilespmem:v5+s14+$0x0] =	vst.idx.msk $0xffff, v3  }
0x8a: {  	v5 =	vadd.s32 s0, v0;
	s0 =	sadd.s32 $0x824, s28;
	v3 =	vld [tilespmem:s29+$0xFFFFFFA0];
	[tilespmem:v9+s14+$0x0] =	vst.idx.msk $0xffff, v6  }
0x8b: {  	v9 =	vadd.s32 s0, v0;
	s0 =	sadd.s32 $0x825, s28;
	[tilespmem:v12+s14+$0x0] =	vst.idx.msk $0xffff, v11;
	v6 =	vld [tilespmem:s29+$0x20]  }
0x8c: {  	[tilespmem:v10+s14+$0x0] =	vst.idx.msk $0xffff, v7;
	v7 =	vld [tilespmem:s29+$0xA0];
	v10 =	vadd.s32 s0, v0;
	s0 =	sadd.s32 $0x826, s28  }
0x8d: {  	v11 =	vld [tilespmem:s29+$0x120];
	v12 =	vadd.s32 s0, v0;
	[tilespmem:v2+s14+$0x0] =	vst.idx.msk $0xffff, v1;
	s0 =	sadd.s32 $0x1047, s28  }
0x8e: {  	s3 =	sadd.s32 $0x820, s28;
	[tilespmem:v8+s14+$0x0] =	vst.idx.msk $0xffff, v4;
	v1 =	vld [tilespmem:s29+$0x1C0];
	v2 =	vadd.s32 s0, v0  }
0x8f: {  	v8 =	vadd.s32 s3, v0;
	s0 =	sadd.s32 $0xC31, s28;
	v4 =	vld [tilespmem:s29+$0xFFFFFE20];
	[tilespmem:v5+s14+$0x0] =	vst.idx.msk $0xffff, v3  }
0x90: {  	v5 =	vadd.s32 s0, v0;
	s0 =	sadd.s32 $0xC32, s28;
	v3 =	vld [tilespmem:s29+$0xFFFFFEB0];
	[tilespmem:v9+s14+$0x0] =	vst.idx.msk $0xffff, v6  }
0x91: {  	v9 =	vadd.s32 s0, v0;
	s0 =	sadd.s32 $0xC33, s28;
	v6 =	vld [tilespmem:s29+$0xFFFFFF30];
	[tilespmem:v10+s14+$0x0] =	vst.idx.msk $0xffff, v7  }
0x92: {  	v10 =	vadd.s32 s0, v0;
	s0 =	sadd.s32 $0xC34, s28;
	v7 =	vld [tilespmem:s29+$0xFFFFFFB0];
	[tilespmem:v12+s14+$0x0] =	vst.idx.msk $0xffff, v11  }
0x93: {  	v12 =	vadd.s32 s0, v0;
	s0 =	sadd.s32 $0x1457, s28;
	v11 =	vld [tilespmem:s29+$0x30];
	[tilespmem:v2+s14+$0x0] =	vst.idx.msk $0xffff, v1  }
0x94: {  	s3 =	sadd.s32 $0xC35, s28;
	v2 =	vadd.s32 s0, v0;
	[tilespmem:v8+s14+$0x0] =	vst.idx.msk $0xffff, v4;
	v1 =	vld [tilespmem:s29+$0x1D0]  }
0x95: {  	s0 =	sadd.s32 $0xC36, s28;
	v4 =	vadd.s32 s3, v0;
	[tilespmem:v5+s14+$0x0] =	vst.idx.msk $0xffff, v3;
	v3 =	vld [tilespmem:s29+$0xB0]  }
0x96: {  	s3 =	sadd.s32 $0xC30, s28;
	[tilespmem:v9+s14+$0x0] =	vst.idx.msk $0xffff, v6;
	v5 =	vld [tilespmem:s29+$0x130];
	v6 =	vadd.s32 s0, v0  }
0x97: {  	v9 =	vadd.s32 s3, v0;
	s0 =	sadd.s32 $0x1041, s28;
	v8 =	vld [tilespmem:s29+$0xFFFFFE30];
	[tilespmem:v10+s14+$0x0] =	vst.idx.msk $0xffff, v7  }
0x98: {  	v10 =	vadd.s32 s0, v0;
	s0 =	sadd.s32 $0x1042, s28;
	v7 =	vld [tilespmem:s29+$0xFFFFFEC0];
	[tilespmem:v12+s14+$0x0] =	vst.idx.msk $0xffff, v11  }
0x99: {  	v12 =	vadd.s32 s0, v0;
	s0 =	sadd.s32 $0x1867, s28;
	v11 =	vld [tilespmem:s29+$0xFFFFFF40];
	[tilespmem:v2+s14+$0x0] =	vst.idx.msk $0xffff, v1  }
0x9a: {  	s3 =	sadd.s32 $0x1043, s28;
	v2 =	vadd.s32 s0, v0;
	[tilespmem:v4+s14+$0x0] =	vst.idx.msk $0xffff, v3;
	v1 =	vld [tilespmem:s29+$0x1E0]  }
0x9b: {  	s0 =	sadd.s32 $0x1044, s28;
	v4 =	vadd.s32 s3, v0;
	v3 =	vld [tilespmem:s29+$0xFFFFFFC0];
	[tilespmem:v6+s14+$0x0] =	vst.idx.msk $0xffff, v5  }
0x9c: {  	v6 =	vadd.s32 s0, v0;
	s0 =	sadd.s32 $0x1045, s28;
	[tilespmem:v9+s14+$0x0] =	vst.idx.msk $0xffff, v8;
	v5 =	vld [tilespmem:s29+$0x40]  }
0x9d: {  	v8 =	vadd.s32 s0, v0;
	s0 =	sadd.s32 $0x1046, s28;
	[tilespmem:v10+s14+$0x0] =	vst.idx.msk $0xffff, v7;
	v7 =	vld [tilespmem:s29+$0xC0]  }
0x9e: {  	s3 =	sadd.s32 $0x1040, s28;
	v10 =	vadd.s32 s0, v0;
	[tilespmem:v12+s14+$0x0] =	vst.idx.msk $0xffff, v11;
	v9 =	vld [tilespmem:s29+$0x140]  }
0x9f: {  	s0 =	sadd.s32 $0x1C77, s28;
	v12 =	vadd.s32 s3, v0;
	v11 =	vld [tilespmem:s29+$0xFFFFFE40];
	[tilespmem:v2+s14+$0x0] =	vst.idx.msk $0xffff, v1  }
0xa0: {  	s3 =	sadd.s32 $0x1451, s28;
	v2 =	vadd.s32 s0, v0;
	[tilespmem:v4+s14+$0x0] =	vst.idx.msk $0xffff, v3;
	v1 =	vld [tilespmem:s29+$0x1F0]  }
0xa1: {  	s0 =	sadd.s32 $0x1452, s28;
	v4 =	vadd.s32 s3, v0;
	v3 =	vld [tilespmem:s29+$0xFFFFFED0];
	[tilespmem:v6+s14+$0x0] =	vst.idx.msk $0xffff, v5  }
0xa2: {  	v6 =	vadd.s32 s0, v0;
	s0 =	sadd.s32 $0x1453, s28;
	v5 =	vld [tilespmem:s29+$0xFFFFFF50];
	[tilespmem:v8+s14+$0x0] =	vst.idx.msk $0xffff, v7  }
0xa3: {  	v8 =	vadd.s32 s0, v0;
	s0 =	sadd.s32 $0x1454, s28;
	v7 =	vld [tilespmem:s29+$0xFFFFFFD0];
	[tilespmem:v10+s14+$0x0] =	vst.idx.msk $0xffff, v9  }
0xa4: {  	v10 =	vadd.s32 s0, v0;
	s0 =	sadd.s32 $0x1455, s28;
	[tilespmem:v12+s14+$0x0] =	vst.idx.msk $0xffff, v11;
	v9 =	vld [tilespmem:s29+$0x50]  }
0xa5: {  	v12 =	vadd.s32 s0, v0;
	s0 =	sadd.s32 $0x1456, s28;
	v11 =	vld [tilespmem:s29+$0xD0];
	[tilespmem:v2+s14+$0x0] =	vst.idx.msk $0xffff, v1  }
0xa6: {  	s3 =	sadd.s32 $0x1450, s28;
	v2 =	vadd.s32 s0, v0;
	[tilespmem:v4+s14+$0x0] =	vst.idx.msk $0xffff, v3;
	v1 =	vld [tilespmem:s29+$0x150]  }
0xa7: {  	s0 =	sadd.s32 $0x1861, s28;
	v4 =	vadd.s32 s3, v0;
	v3 =	vld [tilespmem:s29+$0xFFFFFE50];
	[tilespmem:v6+s14+$0x0] =	vst.idx.msk $0xffff, v5  }
0xa8: {  	v6 =	vadd.s32 s0, v0;
	s0 =	sadd.s32 $0x1862, s28;
	v5 =	vld [tilespmem:s29+$0xFFFFFEE0];
	[tilespmem:v8+s14+$0x0] =	vst.idx.msk $0xffff, v7  }
0xa9: {  	v8 =	vadd.s32 s0, v0;
	s0 =	sadd.s32 $0x1863, s28;
	v7 =	vld [tilespmem:s29+$0xFFFFFF60];
	[tilespmem:v10+s14+$0x0] =	vst.idx.msk $0xffff, v9  }
0xaa: {  	v10 =	vadd.s32 s0, v0;
	s0 =	sadd.s32 $0x1864, s28;
	v9 =	vld [tilespmem:s29+$0xFFFFFFE0];
	[tilespmem:v12+s14+$0x0] =	vst.idx.msk $0xffff, v11  }
0xab: {  	v12 =	vadd.s32 s0, v0;
	s0 =	sadd.s32 $0x1865, s28;
	v11 =	vld [tilespmem:s29+$0x60];
	[tilespmem:v2+s14+$0x0] =	vst.idx.msk $0xffff, v1  }
0xac: {  	[tilespmem:v4+s14+$0x0] =	vst.idx.msk $0xffff, v3;
	v1 =	vld [tilespmem:s29+$0xE0];
	v3 =	vadd.s32 s0, v0;
	s0 =	sadd.s32 $0x1866, s28  }
0xad: {  	s3 =	sadd.s32 $0x1860, s28;
	[tilespmem:v6+s14+$0x0] =	vst.idx.msk $0xffff, v5;
	v5 =	vld [tilespmem:s29+$0x160];
	v6 =	vadd.s32 s0, v0  }
0xae: {  	v14 =	vadd.s32 s3, v0;
	s0 =	sadd.s32 $0x1C71, s28;
	v13 =	vld [tilespmem:s29+$0xFFFFFE60];
	[tilespmem:v8+s14+$0x0] =	vst.idx.msk $0xffff, v7  }
0xaf: {  	v15 =	vadd.s32 s0, v0;
	s0 =	sadd.s32 $0x1C72, s28;
	v7 =	vld [tilespmem:s29+$0xFFFFFEF0];
	[tilespmem:v10+s14+$0x0] =	vst.idx.msk $0xffff, v9  }
0xb0: {  	v17 =	vadd.s32 s0, v0;
	s0 =	sadd.s32 $0x1C73, s28;
	v16 =	vld [tilespmem:s29+$0xFFFFFF70];
	[tilespmem:v12+s14+$0x0] =	vst.idx.msk $0xffff, v11  }
.Ltmp6:
0xb1: {  	v4 =	vadd.s32 s0, v0;
	s0 =	sadd.s32 $0x1C74, s28;
	v2 =	vld [tilespmem:s29+$0xFFFFFFF0];
	[tilespmem:v3+s14+$0x0] =	vst.idx.msk $0xffff, v1;
	(pc) =	sbr.rel @p3 .LBB2_4-.Ltmp6, $4  }
0xb2: {  	v8 =	vadd.s32 s0, v0;
	s0 =	sadd.s32 $0x1C75, s28;
	v1 =	vld [tilespmem:s29+$0x70];
	[tilespmem:v6+s14+$0x0] =	vst.idx.msk $0xffff, v5  }
0xb3: {  	v5 =	vadd.s32 s0, v0;
	s0 =	sadd.s32 $0x1C76, s28;
	[tilespmem:v14+s14+$0x0] =	vst.idx.msk $0xffff, v13;
	v3 =	vld [tilespmem:s29+$0xF0]  }
0xb4: {  	s3 =	sadd.s32 $0x1C70, s28;
	s28 =	smov.u32 s30;
	v9 =	vadd.s32 s0, v0;
	[tilespmem:v15+s14+$0x0] =	vst.idx.msk $0xffff, v7;
	v6 =	vld [tilespmem:s29+$0x170]  }
0xb5: {  	v10 =	vadd.s32 s3, v0;
	s30 =	sadd.s32 $0x8, s30;
	s0 =	sadd.s32 $0x7, s28;
	v7 =	vld [tilespmem:s29+$0xFFFFFE70];
	[tilespmem:v17+s14+$0x0] =	vst.idx.msk $0xffff, v16;
	s29 =	sadd.s32 $0x400, s29  }
0xb6: {  	_ =	sdelay $0x3  }
0xb7: {  	v11 =	vld [tilespmem:s29+$0x180];
	v12 =	vadd.s32 s0, v0;
	[tilespmem:v4+s14+$0x0] =	vst.idx.msk $0xffff, v2  }
0xb8: {  	s3 =	sadd.s32 $0x1, s28;
	v21 =	vld [tilespmem:s29+$0xFFFFFE00];
	v22 =	vadd.s32 s28, v0;
	[tilespmem:v8+s14+$0x0] =	vst.idx.msk $0xffff, v1  }
0xb9: {  	v2 =	vld [tilespmem:s29+$0xFFFFFE80];
	s10 =	sadd.s32 $0x2, s28;
	v4 =	vadd.s32 s3, v0;
	[tilespmem:v5+s14+$0x0] =	vst.idx.msk $0xffff, v3  }
0xba: {  	s11 =	sadd.s32 $0x3, s28;
	v1 =	vld [tilespmem:s29+$0xFFFFFF00];
	v17 =	vadd.s32 s10, v0;
	[tilespmem:v9+s14+$0x0] =	vst.idx.msk $0xffff, v6  }
0xbb: {  	s12 =	sadd.s32 $0x4, s28;
	v3 =	vld [tilespmem:s29+$0xFFFFFF80];
	v5 =	vadd.s32 s11, v0;
	[tilespmem:v10+s14+$0x0] =	vst.idx.msk $0xffff, v7  }
0xbc: {  	s19 =	sadd.s32 $0x5, s28;
	v18 =	vadd.s32 s12, v0;
	v6 =	vld [tilespmem:s29+$0x0];
	[tilespmem:v12+s14+$0x0] =	vst.idx.msk $0xffff, v11  }
0xbd: {  	s21 =	sadd.s32 $0x417, s28;
	v19 =	vadd.s32 s19, v0;
	v7 =	vld [tilespmem:s29+$0x80];
	[tilespmem:v22+s14+$0x0] =	vst.idx.msk $0xffff, v21  }
0xbe: {  	s2 =	sadd.s32 $0x6, s28;
	[tilespmem:v4+s14+$0x0] =	vst.idx.msk $0xffff, v2;
	v2 =	vld [tilespmem:s29+$0x190];
	v4 =	vadd.s32 s21, v0  }
0xbf: {  	s7 =	sadd.s32 $0x411, s28;
	v20 =	vadd.s32 s2, v0;
	[tilespmem:v17+s14+$0x0] =	vst.idx.msk $0xffff, v1;
	v1 =	vld [tilespmem:s29+$0x100]  }
0xc0: {  	s9 =	sadd.s32 $0x412, s28;
	[tilespmem:v5+s14+$0x0] =	vst.idx.msk $0xffff, v3;
	v3 =	vld [tilespmem:s29+$0xFFFFFE90];
	v5 =	vadd.s32 s7, v0  }
0xc1: {  	v23 =	vadd.s32 s9, v0;
	s10 =	sadd.s32 $0x413, s28;
	[tilespmem:v18+s14+$0x0] =	vst.idx.msk $0xffff, v6;
	v6 =	vld [tilespmem:s29+$0xFFFFFF10]  }
0xc2: {  	s12 =	sadd.s32 $0x414, s28;
	v24 =	vadd.s32 s10, v0;
	[tilespmem:v19+s14+$0x0] =	vst.idx.msk $0xffff, v7;
	v7 =	vld [tilespmem:s29+$0xFFFFFF90]  }
0xc3: {  	s11 =	sadd.s32 $0x827, s28;
	v25 =	vadd.s32 s12, v0;
	[tilespmem:v4+s14+$0x0] =	vst.idx.msk $0xffff, v2;
	v4 =	vld [tilespmem:s29+$0x10]  }
0xc4: {  	s19 =	sadd.s32 $0x415, s28;
	[tilespmem:v20+s14+$0x0] =	vst.idx.msk $0xffff, v1;
	v2 =	vadd.s32 s11, v0;
	v1 =	vld [tilespmem:s29+$0x1A0]  }
0xc5: {  	s2 =	sadd.s32 $0x410, s28;
	[tilespmem:v5+s14+$0x0] =	vst.idx.msk $0xffff, v3;
	v3 =	vld [tilespmem:s29+$0x90];
	v5 =	vadd.s32 s19, v0  }
0xc6: {  	v27 =	vadd.s32 s2, v0;
	s21 =	sadd.s32 $0x416, s28;
	v11 =	vld [tilespmem:s29+$0xFFFFFE10];
	[tilespmem:v23+s14+$0x0] =	vst.idx.msk $0xffff, v6  }
0xc7: {  	s3 =	sadd.s32 $0x821, s28;
	v26 =	vadd.s32 s21, v0;
	v6 =	vld [tilespmem:s29+$0x110];
	[tilespmem:v24+s14+$0x0] =	vst.idx.msk $0xffff, v7  }
0xc8: {  	s9 =	sadd.s32 $0x822, s28;
	v28 =	vadd.s32 s3, v0;
	v7 =	vld [tilespmem:s29+$0xFFFFFEA0];
	[tilespmem:v25+s14+$0x0] =	vst.idx.msk $0xffff, v4  }
0xc9: {  	v29 =	vadd.s32 s9, v0;
	s10 =	sadd.s32 $0x823, s28;
	v4 =	vld [tilespmem:s29+$0xFFFFFF20];
	[tilespmem:v2+s14+$0x0] =	vst.idx.msk $0xffff, v1  }
0xca: {  	s7 =	sadd.s32 $0xC37, s28;
	[tilespmem:v5+s14+$0x0] =	vst.idx.msk $0xffff, v3;
	v3 =	vld [tilespmem:s29+$0xFFFFFFA0];
	v5 =	vadd.s32 s10, v0  }
0xcb: {  	s11 =	sadd.s32 $0x824, s28;
	[tilespmem:v27+s14+$0x0] =	vst.idx.msk $0xffff, v11;
	v2 =	vadd.s32 s7, v0;
	v1 =	vld [tilespmem:s29+$0x1B0]  }
0xcc: {  	s12 =	sadd.s32 $0x825, s28;
	v30 =	vadd.s32 s11, v0;
	[tilespmem:v26+s14+$0x0] =	vst.idx.msk $0xffff, v6;
	v6 =	vld [tilespmem:s29+$0x20]  }
0xcd: {  	v31 =	vadd.s32 s12, v0;
	s19 =	sadd.s32 $0x826, s28;
	[tilespmem:v28+s14+$0x0] =	vst.idx.msk $0xffff, v7;
	v7 =	vld [tilespmem:s29+$0xA0]  }
0xce: {  	s2 =	sadd.s32 $0x820, s28;
	v33 =	vadd.s32 s19, v0;
	v32 =	vld [tilespmem:s29+$0x120];
	[tilespmem:v29+s14+$0x0] =	vst.idx.msk $0xffff, v4  }
0xcf: {  	v34 =	vadd.s32 s2, v0;
	s7 =	sadd.s32 $0xC31, s28;
	v4 =	vld [tilespmem:s29+$0xFFFFFE20];
	[tilespmem:v5+s14+$0x0] =	vst.idx.msk $0xffff, v3  }
0xd0: {  	s9 =	sadd.s32 $0xC32, s28;
	v3 =	vld [tilespmem:s29+$0xFFFFFEB0];
	v5 =	vadd.s32 s7, v0;
	[tilespmem:v2+s14+$0x0] =	vst.idx.msk $0xffff, v1  }
0xd1: {  	v35 =	vadd.s32 s9, v0;
	s21 =	sadd.s32 $0x1047, s28;
	[tilespmem:v30+s14+$0x0] =	vst.idx.msk $0xffff, v6;
	v6 =	vld [tilespmem:s29+$0xFFFFFF30]  }
0xd2: {  	s10 =	sadd.s32 $0xC33, s28;
	v2 =	vadd.s32 s21, v0;
	v1 =	vld [tilespmem:s29+$0x1C0];
	[tilespmem:v31+s14+$0x0] =	vst.idx.msk $0xffff, v7  }
0xd3: {  	s11 =	sadd.s32 $0xC34, s28;
	v36 =	vadd.s32 s10, v0;
	v7 =	vld [tilespmem:s29+$0xFFFFFFB0];
	[tilespmem:v33+s14+$0x0] =	vst.idx.msk $0xffff, v32  }
0xd4: {  	v38 =	vadd.s32 s11, v0;
	s19 =	sadd.s32 $0xC35, s28;
	v37 =	vld [tilespmem:s29+$0x30];
	[tilespmem:v34+s14+$0x0] =	vst.idx.msk $0xffff, v4  }
0xd5: {  	s2 =	sadd.s32 $0xC30, s28;
	v4 =	vadd.s32 s19, v0;
	[tilespmem:v5+s14+$0x0] =	vst.idx.msk $0xffff, v3;
	v3 =	vld [tilespmem:s29+$0xB0]  }
0xd6: {  	v39 =	vadd.s32 s2, v0;
	s21 =	sadd.s32 $0xC36, s28;
	v8 =	vld [tilespmem:s29+$0xFFFFFE30];
	[tilespmem:v35+s14+$0x0] =	vst.idx.msk $0xffff, v6  }
0xd7: {  	s7 =	sadd.s32 $0x1041, s28;
	v5 =	vld [tilespmem:s29+$0x130];
	v6 =	vadd.s32 s21, v0;
	[tilespmem:v2+s14+$0x0] =	vst.idx.msk $0xffff, v1  }
0xd8: {  	s12 =	sadd.s32 $0x1457, s28;
	v40 =	vadd.s32 s7, v0;
	[tilespmem:v36+s14+$0x0] =	vst.idx.msk $0xffff, v7;
	v7 =	vld [tilespmem:s29+$0xFFFFFEC0]  }
0xd9: {  	s9 =	sadd.s32 $0x1042, s28;
	v2 =	vadd.s32 s12, v0;
	[tilespmem:v38+s14+$0x0] =	vst.idx.msk $0xffff, v37;
	v1 =	vld [tilespmem:s29+$0x1D0]  }
0xda: {  	v42 =	vadd.s32 s9, v0;
	s11 =	sadd.s32 $0x1043, s28;
	v41 =	vld [tilespmem:s29+$0xFFFFFF40];
	[tilespmem:v4+s14+$0x0] =	vst.idx.msk $0xffff, v3  }
0xdb: {  	s12 =	sadd.s32 $0x1044, s28;
	v3 =	vld [tilespmem:s29+$0xFFFFFFC0];
	v4 =	vadd.s32 s11, v0;
	[tilespmem:v39+s14+$0x0] =	vst.idx.msk $0xffff, v8  }
0xdc: {  	s2 =	sadd.s32 $0x1040, s28;
	[tilespmem:v6+s14+$0x0] =	vst.idx.msk $0xffff, v5;
	v5 =	vld [tilespmem:s29+$0x40];
	v6 =	vadd.s32 s12, v0  }
0xdd: {  	v47 =	vadd.s32 s2, v0;
	s19 =	sadd.s32 $0x1045, s28;
	v46 =	vld [tilespmem:s29+$0xFFFFFE40];
	[tilespmem:v40+s14+$0x0] =	vst.idx.msk $0xffff, v7  }
0xde: {  	s10 =	sadd.s32 $0x1867, s28;
	v43 =	vadd.s32 s19, v0;
	v7 =	vld [tilespmem:s29+$0xC0];
	[tilespmem:v2+s14+$0x0] =	vst.idx.msk $0xffff, v1  }
0xdf: {  	s21 =	sadd.s32 $0x1046, s28;
	[tilespmem:v42+s14+$0x0] =	vst.idx.msk $0xffff, v41;
	v2 =	vadd.s32 s10, v0;
	v1 =	vld [tilespmem:s29+$0x1E0]  }
0xe0: {  	s9 =	sadd.s32 $0x1451, s28;
	v45 =	vadd.s32 s21, v0;
	v44 =	vld [tilespmem:s29+$0x140];
	[tilespmem:v4+s14+$0x0] =	vst.idx.msk $0xffff, v3  }
0xe1: {  	s10 =	sadd.s32 $0x1452, s28;
	v3 =	vld [tilespmem:s29+$0xFFFFFED0];
	v4 =	vadd.s32 s9, v0;
	[tilespmem:v6+s14+$0x0] =	vst.idx.msk $0xffff, v5  }
0xe2: {  	s11 =	sadd.s32 $0x1453, s28;
	v5 =	vld [tilespmem:s29+$0xFFFFFF50];
	v6 =	vadd.s32 s10, v0;
	[tilespmem:v47+s14+$0x0] =	vst.idx.msk $0xffff, v46  }
0xe3: {  	v48 =	vadd.s32 s11, v0;
	s12 =	sadd.s32 $0x1454, s28;
	[tilespmem:v43+s14+$0x0] =	vst.idx.msk $0xffff, v7;
	v7 =	vld [tilespmem:s29+$0xFFFFFFD0]  }
0xe4: {  	s7 =	sadd.s32 $0x1C77, s28;
	v50 =	vadd.s32 s12, v0;
	v49 =	vld [tilespmem:s29+$0x50];
	[tilespmem:v2+s14+$0x0] =	vst.idx.msk $0xffff, v1  }
0xe5: {  	s19 =	sadd.s32 $0x1455, s28;
	[tilespmem:v45+s14+$0x0] =	vst.idx.msk $0xffff, v44;
	v2 =	vadd.s32 s7, v0;
	v1 =	vld [tilespmem:s29+$0x1F0]  }
0xe6: {  	s2 =	sadd.s32 $0x1450, s28;
	v52 =	vadd.s32 s19, v0;
	v51 =	vld [tilespmem:s29+$0xD0];
	[tilespmem:v4+s14+$0x0] =	vst.idx.msk $0xffff, v3  }
0xe7: {  	s7 =	sadd.s32 $0x1861, s28;
	v3 =	vld [tilespmem:s29+$0xFFFFFE50];
	v4 =	vadd.s32 s2, v0;
	[tilespmem:v6+s14+$0x0] =	vst.idx.msk $0xffff, v5  }
0xe8: {  	s9 =	sadd.s32 $0x1862, s28;
	v5 =	vld [tilespmem:s29+$0xFFFFFEE0];
	v6 =	vadd.s32 s7, v0;
	[tilespmem:v48+s14+$0x0] =	vst.idx.msk $0xffff, v7  }
0xe9: {  	s21 =	sadd.s32 $0x1456, s28;
	v53 =	vadd.s32 s9, v0;
	v7 =	vld [tilespmem:s29+$0xFFFFFF60];
	[tilespmem:v50+s14+$0x0] =	vst.idx.msk $0xffff, v49  }
0xea: {  	s10 =	sadd.s32 $0x1863, s28;
	[tilespmem:v2+s14+$0x0] =	vst.idx.msk $0xffff, v1;
	v1 =	vld [tilespmem:s29+$0x150];
	v2 =	vadd.s32 s21, v0  }
0xeb: {  	s11 =	sadd.s32 $0x1864, s28;
	v55 =	vadd.s32 s10, v0;
	v54 =	vld [tilespmem:s29+$0xFFFFFFE0];
	[tilespmem:v52+s14+$0x0] =	vst.idx.msk $0xffff, v51  }
0xec: {  	v57 =	vadd.s32 s11, v0;
	v56 =	vld [tilespmem:s29+$0x60];
	[tilespmem:v4+s14+$0x0] =	vst.idx.msk $0xffff, v3;
	s21 =	sadd.s32 $0x1860, s28  }
0xed: {  	s2 =	sadd.s32 $0x1C71, s28;
	[tilespmem:v6+s14+$0x0] =	vst.idx.msk $0xffff, v5;
	v5 =	vld [tilespmem:s29+$0xFFFFFE60];
	v6 =	vadd.s32 s21, v0  }
0xee: {  	s12 =	sadd.s32 $0x1865, s28;
	v58 =	vadd.s32 s2, v0;
	[tilespmem:v53+s14+$0x0] =	vst.idx.msk $0xffff, v7;
	v7 =	vld [tilespmem:s29+$0xFFFFFEF0]  }
0xef: {  	s19 =	sadd.s32 $0x1866, s28;
	[tilespmem:v2+s14+$0x0] =	vst.idx.msk $0xffff, v1;
	v1 =	vld [tilespmem:s29+$0xE0];
	v2 =	vadd.s32 s12, v0  }
0xf0: {  	s3 =	sadd.s32 $0x1C72, s28;
	v4 =	vadd.s32 s19, v0;
	[tilespmem:v55+s14+$0x0] =	vst.idx.msk $0xffff, v54;
	v3 =	vld [tilespmem:s29+$0x160]  }
0xf1: {  	v60 =	vadd.s32 s3, v0;
	s7 =	sadd.s32 $0x1C73, s28;
	v59 =	vld [tilespmem:s29+$0xFFFFFF70];
	[tilespmem:v57+s14+$0x0] =	vst.idx.msk $0xffff, v56  }
0xf2: {  	v62 =	vadd.s32 s7, v0;
	v61 =	vld [tilespmem:s29+$0xFFFFFFF0];
	s12 =	sadd.s32 $0x1C70, s28;
	[tilespmem:v6+s14+$0x0] =	vst.idx.msk $0xffff, v5  }
0xf3: {  	s9 =	sadd.s32 $0x1C74, s28;
	v63 =	vadd.s32 s12, v0;
	[tilespmem:v58+s14+$0x0] =	vst.idx.msk $0xffff, v7;
	v7 =	vld [tilespmem:s29+$0xFFFFFE70]  }
0xf4: {  	s10 =	sadd.s32 $0x1C75, s28;
	[tilespmem:v2+s14+$0x0] =	vst.idx.msk $0xffff, v1;
	v1 =	vld [tilespmem:s29+$0x70];
	v2 =	vadd.s32 s9, v0  }
0xf5: {  	s11 =	sadd.s32 $0x1C76, s28;
	[tilespmem:v4+s14+$0x0] =	vst.idx.msk $0xffff, v3;
	v3 =	vld [tilespmem:s29+$0xF0];
	v4 =	vadd.s32 s10, v0  }
0xf6: {  	v6 =	vadd.s32 s11, v0;
	[tilespmem:v60+s14+$0x0] =	vst.idx.msk $0xffff, v59;
	v5 =	vld [tilespmem:s29+$0x170]  }
0xf7: {  	[tilespmem:v62+s14+$0x0] =	vst.idx.msk $0xffff, v61  }
0xf8: {  	[tilespmem:v63+s14+$0x0] =	vst.idx.msk $0xffff, v7  }
0xf9: {  	[tilespmem:v2+s14+$0x0] =	vst.idx.msk $0xffff, v1  }
0xfa: {  	[tilespmem:v4+s14+$0x0] =	vst.idx.msk $0xffff, v3  }
0xfb: {  	s31 =	simm.s32 $0x4104;
	[tilespmem:v6+s14+$0x0] =	vst.idx.msk $0xffff, v5  }
0xfc: {  	v1 =	vld [tilespmem:s31+$0xC3]  }
0xfd: {  	v2 =	vld [tilespmem:s31+$0xFFFFFF3D]  }
0xfe: {  	v3 =	vld [tilespmem:s31+$0xFFFFFF7E]  }
0xff: {  	v4 =	vld [tilespmem:s31+$0xFFFFFFBF]  }
0x100: {  	s28 =	simm.s32 $0x8200;
	v5 =	vld [tilespmem:s31+$0x0]  }
0x101: {  	v6 =	vld [tilespmem:s31+$0x41];
	[tilespmem:s28+$0xC0] =	vst v1  }
0x102: {  	[tilespmem:s28+$0xFFFFFF40] =	vst v2;
	v2 =	vld [tilespmem:s31+$0x82]  }
0x103: {  	[tilespmem:s28+$0xFFFFFF80] =	vst v3;
	v3 =	vld [tilespmem:s31+$0xFFFFFEFC]  }
0x104: {  	[tilespmem:s28+$0xFFFFFFC0] =	vst v4;
	v1 =	vld [tilespmem:s31+$0xD3]  }
0x105: {  	[tilespmem:s28+$0x0] =	vst v5;
	v5 =	vld [tilespmem:s31+$0xFFFFFF8E]  }
0x106: {  	[tilespmem:s28+$0x40] =	vst v6;
	v4 =	vld [tilespmem:s31+$0xFFFFFF4D]  }
0x107: {  	s29 =	simm.s32 $0x1C0;
	v6 =	vld [tilespmem:s31+$0xFFFFFFCF];
	[tilespmem:s28+$0x80] =	vst v2  }
0x108: {  	s19 =	sor.u32 $0x50, s29;
	[tilespmem:s28+$0xFFFFFF00] =	vst v3;
	v2 =	vld [tilespmem:s31+$0x10]  }
0x109: {  	s0 =	simm.s32 $0x40;
	[tilespmem:s19+$0x8100] =	vst v1;
	v3 =	vld [tilespmem:s31+$0xFFFFFF0C]  }
0x10a: {  	s2 =	simm.s32 $0xC0;
	s21 =	sor.u32 $0x50, s0;
	[tilespmem:s28+$0xFFFFFF90] =	vst v5;
	v5 =	vld [tilespmem:s31+$0x92]  }
0x10b: {  	s7 =	sor.u32 $0x50, s2;
	[tilespmem:s21+$0x8100] =	vst v4;
	v1 =	vld [tilespmem:s31+$0xE3]  }
0x10c: {  	[tilespmem:s7+$0x8100] =	vst v6;
	v6 =	vld [tilespmem:s31+$0xFFFFFF5D]  }
0x10d: {  	v4 =	vld [tilespmem:s31+$0x51];
	[tilespmem:s28+$0x10] =	vst v2  }
0x10e: {  	v2 =	vld [tilespmem:s31+$0xFFFFFF9E];
	[tilespmem:s28+$0xFFFFFF10] =	vst v3  }
0x10f: {  	s9 =	sor.u32 $0x60, s29;
	[tilespmem:s28+$0x90] =	vst v5;
	v5 =	vld [tilespmem:s31+$0x20]  }
0x110: {  	s11 =	sor.u32 $0x60, s0;
	[tilespmem:s9+$0x8100] =	vst v1;
	s9 =	simm.s32 $0x140;
	v3 =	vld [tilespmem:s31+$0xFFFFFF1C]  }
0x111: {  	[tilespmem:s11+$0x8100] =	vst v6;
	v1 =	vld [tilespmem:s31+$0xF3];
	s10 =	sor.u32 $0x50, s9  }
0x112: {  	[tilespmem:s10+$0x8100] =	vst v4;
	v4 =	vld [tilespmem:s31+$0xFFFFFFDF]  }
0x113: {  	v7 =	vld [tilespmem:s31+$0xA2];
	[tilespmem:s28+$0xFFFFFFA0] =	vst v2  }
0x114: {  	v6 =	vld [tilespmem:s31+$0x61];
	[tilespmem:s28+$0x20] =	vst v5  }
0x115: {  	s12 =	sor.u32 $0x70, s29;
	v8 =	vld [tilespmem:s31+$0xFFFFFF6D];
	[tilespmem:s28+$0xFFFFFF20] =	vst v3  }
0x116: {  	p3 =	por $0x1, $0x1;
	s19 =	sor.u32 $0x60, s2;
	[tilespmem:s12+$0x8100] =	vst v1;
	v9 =	vld [tilespmem:s31+$0xFFFFFF2C]  }
.Ltmp7:
0x117: {  	v1 =	vld [tilespmem:s31+$0xFFFFFFAE];
	[tilespmem:s19+$0x8100] =	vst v4;
	(pc) =	sbr.rel @!p3 .LBB2_7-.Ltmp7, $4  }
0x118: {  	s21 =	sor.u32 $0x60, s9;
	[tilespmem:s28+$0xA0] =	vst v7;
	v2 =	vld [tilespmem:s31+$0xFFFFFFEF]  }
0x119: {  	s0 =	sor.u32 $0x70, s0;
	v3 =	vld [tilespmem:s31+$0x30];
	[tilespmem:s21+$0x8100] =	vst v6  }
0x11a: {  	s30 =	simm.s32 $0x0;
	[tilespmem:s0+$0x8100] =	vst v8;
	v4 =	vld [tilespmem:s31+$0x71]  }
0x11b: {  	s3 =	sor.u32 $0x70, s2;
	s0 =	sor.u32 $0x70, s9;
	v5 =	vld [tilespmem:s31+$0xB2];
	s31 =	simm.s32 $0x430C;
	[tilespmem:s28+$0xFFFFFF30] =	vst v9  }
.LBB2_6:
0x11c: {  	v6 =	vld [tilespmem:s31+$0xC3];
	s30 =	sadd.s32 $0x8, s30;
	[tilespmem:s28+$0xFFFFFFB0] =	vst v1  }
0x11d: {  	v1 =	vld [tilespmem:s31+$0xFFFFFF3D];
	p3 =	slt.u32 s30, $0x78;
	[tilespmem:s3+$0x8100] =	vst v2  }
0x11e: {  	v2 =	vld [tilespmem:s31+$0xFFFFFF7E];
	[tilespmem:s28+$0x30] =	vst v3  }
0x11f: {  	v3 =	vld [tilespmem:s31+$0xFFFFFFBF];
	[tilespmem:s0+$0x8100] =	vst v4  }
0x120: {  	v4 =	vld [tilespmem:s31+$0x0];
	[tilespmem:s28+$0xB0] =	vst v5;
	s28 =	sadd.s32 $0x200, s28  }
0x121: {  	v5 =	vld [tilespmem:s31+$0x41];
	[tilespmem:s28+$0xC0] =	vst v6  }
0x122: {  	[tilespmem:s28+$0xFFFFFF40] =	vst v1;
	v1 =	vld [tilespmem:s31+$0xD3]  }
0x123: {  	[tilespmem:s28+$0xFFFFFF80] =	vst v2;
	v2 =	vld [tilespmem:s31+$0x82]  }
0x124: {  	v6 =	vld [tilespmem:s31+$0xFFFFFEFC];
	[tilespmem:s28+$0xFFFFFFC0] =	vst v3  }
0x125: {  	s29 =	sadd.s32 $0x200, s29;
	v3 =	vld [tilespmem:s31+$0xFFFFFF4D];
	[tilespmem:s28+$0x0] =	vst v4  }
0x126: {  	s2 =	sadd.s32 $0xFFFFFF00, s29;
	s3 =	sor.u32 $0x50, s29;
	s0 =	sadd.s32 $0xFFFFFE80, s29;
	v4 =	vld [tilespmem:s31+$0xFFFFFF8E];
	[tilespmem:s28+$0x40] =	vst v5  }
0x127: {  	s12 =	sadd.s32 $0xFFFFFF80, s29;
	s11 =	sor.u32 $0x50, s2;
	s9 =	sor.u32 $0x50, s0;
	v5 =	vld [tilespmem:s31+$0xFFFFFFCF];
	[tilespmem:s3+$0x8100] =	vst v1  }
0x128: {  	s10 =	sor.u32 $0x60, s2;
	s21 =	sor.u32 $0x50, s12;
	s7 =	sor.u32 $0x60, s0;
	[tilespmem:s28+$0x80] =	vst v2;
	v1 =	vld [tilespmem:s31+$0xE3]  }
0x129: {  	s19 =	sor.u32 $0x70, s0;
	s3 =	sor.u32 $0x70, s2;
	s2 =	sor.u32 $0x60, s12;
	[tilespmem:s28+$0xFFFFFF00] =	vst v6;
	v2 =	vld [tilespmem:s31+$0x10]  }
0x12a: {  	s0 =	sor.u32 $0x70, s12;
	v6 =	vld [tilespmem:s31+$0xFFFFFF0C];
	[tilespmem:s9+$0x8100] =	vst v3  }
0x12b: {  	[tilespmem:s28+$0xFFFFFF90] =	vst v4;
	v3 =	vld [tilespmem:s31+$0x51]  }
0x12c: {  	s9 =	sor.u32 $0x60, s29;
	[tilespmem:s11+$0x8100] =	vst v5;
	v4 =	vld [tilespmem:s31+$0x92]  }
0x12d: {  	v5 =	vld [tilespmem:s31+$0xFFFFFF5D];
	[tilespmem:s9+$0x8100] =	vst v1  }
0x12e: {  	[tilespmem:s28+$0x10] =	vst v2;
	v1 =	vld [tilespmem:s31+$0xF3]  }
0x12f: {  	[tilespmem:s28+$0xFFFFFF10] =	vst v6;
	v2 =	vld [tilespmem:s31+$0xFFFFFF9E]  }
0x130: {  	v6 =	vld [tilespmem:s31+$0xFFFFFF1C];
	[tilespmem:s21+$0x8100] =	vst v3  }
0x131: {  	v3 =	vld [tilespmem:s31+$0xFFFFFFDF];
	[tilespmem:s28+$0x90] =	vst v4  }
0x132: {  	[tilespmem:s7+$0x8100] =	vst v5;
	v4 =	vld [tilespmem:s31+$0x20];
	s7 =	sor.u32 $0x70, s29  }
0x133: {  	v5 =	vld [tilespmem:s31+$0x61];
	[tilespmem:s7+$0x8100] =	vst v1  }
0x134: {  	[tilespmem:s28+$0xFFFFFFA0] =	vst v2;
	v7 =	vld [tilespmem:s31+$0xA2]  }
0x135: {  	[tilespmem:s28+$0xFFFFFF20] =	vst v6;
	v6 =	vld [tilespmem:s31+$0xFFFFFF6D]  }
0x136: {  	v8 =	vld [tilespmem:s31+$0xFFFFFF2C];
	[tilespmem:s10+$0x8100] =	vst v3  }
.Ltmp8:
0x137: {  	v1 =	vld [tilespmem:s31+$0xFFFFFFAE];
	[tilespmem:s28+$0x20] =	vst v4;
	(pc) =	sbr.rel @p3 .LBB2_6-.Ltmp8, $4  }
0x138: {  	v2 =	vld [tilespmem:s31+$0xFFFFFFEF];
	[tilespmem:s2+$0x8100] =	vst v5  }
0x139: {  	v3 =	vld [tilespmem:s31+$0x30];
	[tilespmem:s28+$0xA0] =	vst v7  }
0x13a: {  	[tilespmem:s19+$0x8100] =	vst v6;
	v4 =	vld [tilespmem:s31+$0x71]  }
0x13b: {  	[tilespmem:s28+$0xFFFFFF30] =	vst v8;
	v5 =	vld [tilespmem:s31+$0xB2];
	s31 =	sadd.s32 $0x208, s31  }
.LBB2_7:
0x13c: {  	[tilespmem:s28+$0xFFFFFFB0] =	vst v1  }
0x13d: {  	[tilespmem:s3+$0x8100] =	vst v2  }
0x13e: {  	[tilespmem:s28+$0x30] =	vst v3  }
0x13f: {  	s31 =	sshll.u32 s26, $0xA;
	[tilespmem:s0+$0x8100] =	vst v4  }
0x140: {  	s0 =	sadd.s32 s6, s31;
	[tilespmem:s28+$0xB0] =	vst v5  }
0x141: {  	[hbm4b:s0+s4] =	stream.linear.scatter [tilespmem:s15], [sflag:$0x3], $0x2000, $0x38;
	[tilespmem:$0xC100] =	vst v63  }
.LBB2_8:
.Ltmp9:
0x142: {  	s0 =	sadd.s32 s8, s25;
	(pc) =	sbr.rel @p2 .LBB2_14-.Ltmp9, $4  }
0x143: {  	p3 =	sgt.u32 s0, $0x1E83  }
0x144: {  	s0 =	sshll.u32 @!p3 s0, $0x7;
	s2 =	simm.s32 @!p3 $0x400  }
0x145: {  	s3 =	simm.s32 @!p3 $0x7A1400;
	s7 =	simm.s32 @!p3 $0x0;
	s0 =	sadd.s32 @!p3 s1, s0  }
0x146: {  	[tilespmem:s7], [sflag:$0x1] =	stream.strided.gather @!p3 [hbm4b:s0+s2], $0x2000, s3, s2, $0x38;
	[tilespmem:$0xC100] =	vst v63  }
0x147: {  	_ =	swait.ge [sflag:s16], $0x2000  }
0x148: {  	[sflag:s16] =	ssyncset.done $0x0  }
0x149: {  	s0 =	simm.s32 @!p1 $0x4;
	[sflag:s16] =	ssyncadd.s32 $0xFFFFE000  }
0x14a: {  	_ =	swait.ge @!p1 [sflag:s0], $0x2000  }
0x14b: {  	[sflag:s0] =	ssyncset.done @!p1 $0x0  }
0x14c: {  	s26 =	simm.s32 $0x2200;
	s31 =	simm.s32 $0x7;
	[sflag:s0] =	ssyncadd.s32 @!p1 $0xFFFFE000  }
0x14d: {  	s2 =	simm.s32 $0x1;
	v2 =	vadd.s32 s31, v0;
	v1 =	vld [tilespmem:s26+$0x180]  }
0x14e: {  	s3 =	simm.s32 $0x2;
	v4 =	vadd.s32 s2, v0;
	v3 =	vld [tilespmem:s26+$0xFFFFFE80]  }
0x14f: {  	s7 =	simm.s32 $0x3;
	v6 =	vadd.s32 s3, v0;
	v5 =	vld [tilespmem:s26+$0xFFFFFF00]  }
0x150: {  	s9 =	simm.s32 $0x4;
	v8 =	vadd.s32 s7, v0;
	v7 =	vld [tilespmem:s26+$0xFFFFFF80]  }
0x151: {  	s10 =	simm.s32 $0x5;
	v10 =	vadd.s32 s9, v0;
	v9 =	vld [tilespmem:s26+$0x0]  }
0x152: {  	s12 =	simm.s32 $0x6;
	v12 =	vadd.s32 s10, v0;
	v11 =	vld [tilespmem:s26+$0x80];
	[tilespmem:v2+s17+$0x0] =	vst.idx.msk $0xffff, v1  }
0x153: {  	s19 =	simm.s32 $0x0;
	[tilespmem:v4+s17+$0x0] =	vst.idx.msk $0xffff, v3;
	v3 =	vld [tilespmem:s26+$0x100];
	v4 =	vadd.s32 s12, v0  }
0x154: {  	s11 =	simm.s32 $0x417;
	[tilespmem:v6+s17+$0x0] =	vst.idx.msk $0xffff, v5;
	v5 =	vld [tilespmem:s26+$0xFFFFFE00];
	v6 =	vadd.s32 s19, v0  }
0x155: {  	s21 =	simm.s32 $0x411;
	v2 =	vadd.s32 s11, v0;
	[tilespmem:v8+s17+$0x0] =	vst.idx.msk $0xffff, v7;
	v1 =	vld [tilespmem:s26+$0x190]  }
0x156: {  	s25 =	simm.s32 $0x412;
	v8 =	vadd.s32 s21, v0;
	[tilespmem:v10+s17+$0x0] =	vst.idx.msk $0xffff, v9;
	v7 =	vld [tilespmem:s26+$0xFFFFFE90]  }
0x157: {  	s29 =	simm.s32 $0x413;
	v10 =	vadd.s32 s25, v0;
	[tilespmem:v12+s17+$0x0] =	vst.idx.msk $0xffff, v11;
	v9 =	vld [tilespmem:s26+$0xFFFFFF10]  }
0x158: {  	v56 =	vadd.s32 s29, v0;
	s31 =	simm.s32 $0x414;
	v11 =	vld [tilespmem:s26+$0xFFFFFF90];
	[tilespmem:v4+s17+$0x0] =	vst.idx.msk $0xffff, v3  }
0x159: {  	s3 =	simm.s32 $0x415;
	[tilespmem:v6+s17+$0x0] =	vst.idx.msk $0xffff, v5;
	v3 =	vld [tilespmem:s26+$0x10];
	v4 =	vadd.s32 s31, v0  }
0x15a: {  	s30 =	simm.s32 $0x827;
	v5 =	vld [tilespmem:s26+$0x90];
	v6 =	vadd.s32 s3, v0;
	[tilespmem:v2+s17+$0x0] =	vst.idx.msk $0xffff, v1  }
0x15b: {  	s7 =	simm.s32 $0x416;
	v2 =	vadd.s32 s30, v0;
	[tilespmem:v8+s17+$0x0] =	vst.idx.msk $0xffff, v7;
	v1 =	vld [tilespmem:s26+$0x1A0]  }
0x15c: {  	s9 =	simm.s32 $0x410;
	[tilespmem:v10+s17+$0x0] =	vst.idx.msk $0xffff, v9;
	v7 =	vld [tilespmem:s26+$0x110];
	v8 =	vadd.s32 s7, v0  }
0x15d: {  	s10 =	simm.s32 $0x821;
	v9 =	vld [tilespmem:s26+$0xFFFFFE10];
	v10 =	vadd.s32 s9, v0;
	[tilespmem:v56+s17+$0x0] =	vst.idx.msk $0xffff, v11  }
0x15e: {  	v57 =	vadd.s32 s10, v0;
	s12 =	simm.s32 $0x822;
	v11 =	vld [tilespmem:s26+$0xFFFFFEA0];
	[tilespmem:v4+s17+$0x0] =	vst.idx.msk $0xffff, v3  }
0x15f: {  	s19 =	simm.s32 $0x823;
	v3 =	vld [tilespmem:s26+$0xFFFFFF20];
	v4 =	vadd.s32 s12, v0;
	[tilespmem:v6+s17+$0x0] =	vst.idx.msk $0xffff, v5  }
0x160: {  	s11 =	simm.s32 $0xC37;
	v5 =	vld [tilespmem:s26+$0xFFFFFFA0];
	v6 =	vadd.s32 s19, v0;
	[tilespmem:v2+s17+$0x0] =	vst.idx.msk $0xffff, v1  }
0x161: {  	s21 =	simm.s32 $0x824;
	[tilespmem:v8+s17+$0x0] =	vst.idx.msk $0xffff, v7;
	v2 =	vadd.s32 s11, v0;
	v1 =	vld [tilespmem:s26+$0x1B0]  }
0x162: {  	s25 =	simm.s32 $0x825;
	[tilespmem:v10+s17+$0x0] =	vst.idx.msk $0xffff, v9;
	v7 =	vld [tilespmem:s26+$0x20];
	v8 =	vadd.s32 s21, v0  }
0x163: {  	s29 =	simm.s32 $0x826;
	v9 =	vld [tilespmem:s26+$0xA0];
	v10 =	vadd.s32 s25, v0;
	[tilespmem:v57+s17+$0x0] =	vst.idx.msk $0xffff, v11  }
0x164: {  	v58 =	vadd.s32 s29, v0;
	s31 =	simm.s32 $0x820;
	v11 =	vld [tilespmem:s26+$0x120];
	[tilespmem:v4+s17+$0x0] =	vst.idx.msk $0xffff, v3  }
0x165: {  	s2 =	simm.s32 $0xC31;
	v3 =	vld [tilespmem:s26+$0xFFFFFE20];
	v4 =	vadd.s32 s31, v0;
	[tilespmem:v6+s17+$0x0] =	vst.idx.msk $0xffff, v5  }
0x166: {  	s30 =	simm.s32 $0x1047;
	v5 =	vld [tilespmem:s26+$0xFFFFFEB0];
	v6 =	vadd.s32 s2, v0;
	[tilespmem:v2+s17+$0x0] =	vst.idx.msk $0xffff, v1  }
0x167: {  	s3 =	simm.s32 $0xC32;
	[tilespmem:v8+s17+$0x0] =	vst.idx.msk $0xffff, v7;
	v2 =	vadd.s32 s30, v0;
	v1 =	vld [tilespmem:s26+$0x1C0]  }
0x168: {  	s7 =	simm.s32 $0xC33;
	v7 =	vld [tilespmem:s26+$0xFFFFFF30];
	v8 =	vadd.s32 s3, v0;
	[tilespmem:v10+s17+$0x0] =	vst.idx.msk $0xffff, v9  }
0x169: {  	s9 =	simm.s32 $0xC34;
	v9 =	vld [tilespmem:s26+$0xFFFFFFB0];
	v10 =	vadd.s32 s7, v0;
	[tilespmem:v58+s17+$0x0] =	vst.idx.msk $0xffff, v11  }
0x16a: {  	v59 =	vadd.s32 s9, v0;
	s11 =	simm.s32 $0xC35;
	v11 =	vld [tilespmem:s26+$0x30];
	[tilespmem:v4+s17+$0x0] =	vst.idx.msk $0xffff, v3  }
0x16b: {  	s12 =	simm.s32 $0xC36;
	[tilespmem:v6+s17+$0x0] =	vst.idx.msk $0xffff, v5;
	v3 =	vld [tilespmem:s26+$0xB0];
	v4 =	vadd.s32 s11, v0  }
0x16c: {  	s10 =	simm.s32 $0x1457;
	v5 =	vld [tilespmem:s26+$0x130];
	v6 =	vadd.s32 s12, v0;
	[tilespmem:v2+s17+$0x0] =	vst.idx.msk $0xffff, v1  }
0x16d: {  	s19 =	simm.s32 $0xC30;
	[tilespmem:v8+s17+$0x0] =	vst.idx.msk $0xffff, v7;
	v2 =	vadd.s32 s10, v0;
	v1 =	vld [tilespmem:s26+$0x1D0]  }
0x16e: {  	s21 =	simm.s32 $0x1041;
	v7 =	vld [tilespmem:s26+$0xFFFFFE30];
	v8 =	vadd.s32 s19, v0;
	[tilespmem:v10+s17+$0x0] =	vst.idx.msk $0xffff, v9  }
0x16f: {  	s25 =	simm.s32 $0x1042;
	v9 =	vld [tilespmem:s26+$0xFFFFFEC0];
	v10 =	vadd.s32 s21, v0;
	[tilespmem:v59+s17+$0x0] =	vst.idx.msk $0xffff, v11  }
0x170: {  	v60 =	vadd.s32 s25, v0;
	s30 =	simm.s32 $0x1043;
	v11 =	vld [tilespmem:s26+$0xFFFFFF40];
	[tilespmem:v4+s17+$0x0] =	vst.idx.msk $0xffff, v3  }
0x171: {  	s31 =	simm.s32 $0x1044;
	v3 =	vld [tilespmem:s26+$0xFFFFFFC0];
	v4 =	vadd.s32 s30, v0;
	[tilespmem:v6+s17+$0x0] =	vst.idx.msk $0xffff, v5  }
0x172: {  	s29 =	simm.s32 $0x1867;
	v5 =	vld [tilespmem:s26+$0x40];
	v6 =	vadd.s32 s31, v0;
	[tilespmem:v2+s17+$0x0] =	vst.idx.msk $0xffff, v1  }
0x173: {  	s2 =	simm.s32 $0x1045;
	[tilespmem:v8+s17+$0x0] =	vst.idx.msk $0xffff, v7;
	v2 =	vadd.s32 s29, v0;
	v1 =	vld [tilespmem:s26+$0x1E0]  }
0x174: {  	s3 =	simm.s32 $0x1046;
	[tilespmem:v10+s17+$0x0] =	vst.idx.msk $0xffff, v9;
	v7 =	vld [tilespmem:s26+$0xC0];
	v8 =	vadd.s32 s2, v0  }
0x175: {  	s7 =	simm.s32 $0x1040;
	v9 =	vld [tilespmem:s26+$0x140];
	v10 =	vadd.s32 s3, v0;
	[tilespmem:v60+s17+$0x0] =	vst.idx.msk $0xffff, v11  }
0x176: {  	v61 =	vadd.s32 s7, v0;
	s10 =	simm.s32 $0x1451;
	v11 =	vld [tilespmem:s26+$0xFFFFFE40];
	[tilespmem:v4+s17+$0x0] =	vst.idx.msk $0xffff, v3  }
0x177: {  	s11 =	simm.s32 $0x1452;
	v3 =	vld [tilespmem:s26+$0xFFFFFED0];
	v4 =	vadd.s32 s10, v0;
	[tilespmem:v6+s17+$0x0] =	vst.idx.msk $0xffff, v5  }
0x178: {  	s9 =	simm.s32 $0x1C77;
	v5 =	vld [tilespmem:s26+$0xFFFFFF50];
	v6 =	vadd.s32 s11, v0;
	[tilespmem:v2+s17+$0x0] =	vst.idx.msk $0xffff, v1  }
0x179: {  	s12 =	simm.s32 $0x1453;
	[tilespmem:v8+s17+$0x0] =	vst.idx.msk $0xffff, v7;
	v2 =	vadd.s32 s9, v0;
	v1 =	vld [tilespmem:s26+$0x1F0]  }
0x17a: {  	s19 =	simm.s32 $0x1454;
	v7 =	vld [tilespmem:s26+$0xFFFFFFD0];
	v8 =	vadd.s32 s12, v0;
	[tilespmem:v10+s17+$0x0] =	vst.idx.msk $0xffff, v9  }
0x17b: {  	s21 =	simm.s32 $0x1455;
	v9 =	vld [tilespmem:s26+$0x50];
	v10 =	vadd.s32 s19, v0;
	[tilespmem:v61+s17+$0x0] =	vst.idx.msk $0xffff, v11  }
0x17c: {  	v62 =	vadd.s32 s21, v0;
	s29 =	simm.s32 $0x1450;
	v11 =	vld [tilespmem:s26+$0xD0];
	[tilespmem:v4+s17+$0x0] =	vst.idx.msk $0xffff, v3  }
0x17d: {  	s25 =	simm.s32 $0x1456;
	v3 =	vld [tilespmem:s26+$0xFFFFFE50];
	v4 =	vadd.s32 s29, v0;
	[tilespmem:v6+s17+$0x0] =	vst.idx.msk $0xffff, v5  }
0x17e: {  	s30 =	simm.s32 $0x1861;
	[tilespmem:v2+s17+$0x0] =	vst.idx.msk $0xffff, v1;
	v1 =	vld [tilespmem:s26+$0x150];
	v2 =	vadd.s32 s25, v0  }
0x17f: {  	v6 =	vadd.s32 s30, v0;
	v5 =	vld [tilespmem:s26+$0xFFFFFEE0];
	[tilespmem:v8+s17+$0x0] =	vst.idx.msk $0xffff, v7  }
0x180: {  	s31 =	simm.s32 $0x1862;
	[tilespmem:v10+s17+$0x0] =	vst.idx.msk $0xffff, v9  }
0x181: {  	s2 =	simm.s32 $0x1863;
	v7 =	vld [tilespmem:s26+$0xFFFFFF60];
	v8 =	vadd.s32 s31, v0;
	[tilespmem:v62+s17+$0x0] =	vst.idx.msk $0xffff, v11  }
0x182: {  	s3 =	simm.s32 $0x1864;
	v10 =	vadd.s32 s2, v0;
	v9 =	vld [tilespmem:s26+$0xFFFFFFE0];
	[tilespmem:v4+s17+$0x0] =	vst.idx.msk $0xffff, v3  }
0x183: {  	v63 =	vadd.s32 s3, v0;
	s9 =	simm.s32 $0x1866;
	v11 =	vld [tilespmem:s26+$0x60];
	[tilespmem:v2+s17+$0x0] =	vst.idx.msk $0xffff, v1  }
0x184: {  	s7 =	simm.s32 $0x1865;
	[tilespmem:v6+s17+$0x0] =	vst.idx.msk $0xffff, v5;
	v5 =	vadd.s32 s9, v0;
	v4 =	vld [tilespmem:s26+$0x160]  }
0x185: {  	s10 =	simm.s32 $0x1860;
	v3 =	vadd.s32 s7, v0;
	v1 =	vld [tilespmem:s26+$0xE0]  }
0x186: {  	s11 =	simm.s32 $0x1C71;
	v13 =	vadd.s32 s10, v0;
	v6 =	vld [tilespmem:s26+$0xFFFFFE60];
	[tilespmem:v8+s17+$0x0] =	vst.idx.msk $0xffff, v7  }
0x187: {  	v14 =	vadd.s32 s11, v0;
	s12 =	simm.s32 $0x1C72;
	v7 =	vld [tilespmem:s26+$0xFFFFFEF0];
	[tilespmem:v10+s17+$0x0] =	vst.idx.msk $0xffff, v9  }
0x188: {  	s19 =	simm.s32 $0x1C73;
	v16 =	vadd.s32 s12, v0;
	v15 =	vld [tilespmem:s26+$0xFFFFFF70];
	[tilespmem:v63+s17+$0x0] =	vst.idx.msk $0xffff, v11  }
0x189: {  	s21 =	simm.s32 $0x1C74;
	v2 =	vld [tilespmem:s26+$0xFFFFFFF0];
	[tilespmem:v5+s17+$0x0] =	vst.idx.msk $0xffff, v4;
	v4 =	vadd.s32 s19, v0  }
0x18a: {  	s29 =	simm.s32 $0x1C75;
	v8 =	vadd.s32 s21, v0;
	[tilespmem:v3+s17+$0x0] =	vst.idx.msk $0xffff, v1;
	v1 =	vld [tilespmem:s26+$0x70]  }
0x18b: {  	s30 =	simm.s32 $0x1C76;
	[tilespmem:v13+s17+$0x0] =	vst.idx.msk $0xffff, v6;
	v3 =	vld [tilespmem:s26+$0xF0];
	v5 =	vadd.s32 s29, v0  }
0x18c: {  	s28 =	simm.s32 $0x10;
	s31 =	simm.s32 $0x1C70;
	v9 =	vadd.s32 s30, v0;
	[tilespmem:v14+s17+$0x0] =	vst.idx.msk $0xffff, v7;
	v6 =	vld [tilespmem:s26+$0x170]  }
0x18d: {  	s0 =	simm.s32 $0xF;
	s25 =	simm.s32 $0x8;
	v10 =	vadd.s32 s31, v0;
	v7 =	vld [tilespmem:s26+$0xFFFFFE70];
	[tilespmem:v16+s17+$0x0] =	vst.idx.msk $0xffff, v15;
	s26 =	simm.s32 $0x2600  }
.LBB2_10:
0x18e: {  	p1 =	slt.u32 s28, $0x38;
	s2 =	sadd.s32 $0x1, s25;
	v11 =	vld [tilespmem:s26+$0x180];
	v12 =	vadd.s32 s0, v0;
	[tilespmem:v4+s17+$0x0] =	vst.idx.msk $0xffff, v2  }
0x18f: {  	s0 =	sadd.s32 $0x2, s25;
	v2 =	vld [tilespmem:s26+$0xFFFFFE80];
	v4 =	vadd.s32 s2, v0;
	[tilespmem:v8+s17+$0x0] =	vst.idx.msk $0xffff, v1  }
0x190: {  	v8 =	vadd.s32 s0, v0;
	s0 =	sadd.s32 $0x3, s25;
	v1 =	vld [tilespmem:s26+$0xFFFFFF00];
	[tilespmem:v5+s17+$0x0] =	vst.idx.msk $0xffff, v3  }
0x191: {  	v5 =	vadd.s32 s0, v0;
	s0 =	sadd.s32 $0x4, s25;
	v3 =	vld [tilespmem:s26+$0xFFFFFF80];
	[tilespmem:v9+s17+$0x0] =	vst.idx.msk $0xffff, v6  }
0x192: {  	v9 =	vadd.s32 s0, v0;
	s0 =	sadd.s32 $0x5, s25;
	v6 =	vld [tilespmem:s26+$0x0];
	[tilespmem:v10+s17+$0x0] =	vst.idx.msk $0xffff, v7  }
0x193: {  	v10 =	vadd.s32 s0, v0;
	s0 =	sadd.s32 $0x417, s25;
	v7 =	vld [tilespmem:s26+$0x80];
	[tilespmem:v12+s17+$0x0] =	vst.idx.msk $0xffff, v11  }
0x194: {  	s2 =	sadd.s32 $0x6, s25;
	[tilespmem:v4+s17+$0x0] =	vst.idx.msk $0xffff, v2;
	v2 =	vld [tilespmem:s26+$0x190];
	v4 =	vadd.s32 s0, v0  }
0x195: {  	[tilespmem:v8+s17+$0x0] =	vst.idx.msk $0xffff, v1;
	v1 =	vld [tilespmem:s26+$0x100];
	v8 =	vadd.s32 s2, v0  }
0x196: {  	v12 =	vadd.s32 s25, v0;
	s0 =	sadd.s32 $0x411, s25;
	v11 =	vld [tilespmem:s26+$0xFFFFFE00];
	[tilespmem:v5+s17+$0x0] =	vst.idx.msk $0xffff, v3  }
0x197: {  	v5 =	vadd.s32 s0, v0;
	s0 =	sadd.s32 $0x412, s25;
	v3 =	vld [tilespmem:s26+$0xFFFFFE90];
	[tilespmem:v9+s17+$0x0] =	vst.idx.msk $0xffff, v6  }
0x198: {  	v9 =	vadd.s32 s0, v0;
	s0 =	sadd.s32 $0x413, s25;
	v6 =	vld [tilespmem:s26+$0xFFFFFF10];
	[tilespmem:v10+s17+$0x0] =	vst.idx.msk $0xffff, v7  }
0x199: {  	v10 =	vadd.s32 s0, v0;
	s0 =	sadd.s32 $0x827, s25;
	v7 =	vld [tilespmem:s26+$0xFFFFFF90];
	[tilespmem:v4+s17+$0x0] =	vst.idx.msk $0xffff, v2  }
0x19a: {  	s2 =	sadd.s32 $0x414, s25;
	v2 =	vadd.s32 s0, v0;
	[tilespmem:v8+s17+$0x0] =	vst.idx.msk $0xffff, v1;
	v1 =	vld [tilespmem:s26+$0x1A0]  }
0x19b: {  	s0 =	sadd.s32 $0x415, s25;
	v8 =	vadd.s32 s2, v0;
	[tilespmem:v12+s17+$0x0] =	vst.idx.msk $0xffff, v11;
	v4 =	vld [tilespmem:s26+$0x10]  }
0x19c: {  	[tilespmem:v5+s17+$0x0] =	vst.idx.msk $0xffff, v3;
	v3 =	vld [tilespmem:s26+$0x90];
	v5 =	vadd.s32 s0, v0;
	s0 =	sadd.s32 $0x416, s25  }
0x19d: {  	s2 =	sadd.s32 $0x410, s25;
	[tilespmem:v9+s17+$0x0] =	vst.idx.msk $0xffff, v6;
	v6 =	vld [tilespmem:s26+$0x110];
	v9 =	vadd.s32 s0, v0  }
0x19e: {  	v12 =	vadd.s32 s2, v0;
	s0 =	sadd.s32 $0x821, s25;
	v11 =	vld [tilespmem:s26+$0xFFFFFE10];
	[tilespmem:v10+s17+$0x0] =	vst.idx.msk $0xffff, v7  }
0x19f: {  	v10 =	vadd.s32 s0, v0;
	s0 =	sadd.s32 $0xC37, s25;
	v7 =	vld [tilespmem:s26+$0xFFFFFEA0];
	[tilespmem:v2+s17+$0x0] =	vst.idx.msk $0xffff, v1  }
0x1a0: {  	s2 =	sadd.s32 $0x822, s25;
	v2 =	vadd.s32 s0, v0;
	[tilespmem:v8+s17+$0x0] =	vst.idx.msk $0xffff, v4;
	v1 =	vld [tilespmem:s26+$0x1B0]  }
0x1a1: {  	s0 =	sadd.s32 $0x823, s25;
	v8 =	vadd.s32 s2, v0;
	v4 =	vld [tilespmem:s26+$0xFFFFFF20];
	[tilespmem:v5+s17+$0x0] =	vst.idx.msk $0xffff, v3  }
0x1a2: {  	v5 =	vadd.s32 s0, v0;
	s0 =	sadd.s32 $0x824, s25;
	v3 =	vld [tilespmem:s26+$0xFFFFFFA0];
	[tilespmem:v9+s17+$0x0] =	vst.idx.msk $0xffff, v6  }
0x1a3: {  	v9 =	vadd.s32 s0, v0;
	s0 =	sadd.s32 $0x825, s25;
	[tilespmem:v12+s17+$0x0] =	vst.idx.msk $0xffff, v11;
	v6 =	vld [tilespmem:s26+$0x20]  }
0x1a4: {  	[tilespmem:v10+s17+$0x0] =	vst.idx.msk $0xffff, v7;
	v7 =	vld [tilespmem:s26+$0xA0];
	v10 =	vadd.s32 s0, v0;
	s0 =	sadd.s32 $0x826, s25  }
0x1a5: {  	v11 =	vld [tilespmem:s26+$0x120];
	v12 =	vadd.s32 s0, v0;
	[tilespmem:v2+s17+$0x0] =	vst.idx.msk $0xffff, v1;
	s0 =	sadd.s32 $0x1047, s25  }
0x1a6: {  	s2 =	sadd.s32 $0x820, s25;
	[tilespmem:v8+s17+$0x0] =	vst.idx.msk $0xffff, v4;
	v1 =	vld [tilespmem:s26+$0x1C0];
	v2 =	vadd.s32 s0, v0  }
0x1a7: {  	v8 =	vadd.s32 s2, v0;
	s0 =	sadd.s32 $0xC31, s25;
	v4 =	vld [tilespmem:s26+$0xFFFFFE20];
	[tilespmem:v5+s17+$0x0] =	vst.idx.msk $0xffff, v3  }
0x1a8: {  	v5 =	vadd.s32 s0, v0;
	s0 =	sadd.s32 $0xC32, s25;
	v3 =	vld [tilespmem:s26+$0xFFFFFEB0];
	[tilespmem:v9+s17+$0x0] =	vst.idx.msk $0xffff, v6  }
0x1a9: {  	v9 =	vadd.s32 s0, v0;
	s0 =	sadd.s32 $0xC33, s25;
	v6 =	vld [tilespmem:s26+$0xFFFFFF30];
	[tilespmem:v10+s17+$0x0] =	vst.idx.msk $0xffff, v7  }
0x1aa: {  	v10 =	vadd.s32 s0, v0;
	s0 =	sadd.s32 $0xC34, s25;
	v7 =	vld [tilespmem:s26+$0xFFFFFFB0];
	[tilespmem:v12+s17+$0x0] =	vst.idx.msk $0xffff, v11  }
0x1ab: {  	v12 =	vadd.s32 s0, v0;
	s0 =	sadd.s32 $0x1457, s25;
	v11 =	vld [tilespmem:s26+$0x30];
	[tilespmem:v2+s17+$0x0] =	vst.idx.msk $0xffff, v1  }
0x1ac: {  	s2 =	sadd.s32 $0xC35, s25;
	v2 =	vadd.s32 s0, v0;
	[tilespmem:v8+s17+$0x0] =	vst.idx.msk $0xffff, v4;
	v1 =	vld [tilespmem:s26+$0x1D0]  }
0x1ad: {  	s0 =	sadd.s32 $0xC36, s25;
	v4 =	vadd.s32 s2, v0;
	[tilespmem:v5+s17+$0x0] =	vst.idx.msk $0xffff, v3;
	v3 =	vld [tilespmem:s26+$0xB0]  }
0x1ae: {  	s2 =	sadd.s32 $0xC30, s25;
	[tilespmem:v9+s17+$0x0] =	vst.idx.msk $0xffff, v6;
	v5 =	vld [tilespmem:s26+$0x130];
	v6 =	vadd.s32 s0, v0  }
0x1af: {  	v9 =	vadd.s32 s2, v0;
	s0 =	sadd.s32 $0x1041, s25;
	v8 =	vld [tilespmem:s26+$0xFFFFFE30];
	[tilespmem:v10+s17+$0x0] =	vst.idx.msk $0xffff, v7  }
0x1b0: {  	v10 =	vadd.s32 s0, v0;
	s0 =	sadd.s32 $0x1042, s25;
	v7 =	vld [tilespmem:s26+$0xFFFFFEC0];
	[tilespmem:v12+s17+$0x0] =	vst.idx.msk $0xffff, v11  }
0x1b1: {  	v12 =	vadd.s32 s0, v0;
	s0 =	sadd.s32 $0x1867, s25;
	v11 =	vld [tilespmem:s26+$0xFFFFFF40];
	[tilespmem:v2+s17+$0x0] =	vst.idx.msk $0xffff, v1  }
0x1b2: {  	s2 =	sadd.s32 $0x1043, s25;
	v2 =	vadd.s32 s0, v0;
	[tilespmem:v4+s17+$0x0] =	vst.idx.msk $0xffff, v3;
	v1 =	vld [tilespmem:s26+$0x1E0]  }
0x1b3: {  	s0 =	sadd.s32 $0x1044, s25;
	v4 =	vadd.s32 s2, v0;
	v3 =	vld [tilespmem:s26+$0xFFFFFFC0];
	[tilespmem:v6+s17+$0x0] =	vst.idx.msk $0xffff, v5  }
0x1b4: {  	v6 =	vadd.s32 s0, v0;
	s0 =	sadd.s32 $0x1045, s25;
	[tilespmem:v9+s17+$0x0] =	vst.idx.msk $0xffff, v8;
	v5 =	vld [tilespmem:s26+$0x40]  }
0x1b5: {  	v8 =	vadd.s32 s0, v0;
	s0 =	sadd.s32 $0x1046, s25;
	[tilespmem:v10+s17+$0x0] =	vst.idx.msk $0xffff, v7;
	v7 =	vld [tilespmem:s26+$0xC0]  }
0x1b6: {  	s2 =	sadd.s32 $0x1040, s25;
	v10 =	vadd.s32 s0, v0;
	[tilespmem:v12+s17+$0x0] =	vst.idx.msk $0xffff, v11;
	v9 =	vld [tilespmem:s26+$0x140]  }
0x1b7: {  	s0 =	sadd.s32 $0x1C77, s25;
	v12 =	vadd.s32 s2, v0;
	v11 =	vld [tilespmem:s26+$0xFFFFFE40];
	[tilespmem:v2+s17+$0x0] =	vst.idx.msk $0xffff, v1  }
0x1b8: {  	s2 =	sadd.s32 $0x1451, s25;
	v2 =	vadd.s32 s0, v0;
	[tilespmem:v4+s17+$0x0] =	vst.idx.msk $0xffff, v3;
	v1 =	vld [tilespmem:s26+$0x1F0]  }
0x1b9: {  	s0 =	sadd.s32 $0x1452, s25;
	v4 =	vadd.s32 s2, v0;
	v3 =	vld [tilespmem:s26+$0xFFFFFED0];
	[tilespmem:v6+s17+$0x0] =	vst.idx.msk $0xffff, v5  }
0x1ba: {  	v6 =	vadd.s32 s0, v0;
	s0 =	sadd.s32 $0x1453, s25;
	v5 =	vld [tilespmem:s26+$0xFFFFFF50];
	[tilespmem:v8+s17+$0x0] =	vst.idx.msk $0xffff, v7  }
0x1bb: {  	v8 =	vadd.s32 s0, v0;
	s0 =	sadd.s32 $0x1454, s25;
	v7 =	vld [tilespmem:s26+$0xFFFFFFD0];
	[tilespmem:v10+s17+$0x0] =	vst.idx.msk $0xffff, v9  }
0x1bc: {  	v10 =	vadd.s32 s0, v0;
	s0 =	sadd.s32 $0x1455, s25;
	[tilespmem:v12+s17+$0x0] =	vst.idx.msk $0xffff, v11;
	v9 =	vld [tilespmem:s26+$0x50]  }
0x1bd: {  	v12 =	vadd.s32 s0, v0;
	s0 =	sadd.s32 $0x1456, s25;
	v11 =	vld [tilespmem:s26+$0xD0];
	[tilespmem:v2+s17+$0x0] =	vst.idx.msk $0xffff, v1  }
0x1be: {  	s2 =	sadd.s32 $0x1450, s25;
	v2 =	vadd.s32 s0, v0;
	[tilespmem:v4+s17+$0x0] =	vst.idx.msk $0xffff, v3;
	v1 =	vld [tilespmem:s26+$0x150]  }
0x1bf: {  	s0 =	sadd.s32 $0x1861, s25;
	v4 =	vadd.s32 s2, v0;
	v3 =	vld [tilespmem:s26+$0xFFFFFE50];
	[tilespmem:v6+s17+$0x0] =	vst.idx.msk $0xffff, v5  }
0x1c0: {  	v6 =	vadd.s32 s0, v0;
	s0 =	sadd.s32 $0x1862, s25;
	v5 =	vld [tilespmem:s26+$0xFFFFFEE0];
	[tilespmem:v8+s17+$0x0] =	vst.idx.msk $0xffff, v7  }
0x1c1: {  	v8 =	vadd.s32 s0, v0;
	s0 =	sadd.s32 $0x1863, s25;
	v7 =	vld [tilespmem:s26+$0xFFFFFF60];
	[tilespmem:v10+s17+$0x0] =	vst.idx.msk $0xffff, v9  }
0x1c2: {  	v10 =	vadd.s32 s0, v0;
	s0 =	sadd.s32 $0x1864, s25;
	v9 =	vld [tilespmem:s26+$0xFFFFFFE0];
	[tilespmem:v12+s17+$0x0] =	vst.idx.msk $0xffff, v11  }
0x1c3: {  	v12 =	vadd.s32 s0, v0;
	s0 =	sadd.s32 $0x1865, s25;
	v11 =	vld [tilespmem:s26+$0x60];
	[tilespmem:v2+s17+$0x0] =	vst.idx.msk $0xffff, v1  }
0x1c4: {  	[tilespmem:v4+s17+$0x0] =	vst.idx.msk $0xffff, v3;
	v1 =	vld [tilespmem:s26+$0xE0];
	v3 =	vadd.s32 s0, v0;
	s0 =	sadd.s32 $0x1866, s25  }
0x1c5: {  	s2 =	sadd.s32 $0x1860, s25;
	[tilespmem:v6+s17+$0x0] =	vst.idx.msk $0xffff, v5;
	v5 =	vld [tilespmem:s26+$0x160];
	v6 =	vadd.s32 s0, v0  }
0x1c6: {  	v14 =	vadd.s32 s2, v0;
	s0 =	sadd.s32 $0x1C71, s25;
	v13 =	vld [tilespmem:s26+$0xFFFFFE60];
	[tilespmem:v8+s17+$0x0] =	vst.idx.msk $0xffff, v7  }
0x1c7: {  	v15 =	vadd.s32 s0, v0;
	s0 =	sadd.s32 $0x1C72, s25;
	v7 =	vld [tilespmem:s26+$0xFFFFFEF0];
	[tilespmem:v10+s17+$0x0] =	vst.idx.msk $0xffff, v9  }
0x1c8: {  	v17 =	vadd.s32 s0, v0;
	s0 =	sadd.s32 $0x1C73, s25;
	v16 =	vld [tilespmem:s26+$0xFFFFFF70];
	[tilespmem:v12+s17+$0x0] =	vst.idx.msk $0xffff, v11  }
.Ltmp10:
0x1c9: {  	v4 =	vadd.s32 s0, v0;
	s0 =	sadd.s32 $0x1C74, s25;
	v2 =	vld [tilespmem:s26+$0xFFFFFFF0];
	[tilespmem:v3+s17+$0x0] =	vst.idx.msk $0xffff, v1;
	(pc) =	sbr.rel @p1 .LBB2_10-.Ltmp10, $4  }
0x1ca: {  	v8 =	vadd.s32 s0, v0;
	s0 =	sadd.s32 $0x1C75, s25;
	v1 =	vld [tilespmem:s26+$0x70];
	[tilespmem:v6+s17+$0x0] =	vst.idx.msk $0xffff, v5  }
0x1cb: {  	v5 =	vadd.s32 s0, v0;
	s0 =	sadd.s32 $0x1C76, s25;
	[tilespmem:v14+s17+$0x0] =	vst.idx.msk $0xffff, v13;
	v3 =	vld [tilespmem:s26+$0xF0]  }
0x1cc: {  	s2 =	sadd.s32 $0x1C70, s25;
	s25 =	smov.u32 s28;
	v9 =	vadd.s32 s0, v0;
	[tilespmem:v15+s17+$0x0] =	vst.idx.msk $0xffff, v7;
	v6 =	vld [tilespmem:s26+$0x170]  }
0x1cd: {  	v10 =	vadd.s32 s2, v0;
	s28 =	sadd.s32 $0x8, s28;
	s0 =	sadd.s32 $0x7, s25;
	v7 =	vld [tilespmem:s26+$0xFFFFFE70];
	[tilespmem:v17+s17+$0x0] =	vst.idx.msk $0xffff, v16;
	s26 =	sadd.s32 $0x400, s26  }
0x1ce: {  	_ =	sdelay $0x3  }
0x1cf: {  	v11 =	vld [tilespmem:s26+$0x180];
	v12 =	vadd.s32 s0, v0;
	[tilespmem:v4+s17+$0x0] =	vst.idx.msk $0xffff, v2  }
0x1d0: {  	s2 =	sadd.s32 $0x1, s25;
	v21 =	vld [tilespmem:s26+$0xFFFFFE00];
	v22 =	vadd.s32 s25, v0;
	[tilespmem:v8+s17+$0x0] =	vst.idx.msk $0xffff, v1  }
0x1d1: {  	v2 =	vld [tilespmem:s26+$0xFFFFFE80];
	s19 =	sadd.s32 $0x2, s25;
	v4 =	vadd.s32 s2, v0;
	[tilespmem:v5+s17+$0x0] =	vst.idx.msk $0xffff, v3  }
0x1d2: {  	s21 =	sadd.s32 $0x3, s25;
	v1 =	vld [tilespmem:s26+$0xFFFFFF00];
	v17 =	vadd.s32 s19, v0;
	[tilespmem:v9+s17+$0x0] =	vst.idx.msk $0xffff, v6  }
0x1d3: {  	s30 =	sadd.s32 $0x4, s25;
	v3 =	vld [tilespmem:s26+$0xFFFFFF80];
	v5 =	vadd.s32 s21, v0;
	[tilespmem:v10+s17+$0x0] =	vst.idx.msk $0xffff, v7  }
0x1d4: {  	s31 =	sadd.s32 $0x5, s25;
	v18 =	vadd.s32 s30, v0;
	v6 =	vld [tilespmem:s26+$0x0];
	[tilespmem:v12+s17+$0x0] =	vst.idx.msk $0xffff, v11  }
0x1d5: {  	v19 =	vadd.s32 s31, v0;
	s2 =	sadd.s32 $0x417, s25;
	v7 =	vld [tilespmem:s26+$0x80];
	[tilespmem:v22+s17+$0x0] =	vst.idx.msk $0xffff, v21  }
0x1d6: {  	s3 =	sadd.s32 $0x6, s25;
	[tilespmem:v4+s17+$0x0] =	vst.idx.msk $0xffff, v2;
	v2 =	vld [tilespmem:s26+$0x190];
	v4 =	vadd.s32 s2, v0  }
0x1d7: {  	s7 =	sadd.s32 $0x411, s25;
	v20 =	vadd.s32 s3, v0;
	[tilespmem:v17+s17+$0x0] =	vst.idx.msk $0xffff, v1;
	v1 =	vld [tilespmem:s26+$0x100]  }
0x1d8: {  	s9 =	sadd.s32 $0x412, s25;
	[tilespmem:v5+s17+$0x0] =	vst.idx.msk $0xffff, v3;
	v3 =	vld [tilespmem:s26+$0xFFFFFE90];
	v5 =	vadd.s32 s7, v0  }
0x1d9: {  	s10 =	sadd.s32 $0x413, s25;
	v23 =	vadd.s32 s9, v0;
	[tilespmem:v18+s17+$0x0] =	vst.idx.msk $0xffff, v6;
	v6 =	vld [tilespmem:s26+$0xFFFFFF10]  }
0x1da: {  	s12 =	sadd.s32 $0x414, s25;
	v24 =	vadd.s32 s10, v0;
	[tilespmem:v19+s17+$0x0] =	vst.idx.msk $0xffff, v7;
	v7 =	vld [tilespmem:s26+$0xFFFFFF90]  }
0x1db: {  	s11 =	sadd.s32 $0x827, s25;
	v25 =	vadd.s32 s12, v0;
	[tilespmem:v4+s17+$0x0] =	vst.idx.msk $0xffff, v2;
	v4 =	vld [tilespmem:s26+$0x10]  }
0x1dc: {  	s19 =	sadd.s32 $0x415, s25;
	[tilespmem:v20+s17+$0x0] =	vst.idx.msk $0xffff, v1;
	v2 =	vadd.s32 s11, v0;
	v1 =	vld [tilespmem:s26+$0x1A0]  }
0x1dd: {  	s30 =	sadd.s32 $0x410, s25;
	[tilespmem:v5+s17+$0x0] =	vst.idx.msk $0xffff, v3;
	v3 =	vld [tilespmem:s26+$0x90];
	v5 =	vadd.s32 s19, v0  }
0x1de: {  	s21 =	sadd.s32 $0x416, s25;
	v27 =	vadd.s32 s30, v0;
	v11 =	vld [tilespmem:s26+$0xFFFFFE10];
	[tilespmem:v23+s17+$0x0] =	vst.idx.msk $0xffff, v6  }
0x1df: {  	s31 =	sadd.s32 $0x821, s25;
	v26 =	vadd.s32 s21, v0;
	v6 =	vld [tilespmem:s26+$0x110];
	[tilespmem:v24+s17+$0x0] =	vst.idx.msk $0xffff, v7  }
0x1e0: {  	s3 =	sadd.s32 $0x822, s25;
	v28 =	vadd.s32 s31, v0;
	v7 =	vld [tilespmem:s26+$0xFFFFFEA0];
	[tilespmem:v25+s17+$0x0] =	vst.idx.msk $0xffff, v4  }
0x1e1: {  	v29 =	vadd.s32 s3, v0;
	s7 =	sadd.s32 $0x823, s25;
	v4 =	vld [tilespmem:s26+$0xFFFFFF20];
	[tilespmem:v2+s17+$0x0] =	vst.idx.msk $0xffff, v1  }
0x1e2: {  	s2 =	sadd.s32 $0xC37, s25;
	[tilespmem:v5+s17+$0x0] =	vst.idx.msk $0xffff, v3;
	v3 =	vld [tilespmem:s26+$0xFFFFFFA0];
	v5 =	vadd.s32 s7, v0  }
0x1e3: {  	s9 =	sadd.s32 $0x824, s25;
	[tilespmem:v27+s17+$0x0] =	vst.idx.msk $0xffff, v11;
	v2 =	vadd.s32 s2, v0;
	v1 =	vld [tilespmem:s26+$0x1B0]  }
0x1e4: {  	s10 =	sadd.s32 $0x825, s25;
	v30 =	vadd.s32 s9, v0;
	[tilespmem:v26+s17+$0x0] =	vst.idx.msk $0xffff, v6;
	v6 =	vld [tilespmem:s26+$0x20]  }
0x1e5: {  	v31 =	vadd.s32 s10, v0;
	s11 =	sadd.s32 $0x826, s25;
	[tilespmem:v28+s17+$0x0] =	vst.idx.msk $0xffff, v7;
	v7 =	vld [tilespmem:s26+$0xA0]  }
0x1e6: {  	v33 =	vadd.s32 s11, v0;
	s19 =	sadd.s32 $0x820, s25;
	v32 =	vld [tilespmem:s26+$0x120];
	[tilespmem:v29+s17+$0x0] =	vst.idx.msk $0xffff, v4  }
0x1e7: {  	s21 =	sadd.s32 $0xC31, s25;
	v34 =	vadd.s32 s19, v0;
	v4 =	vld [tilespmem:s26+$0xFFFFFE20];
	[tilespmem:v5+s17+$0x0] =	vst.idx.msk $0xffff, v3  }
0x1e8: {  	s30 =	sadd.s32 $0xC32, s25;
	v3 =	vld [tilespmem:s26+$0xFFFFFEB0];
	v5 =	vadd.s32 s21, v0;
	[tilespmem:v2+s17+$0x0] =	vst.idx.msk $0xffff, v1  }
0x1e9: {  	s12 =	sadd.s32 $0x1047, s25;
	v35 =	vadd.s32 s30, v0;
	[tilespmem:v30+s17+$0x0] =	vst.idx.msk $0xffff, v6;
	v6 =	vld [tilespmem:s26+$0xFFFFFF30]  }
0x1ea: {  	s31 =	sadd.s32 $0xC33, s25;
	v2 =	vadd.s32 s12, v0;
	v1 =	vld [tilespmem:s26+$0x1C0];
	[tilespmem:v31+s17+$0x0] =	vst.idx.msk $0xffff, v7  }
0x1eb: {  	v36 =	vadd.s32 s31, v0;
	s2 =	sadd.s32 $0xC34, s25;
	v7 =	vld [tilespmem:s26+$0xFFFFFFB0];
	[tilespmem:v33+s17+$0x0] =	vst.idx.msk $0xffff, v32  }
0x1ec: {  	s7 =	sadd.s32 $0xC35, s25;
	v38 =	vadd.s32 s2, v0;
	v37 =	vld [tilespmem:s26+$0x30];
	[tilespmem:v34+s17+$0x0] =	vst.idx.msk $0xffff, v4  }
0x1ed: {  	s10 =	sadd.s32 $0xC30, s25;
	v4 =	vadd.s32 s7, v0;
	[tilespmem:v5+s17+$0x0] =	vst.idx.msk $0xffff, v3;
	v3 =	vld [tilespmem:s26+$0xB0]  }
0x1ee: {  	s9 =	sadd.s32 $0xC36, s25;
	v39 =	vadd.s32 s10, v0;
	v8 =	vld [tilespmem:s26+$0xFFFFFE30];
	[tilespmem:v35+s17+$0x0] =	vst.idx.msk $0xffff, v6  }
0x1ef: {  	s11 =	sadd.s32 $0x1041, s25;
	v5 =	vld [tilespmem:s26+$0x130];
	v6 =	vadd.s32 s9, v0;
	[tilespmem:v2+s17+$0x0] =	vst.idx.msk $0xffff, v1  }
0x1f0: {  	s3 =	sadd.s32 $0x1457, s25;
	v40 =	vadd.s32 s11, v0;
	[tilespmem:v36+s17+$0x0] =	vst.idx.msk $0xffff, v7;
	v7 =	vld [tilespmem:s26+$0xFFFFFEC0]  }
0x1f1: {  	s12 =	sadd.s32 $0x1042, s25;
	v2 =	vadd.s32 s3, v0;
	[tilespmem:v38+s17+$0x0] =	vst.idx.msk $0xffff, v37;
	v1 =	vld [tilespmem:s26+$0x1D0]  }
0x1f2: {  	s21 =	sadd.s32 $0x1043, s25;
	v42 =	vadd.s32 s12, v0;
	v41 =	vld [tilespmem:s26+$0xFFFFFF40];
	[tilespmem:v4+s17+$0x0] =	vst.idx.msk $0xffff, v3  }
0x1f3: {  	s30 =	sadd.s32 $0x1044, s25;
	v3 =	vld [tilespmem:s26+$0xFFFFFFC0];
	v4 =	vadd.s32 s21, v0;
	[tilespmem:v39+s17+$0x0] =	vst.idx.msk $0xffff, v8  }
0x1f4: {  	s3 =	sadd.s32 $0x1040, s25;
	[tilespmem:v6+s17+$0x0] =	vst.idx.msk $0xffff, v5;
	v5 =	vld [tilespmem:s26+$0x40];
	v6 =	vadd.s32 s30, v0  }
0x1f5: {  	s31 =	sadd.s32 $0x1045, s25;
	v47 =	vadd.s32 s3, v0;
	v46 =	vld [tilespmem:s26+$0xFFFFFE40];
	[tilespmem:v40+s17+$0x0] =	vst.idx.msk $0xffff, v7  }
0x1f6: {  	v43 =	vadd.s32 s31, v0;
	s19 =	sadd.s32 $0x1867, s25;
	v7 =	vld [tilespmem:s26+$0xC0];
	[tilespmem:v2+s17+$0x0] =	vst.idx.msk $0xffff, v1  }
0x1f7: {  	s2 =	sadd.s32 $0x1046, s25;
	[tilespmem:v42+s17+$0x0] =	vst.idx.msk $0xffff, v41;
	v2 =	vadd.s32 s19, v0;
	v1 =	vld [tilespmem:s26+$0x1E0]  }
0x1f8: {  	v45 =	vadd.s32 s2, v0;
	s9 =	sadd.s32 $0x1451, s25;
	v44 =	vld [tilespmem:s26+$0x140];
	[tilespmem:v4+s17+$0x0] =	vst.idx.msk $0xffff, v3  }
0x1f9: {  	s10 =	sadd.s32 $0x1452, s25;
	v3 =	vld [tilespmem:s26+$0xFFFFFED0];
	v4 =	vadd.s32 s9, v0;
	[tilespmem:v6+s17+$0x0] =	vst.idx.msk $0xffff, v5  }
0x1fa: {  	s11 =	sadd.s32 $0x1453, s25;
	v5 =	vld [tilespmem:s26+$0xFFFFFF50];
	v6 =	vadd.s32 s10, v0;
	[tilespmem:v47+s17+$0x0] =	vst.idx.msk $0xffff, v46  }
0x1fb: {  	v48 =	vadd.s32 s11, v0;
	s12 =	sadd.s32 $0x1454, s25;
	[tilespmem:v43+s17+$0x0] =	vst.idx.msk $0xffff, v7;
	v7 =	vld [tilespmem:s26+$0xFFFFFFD0]  }
0x1fc: {  	v50 =	vadd.s32 s12, v0;
	s7 =	sadd.s32 $0x1C77, s25;
	v49 =	vld [tilespmem:s26+$0x50];
	[tilespmem:v2+s17+$0x0] =	vst.idx.msk $0xffff, v1  }
0x1fd: {  	s19 =	sadd.s32 $0x1455, s25;
	[tilespmem:v45+s17+$0x0] =	vst.idx.msk $0xffff, v44;
	v2 =	vadd.s32 s7, v0;
	v1 =	vld [tilespmem:s26+$0x1F0]  }
0x1fe: {  	s30 =	sadd.s32 $0x1450, s25;
	v52 =	vadd.s32 s19, v0;
	v51 =	vld [tilespmem:s26+$0xD0];
	[tilespmem:v4+s17+$0x0] =	vst.idx.msk $0xffff, v3  }
0x1ff: {  	s31 =	sadd.s32 $0x1861, s25;
	v3 =	vld [tilespmem:s26+$0xFFFFFE50];
	v4 =	vadd.s32 s30, v0;
	[tilespmem:v6+s17+$0x0] =	vst.idx.msk $0xffff, v5  }
0x200: {  	s2 =	sadd.s32 $0x1862, s25;
	v5 =	vld [tilespmem:s26+$0xFFFFFEE0];
	v6 =	vadd.s32 s31, v0;
	[tilespmem:v48+s17+$0x0] =	vst.idx.msk $0xffff, v7  }
0x201: {  	v53 =	vadd.s32 s2, v0;
	s21 =	sadd.s32 $0x1456, s25;
	v7 =	vld [tilespmem:s26+$0xFFFFFF60];
	[tilespmem:v50+s17+$0x0] =	vst.idx.msk $0xffff, v49  }
0x202: {  	s3 =	sadd.s32 $0x1863, s25;
	[tilespmem:v2+s17+$0x0] =	vst.idx.msk $0xffff, v1;
	v1 =	vld [tilespmem:s26+$0x150];
	v2 =	vadd.s32 s21, v0  }
0x203: {  	v55 =	vadd.s32 s3, v0;
	s7 =	sadd.s32 $0x1864, s25;
	v54 =	vld [tilespmem:s26+$0xFFFFFFE0];
	[tilespmem:v52+s17+$0x0] =	vst.idx.msk $0xffff, v51  }
0x204: {  	s11 =	sadd.s32 $0x1860, s25;
	v57 =	vadd.s32 s7, v0;
	v56 =	vld [tilespmem:s26+$0x60];
	[tilespmem:v4+s17+$0x0] =	vst.idx.msk $0xffff, v3  }
0x205: {  	s12 =	sadd.s32 $0x1C71, s25;
	[tilespmem:v6+s17+$0x0] =	vst.idx.msk $0xffff, v5;
	v5 =	vld [tilespmem:s26+$0xFFFFFE60];
	v6 =	vadd.s32 s11, v0  }
0x206: {  	v58 =	vadd.s32 s12, v0;
	s9 =	sadd.s32 $0x1865, s25;
	[tilespmem:v53+s17+$0x0] =	vst.idx.msk $0xffff, v7;
	v7 =	vld [tilespmem:s26+$0xFFFFFEF0]  }
0x207: {  	s10 =	sadd.s32 $0x1866, s25;
	[tilespmem:v2+s17+$0x0] =	vst.idx.msk $0xffff, v1;
	v1 =	vld [tilespmem:s26+$0xE0];
	v2 =	vadd.s32 s9, v0  }
0x208: {  	s19 =	sadd.s32 $0x1C72, s25;
	v4 =	vadd.s32 s10, v0;
	[tilespmem:v55+s17+$0x0] =	vst.idx.msk $0xffff, v54;
	v3 =	vld [tilespmem:s26+$0x160]  }
0x209: {  	v60 =	vadd.s32 s19, v0;
	s21 =	sadd.s32 $0x1C73, s25;
	v59 =	vld [tilespmem:s26+$0xFFFFFF70];
	[tilespmem:v57+s17+$0x0] =	vst.idx.msk $0xffff, v56  }
0x20a: {  	s3 =	sadd.s32 $0x1C70, s25;
	v62 =	vadd.s32 s21, v0;
	v61 =	vld [tilespmem:s26+$0xFFFFFFF0];
	[tilespmem:v6+s17+$0x0] =	vst.idx.msk $0xffff, v5  }
0x20b: {  	v63 =	vadd.s32 s3, v0;
	s30 =	sadd.s32 $0x1C74, s25;
	[tilespmem:v58+s17+$0x0] =	vst.idx.msk $0xffff, v7;
	v7 =	vld [tilespmem:s26+$0xFFFFFE70]  }
0x20c: {  	s31 =	sadd.s32 $0x1C75, s25;
	[tilespmem:v2+s17+$0x0] =	vst.idx.msk $0xffff, v1;
	v1 =	vld [tilespmem:s26+$0x70];
	v2 =	vadd.s32 s30, v0  }
0x20d: {  	s2 =	sadd.s32 $0x1C76, s25;
	[tilespmem:v4+s17+$0x0] =	vst.idx.msk $0xffff, v3;
	v3 =	vld [tilespmem:s26+$0xF0];
	v4 =	vadd.s32 s31, v0  }
0x20e: {  	v6 =	vadd.s32 s2, v0;
	[tilespmem:v60+s17+$0x0] =	vst.idx.msk $0xffff, v59;
	v5 =	vld [tilespmem:s26+$0x170]  }
0x20f: {  	[tilespmem:v62+s17+$0x0] =	vst.idx.msk $0xffff, v61  }
0x210: {  	[tilespmem:v63+s17+$0x0] =	vst.idx.msk $0xffff, v7  }
0x211: {  	[tilespmem:v2+s17+$0x0] =	vst.idx.msk $0xffff, v1  }
0x212: {  	[tilespmem:v4+s17+$0x0] =	vst.idx.msk $0xffff, v3  }
0x213: {  	s29 =	simm.s32 $0x6184;
	[tilespmem:v6+s17+$0x0] =	vst.idx.msk $0xffff, v5  }
0x214: {  	v1 =	vld [tilespmem:s29+$0xC3]  }
0x215: {  	v2 =	vld [tilespmem:s29+$0xFFFFFF3D]  }
0x216: {  	v3 =	vld [tilespmem:s29+$0xFFFFFF7E]  }
0x217: {  	v4 =	vld [tilespmem:s29+$0xFFFFFFBF]  }
0x218: {  	s25 =	simm.s32 $0xA200;
	v5 =	vld [tilespmem:s29+$0x0]  }
0x219: {  	v6 =	vld [tilespmem:s29+$0x41];
	[tilespmem:s25+$0xC0] =	vst v1  }
0x21a: {  	[tilespmem:s25+$0xFFFFFF40] =	vst v2;
	v2 =	vld [tilespmem:s29+$0x82]  }
0x21b: {  	[tilespmem:s25+$0xFFFFFF80] =	vst v3;
	v3 =	vld [tilespmem:s29+$0xFFFFFEFC]  }
0x21c: {  	[tilespmem:s25+$0xFFFFFFC0] =	vst v4;
	v1 =	vld [tilespmem:s29+$0xD3]  }
0x21d: {  	[tilespmem:s25+$0x0] =	vst v5;
	v4 =	vld [tilespmem:s29+$0xFFFFFF4D]  }
0x21e: {  	[tilespmem:s25+$0x40] =	vst v6;
	v5 =	vld [tilespmem:s29+$0xFFFFFF8E]  }
0x21f: {  	s26 =	simm.s32 $0x1C0;
	v6 =	vld [tilespmem:s29+$0xFFFFFFCF];
	[tilespmem:s25+$0x80] =	vst v2  }
0x220: {  	s0 =	simm.s32 $0x40;
	s7 =	sor.u32 $0x50, s26;
	[tilespmem:s25+$0xFFFFFF00] =	vst v3;
	v2 =	vld [tilespmem:s29+$0x10]  }
0x221: {  	s9 =	sor.u32 $0x50, s0;
	[tilespmem:s7+$0xA100] =	vst v1;
	v3 =	vld [tilespmem:s29+$0xFFFFFF0C]  }
0x222: {  	s3 =	simm.s32 $0xC0;
	[tilespmem:s9+$0xA100] =	vst v4;
	v4 =	vld [tilespmem:s29+$0x51]  }
0x223: {  	s10 =	sor.u32 $0x50, s3;
	[tilespmem:s25+$0xFFFFFF90] =	vst v5;
	v5 =	vld [tilespmem:s29+$0x92]  }
0x224: {  	[tilespmem:s10+$0xA100] =	vst v6;
	v1 =	vld [tilespmem:s29+$0xE3]  }
0x225: {  	s12 =	simm.s32 $0x140;
	v6 =	vld [tilespmem:s29+$0xFFFFFF5D];
	[tilespmem:s25+$0x10] =	vst v2  }
0x226: {  	s7 =	sor.u32 $0x50, s12;
	v2 =	vld [tilespmem:s29+$0xFFFFFF9E];
	[tilespmem:s25+$0xFFFFFF10] =	vst v3  }
0x227: {  	[tilespmem:s7+$0xA100] =	vst v4;
	v4 =	vld [tilespmem:s29+$0xFFFFFFDF]  }
0x228: {  	s11 =	sor.u32 $0x60, s26;
	[tilespmem:s25+$0x90] =	vst v5;
	v3 =	vld [tilespmem:s29+$0xFFFFFF1C]  }
0x229: {  	s19 =	sor.u32 $0x60, s0;
	v5 =	vld [tilespmem:s29+$0x20];
	[tilespmem:s11+$0xA100] =	vst v1  }
0x22a: {  	[tilespmem:s19+$0xA100] =	vst v6;
	v1 =	vld [tilespmem:s29+$0xF3]  }
0x22b: {  	s30 =	sor.u32 $0x60, s3;
	v6 =	vld [tilespmem:s29+$0x61];
	[tilespmem:s25+$0xFFFFFFA0] =	vst v2  }
0x22c: {  	v7 =	vld [tilespmem:s29+$0xA2];
	[tilespmem:s30+$0xA100] =	vst v4  }
0x22d: {  	v8 =	vld [tilespmem:s29+$0xFFFFFF6D];
	[tilespmem:s25+$0xFFFFFF20] =	vst v3  }
0x22e: {  	p1 =	por $0x1, $0x1;
	s21 =	sor.u32 $0x70, s26;
	[tilespmem:s25+$0x20] =	vst v5;
	v9 =	vld [tilespmem:s29+$0xFFFFFF2C]  }
.Ltmp11:
0x22f: {  	s31 =	sor.u32 $0x60, s12;
	[tilespmem:s21+$0xA100] =	vst v1;
	v1 =	vld [tilespmem:s29+$0xFFFFFFAE];
	(pc) =	sbr.rel @!p1 .LBB2_13-.Ltmp11, $4  }
0x230: {  	v2 =	vld [tilespmem:s29+$0xFFFFFFEF];
	[tilespmem:s31+$0xA100] =	vst v6  }
0x231: {  	s0 =	sor.u32 $0x70, s0;
	v3 =	vld [tilespmem:s29+$0x30];
	[tilespmem:s25+$0xA0] =	vst v7  }
0x232: {  	s28 =	simm.s32 $0x0;
	[tilespmem:s0+$0xA100] =	vst v8;
	v4 =	vld [tilespmem:s29+$0x71]  }
0x233: {  	s3 =	sor.u32 $0x70, s3;
	s0 =	sor.u32 $0x70, s12;
	v5 =	vld [tilespmem:s29+$0xB2];
	s29 =	simm.s32 $0x638C;
	[tilespmem:s25+$0xFFFFFF30] =	vst v9  }
.LBB2_12:
0x234: {  	v6 =	vld [tilespmem:s29+$0xC3];
	s28 =	sadd.s32 $0x8, s28;
	[tilespmem:s25+$0xFFFFFFB0] =	vst v1  }
0x235: {  	v1 =	vld [tilespmem:s29+$0xFFFFFF3D];
	p1 =	slt.u32 s28, $0x78;
	[tilespmem:s3+$0xA100] =	vst v2  }
0x236: {  	v2 =	vld [tilespmem:s29+$0xFFFFFF7E];
	[tilespmem:s25+$0x30] =	vst v3  }
0x237: {  	v3 =	vld [tilespmem:s29+$0xFFFFFFBF];
	[tilespmem:s0+$0xA100] =	vst v4  }
0x238: {  	v4 =	vld [tilespmem:s29+$0x0];
	[tilespmem:s25+$0xB0] =	vst v5;
	s25 =	sadd.s32 $0x200, s25  }
0x239: {  	v5 =	vld [tilespmem:s29+$0x41];
	[tilespmem:s25+$0xC0] =	vst v6  }
0x23a: {  	[tilespmem:s25+$0xFFFFFF40] =	vst v1;
	v1 =	vld [tilespmem:s29+$0xD3]  }
0x23b: {  	[tilespmem:s25+$0xFFFFFF80] =	vst v2;
	v2 =	vld [tilespmem:s29+$0x82]  }
0x23c: {  	v6 =	vld [tilespmem:s29+$0xFFFFFEFC];
	[tilespmem:s25+$0xFFFFFFC0] =	vst v3  }
0x23d: {  	s26 =	sadd.s32 $0x200, s26;
	v3 =	vld [tilespmem:s29+$0xFFFFFF4D];
	[tilespmem:s25+$0x0] =	vst v4  }
0x23e: {  	s2 =	sadd.s32 $0xFFFFFF00, s26;
	s3 =	sor.u32 $0x50, s26;
	s0 =	sadd.s32 $0xFFFFFE80, s26;
	v4 =	vld [tilespmem:s29+$0xFFFFFF8E];
	[tilespmem:s25+$0x40] =	vst v5  }
0x23f: {  	s10 =	sadd.s32 $0xFFFFFF80, s26;
	s9 =	sor.u32 $0x50, s2;
	s7 =	sor.u32 $0x50, s0;
	v5 =	vld [tilespmem:s29+$0xFFFFFFCF];
	[tilespmem:s3+$0xA100] =	vst v1  }
0x240: {  	s12 =	sor.u32 $0x60, s2;
	s19 =	sor.u32 $0x50, s10;
	s11 =	sor.u32 $0x60, s0;
	[tilespmem:s25+$0x80] =	vst v2;
	v1 =	vld [tilespmem:s29+$0xE3]  }
0x241: {  	s21 =	sor.u32 $0x70, s0;
	s3 =	sor.u32 $0x70, s2;
	s2 =	sor.u32 $0x60, s10;
	[tilespmem:s25+$0xFFFFFF00] =	vst v6;
	v2 =	vld [tilespmem:s29+$0x10]  }
0x242: {  	s0 =	sor.u32 $0x70, s10;
	v6 =	vld [tilespmem:s29+$0xFFFFFF0C];
	[tilespmem:s7+$0xA100] =	vst v3  }
0x243: {  	[tilespmem:s25+$0xFFFFFF90] =	vst v4;
	v3 =	vld [tilespmem:s29+$0x51]  }
0x244: {  	s7 =	sor.u32 $0x60, s26;
	[tilespmem:s9+$0xA100] =	vst v5;
	v4 =	vld [tilespmem:s29+$0x92]  }
0x245: {  	v5 =	vld [tilespmem:s29+$0xFFFFFF5D];
	[tilespmem:s7+$0xA100] =	vst v1  }
0x246: {  	[tilespmem:s25+$0x10] =	vst v2;
	v1 =	vld [tilespmem:s29+$0xF3]  }
0x247: {  	[tilespmem:s25+$0xFFFFFF10] =	vst v6;
	v2 =	vld [tilespmem:s29+$0xFFFFFF9E]  }
0x248: {  	v6 =	vld [tilespmem:s29+$0xFFFFFF1C];
	[tilespmem:s19+$0xA100] =	vst v3  }
0x249: {  	v3 =	vld [tilespmem:s29+$0xFFFFFFDF];
	[tilespmem:s25+$0x90] =	vst v4  }
0x24a: {  	s7 =	sor.u32 $0x70, s26;
	[tilespmem:s11+$0xA100] =	vst v5;
	v4 =	vld [tilespmem:s29+$0x20]  }
0x24b: {  	v5 =	vld [tilespmem:s29+$0x61];
	[tilespmem:s7+$0xA100] =	vst v1  }
0x24c: {  	[tilespmem:s25+$0xFFFFFFA0] =	vst v2;
	v7 =	vld [tilespmem:s29+$0xA2]  }
0x24d: {  	[tilespmem:s25+$0xFFFFFF20] =	vst v6;
	v6 =	vld [tilespmem:s29+$0xFFFFFF6D]  }
0x24e: {  	v8 =	vld [tilespmem:s29+$0xFFFFFF2C];
	[tilespmem:s12+$0xA100] =	vst v3  }
.Ltmp12:
0x24f: {  	v1 =	vld [tilespmem:s29+$0xFFFFFFAE];
	[tilespmem:s25+$0x20] =	vst v4;
	(pc) =	sbr.rel @p1 .LBB2_12-.Ltmp12, $4  }
0x250: {  	v2 =	vld [tilespmem:s29+$0xFFFFFFEF];
	[tilespmem:s2+$0xA100] =	vst v5  }
0x251: {  	v3 =	vld [tilespmem:s29+$0x30];
	[tilespmem:s25+$0xA0] =	vst v7  }
0x252: {  	[tilespmem:s21+$0xA100] =	vst v6;
	v4 =	vld [tilespmem:s29+$0x71]  }
0x253: {  	[tilespmem:s25+$0xFFFFFF30] =	vst v8;
	v5 =	vld [tilespmem:s29+$0xB2];
	s29 =	sadd.s32 $0x208, s29  }
.Ltmp13:
0x254: {  	_ = 	snop;
	(pc) =	sbr.rel .LBB2_13-.Ltmp13, $1  }
0x255: {  	_ =	sdelay $0x3  }
.LBB2_16:
0x256: {  	s0 =	simm.s32 $0x0;
	s2 =	rddreg [dreg:$0x1];
	s30 =	simm.s32 $0x5  }
0x257: {  	[tilespmem:s0], [sflag:$0x5] =	stream.linear.gather [hbm4b:s2+s0], $0x2000, $0x38;
	[tilespmem:$0xC100] =	vst v63  }
0x258: {  	_ =	swait.ge [sflag:s30], $0x2000  }
0x259: {  	[sflag:s30] =	ssyncset.done $0x0  }
0x25a: {  	s24 =	simm.s32 $0x200;
	s31 =	simm.s32 $0x7;
	[sflag:s30] =	ssyncadd.s32 $0xFFFFE000  }
0x25b: {  	s3 =	simm.s32 $0x1;
	v2 =	vadd.s32 s31, v0;
	v1 =	vld [tilespmem:s24+$0x180]  }
0x25c: {  	s7 =	simm.s32 $0x2;
	v4 =	vadd.s32 s3, v0;
	v3 =	vld [tilespmem:s24+$0xFFFFFE80]  }
0x25d: {  	s9 =	simm.s32 $0x3;
	v6 =	vadd.s32 s7, v0;
	v5 =	vld [tilespmem:s24+$0xFFFFFF00]  }
0x25e: {  	s10 =	simm.s32 $0x4;
	v8 =	vadd.s32 s9, v0;
	v7 =	vld [tilespmem:s24+$0xFFFFFF80]  }
0x25f: {  	s11 =	simm.s32 $0x5;
	v10 =	vadd.s32 s10, v0;
	v9 =	vld [tilespmem:s24+$0x0]  }
0x260: {  	s19 =	simm.s32 $0x6;
	v12 =	vadd.s32 s11, v0;
	v11 =	vld [tilespmem:s24+$0x80];
	[tilespmem:v2+s14+$0x0] =	vst.idx.msk $0xffff, v1  }
0x261: {  	[tilespmem:v4+s14+$0x0] =	vst.idx.msk $0xffff, v3;
	v3 =	vld [tilespmem:s24+$0x100];
	v4 =	vadd.s32 s19, v0  }
0x262: {  	s12 =	simm.s32 $0x417;
	[tilespmem:v6+s14+$0x0] =	vst.idx.msk $0xffff, v5;
	v5 =	vld [tilespmem:s24+$0xFFFFFE00];
	v6 =	vadd.s32 s0, v0  }
0x263: {  	s21 =	simm.s32 $0x411;
	v2 =	vadd.s32 s12, v0;
	[tilespmem:v8+s14+$0x0] =	vst.idx.msk $0xffff, v7;
	v1 =	vld [tilespmem:s24+$0x190]  }
0x264: {  	s23 =	simm.s32 $0x412;
	v8 =	vadd.s32 s21, v0;
	[tilespmem:v10+s14+$0x0] =	vst.idx.msk $0xffff, v9;
	v7 =	vld [tilespmem:s24+$0xFFFFFE90]  }
0x265: {  	s25 =	simm.s32 $0x413;
	v10 =	vadd.s32 s23, v0;
	[tilespmem:v12+s14+$0x0] =	vst.idx.msk $0xffff, v11;
	v9 =	vld [tilespmem:s24+$0xFFFFFF10]  }
0x266: {  	s28 =	simm.s32 $0x414;
	v61 =	vadd.s32 s25, v0;
	v11 =	vld [tilespmem:s24+$0xFFFFFF90];
	[tilespmem:v4+s14+$0x0] =	vst.idx.msk $0xffff, v3  }
0x267: {  	s29 =	simm.s32 $0x415;
	[tilespmem:v6+s14+$0x0] =	vst.idx.msk $0xffff, v5;
	v3 =	vld [tilespmem:s24+$0x10];
	v4 =	vadd.s32 s28, v0  }
0x268: {  	s30 =	simm.s32 $0x416;
	v5 =	vld [tilespmem:s24+$0x90];
	v6 =	vadd.s32 s29, v0;
	[tilespmem:v2+s14+$0x0] =	vst.idx.msk $0xffff, v1  }
0x269: {  	s31 =	simm.s32 $0x410;
	[tilespmem:v8+s14+$0x0] =	vst.idx.msk $0xffff, v7;
	v7 =	vld [tilespmem:s24+$0x110];
	v8 =	vadd.s32 s30, v0  }
0x26a: {  	s26 =	simm.s32 $0x827;
	[tilespmem:v10+s14+$0x0] =	vst.idx.msk $0xffff, v9;
	v9 =	vld [tilespmem:s24+$0xFFFFFE10];
	v10 =	vadd.s32 s31, v0  }
0x26b: {  	s3 =	simm.s32 $0x821;
	v2 =	vadd.s32 s26, v0;
	[tilespmem:v61+s14+$0x0] =	vst.idx.msk $0xffff, v11;
	v1 =	vld [tilespmem:s24+$0x1A0]  }
0x26c: {  	s9 =	simm.s32 $0x822;
	v62 =	vadd.s32 s3, v0;
	v11 =	vld [tilespmem:s24+$0xFFFFFEA0];
	[tilespmem:v4+s14+$0x0] =	vst.idx.msk $0xffff, v3  }
0x26d: {  	s10 =	simm.s32 $0x823;
	v3 =	vld [tilespmem:s24+$0xFFFFFF20];
	v4 =	vadd.s32 s9, v0;
	[tilespmem:v6+s14+$0x0] =	vst.idx.msk $0xffff, v5  }
0x26e: {  	s11 =	simm.s32 $0x824;
	v5 =	vld [tilespmem:s24+$0xFFFFFFA0];
	v6 =	vadd.s32 s10, v0;
	[tilespmem:v8+s14+$0x0] =	vst.idx.msk $0xffff, v7  }
0x26f: {  	s12 =	simm.s32 $0x825;
	[tilespmem:v10+s14+$0x0] =	vst.idx.msk $0xffff, v9;
	v7 =	vld [tilespmem:s24+$0x20];
	v8 =	vadd.s32 s11, v0  }
0x270: {  	s7 =	simm.s32 $0xC37;
	v9 =	vld [tilespmem:s24+$0xA0];
	v10 =	vadd.s32 s12, v0;
	[tilespmem:v2+s14+$0x0] =	vst.idx.msk $0xffff, v1  }
0x271: {  	s19 =	simm.s32 $0x826;
	v2 =	vadd.s32 s7, v0;
	[tilespmem:v62+s14+$0x0] =	vst.idx.msk $0xffff, v11;
	v1 =	vld [tilespmem:s24+$0x1B0]  }
0x272: {  	s21 =	simm.s32 $0x820;
	v63 =	vadd.s32 s19, v0;
	v11 =	vld [tilespmem:s24+$0x120];
	[tilespmem:v4+s14+$0x0] =	vst.idx.msk $0xffff, v3  }
0x273: {  	s23 =	simm.s32 $0xC31;
	v14 =	vadd.s32 s21, v0;
	v13 =	vld [tilespmem:s24+$0xFFFFFE20];
	[tilespmem:v6+s14+$0x0] =	vst.idx.msk $0xffff, v5  }
0x274: {  	s25 =	simm.s32 $0xC32;
	v16 =	vadd.s32 s23, v0;
	v15 =	vld [tilespmem:s24+$0xFFFFFEB0];
	[tilespmem:v8+s14+$0x0] =	vst.idx.msk $0xffff, v7  }
0x275: {  	v18 =	vadd.s32 s25, v0;
	s26 =	simm.s32 $0xC33;
	v17 =	vld [tilespmem:s24+$0xFFFFFF30];
	[tilespmem:v10+s14+$0x0] =	vst.idx.msk $0xffff, v9  }
0x276: {  	s28 =	simm.s32 $0xC34;
	v4 =	vadd.s32 s26, v0;
	[tilespmem:v2+s14+$0x0] =	vst.idx.msk $0xffff, v1;
	v2 =	vld [tilespmem:s24+$0xFFFFFFB0]  }
0x277: {  	s29 =	simm.s32 $0xC35;
	v8 =	vadd.s32 s28, v0;
	[tilespmem:v63+s14+$0x0] =	vst.idx.msk $0xffff, v11;
	v1 =	vld [tilespmem:s24+$0x30]  }
0x278: {  	s30 =	simm.s32 $0xC36;
	v5 =	vadd.s32 s29, v0;
	[tilespmem:v14+s14+$0x0] =	vst.idx.msk $0xffff, v13;
	v3 =	vld [tilespmem:s24+$0xB0]  }
0x279: {  	s25 =	simm.s32 $0x10;
	s31 =	simm.s32 $0xC30;
	v9 =	vadd.s32 s30, v0;
	[tilespmem:v16+s14+$0x0] =	vst.idx.msk $0xffff, v15;
	v6 =	vld [tilespmem:s24+$0x130]  }
0x27a: {  	s0 =	simm.s32 $0xF;
	s23 =	simm.s32 $0x8;
	v10 =	vadd.s32 s31, v0;
	v7 =	vld [tilespmem:s24+$0xFFFFFE30];
	s24 =	simm.s32 $0x600;
	[tilespmem:v18+s14+$0x0] =	vst.idx.msk $0xffff, v17  }
.LBB2_17:
0x27b: {  	p1 =	slt.u32 s25, $0x38;
	s2 =	sadd.s32 $0x1, s23;
	v11 =	vld [tilespmem:s24+$0x180];
	v12 =	vadd.s32 s0, v0;
	[tilespmem:v4+s14+$0x0] =	vst.idx.msk $0xffff, v2  }
0x27c: {  	s0 =	sadd.s32 $0x2, s23;
	v2 =	vld [tilespmem:s24+$0xFFFFFE80];
	v4 =	vadd.s32 s2, v0;
	[tilespmem:v8+s14+$0x0] =	vst.idx.msk $0xffff, v1  }
0x27d: {  	v8 =	vadd.s32 s0, v0;
	s0 =	sadd.s32 $0x3, s23;
	v1 =	vld [tilespmem:s24+$0xFFFFFF00];
	[tilespmem:v5+s14+$0x0] =	vst.idx.msk $0xffff, v3  }
0x27e: {  	v5 =	vadd.s32 s0, v0;
	s0 =	sadd.s32 $0x4, s23;
	v3 =	vld [tilespmem:s24+$0xFFFFFF80];
	[tilespmem:v9+s14+$0x0] =	vst.idx.msk $0xffff, v6  }
0x27f: {  	v9 =	vadd.s32 s0, v0;
	s0 =	sadd.s32 $0x5, s23;
	v6 =	vld [tilespmem:s24+$0x0];
	[tilespmem:v10+s14+$0x0] =	vst.idx.msk $0xffff, v7  }
0x280: {  	v10 =	vadd.s32 s0, v0;
	s0 =	sadd.s32 $0x417, s23;
	v7 =	vld [tilespmem:s24+$0x80];
	[tilespmem:v12+s14+$0x0] =	vst.idx.msk $0xffff, v11  }
0x281: {  	s2 =	sadd.s32 $0x6, s23;
	[tilespmem:v4+s14+$0x0] =	vst.idx.msk $0xffff, v2;
	v2 =	vld [tilespmem:s24+$0x190];
	v4 =	vadd.s32 s0, v0  }
0x282: {  	[tilespmem:v8+s14+$0x0] =	vst.idx.msk $0xffff, v1;
	v1 =	vld [tilespmem:s24+$0x100];
	v8 =	vadd.s32 s2, v0  }
0x283: {  	v12 =	vadd.s32 s23, v0;
	s0 =	sadd.s32 $0x411, s23;
	v11 =	vld [tilespmem:s24+$0xFFFFFE00];
	[tilespmem:v5+s14+$0x0] =	vst.idx.msk $0xffff, v3  }
0x284: {  	v5 =	vadd.s32 s0, v0;
	s0 =	sadd.s32 $0x412, s23;
	v3 =	vld [tilespmem:s24+$0xFFFFFE90];
	[tilespmem:v9+s14+$0x0] =	vst.idx.msk $0xffff, v6  }
0x285: {  	v9 =	vadd.s32 s0, v0;
	s0 =	sadd.s32 $0x413, s23;
	v6 =	vld [tilespmem:s24+$0xFFFFFF10];
	[tilespmem:v10+s14+$0x0] =	vst.idx.msk $0xffff, v7  }
0x286: {  	v10 =	vadd.s32 s0, v0;
	s0 =	sadd.s32 $0x827, s23;
	v7 =	vld [tilespmem:s24+$0xFFFFFF90];
	[tilespmem:v4+s14+$0x0] =	vst.idx.msk $0xffff, v2  }
0x287: {  	s2 =	sadd.s32 $0x414, s23;
	v2 =	vadd.s32 s0, v0;
	[tilespmem:v8+s14+$0x0] =	vst.idx.msk $0xffff, v1;
	v1 =	vld [tilespmem:s24+$0x1A0]  }
0x288: {  	s0 =	sadd.s32 $0x415, s23;
	v8 =	vadd.s32 s2, v0;
	[tilespmem:v12+s14+$0x0] =	vst.idx.msk $0xffff, v11;
	v4 =	vld [tilespmem:s24+$0x10]  }
0x289: {  	[tilespmem:v5+s14+$0x0] =	vst.idx.msk $0xffff, v3;
	v3 =	vld [tilespmem:s24+$0x90];
	v5 =	vadd.s32 s0, v0;
	s0 =	sadd.s32 $0x416, s23  }
0x28a: {  	s2 =	sadd.s32 $0x410, s23;
	[tilespmem:v9+s14+$0x0] =	vst.idx.msk $0xffff, v6;
	v6 =	vld [tilespmem:s24+$0x110];
	v9 =	vadd.s32 s0, v0  }
0x28b: {  	v12 =	vadd.s32 s2, v0;
	s0 =	sadd.s32 $0x821, s23;
	v11 =	vld [tilespmem:s24+$0xFFFFFE10];
	[tilespmem:v10+s14+$0x0] =	vst.idx.msk $0xffff, v7  }
0x28c: {  	v10 =	vadd.s32 s0, v0;
	s0 =	sadd.s32 $0xC37, s23;
	v7 =	vld [tilespmem:s24+$0xFFFFFEA0];
	[tilespmem:v2+s14+$0x0] =	vst.idx.msk $0xffff, v1  }
0x28d: {  	s2 =	sadd.s32 $0x822, s23;
	v2 =	vadd.s32 s0, v0;
	[tilespmem:v8+s14+$0x0] =	vst.idx.msk $0xffff, v4;
	v1 =	vld [tilespmem:s24+$0x1B0]  }
0x28e: {  	s0 =	sadd.s32 $0x823, s23;
	v8 =	vadd.s32 s2, v0;
	v4 =	vld [tilespmem:s24+$0xFFFFFF20];
	[tilespmem:v5+s14+$0x0] =	vst.idx.msk $0xffff, v3  }
0x28f: {  	v5 =	vadd.s32 s0, v0;
	s0 =	sadd.s32 $0x824, s23;
	v3 =	vld [tilespmem:s24+$0xFFFFFFA0];
	[tilespmem:v9+s14+$0x0] =	vst.idx.msk $0xffff, v6  }
0x290: {  	v9 =	vadd.s32 s0, v0;
	s0 =	sadd.s32 $0x825, s23;
	[tilespmem:v12+s14+$0x0] =	vst.idx.msk $0xffff, v11;
	v6 =	vld [tilespmem:s24+$0x20]  }
0x291: {  	[tilespmem:v10+s14+$0x0] =	vst.idx.msk $0xffff, v7;
	v7 =	vld [tilespmem:s24+$0xA0];
	v10 =	vadd.s32 s0, v0;
	s0 =	sadd.s32 $0x826, s23  }
0x292: {  	s2 =	sadd.s32 $0x820, s23;
	v11 =	vld [tilespmem:s24+$0x120];
	v12 =	vadd.s32 s0, v0;
	[tilespmem:v2+s14+$0x0] =	vst.idx.msk $0xffff, v1  }
0x293: {  	v14 =	vadd.s32 s2, v0;
	s0 =	sadd.s32 $0xC31, s23;
	v13 =	vld [tilespmem:s24+$0xFFFFFE20];
	[tilespmem:v8+s14+$0x0] =	vst.idx.msk $0xffff, v4  }
0x294: {  	v16 =	vadd.s32 s0, v0;
	s0 =	sadd.s32 $0xC32, s23;
	v15 =	vld [tilespmem:s24+$0xFFFFFEB0];
	[tilespmem:v5+s14+$0x0] =	vst.idx.msk $0xffff, v3  }
0x295: {  	v18 =	vadd.s32 s0, v0;
	s0 =	sadd.s32 $0xC33, s23;
	v17 =	vld [tilespmem:s24+$0xFFFFFF30];
	[tilespmem:v9+s14+$0x0] =	vst.idx.msk $0xffff, v6  }
.Ltmp14:
0x296: {  	v4 =	vadd.s32 s0, v0;
	s0 =	sadd.s32 $0xC34, s23;
	v2 =	vld [tilespmem:s24+$0xFFFFFFB0];
	[tilespmem:v10+s14+$0x0] =	vst.idx.msk $0xffff, v7;
	(pc) =	sbr.rel @p1 .LBB2_17-.Ltmp14, $4  }
0x297: {  	v8 =	vadd.s32 s0, v0;
	s0 =	sadd.s32 $0xC35, s23;
	v1 =	vld [tilespmem:s24+$0x30];
	[tilespmem:v12+s14+$0x0] =	vst.idx.msk $0xffff, v11  }
0x298: {  	v5 =	vadd.s32 s0, v0;
	s0 =	sadd.s32 $0xC36, s23;
	[tilespmem:v14+s14+$0x0] =	vst.idx.msk $0xffff, v13;
	v3 =	vld [tilespmem:s24+$0xB0]  }
0x299: {  	s2 =	sadd.s32 $0xC30, s23;
	s23 =	smov.u32 s25;
	v9 =	vadd.s32 s0, v0;
	[tilespmem:v16+s14+$0x0] =	vst.idx.msk $0xffff, v15;
	v6 =	vld [tilespmem:s24+$0x130]  }
0x29a: {  	v10 =	vadd.s32 s2, v0;
	s25 =	sadd.s32 $0x8, s25;
	s0 =	sadd.s32 $0x7, s23;
	v7 =	vld [tilespmem:s24+$0xFFFFFE30];
	[tilespmem:v18+s14+$0x0] =	vst.idx.msk $0xffff, v17;
	s24 =	sadd.s32 $0x400, s24  }
0x29b: {  	_ =	sdelay $0x3  }
0x29c: {  	v11 =	vld [tilespmem:s24+$0x180];
	v12 =	vadd.s32 s0, v0;
	[tilespmem:v4+s14+$0x0] =	vst.idx.msk $0xffff, v2  }
0x29d: {  	s2 =	sadd.s32 $0x1, s23;
	v45 =	vld [tilespmem:s24+$0xFFFFFE00];
	v46 =	vadd.s32 s23, v0;
	[tilespmem:v8+s14+$0x0] =	vst.idx.msk $0xffff, v1  }
0x29e: {  	v2 =	vld [tilespmem:s24+$0xFFFFFE80];
	s10 =	sadd.s32 $0x2, s23;
	v4 =	vadd.s32 s2, v0;
	[tilespmem:v5+s14+$0x0] =	vst.idx.msk $0xffff, v3  }
0x29f: {  	s11 =	sadd.s32 $0x3, s23;
	v1 =	vld [tilespmem:s24+$0xFFFFFF00];
	v41 =	vadd.s32 s10, v0;
	[tilespmem:v9+s14+$0x0] =	vst.idx.msk $0xffff, v6  }
0x2a0: {  	s12 =	sadd.s32 $0x4, s23;
	v3 =	vld [tilespmem:s24+$0xFFFFFF80];
	v5 =	vadd.s32 s11, v0;
	[tilespmem:v10+s14+$0x0] =	vst.idx.msk $0xffff, v7  }
0x2a1: {  	s19 =	sadd.s32 $0x5, s23;
	v42 =	vadd.s32 s12, v0;
	v6 =	vld [tilespmem:s24+$0x0];
	[tilespmem:v12+s14+$0x0] =	vst.idx.msk $0xffff, v11  }
0x2a2: {  	s21 =	sadd.s32 $0x417, s23;
	v43 =	vadd.s32 s19, v0;
	v7 =	vld [tilespmem:s24+$0x80];
	[tilespmem:v46+s14+$0x0] =	vst.idx.msk $0xffff, v45  }
0x2a3: {  	s25 =	sadd.s32 $0x6, s23;
	[tilespmem:v4+s14+$0x0] =	vst.idx.msk $0xffff, v2;
	v2 =	vld [tilespmem:s24+$0x190];
	v4 =	vadd.s32 s21, v0  }
0x2a4: {  	s26 =	sadd.s32 $0x411, s23;
	v44 =	vadd.s32 s25, v0;
	[tilespmem:v41+s14+$0x0] =	vst.idx.msk $0xffff, v1;
	v1 =	vld [tilespmem:s24+$0x100]  }
0x2a5: {  	s28 =	sadd.s32 $0x412, s23;
	[tilespmem:v5+s14+$0x0] =	vst.idx.msk $0xffff, v3;
	v3 =	vld [tilespmem:s24+$0xFFFFFE90];
	v5 =	vadd.s32 s26, v0  }
0x2a6: {  	s29 =	sadd.s32 $0x413, s23;
	v47 =	vadd.s32 s28, v0;
	[tilespmem:v42+s14+$0x0] =	vst.idx.msk $0xffff, v6;
	v6 =	vld [tilespmem:s24+$0xFFFFFF10]  }
0x2a7: {  	s31 =	sadd.s32 $0x414, s23;
	v48 =	vadd.s32 s29, v0;
	[tilespmem:v43+s14+$0x0] =	vst.idx.msk $0xffff, v7;
	v7 =	vld [tilespmem:s24+$0xFFFFFF90]  }
0x2a8: {  	s30 =	sadd.s32 $0x827, s23;
	v49 =	vadd.s32 s31, v0;
	[tilespmem:v4+s14+$0x0] =	vst.idx.msk $0xffff, v2;
	v4 =	vld [tilespmem:s24+$0x10]  }
0x2a9: {  	s2 =	sadd.s32 $0x415, s23;
	[tilespmem:v44+s14+$0x0] =	vst.idx.msk $0xffff, v1;
	v2 =	vadd.s32 s30, v0;
	v1 =	vld [tilespmem:s24+$0x1A0]  }
0x2aa: {  	s7 =	sadd.s32 $0x410, s23;
	[tilespmem:v5+s14+$0x0] =	vst.idx.msk $0xffff, v3;
	v3 =	vld [tilespmem:s24+$0x90];
	v5 =	vadd.s32 s2, v0  }
0x2ab: {  	s3 =	sadd.s32 $0x416, s23;
	v51 =	vadd.s32 s7, v0;
	v11 =	vld [tilespmem:s24+$0xFFFFFE10];
	[tilespmem:v47+s14+$0x0] =	vst.idx.msk $0xffff, v6  }
0x2ac: {  	s9 =	sadd.s32 $0x821, s23;
	v50 =	vadd.s32 s3, v0;
	v6 =	vld [tilespmem:s24+$0x110];
	[tilespmem:v48+s14+$0x0] =	vst.idx.msk $0xffff, v7  }
0x2ad: {  	v52 =	vadd.s32 s9, v0;
	s11 =	sadd.s32 $0x822, s23;
	v7 =	vld [tilespmem:s24+$0xFFFFFEA0];
	[tilespmem:v49+s14+$0x0] =	vst.idx.msk $0xffff, v4  }
0x2ae: {  	s12 =	sadd.s32 $0x823, s23;
	v53 =	vadd.s32 s11, v0;
	v4 =	vld [tilespmem:s24+$0xFFFFFF20];
	[tilespmem:v2+s14+$0x0] =	vst.idx.msk $0xffff, v1  }
0x2af: {  	s10 =	sadd.s32 $0xC37, s23;
	[tilespmem:v5+s14+$0x0] =	vst.idx.msk $0xffff, v3;
	v3 =	vld [tilespmem:s24+$0xFFFFFFA0];
	v5 =	vadd.s32 s12, v0  }
0x2b0: {  	s19 =	sadd.s32 $0x824, s23;
	[tilespmem:v51+s14+$0x0] =	vst.idx.msk $0xffff, v11;
	v2 =	vadd.s32 s10, v0;
	v1 =	vld [tilespmem:s24+$0x1B0]  }
0x2b1: {  	v54 =	vadd.s32 s19, v0;
	s21 =	sadd.s32 $0x825, s23;
	[tilespmem:v50+s14+$0x0] =	vst.idx.msk $0xffff, v6;
	v6 =	vld [tilespmem:s24+$0x20]  }
0x2b2: {  	s25 =	sadd.s32 $0x826, s23;
	v55 =	vadd.s32 s21, v0;
	[tilespmem:v52+s14+$0x0] =	vst.idx.msk $0xffff, v7;
	v7 =	vld [tilespmem:s24+$0xA0]  }
0x2b3: {  	s28 =	sadd.s32 $0xC31, s23;
	v57 =	vadd.s32 s25, v0;
	v56 =	vld [tilespmem:s24+$0x120];
	[tilespmem:v53+s14+$0x0] =	vst.idx.msk $0xffff, v4  }
0x2b4: {  	v58 =	vadd.s32 s28, v0;
	s26 =	sadd.s32 $0x820, s23;
	v4 =	vld [tilespmem:s24+$0xFFFFFEB0];
	[tilespmem:v5+s14+$0x0] =	vst.idx.msk $0xffff, v3  }
0x2b5: {  	s29 =	sadd.s32 $0xC32, s23;
	[tilespmem:v2+s14+$0x0] =	vst.idx.msk $0xffff, v1;
	v1 =	vld [tilespmem:s24+$0xFFFFFE20];
	v2 =	vadd.s32 s26, v0  }
0x2b6: {  	s30 =	sadd.s32 $0xC33, s23;
	v3 =	vld [tilespmem:s24+$0xFFFFFF30];
	v5 =	vadd.s32 s29, v0;
	[tilespmem:v54+s14+$0x0] =	vst.idx.msk $0xffff, v6  }
0x2b7: {  	s31 =	sadd.s32 $0xC34, s23;
	v59 =	vadd.s32 s30, v0;
	v6 =	vld [tilespmem:s24+$0xFFFFFFB0];
	[tilespmem:v55+s14+$0x0] =	vst.idx.msk $0xffff, v7  }
0x2b8: {  	s3 =	sadd.s32 $0xC36, s23;
	v60 =	vadd.s32 s31, v0;
	v7 =	vld [tilespmem:s24+$0x30];
	[tilespmem:v57+s14+$0x0] =	vst.idx.msk $0xffff, v56  }
0x2b9: {  	v61 =	vadd.s32 s3, v0;
	s2 =	sadd.s32 $0xC35, s23;
	[tilespmem:v58+s14+$0x0] =	vst.idx.msk $0xffff, v4;
	v4 =	vld [tilespmem:s24+$0x130]  }
0x2ba: {  	s7 =	sadd.s32 $0xC30, s23;
	[tilespmem:v2+s14+$0x0] =	vst.idx.msk $0xffff, v1;
	v1 =	vld [tilespmem:s24+$0xB0];
	v2 =	vadd.s32 s2, v0  }
0x2bb: {  	v63 =	vadd.s32 s7, v0;
	[tilespmem:v5+s14+$0x0] =	vst.idx.msk $0xffff, v3;
	v62 =	vld [tilespmem:s24+$0xFFFFFE30]  }
0x2bc: {  	[tilespmem:v59+s14+$0x0] =	vst.idx.msk $0xffff, v6  }
0x2bd: {  	[tilespmem:v60+s14+$0x0] =	vst.idx.msk $0xffff, v7  }
0x2be: {  	[tilespmem:v61+s14+$0x0] =	vst.idx.msk $0xffff, v4  }
0x2bf: {  	[tilespmem:v2+s14+$0x0] =	vst.idx.msk $0xffff, v1  }
0x2c0: {  	s26 =	simm.s32 $0x4104;
	[tilespmem:v63+s14+$0x0] =	vst.idx.msk $0xffff, v62  }
0x2c1: {  	v1 =	vld [tilespmem:s26+$0xC3]  }
0x2c2: {  	v2 =	vld [tilespmem:s26+$0xFFFFFF3D]  }
0x2c3: {  	v3 =	vld [tilespmem:s26+$0xFFFFFF7E]  }
0x2c4: {  	v4 =	vld [tilespmem:s26+$0xFFFFFFBF]  }
0x2c5: {  	s23 =	simm.s32 $0x8200;
	v5 =	vld [tilespmem:s26+$0x0]  }
0x2c6: {  	v6 =	vld [tilespmem:s26+$0x41];
	[tilespmem:s23+$0xC0] =	vst v1  }
0x2c7: {  	[tilespmem:s23+$0xFFFFFF40] =	vst v2;
	v2 =	vld [tilespmem:s26+$0x82]  }
0x2c8: {  	[tilespmem:s23+$0xFFFFFF80] =	vst v3;
	v3 =	vld [tilespmem:s26+$0xFFFFFEFC]  }
0x2c9: {  	[tilespmem:s23+$0xFFFFFFC0] =	vst v4;
	v1 =	vld [tilespmem:s26+$0xD3]  }
0x2ca: {  	[tilespmem:s23+$0x0] =	vst v5;
	v4 =	vld [tilespmem:s26+$0xFFFFFF4D]  }
0x2cb: {  	[tilespmem:s23+$0x40] =	vst v6;
	v5 =	vld [tilespmem:s26+$0xFFFFFF8E]  }
0x2cc: {  	s24 =	simm.s32 $0x1C0;
	v6 =	vld [tilespmem:s26+$0xFFFFFFCF];
	[tilespmem:s23+$0x80] =	vst v2  }
0x2cd: {  	s10 =	simm.s32 $0x40;
	s9 =	sor.u32 $0x50, s24;
	[tilespmem:s23+$0xFFFFFF00] =	vst v3;
	v2 =	vld [tilespmem:s26+$0x10]  }
0x2ce: {  	s11 =	sor.u32 $0x50, s10;
	[tilespmem:s9+$0x8100] =	vst v1;
	v3 =	vld [tilespmem:s26+$0xFFFFFF0C]  }
0x2cf: {  	s3 =	simm.s32 $0xC0;
	[tilespmem:s11+$0x8100] =	vst v4;
	v4 =	vld [tilespmem:s26+$0x51]  }
0x2d0: {  	s12 =	sor.u32 $0x50, s3;
	[tilespmem:s23+$0xFFFFFF90] =	vst v5;
	v5 =	vld [tilespmem:s26+$0x92]  }
0x2d1: {  	[tilespmem:s12+$0x8100] =	vst v6;
	v1 =	vld [tilespmem:s26+$0xE3]  }
0x2d2: {  	s21 =	simm.s32 $0x140;
	v6 =	vld [tilespmem:s26+$0xFFFFFF5D];
	[tilespmem:s23+$0x10] =	vst v2  }
0x2d3: {  	s7 =	sor.u32 $0x50, s21;
	v2 =	vld [tilespmem:s26+$0xFFFFFF9E];
	[tilespmem:s23+$0xFFFFFF10] =	vst v3  }
0x2d4: {  	[tilespmem:s7+$0x8100] =	vst v4;
	v4 =	vld [tilespmem:s26+$0xFFFFFFDF]  }
0x2d5: {  	s19 =	sor.u32 $0x60, s24;
	[tilespmem:s23+$0x90] =	vst v5;
	v3 =	vld [tilespmem:s26+$0xFFFFFF1C]  }
0x2d6: {  	s28 =	sor.u32 $0x60, s10;
	v5 =	vld [tilespmem:s26+$0x20];
	[tilespmem:s19+$0x8100] =	vst v1  }
0x2d7: {  	[tilespmem:s28+$0x8100] =	vst v6;
	v1 =	vld [tilespmem:s26+$0xF3]  }
0x2d8: {  	s30 =	sor.u32 $0x60, s3;
	v6 =	vld [tilespmem:s26+$0x61];
	[tilespmem:s23+$0xFFFFFFA0] =	vst v2  }
0x2d9: {  	v7 =	vld [tilespmem:s26+$0xA2];
	[tilespmem:s30+$0x8100] =	vst v4  }
0x2da: {  	v8 =	vld [tilespmem:s26+$0xFFFFFF6D];
	[tilespmem:s23+$0xFFFFFF20] =	vst v3  }
0x2db: {  	p1 =	por $0x1, $0x1;
	s29 =	sor.u32 $0x70, s24;
	[tilespmem:s23+$0x20] =	vst v5;
	v9 =	vld [tilespmem:s26+$0xFFFFFF2C]  }
.Ltmp15:
0x2dc: {  	s31 =	sor.u32 $0x60, s21;
	[tilespmem:s29+$0x8100] =	vst v1;
	v1 =	vld [tilespmem:s26+$0xFFFFFFAE];
	(pc) =	sbr.rel @!p1 .LBB2_20-.Ltmp15, $4  }
0x2dd: {  	v2 =	vld [tilespmem:s26+$0xFFFFFFEF];
	[tilespmem:s31+$0x8100] =	vst v6  }
0x2de: {  	s0 =	sor.u32 $0x70, s10;
	v3 =	vld [tilespmem:s26+$0x30];
	[tilespmem:s23+$0xA0] =	vst v7  }
0x2df: {  	s25 =	simm.s32 $0x0;
	[tilespmem:s0+$0x8100] =	vst v8;
	v4 =	vld [tilespmem:s26+$0x71]  }
0x2e0: {  	s3 =	sor.u32 $0x70, s3;
	s0 =	sor.u32 $0x70, s21;
	v5 =	vld [tilespmem:s26+$0xB2];
	s26 =	simm.s32 $0x430C;
	[tilespmem:s23+$0xFFFFFF30] =	vst v9  }
.LBB2_19:
0x2e1: {  	v6 =	vld [tilespmem:s26+$0xC3];
	s25 =	sadd.s32 $0x8, s25;
	[tilespmem:s23+$0xFFFFFFB0] =	vst v1  }
0x2e2: {  	v1 =	vld [tilespmem:s26+$0xFFFFFF3D];
	p1 =	slt.u32 s25, $0x38;
	[tilespmem:s3+$0x8100] =	vst v2  }
0x2e3: {  	v2 =	vld [tilespmem:s26+$0xFFFFFF7E];
	[tilespmem:s23+$0x30] =	vst v3  }
0x2e4: {  	v3 =	vld [tilespmem:s26+$0xFFFFFFBF];
	[tilespmem:s0+$0x8100] =	vst v4  }
0x2e5: {  	v4 =	vld [tilespmem:s26+$0x0];
	[tilespmem:s23+$0xB0] =	vst v5;
	s23 =	sadd.s32 $0x200, s23  }
0x2e6: {  	v5 =	vld [tilespmem:s26+$0x41];
	[tilespmem:s23+$0xC0] =	vst v6  }
0x2e7: {  	[tilespmem:s23+$0xFFFFFF40] =	vst v1;
	v1 =	vld [tilespmem:s26+$0xD3]  }
0x2e8: {  	[tilespmem:s23+$0xFFFFFF80] =	vst v2;
	v2 =	vld [tilespmem:s26+$0x82]  }
0x2e9: {  	v6 =	vld [tilespmem:s26+$0xFFFFFEFC];
	[tilespmem:s23+$0xFFFFFFC0] =	vst v3  }
0x2ea: {  	s24 =	sadd.s32 $0x200, s24;
	v3 =	vld [tilespmem:s26+$0xFFFFFF4D];
	[tilespmem:s23+$0x0] =	vst v4  }
0x2eb: {  	s2 =	sadd.s32 $0xFFFFFF00, s24;
	s3 =	sor.u32 $0x50, s24;
	s0 =	sadd.s32 $0xFFFFFE80, s24;
	v4 =	vld [tilespmem:s26+$0xFFFFFF8E];
	[tilespmem:s23+$0x40] =	vst v5  }
0x2ec: {  	s10 =	sadd.s32 $0xFFFFFF80, s24;
	s9 =	sor.u32 $0x50, s2;
	s7 =	sor.u32 $0x50, s0;
	v5 =	vld [tilespmem:s26+$0xFFFFFFCF];
	[tilespmem:s3+$0x8100] =	vst v1  }
0x2ed: {  	s12 =	sor.u32 $0x60, s2;
	s19 =	sor.u32 $0x50, s10;
	s11 =	sor.u32 $0x60, s0;
	[tilespmem:s23+$0x80] =	vst v2;
	v1 =	vld [tilespmem:s26+$0xE3]  }
0x2ee: {  	s21 =	sor.u32 $0x70, s0;
	s3 =	sor.u32 $0x70, s2;
	s2 =	sor.u32 $0x60, s10;
	[tilespmem:s23+$0xFFFFFF00] =	vst v6;
	v2 =	vld [tilespmem:s26+$0x10]  }
0x2ef: {  	s0 =	sor.u32 $0x70, s10;
	v6 =	vld [tilespmem:s26+$0xFFFFFF0C];
	[tilespmem:s7+$0x8100] =	vst v3  }
0x2f0: {  	[tilespmem:s23+$0xFFFFFF90] =	vst v4;
	v3 =	vld [tilespmem:s26+$0x51]  }
0x2f1: {  	s7 =	sor.u32 $0x60, s24;
	[tilespmem:s9+$0x8100] =	vst v5;
	v4 =	vld [tilespmem:s26+$0x92]  }
0x2f2: {  	v5 =	vld [tilespmem:s26+$0xFFFFFF5D];
	[tilespmem:s7+$0x8100] =	vst v1  }
0x2f3: {  	[tilespmem:s23+$0x10] =	vst v2;
	v1 =	vld [tilespmem:s26+$0xF3]  }
0x2f4: {  	[tilespmem:s23+$0xFFFFFF10] =	vst v6;
	v2 =	vld [tilespmem:s26+$0xFFFFFF9E]  }
0x2f5: {  	v6 =	vld [tilespmem:s26+$0xFFFFFF1C];
	[tilespmem:s19+$0x8100] =	vst v3  }
0x2f6: {  	v3 =	vld [tilespmem:s26+$0xFFFFFFDF];
	[tilespmem:s23+$0x90] =	vst v4  }
0x2f7: {  	s7 =	sor.u32 $0x70, s24;
	[tilespmem:s11+$0x8100] =	vst v5;
	v4 =	vld [tilespmem:s26+$0x20]  }
0x2f8: {  	v5 =	vld [tilespmem:s26+$0x61];
	[tilespmem:s7+$0x8100] =	vst v1  }
0x2f9: {  	[tilespmem:s23+$0xFFFFFFA0] =	vst v2;
	v7 =	vld [tilespmem:s26+$0xA2]  }
0x2fa: {  	[tilespmem:s23+$0xFFFFFF20] =	vst v6;
	v6 =	vld [tilespmem:s26+$0xFFFFFF6D]  }
0x2fb: {  	v8 =	vld [tilespmem:s26+$0xFFFFFF2C];
	[tilespmem:s12+$0x8100] =	vst v3  }
.Ltmp16:
0x2fc: {  	v1 =	vld [tilespmem:s26+$0xFFFFFFAE];
	[tilespmem:s23+$0x20] =	vst v4;
	(pc) =	sbr.rel @p1 .LBB2_19-.Ltmp16, $4  }
0x2fd: {  	v2 =	vld [tilespmem:s26+$0xFFFFFFEF];
	[tilespmem:s2+$0x8100] =	vst v5  }
0x2fe: {  	v3 =	vld [tilespmem:s26+$0x30];
	[tilespmem:s23+$0xA0] =	vst v7  }
0x2ff: {  	[tilespmem:s21+$0x8100] =	vst v6;
	v4 =	vld [tilespmem:s26+$0x71]  }
0x300: {  	[tilespmem:s23+$0xFFFFFF30] =	vst v8;
	v5 =	vld [tilespmem:s26+$0xB2];
	s26 =	sadd.s32 $0x208, s26  }
.LBB2_20:
0x301: {  	[tilespmem:s23+$0xFFFFFFB0] =	vst v1  }
0x302: {  	[tilespmem:s3+$0x8100] =	vst v2  }
0x303: {  	[tilespmem:s23+$0x30] =	vst v3  }
0x304: {  	[tilespmem:s0+$0x8100] =	vst v4  }
0x305: {  	[tilespmem:s23+$0xB0] =	vst v5  }
.Ltmp17:
0x306: {  	s31 =	simm.s32 $0x5;
	s0 =	rddreg [dreg:$0x5];
	(pc) =	sbr.rel .LBB2_21-.Ltmp17, $4  }
0x307: {  	[hbm4b:s0+s4] =	stream.linear.scatter [tilespmem:s15], [sflag:$0x5], $0x1000, $0x38;
	[tilespmem:$0xC100] =	vst v63  }
0x308: {  	_ =	swait.ge [sflag:s31], $0x1000  }
0x309: {  	[sflag:s31] =	ssyncset.done $0x0  }
0x30a: {  	[sflag:s31] =	ssyncadd.s32 $0xFFFFF000  }
.LBB2_22:
0x30b: {  	_ =	sfence.sel $0x180000  }
0x30c: {  	[bflag:$0x0] =	sbarrier.arrive $0xFFFF  }
0x30d: {  	_ =	strace $0x90000047  }
0x30e: {  	s0 =	stileid.u32;
	[bflag:$0x2] =	sbarrier.arrive $0xFFFF  }
0x30f: {  	p0 =	sne.s32 s0, $0x0;
	s0 =	rddreg [dreg:$0x3]  }
0x310: {  	s0 =	sadd.s32 @!p0 $0x100000, s0  }
0x311: {  	[sflag:s0] =	ssyncadd.tile.s32 @!p0 $0x1;
	_ =	shalt  }
.Lfunc_end2:
_tile_overlayer_lowered:
.L_overlay_start_2:
0x312: {  	(tag) =	ssettag $0x2  }
0x313: {  	s0 =	rddreg [dreg:$0x0];
	s2 =	stileid.u32  }
0x314: {  	s1 =	rddreg [dreg:$0x1];
	p0 =	sne.s32 s2, $0x0  }
0x315: {  	s3 =	rddreg [dreg:$0x2];
	[bflag:$0x3] =	sbarrier.arrive $0xFFFF;
	s2 =	simm.s32 @!p0 $0x1C05  }
0x316: {  	[timem:s3], [sflag:s2] =	dma.local @!p0 [hbm:s0], s1  }
0x317: {  	s0 =	simm.s32 @!p0 $0x5  }
0x318: {  	_ =	swait.ge @!p0 [sflag:s0], s1  }
0x319: {  	s1 =	ssub.s32 @!p0 $0x0, s1;
	[sflag:s0] =	ssyncset.done @!p0 $0x0  }
0x31a: {  	[sflag:s0] =	ssyncadd.s32 @!p0 s1  }
0x31b: {  	[bflag:$0x3] =	sbarrier.arrive $0xFFFF  }
0x31c: {  	_ =	shalt  }

// kernel: kernel.7.cloned.1.call-start
scs
__scs_entry_jumppad:
0x0: {  	(pc) =	sbr.rel $0x88, $3  }
0x1: {  	(tag) =	ssettag $0x0;
	lr =	simm.s32 $0x1  }
0x2: {  	[smem:$0x3F9F] =	sst lr;
	_ =	strace $0xD0000000  }
0x3: {  	_ = 	snop  }
0x4: {  	_ = 	snop  }
0x5: {  	_ = 	snop  }
0x6: {  	_ = 	snop  }
0x7: {  	_ = 	snop  }
__scs_overlays_trampoline_lowered:
0x8: {  	[smem:$0x3FAE] =	sst s0  }
0x9: {  	[smem:$0x3FAF] =	sst s1  }
0xa: {  	[smem:$0x3FB0] =	sst s2  }
0xb: {  	[smem:$0x3FB1] =	sst s3  }
0xc: {  	[smem:$0x3FB2] =	sst s4  }
0xd: {  	[smem:$0x3FB3] =	sst s5  }
0xe: {  	[smem:$0x3FB4] =	sst s6  }
0xf: {  	[smem:$0x3FB5] =	sst s7  }
0x10: {  	[smem:$0x3FB6] =	sst s8  }
0x11: {  	[smem:$0x3FB7] =	sst s9;
	s0 =	simm.s32 @!p0 $0x0  }
0x12: {  	s1 =	sld [smem:$0x3F9D];
	s0 =	simm.s32 @p0 $0x1  }
0x13: {  	[smem:$0x3FB8] =	sst s0;
	s0 =	simm.s32 @!p1 $0x0  }
0x14: {  	s2 =	sld [smem:$0x3F9C];
	s0 =	simm.s32 @p1 $0x1  }
0x15: {  	[smem:$0x3FB9] =	sst s0;
	s0 =	simm.s32 @!p2 $0x0  }
0x16: {  	s3 =	sld [smem:$0x3FDB];
	s0 =	simm.s32 @p2 $0x1  }
0x17: {  	s4 =	simm.s32 $0x1BF5;
	[smem:$0x3FBB] =	sst s0  }
0x18: {  	s0 =	sld [smem:$0x3F9E];
	_ =	swait.ge [sflag:s4], $0x0  }
0x19: {  	s7 =	sld [smem:$0x3F9F]  }
0x1a: {  	s8 =	sadd.s32 $0xFFFFE003, lr  }
0x1b: {  	s9 =	sadd.s32 $0xFFFFFEF7, lr;
	s5 =	simm.s32 $0xFFFFFFFF;
	p2 =	slt.u32 s8, $0xFFFFF086  }
0x1c: {  	p1 =	slt.u32 s9, $0xF7A;
	s5 =	simm.s32 @!p2 $0x0  }
0x1d: {  	s5 =	simm.s32 @p1 $0x1;
	p0 =	seq.s32 s7, s2  }
0x1e: {  	s7 =	smul.u32 @!p0 $0xF7A, s2;
	p2 =	seq.s32 @!p0 s5, $0x0  }
0x1f: {  	s9 =	smul.u32 $0xF7A, s1;
	s8 =	simm.s32 @!p0 $0x1BF5;
	p2 =	por !p2, p0  }
0x20: {  	[sflag:s8] =	ssyncset.s32 @!p0 $0xFFFFF086;
	s6 =	sadd.s32 @!p0 s3, s7;
	s7 =	simm.s32 @!p0 $0x108  }
0x21: {  	s3 =	sadd.s32 s3, s9;
	s6 =	sadd.s32 @!p0 $0x88, s6;
	s7 =	simm.s32 @p2 $0x1082  }
0x22: {  	[simem:s7], [sflag:s8] =	dma.local @!p0 [hbm:s6], $0xF7A  }
0x23: {  	s9 =	sor.u32 $0xD0000000, s2;
	s6 =	simm.s32 $0x108;
	_ =	swait.ge @!p0 [sflag:s8], $0x0  }
0x24: {  	s3 =	sadd.s32 $0x88, s3;
	s6 =	simm.s32 @!p1 $0x1082;
	[sflag:s4] =	ssyncset.s32 $0xFFFFF086  }
0x25: {  	[simem:s6], [sflag:s4] =	dma.local [hbm:s3], $0xF7A  }
0x26: {  	[smem:$0x3F9F] =	sst s1;
	(tag) =	ssettag s2;
	_ =	strace s9  }
0x27: {  	s1 =	sld [smem:$0x3FAF]  }
0x28: {  	s2 =	sld [smem:$0x3FB0]  }
0x29: {  	s4 =	sld [smem:$0x3FB2]  }
0x2a: {  	p0 =	seq.s32 s5, $0x0;
	s5 =	sld [smem:$0x3FB3]  }
0x2b: {  	s6 =	sld [smem:$0x3FB4]  }
0x2c: {  	s7 =	sld [smem:$0x3FB5]  }
0x2d: {  	s3 =	simm.s32 $0x108;
	s8 =	sld [smem:$0x3FB6]  }
0x2e: {  	s3 =	simm.s32 @!p0 $0x1082;
	s9 =	sld [smem:$0x3FB7]  }
0x2f: {  	lr =	sadd.s32 s0, s3;
	s0 =	sld [smem:$0x3FAE]  }
0x30: {  	s3 =	sld [smem:$0x3FB1]  }
0x31: {  	[smem:$0x3FBA] =	sst s10  }
0x32: {  	s10 =	sld [smem:$0x3FB8];
	_ =	sdelay $0x3  }
0x33: {  	p0 =	seq.s32 s10, $0x1;
	s10 =	sld [smem:$0x3FBA];
	_ =	sdelay $0x3  }
0x34: {  	[smem:$0x3FBA] =	sst s10  }
0x35: {  	s10 =	sld [smem:$0x3FB9];
	_ =	sdelay $0x3  }
0x36: {  	p1 =	seq.s32 s10, $0x1;
	s10 =	sld [smem:$0x3FBA];
	_ =	sdelay $0x3  }
0x37: {  	[smem:$0x3FBA] =	sst s10  }
0x38: {  	s10 =	sld [smem:$0x3FBB]  }
0x39: {  	_ = 	snop;
	(pc) =	sbr.ind lr, $3  }
0x3a: {  	_ = 	snop  }
0x3b: {  	_ = 	snop  }
0x3c: {  	p2 =	seq.s32 s10, $0x1;
	s10 =	sld [smem:$0x3FBA]  }
0x3d: {  	_ =	shalt  }
0x3e: {  	_ =	shalt  }
0x3f: {  	_ =	shalt  }
0x40: {  	_ =	shalt  }
0x41: {  	_ =	shalt  }
0x42: {  	_ =	shalt  }
0x43: {  	_ =	shalt  }
0x44: {  	_ =	shalt  }
0x45: {  	_ =	shalt  }
0x46: {  	_ =	shalt  }
0x47: {  	_ =	shalt  }
0x48: {  	_ =	shalt  }
0x49: {  	_ =	shalt  }
0x4a: {  	_ =	shalt  }
0x4b: {  	_ =	shalt  }
0x4c: {  	_ =	shalt  }
0x4d: {  	_ =	shalt  }
0x4e: {  	_ =	shalt  }
0x4f: {  	_ =	shalt  }
0x50: {  	_ =	shalt  }
0x51: {  	_ =	shalt  }
0x52: {  	_ =	shalt  }
0x53: {  	_ =	shalt  }
0x54: {  	_ =	shalt  }
0x55: {  	_ =	shalt  }
0x56: {  	_ =	shalt  }
0x57: {  	_ =	shalt  }
0x58: {  	_ =	shalt  }
0x59: {  	_ =	shalt  }
0x5a: {  	_ =	shalt  }
0x5b: {  	_ =	shalt  }
0x5c: {  	_ =	shalt  }
0x5d: {  	_ =	shalt  }
0x5e: {  	_ =	shalt  }
0x5f: {  	_ =	shalt  }
0x60: {  	_ =	shalt  }
0x61: {  	_ =	shalt  }
0x62: {  	_ =	shalt  }
0x63: {  	_ =	shalt  }
0x64: {  	_ =	shalt  }
0x65: {  	_ =	shalt  }
0x66: {  	_ =	shalt  }
0x67: {  	_ =	shalt  }
0x68: {  	_ =	shalt  }
0x69: {  	_ =	shalt  }
0x6a: {  	_ =	shalt  }
0x6b: {  	_ =	shalt  }
0x6c: {  	_ =	shalt  }
0x6d: {  	_ =	shalt  }
0x6e: {  	_ =	shalt  }
0x6f: {  	_ =	shalt  }
0x70: {  	_ =	shalt  }
0x71: {  	_ =	shalt  }
0x72: {  	_ =	shalt  }
0x73: {  	_ =	shalt  }
0x74: {  	_ =	shalt  }
0x75: {  	_ =	shalt  }
0x76: {  	_ =	shalt  }
0x77: {  	_ =	shalt  }
0x78: {  	_ =	shalt  }
0x79: {  	_ =	shalt  }
0x7a: {  	_ =	shalt  }
0x7b: {  	_ =	shalt  }
0x7c: {  	_ =	shalt  }
0x7d: {  	_ =	shalt  }
0x7e: {  	_ =	shalt  }
0x7f: {  	_ =	shalt  }
0x80: {  	_ =	shalt  }
0x81: {  	_ =	shalt  }
0x82: {  	_ =	shalt  }
0x83: {  	_ =	shalt  }
0x84: {  	_ =	shalt  }
0x85: {  	_ =	shalt  }
0x86: {  	_ =	shalt  }
0x87: {  	_ =	shalt  }
.Lfunc_end0:
.L_simem_size_0:
called_computation.1_lowered:
.L_overlay_start_0:
0x88: {  	s2 =	sld [smem:$0x3FD9]  }
0x89: {  	s3 =	sld [smem:$0x3FFE];
	_ =	sdelay $0x1  }
0x8a: {  	s1 =	srdreg.scid  }
0x8b: {  	s0 =	sand.u32 $0x1, s1  }
0x8c: {  	s17 =	sshll.u32 s0, $0xA;
	s2 =	sadd.s32 s3, s2  }
0x8d: {  	s2 =	sadd.s32 s2, s17  }
0x8e: {  	[smem:$0x3FC6] =	sst s2  }
0x8f: {  	_ = 	snop  }
0x90: {  	s2 =	sld [smem:$0x3FD0];
	(tm) =	ssettm $0x1  }
0x91: {  	s18 =	sld [smem:$0x3FFB];
	_ =	sdelay $0x3  }
0x92: {  	_ =	strace s18  }
0x93: {  	s3 =	sld [smem:$0x3FFC];
	_ =	sdelay $0x3  }
0x94: {  	_ =	strace s3  }
0x95: {  	s3 =	sld [smem:$0x3FFD];
	_ =	sdelay $0x3  }
0x96: {  	_ =	strace s3  }
0x97: {  	_ =	strace $0x8FFFFFFF  }
0x98: {  	s19 =	sld [smem:$0x3FDB];
	_ =	sdelay $0x1  }
0x99: {  	s4 =	simm.s32 $_scs_section_size  }
0x9a: {  	s5 =	simm.s32 $_size__tile_overlayer_lowered;
	s6 =	simm.s32 $_tile_overlayer_lowered  }
0x9b: {  	s22 =	simm.s32 $0x1BFF;
	s21 =	sshll.u32 s6, $0x1;
	s3 =	sadd.s32 s4, s19  }
0x9c: {  	s7 =	simm.s32 $0x0;
	s20 =	sshll.u32 s5, $0x1;
	s5 =	sadd.s32 s21, s3  }
0x9d: {  	[timem:s7], [sflag:s22] =	dma.local [hbm:s5], s20  }
0x9e: {  	_ =	swait.ge [sflag:s22], s20  }
0x9f: {  	s4 =	ssub.s32 $0x0, s20;
	[sflag:s22] =	ssyncset.done $0x0  }
0xa0: {  	[sflag:s22] =	ssyncadd.s32 s4;
	_ =	sdelay $0x1  }
0xa1: {  	s23 =	simm.s32 $0x1B8B  }
0xa2: {  	_ =	swait.ge [sflag:s23], $0x1  }
0xa3: {  	[sflag:s23] =	ssyncset.done $0x0  }
0xa4: {  	s25 =	simm.s32 $0x1B8E;
	s24 =	sld [smem:$0x3FFE];
	[sflag:s23] =	ssyncadd.s32 $0xFFFFFFFF  }
0xa5: {  	s26 =	simm.s32 $execute0_lowered;
	[smem:$0x3FD2] =	sst s25  }
0xa6: {  	s5 =	sshll.u32 s26, $0x1;
	_ =	strace $0x80000049;
	[dreg:$0x1] =	wrdreg $0xFFFFFFFF  }
0xa7: {  	s28 =	simm.s32 $_size_execute0_lowered;
	s3 =	sadd.s32 s3, s5;
	[dreg:$0x0] =	wrdreg $0x0  }
0xa8: {  	s5 =	sshll.u32 s28, $0x1;
	[dreg:$0x2] =	wrdreg s3  }
0xa9: {  	[dreg:$0x3] =	wrdreg s5  }
0xaa: {  	[dreg:$0x4] =	wrdreg $0xC0  }
0xab: {  	_ =	task [dreg:s7], $0x5FFFF  }
0xac: {  	[dreg:$0x1] =	wrdreg $0xFFFFFFFF  }
0xad: {  	[dreg:$0x0] =	wrdreg $0x60  }
0xae: {  	[dreg:$0x2] =	wrdreg s24  }
0xaf: {  	[dreg:$0x3] =	wrdreg s2  }
0xb0: {  	[dreg:$0x4] =	wrdreg $0x9  }
0xb1: {  	_ =	task.clear_ibuf [dreg:s7], $0x5FFFF;
	_ =	strace $0x90000049  }
0xb2: {  	s29 =	simm.s32 $0x9;
	_ =	strace $0x8000004B  }
0xb3: {  	_ =	swait.ge [sflag:s29], $0x1  }
0xb4: {  	[sflag:s29] =	ssyncadd.s32 $0xFFFFFFFF  }
0xb5: {  	_ =	strace $0x9000004B  }
0xb6: {  	_ =	sfence  }
0xb7: {  	s30 =	sld [smem:$0x0];
	_ =	sdelay $0x2  }
0xb8: {  	s31 =	sshll.u32 s1, $0xD;
	s1 =	sshrl.u32 s1, $0x2  }
0xb9: {  	s3 =	sand.u32 $0x4000, s31;
	s1 =	sadd.s32 s1, s30  }
0xba: {  	s0 =	sor.u32 s3, s0;
	s1 =	sshll.u32 s1, $0x11  }
0xbb: {  	s0 =	sor.u32 s1, s0  }
0xbc: {  	s0 =	sadd.s32 $0x8F2B, s0  }
0xbd: {  	[sflag:s0] =	ssyncadd.remote.s32 $0x1  }
0xbe: {  	_ =	sfence.sel $0xFFFF  }
0xbf: {  	[dreg:$0x0] =	wrdreg $0xFFFFFFFF;
	(pc) =	sbr.abs _section_cstart, $3  }
0xc0: {  	[dreg:$0x1] =	wrdreg $0xFFFFFFFF  }
0xc1: {  	_ =	task.clear_ibuf [dreg:s7], $0x2FFFF;
	_ =	strace $0x9FFFFFFF  }
0xc2: {  	(tm) =	ssettm $0x7FFFFFFF  }
0xc3: {  	_ =	shalt  }
tec
execute0_lowered:
.L_overlay_start_1:
0x0: {  	(tag) =	ssettag $0x1  }
0x1: {  	s0 =	rddreg [dreg:$0x0];
	s1 =	srdreg.scid  }
0x2: {  	s3 =	stileid.u32;
	s2 =	rddreg [dreg:$0x1]  }
0x3: {  	s9 =	simm.s32 $0x80;
	s12 =	simm.s32 $0x1;
	s13 =	simm.s32 $0xA400  }
0x4: {  	s16 =	simm.s32 $0xCC40;
	s17 =	simm.s32 $0xD040;
	s18 =	simm.s32 $0xD440  }
0x5: {  	s19 =	simm.s32 $0xD840;
	s20 =	simm.s32 $0xDC40;
	s21 =	simm.s32 $0xE040  }
0x6: {  	s22 =	simm.s32 $0x2;
	s23 =	simm.s32 $0xE440;
	s24 =	simm.s32 $0xE840  }
0x7: {  	s28 =	simm.s32 $0xF440;
	s1 =	sand.u32 $0x1, s1;
	s4 =	sshll.u32 s3, $0x1  }
0x8: {  	s29 =	simm.s32 $0xF840;
	s3 =	simm.s32 $0x0;
	s5 =	sor.u32 s1, s4  }
0x9: {  	s30 =	simm.s32 $0xFC40;
	[smem:$0x7FF] =	sst s3;
	s4 =	smul.u32 $0xC80, s5  }
0xa: {  	s31 =	simm.s32 $0x10040;
	s1 =	ssub.s32 $0x2, s1;
	_ =	strace $0x8000004A  }
0xb: {  	s25 =	sshrl.u32 s1, $0x1;
	s5 =	smul.u32 $0xC8, s5;
	s6 =	sadd.s32 s4, s0  }
0xc: {  	v1 =	vlaneseq.u32;
	s4 =	sadd.s32 $0xA00, s0;
	s0 =	ssub.s32 s1, s25;
	s26 =	sadd.s32 $0x7A1C00, s6  }
0xd: {  	v0 =	vmul.u32 $0x81, v1;
	s25 =	simm.s32 $0xEC40;
	s0 =	smax.u32 s0, $0x1;
	[dreg:$0x3] =	wrdreg s26  }
0xe: {  	v1 =	vand.u32 $0x7, v1;
	s6 =	simm.s32 $0x0;
	[dreg:$0x4] =	wrdreg s0;
	s26 =	simm.s32 $0xF040  }
.LBB2_1:
0xf: {  	[dreg:$0x5] =	wrdreg s6  }
0x10: {  	s0 =	rddreg [dreg:$0x3];
	s14 =	simm.s32 $0x5  }
0x11: {  	[tilespmem:s3], [sflag:$0x5] =	stream.linear.gather [hbm4b:s0+s3], $0x6400, $0x38;
	[tilespmem:$0x10440] =	vst v63  }
0x12: {  	_ =	swait.ge [sflag:s14], $0x6400  }
0x13: {  	[sflag:s14] =	ssyncset.done $0x0  }
0x14: {  	s15 =	simm.s32 $0x6400;
	s6 =	simm.s32 $0x0;
	[sflag:s14] =	ssyncadd.s32 $0xFFFF9C00  }
0x15: {  	[tilespmem:s15], [sflag:$0x1] =	stream.indirect.gather [hbm4b:s4+s9], $0x40, s3, s9, $0xb8;
	[tilespmem:$0x10440] =	vst v63  }
.LBB2_2:
0x16: {  	s0 =	sshll.u32 s6, $0x8  }
0x17: {  	s7 =	sand.u32 $0x3FFFFF00, s0  }
0x18: {  	s1 =	simm.s32 $0x8400;
	s0 =	sor.u32 $0x80, s7  }
0x19: {  	[tilespmem:s1], [sflag:$0x2] =	stream.indirect.gather [hbm4b:s4+s9], $0x40, s0, s9, $0xb8;
	[tilespmem:$0x10440] =	vst v63  }
0x1a: {  	s1 =	simm.s32 $0x0;
	_ =	swait.ge [sflag:s12], $0x2000  }
0x1b: {  	v2 =	vadd.s32 s1, v0;
	[sflag:s12] =	ssyncset.done $0x0  }
0x1c: {  	s1 =	simm.s32 $0x6500;
	v2 =	vand.u32 $0xFF8, v2;
	[sflag:s12] =	ssyncadd.s32 $0xFFFFE000  }
0x1d: {  	s8 =	simm.s32 $0x1;
	v2 =	vor.u32 v1, v2;
	v3 =	vld [tilespmem:s1+$0xFFFFFF00]  }
0x1e: {  	s10 =	simm.s32 $0x2;
	v5 =	vadd.s32 s8, v0;
	v4 =	vld [tilespmem:s1+$0xFFFFFF40]  }
0x1f: {  	s11 =	simm.s32 $0x3;
	v7 =	vadd.s32 s10, v0;
	v6 =	vld [tilespmem:s1+$0xFFFFFF80]  }
0x20: {  	s14 =	simm.s32 $0x4;
	s8 =	simm.s32 $0x810;
	v9 =	vadd.s32 s11, v0;
	v8 =	vld [tilespmem:s1+$0xFFFFFFC0]  }
0x21: {  	s15 =	simm.s32 $0x5;
	v12 =	vadd.s32 s14, v0;
	v10 =	vadd.s32 s8, v0;
	v11 =	vld [tilespmem:s1+$0x0]  }
0x22: {  	s8 =	simm.s32 $0x6;
	[tilespmem:v2+s13+$0x0] =	vst.idx.msk $0xffff, v3;
	v2 =	vand.u32 $0x1FF8, v10;
	v3 =	vld [tilespmem:s1+$0x40];
	v10 =	vadd.s32 s15, v0  }
0x23: {  	[tilespmem:v5+s13+$0x0] =	vst.idx.msk $0xffff, v4;
	v4 =	vld [tilespmem:s1+$0x80];
	v5 =	vadd.s32 s8, v0  }
0x24: {  	s10 =	simm.s32 $0x7;
	[tilespmem:v7+s13+$0x0] =	vst.idx.msk $0xffff, v6;
	v13 =	vld [tilespmem:s1+$0xFFFFFF10];
	v2 =	vor.u32 v1, v2  }
0x25: {  	s11 =	simm.s32 $0x811;
	[tilespmem:v9+s13+$0x0] =	vst.idx.msk $0xffff, v8;
	v6 =	vld [tilespmem:s1+$0xC0];
	v7 =	vadd.s32 s10, v0  }
0x26: {  	v9 =	vadd.s32 s11, v0;
	s15 =	simm.s32 $0x812;
	[tilespmem:v12+s13+$0x0] =	vst.idx.msk $0xffff, v11;
	v8 =	vld [tilespmem:s1+$0xFFFFFF50]  }
0x27: {  	s14 =	simm.s32 $0x1020;
	s8 =	simm.s32 $0x813;
	v12 =	vld [tilespmem:s1+$0xFFFFFF90];
	v14 =	vadd.s32 s15, v0;
	[tilespmem:v10+s13+$0x0] =	vst.idx.msk $0xffff, v3  }
0x28: {  	v11 =	vadd.s32 s14, v0;
	s10 =	simm.s32 $0x814;
	v3 =	vld [tilespmem:s1+$0xFFFFFFD0];
	v10 =	vadd.s32 s8, v0;
	[tilespmem:v5+s13+$0x0] =	vst.idx.msk $0xffff, v4  }
0x29: {  	v4 =	vld [tilespmem:s1+$0x10];
	v5 =	vadd.s32 s10, v0;
	[tilespmem:v2+s13+$0x0] =	vst.idx.msk $0xffff, v13;
	v2 =	vand.u32 $0x1FF8, v11  }
0x2a: {  	s11 =	simm.s32 $0x815;
	[tilespmem:v7+s13+$0x0] =	vst.idx.msk $0xffff, v6;
	v11 =	vld [tilespmem:s1+$0xFFFFFF20];
	v2 =	vor.u32 v1, v2  }
0x2b: {  	s14 =	simm.s32 $0x816;
	v7 =	vadd.s32 s11, v0;
	[tilespmem:v9+s13+$0x0] =	vst.idx.msk $0xffff, v8;
	v6 =	vld [tilespmem:s1+$0x50]  }
0x2c: {  	s10 =	simm.s32 $0x817;
	[tilespmem:v14+s13+$0x0] =	vst.idx.msk $0xffff, v12;
	v8 =	vld [tilespmem:s1+$0x90];
	v9 =	vadd.s32 s14, v0  }
0x2d: {  	s15 =	simm.s32 $0x1830;
	s14 =	simm.s32 $0x1022;
	[tilespmem:v10+s13+$0x0] =	vst.idx.msk $0xffff, v3;
	v3 =	vld [tilespmem:s1+$0xD0];
	v10 =	vadd.s32 s10, v0  }
0x2e: {  	s11 =	simm.s32 $0x1021;
	v12 =	vadd.s32 s15, v0;
	[tilespmem:v5+s13+$0x0] =	vst.idx.msk $0xffff, v4;
	v4 =	vld [tilespmem:s1+$0xFFFFFFA0];
	v5 =	vadd.s32 s14, v0  }
0x2f: {  	[tilespmem:v2+s13+$0x0] =	vst.idx.msk $0xffff, v11;
	v2 =	vand.u32 $0x3FF8, v12;
	v11 =	vld [tilespmem:s1+$0xFFFFFF60];
	v12 =	vadd.s32 s11, v0  }
0x30: {  	s15 =	simm.s32 $0x1023;
	[tilespmem:v7+s13+$0x0] =	vst.idx.msk $0xffff, v6;
	v13 =	vld [tilespmem:s1+$0xFFFFFF30];
	v2 =	vor.u32 v1, v2  }
0x31: {  	s8 =	simm.s32 $0x1024;
	v6 =	vld [tilespmem:s1+$0xFFFFFFE0];
	v7 =	vadd.s32 s15, v0;
	[tilespmem:v9+s13+$0x0] =	vst.idx.msk $0xffff, v8  }
0x32: {  	v14 =	vadd.s32 s8, v0;
	s10 =	simm.s32 $0x1025;
	v9 =	vld [tilespmem:s1+$0x20];
	[tilespmem:v10+s13+$0x0] =	vst.idx.msk $0xffff, v3  }
0x33: {  	s14 =	simm.s32 $0x1027;
	v3 =	vld [tilespmem:s1+$0x60];
	v10 =	vadd.s32 s10, v0;
	[tilespmem:v5+s13+$0x0] =	vst.idx.msk $0xffff, v4  }
0x34: {  	v16 =	vadd.s32 s14, v0;
	s11 =	simm.s32 $0x1026;
	v15 =	vld [tilespmem:s1+$0xE0];
	[tilespmem:v12+s13+$0x0] =	vst.idx.msk $0xffff, v11  }
0x35: {  	s15 =	simm.s32 $0x1831;
	v12 =	vld [tilespmem:s1+$0xA0];
	[tilespmem:v2+s13+$0x0] =	vst.idx.msk $0xffff, v13;
	v13 =	vadd.s32 s11, v0  }
0x36: {  	v18 =	vadd.s32 s15, v0;
	s10 =	simm.s32 $0x1832;
	[tilespmem:v7+s13+$0x0] =	vst.idx.msk $0xffff, v6;
	v17 =	vld [tilespmem:s1+$0xFFFFFF70]  }
0x37: {  	v8 =	vld [tilespmem:s1+$0xFFFFFFB0];
	[tilespmem:v14+s13+$0x0] =	vst.idx.msk $0xffff, v9;
	v11 =	vadd.s32 s10, v0;
	s11 =	simm.s32 $0x1833  }
0x38: {  	s14 =	simm.s32 $0x1834;
	v2 =	vld [tilespmem:s1+$0xFFFFFFF0];
	v5 =	vadd.s32 s11, v0;
	[tilespmem:v10+s13+$0x0] =	vst.idx.msk $0xffff, v3  }
0x39: {  	v9 =	vadd.s32 s14, v0;
	s10 =	simm.s32 $0x1835;
	v3 =	vld [tilespmem:s1+$0x30];
	[tilespmem:v16+s13+$0x0] =	vst.idx.msk $0xffff, v15  }
0x3a: {  	s0 =	simm.s32 $0x8;
	s15 =	simm.s32 $0x1836;
	v6 =	vadd.s32 s10, v0;
	v4 =	vld [tilespmem:s1+$0x70];
	[tilespmem:v13+s13+$0x0] =	vst.idx.msk $0xffff, v12  }
0x3b: {  	s8 =	simm.s32 $0x10;
	s10 =	simm.s32 $0x1837;
	v10 =	vadd.s32 s15, v0;
	v12 =	vadd.s32 s0, v0;
	[tilespmem:v18+s13+$0x0] =	vst.idx.msk $0xffff, v17;
	v7 =	vld [tilespmem:s1+$0xB0]  }
.LBB2_3:
0x3c: {  	p0 =	slt.u32 s8, $0x78;
	v12 =	vand.u32 $0xFF8, v12;
	[tilespmem:v11+s13+$0x0] =	vst.idx.msk $0xffff, v8;
	v8 =	vld [tilespmem:s1+$0xF0];
	v11 =	vadd.s32 s10, v0;
	s1 =	sadd.s32 $0x200, s1  }
0x3d: {  	s10 =	sadd.s32 $0x1, s0;
	v13 =	vld [tilespmem:s1+$0xFFFFFF00];
	v12 =	vor.u32 v1, v12;
	[tilespmem:v5+s13+$0x0] =	vst.idx.msk $0xffff, v2  }
0x3e: {  	v5 =	vadd.s32 s10, v0;
	s10 =	sadd.s32 $0x2, s0;
	v2 =	vld [tilespmem:s1+$0xFFFFFF40];
	[tilespmem:v9+s13+$0x0] =	vst.idx.msk $0xffff, v3  }
0x3f: {  	v9 =	vadd.s32 s10, v0;
	s10 =	sadd.s32 $0x3, s0;
	v3 =	vld [tilespmem:s1+$0xFFFFFF80];
	[tilespmem:v6+s13+$0x0] =	vst.idx.msk $0xffff, v4  }
0x40: {  	s11 =	sadd.s32 $0x810, s0;
	v6 =	vadd.s32 s10, v0;
	s10 =	sadd.s32 $0x4, s0;
	v4 =	vld [tilespmem:s1+$0xFFFFFFC0];
	[tilespmem:v10+s13+$0x0] =	vst.idx.msk $0xffff, v7  }
0x41: {  	v7 =	vadd.s32 s11, v0;
	v14 =	vadd.s32 s10, v0;
	s10 =	sadd.s32 $0x5, s0;
	v10 =	vld [tilespmem:s1+$0x0];
	[tilespmem:v11+s13+$0x0] =	vst.idx.msk $0xffff, v8  }
0x42: {  	v7 =	vand.u32 $0x1FF8, v7;
	v11 =	vadd.s32 s10, v0;
	[tilespmem:v12+s13+$0x0] =	vst.idx.msk $0xffff, v13;
	v8 =	vld [tilespmem:s1+$0x40]  }
0x43: {  	s10 =	sadd.s32 $0x6, s0;
	v7 =	vor.u32 v1, v7;
	v12 =	vld [tilespmem:s1+$0xFFFFFF10];
	[tilespmem:v5+s13+$0x0] =	vst.idx.msk $0xffff, v2  }
0x44: {  	[tilespmem:v9+s13+$0x0] =	vst.idx.msk $0xffff, v3;
	v2 =	vld [tilespmem:s1+$0x80];
	v3 =	vadd.s32 s10, v0;
	s10 =	sadd.s32 $0x7, s0  }
0x45: {  	s11 =	sadd.s32 $0x811, s0;
	[tilespmem:v6+s13+$0x0] =	vst.idx.msk $0xffff, v4;
	v4 =	vld [tilespmem:s1+$0xC0];
	v5 =	vadd.s32 s10, v0  }
0x46: {  	v9 =	vadd.s32 s11, v0;
	s11 =	sadd.s32 $0x812, s0;
	s10 =	sadd.s32 $0x1020, s0;
	v6 =	vld [tilespmem:s1+$0xFFFFFF50];
	[tilespmem:v14+s13+$0x0] =	vst.idx.msk $0xffff, v10  }
0x47: {  	v10 =	vadd.s32 s10, v0;
	v14 =	vadd.s32 s11, v0;
	s10 =	sadd.s32 $0x813, s0;
	v13 =	vld [tilespmem:s1+$0xFFFFFF90];
	[tilespmem:v11+s13+$0x0] =	vst.idx.msk $0xffff, v8  }
0x48: {  	[tilespmem:v7+s13+$0x0] =	vst.idx.msk $0xffff, v12;
	v7 =	vand.u32 $0x1FF8, v10;
	v8 =	vld [tilespmem:s1+$0xFFFFFFD0];
	v10 =	vadd.s32 s10, v0  }
0x49: {  	s10 =	sadd.s32 $0x814, s0;
	v11 =	vld [tilespmem:s1+$0xFFFFFF20];
	v7 =	vor.u32 v1, v7;
	[tilespmem:v3+s13+$0x0] =	vst.idx.msk $0xffff, v2  }
0x4a: {  	v3 =	vadd.s32 s10, v0;
	s10 =	sadd.s32 $0x815, s0;
	v2 =	vld [tilespmem:s1+$0x10];
	[tilespmem:v5+s13+$0x0] =	vst.idx.msk $0xffff, v4  }
0x4b: {  	v5 =	vadd.s32 s10, v0;
	s10 =	sadd.s32 $0x816, s0;
	[tilespmem:v9+s13+$0x0] =	vst.idx.msk $0xffff, v6;
	v4 =	vld [tilespmem:s1+$0x50]  }
0x4c: {  	s11 =	sadd.s32 $0x1830, s0;
	v9 =	vadd.s32 s10, v0;
	s10 =	sadd.s32 $0x817, s0;
	[tilespmem:v14+s13+$0x0] =	vst.idx.msk $0xffff, v13;
	v6 =	vld [tilespmem:s1+$0x90]  }
0x4d: {  	v12 =	vadd.s32 s11, v0;
	s11 =	sadd.s32 $0x1021, s0;
	[tilespmem:v10+s13+$0x0] =	vst.idx.msk $0xffff, v8;
	v8 =	vld [tilespmem:s1+$0xD0];
	v10 =	vadd.s32 s10, v0  }
0x4e: {  	[tilespmem:v7+s13+$0x0] =	vst.idx.msk $0xffff, v11;
	v7 =	vand.u32 $0x3FF8, v12;
	v11 =	vld [tilespmem:s1+$0xFFFFFF60];
	v12 =	vadd.s32 s11, v0  }
0x4f: {  	s10 =	sadd.s32 $0x1022, s0;
	v13 =	vld [tilespmem:s1+$0xFFFFFF30];
	v7 =	vor.u32 v1, v7;
	[tilespmem:v3+s13+$0x0] =	vst.idx.msk $0xffff, v2  }
0x50: {  	v3 =	vadd.s32 s10, v0;
	s10 =	sadd.s32 $0x1023, s0;
	v2 =	vld [tilespmem:s1+$0xFFFFFFA0];
	[tilespmem:v5+s13+$0x0] =	vst.idx.msk $0xffff, v4  }
0x51: {  	v5 =	vadd.s32 s10, v0;
	s10 =	sadd.s32 $0x1024, s0;
	v4 =	vld [tilespmem:s1+$0xFFFFFFE0];
	[tilespmem:v9+s13+$0x0] =	vst.idx.msk $0xffff, v6  }
0x52: {  	v9 =	vadd.s32 s10, v0;
	s10 =	sadd.s32 $0x1025, s0;
	v6 =	vld [tilespmem:s1+$0x20];
	[tilespmem:v10+s13+$0x0] =	vst.idx.msk $0xffff, v8  }
0x53: {  	[tilespmem:v12+s13+$0x0] =	vst.idx.msk $0xffff, v11;
	v10 =	vld [tilespmem:s1+$0x60];
	v12 =	vadd.s32 s10, v0;
	s10 =	sadd.s32 $0x1026, s0  }
0x54: {  	[tilespmem:v7+s13+$0x0] =	vst.idx.msk $0xffff, v13;
	v7 =	vld [tilespmem:s1+$0xA0];
	v13 =	vadd.s32 s10, v0;
	s10 =	sadd.s32 $0x1027, s0  }
0x55: {  	s11 =	sadd.s32 $0x1831, s0;
	[tilespmem:v3+s13+$0x0] =	vst.idx.msk $0xffff, v2;
	v14 =	vld [tilespmem:s1+$0xE0];
	v15 =	vadd.s32 s10, v0  }
0x56: {  	v17 =	vadd.s32 s11, v0;
	s10 =	sadd.s32 $0x1832, s0;
	v16 =	vld [tilespmem:s1+$0xFFFFFF70];
	[tilespmem:v5+s13+$0x0] =	vst.idx.msk $0xffff, v4  }
.Ltmp0:
0x57: {  	v11 =	vadd.s32 s10, v0;
	s10 =	sadd.s32 $0x1833, s0;
	v8 =	vld [tilespmem:s1+$0xFFFFFFB0];
	[tilespmem:v9+s13+$0x0] =	vst.idx.msk $0xffff, v6;
	(pc) =	sbr.rel @p0 .LBB2_3-.Ltmp0, $4  }
0x58: {  	v5 =	vadd.s32 s10, v0;
	s10 =	sadd.s32 $0x1834, s0;
	v2 =	vld [tilespmem:s1+$0xFFFFFFF0];
	[tilespmem:v12+s13+$0x0] =	vst.idx.msk $0xffff, v10  }
0x59: {  	v9 =	vadd.s32 s10, v0;
	s10 =	sadd.s32 $0x1835, s0;
	v3 =	vld [tilespmem:s1+$0x30];
	[tilespmem:v13+s13+$0x0] =	vst.idx.msk $0xffff, v7  }
0x5a: {  	v6 =	vadd.s32 s10, v0;
	s10 =	sadd.s32 $0x1836, s0;
	v4 =	vld [tilespmem:s1+$0x70];
	[tilespmem:v15+s13+$0x0] =	vst.idx.msk $0xffff, v14  }
0x5b: {  	v12 =	vadd.s32 s8, v0;
	v10 =	vadd.s32 s10, v0;
	s10 =	sadd.s32 $0x1837, s0;
	s0 =	smov.u32 s8;
	s8 =	sadd.s32 $0x8, s8;
	[tilespmem:v17+s13+$0x0] =	vst.idx.msk $0xffff, v16;
	v7 =	vld [tilespmem:s1+$0xB0]  }
0x5c: {  	_ =	sdelay $0x3  }
0x5d: {  	v12 =	vand.u32 $0xFF8, v12;
	[tilespmem:v11+s13+$0x0] =	vst.idx.msk $0xffff, v8;
	v8 =	vld [tilespmem:s1+$0xF0];
	v40 =	vadd.s32 s10, v0;
	s1 =	sadd.s32 $0x200, s1  }
0x5e: {  	s8 =	sadd.s32 $0x1, s0;
	v13 =	vld [tilespmem:s1+$0xFFFFFF00];
	v12 =	vor.u32 v1, v12;
	[tilespmem:v5+s13+$0x0] =	vst.idx.msk $0xffff, v2  }
0x5f: {  	s11 =	sadd.s32 $0x2, s0;
	v2 =	vld [tilespmem:s1+$0xFFFFFF40];
	v5 =	vadd.s32 s8, v0;
	[tilespmem:v9+s13+$0x0] =	vst.idx.msk $0xffff, v3  }
0x60: {  	s14 =	sadd.s32 $0x3, s0;
	v41 =	vadd.s32 s11, v0;
	v3 =	vld [tilespmem:s1+$0xFFFFFF80];
	[tilespmem:v6+s13+$0x0] =	vst.idx.msk $0xffff, v4  }
0x61: {  	s15 =	sadd.s32 $0x810, s0;
	s11 =	sadd.s32 $0x4, s0;
	v4 =	vld [tilespmem:s1+$0xFFFFFFC0];
	v6 =	vadd.s32 s14, v0;
	[tilespmem:v10+s13+$0x0] =	vst.idx.msk $0xffff, v7  }
0x62: {  	v42 =	vld [tilespmem:s1+$0x0];
	v14 =	vadd.s32 s11, v0;
	s14 =	sadd.s32 $0x5, s0;
	v7 =	vadd.s32 s15, v0;
	[tilespmem:v40+s13+$0x0] =	vst.idx.msk $0xffff, v8  }
0x63: {  	v43 =	vadd.s32 s14, v0;
	v7 =	vand.u32 $0x1FF8, v7;
	v8 =	vld [tilespmem:s1+$0x40];
	[tilespmem:v12+s13+$0x0] =	vst.idx.msk $0xffff, v13  }
0x64: {  	s15 =	sadd.s32 $0x6, s0;
	v7 =	vor.u32 v1, v7;
	[tilespmem:v5+s13+$0x0] =	vst.idx.msk $0xffff, v2;
	v12 =	vld [tilespmem:s1+$0xFFFFFF10]  }
0x65: {  	s10 =	sadd.s32 $0x7, s0;
	v2 =	vld [tilespmem:s1+$0x80];
	[tilespmem:v41+s13+$0x0] =	vst.idx.msk $0xffff, v3;
	v3 =	vadd.s32 s15, v0  }
0x66: {  	s11 =	sadd.s32 $0x811, s0;
	v5 =	vadd.s32 s10, v0;
	[tilespmem:v6+s13+$0x0] =	vst.idx.msk $0xffff, v4;
	v4 =	vld [tilespmem:s1+$0xC0]  }
0x67: {  	v44 =	vadd.s32 s11, v0;
	s15 =	sadd.s32 $0x812, s0;
	[tilespmem:v14+s13+$0x0] =	vst.idx.msk $0xffff, v42;
	v6 =	vld [tilespmem:s1+$0xFFFFFF50]  }
0x68: {  	s11 =	sadd.s32 $0x813, s0;
	s14 =	sadd.s32 $0x1020, s0;
	v46 =	vld [tilespmem:s1+$0xFFFFFF90];
	v47 =	vadd.s32 s15, v0;
	[tilespmem:v43+s13+$0x0] =	vst.idx.msk $0xffff, v8  }
0x69: {  	v48 =	vadd.s32 s11, v0;
	v45 =	vadd.s32 s14, v0;
	s14 =	sadd.s32 $0x814, s0;
	v8 =	vld [tilespmem:s1+$0xFFFFFFD0];
	[tilespmem:v7+s13+$0x0] =	vst.idx.msk $0xffff, v12  }
0x6a: {  	v7 =	vand.u32 $0x1FF8, v45;
	[tilespmem:v3+s13+$0x0] =	vst.idx.msk $0xffff, v2;
	v2 =	vld [tilespmem:s1+$0x10];
	v3 =	vadd.s32 s14, v0  }
0x6b: {  	s15 =	sadd.s32 $0x815, s0;
	v49 =	vld [tilespmem:s1+$0xFFFFFF20];
	v7 =	vor.u32 v1, v7;
	[tilespmem:v5+s13+$0x0] =	vst.idx.msk $0xffff, v4  }
0x6c: {  	s10 =	sadd.s32 $0x816, s0;
	[tilespmem:v44+s13+$0x0] =	vst.idx.msk $0xffff, v6;
	v4 =	vld [tilespmem:s1+$0x50];
	v5 =	vadd.s32 s15, v0  }
0x6d: {  	v50 =	vadd.s32 s10, v0;
	[tilespmem:v47+s13+$0x0] =	vst.idx.msk $0xffff, v46;
	v6 =	vld [tilespmem:s1+$0x90];
	s15 =	sadd.s32 $0x1021, s0  }
0x6e: {  	s11 =	sadd.s32 $0x1830, s0;
	s14 =	sadd.s32 $0x817, s0;
	v53 =	vld [tilespmem:s1+$0xFFFFFF60];
	v54 =	vadd.s32 s15, v0;
	[tilespmem:v48+s13+$0x0] =	vst.idx.msk $0xffff, v8  }
0x6f: {  	v51 =	vadd.s32 s11, v0;
	s11 =	sadd.s32 $0x1022, s0;
	v52 =	vadd.s32 s14, v0;
	v8 =	vld [tilespmem:s1+$0xD0];
	[tilespmem:v3+s13+$0x0] =	vst.idx.msk $0xffff, v2  }
0x70: {  	s14 =	sadd.s32 $0x1023, s0;
	v2 =	vld [tilespmem:s1+$0xFFFFFFA0];
	v3 =	vadd.s32 s11, v0;
	[tilespmem:v7+s13+$0x0] =	vst.idx.msk $0xffff, v49  }
0x71: {  	v7 =	vand.u32 $0x3FF8, v51;
	[tilespmem:v5+s13+$0x0] =	vst.idx.msk $0xffff, v4;
	v4 =	vld [tilespmem:s1+$0xFFFFFFE0];
	v5 =	vadd.s32 s14, v0  }
0x72: {  	s15 =	sadd.s32 $0x1024, s0;
	[tilespmem:v50+s13+$0x0] =	vst.idx.msk $0xffff, v6;
	v55 =	vld [tilespmem:s1+$0xFFFFFF30];
	v7 =	vor.u32 v1, v7  }
0x73: {  	s10 =	sadd.s32 $0x1025, s0;
	v56 =	vadd.s32 s15, v0;
	v6 =	vld [tilespmem:s1+$0x20];
	[tilespmem:v54+s13+$0x0] =	vst.idx.msk $0xffff, v53  }
0x74: {  	v57 =	vadd.s32 s10, v0;
	s11 =	sadd.s32 $0x1026, s0;
	s14 =	sadd.s32 $0x1027, s0;
	[tilespmem:v52+s13+$0x0] =	vst.idx.msk $0xffff, v8;
	v8 =	vld [tilespmem:s1+$0x60]  }
0x75: {  	v58 =	vadd.s32 s11, v0;
	s11 =	sadd.s32 $0x1832, s0;
	[tilespmem:v3+s13+$0x0] =	vst.idx.msk $0xffff, v2;
	v2 =	vld [tilespmem:s1+$0xE0];
	v3 =	vadd.s32 s14, v0  }
0x76: {  	[tilespmem:v5+s13+$0x0] =	vst.idx.msk $0xffff, v4;
	v4 =	vld [tilespmem:s1+$0xFFFFFFB0];
	v5 =	vadd.s32 s11, v0  }
0x77: {  	s15 =	sadd.s32 $0x1831, s0;
	[tilespmem:v7+s13+$0x0] =	vst.idx.msk $0xffff, v55;
	v7 =	vld [tilespmem:s1+$0xA0]  }
0x78: {  	v59 =	vadd.s32 s15, v0;
	v12 =	vld [tilespmem:s1+$0xFFFFFF70];
	s14 =	sadd.s32 $0x1833, s0;
	[tilespmem:v56+s13+$0x0] =	vst.idx.msk $0xffff, v6  }
0x79: {  	s15 =	sadd.s32 $0x1834, s0;
	v60 =	vadd.s32 s14, v0;
	v6 =	vld [tilespmem:s1+$0xFFFFFFF0];
	[tilespmem:v57+s13+$0x0] =	vst.idx.msk $0xffff, v8  }
0x7a: {  	v61 =	vadd.s32 s15, v0;
	s14 =	sadd.s32 $0x1837, s0;
	v8 =	vld [tilespmem:s1+$0x30];
	[tilespmem:v3+s13+$0x0] =	vst.idx.msk $0xffff, v2  }
0x7b: {  	s10 =	sadd.s32 $0x1835, s0;
	[tilespmem:v5+s13+$0x0] =	vst.idx.msk $0xffff, v4;
	v4 =	vld [tilespmem:s1+$0xF0];
	v5 =	vadd.s32 s14, v0  }
0x7c: {  	v62 =	vadd.s32 s10, v0;
	s11 =	sadd.s32 $0x1836, s0;
	[tilespmem:v58+s13+$0x0] =	vst.idx.msk $0xffff, v7;
	v7 =	vld [tilespmem:s1+$0x70]  }
0x7d: {  	[tilespmem:v59+s13+$0x0] =	vst.idx.msk $0xffff, v12;
	v3 =	vadd.s32 s11, v0;
	v2 =	vld [tilespmem:s1+$0xB0]  }
0x7e: {  	[tilespmem:v60+s13+$0x0] =	vst.idx.msk $0xffff, v6  }
0x7f: {  	[tilespmem:v61+s13+$0x0] =	vst.idx.msk $0xffff, v8  }
0x80: {  	[tilespmem:v5+s13+$0x0] =	vst.idx.msk $0xffff, v4  }
0x81: {  	p0 =	seq.s32 s6, $0x0;
	[tilespmem:v62+s13+$0x0] =	vst.idx.msk $0xffff, v7  }
0x82: {  	s0 =	simm.s32 @!p0 $0x3;
	[tilespmem:v3+s13+$0x0] =	vst.idx.msk $0xffff, v2  }
0x83: {  	_ =	swait.ge @!p0 [sflag:s0], $0x400  }
0x84: {  	[sflag:s0] =	ssyncset.done @!p0 $0x0  }
0x85: {  	[sflag:s0] =	ssyncadd.s32 @!p0 $0xFFFFFC00  }
0x86: {  	_ =	swait.ge @!p0 [sflag:s0], $0x400  }
0x87: {  	[sflag:s0] =	ssyncset.done @!p0 $0x0  }
0x88: {  	[sflag:s0] =	ssyncadd.s32 @!p0 $0xFFFFFC00  }
0x89: {  	_ =	swait.ge @!p0 [sflag:s0], $0x400  }
0x8a: {  	[sflag:s0] =	ssyncset.done @!p0 $0x0  }
0x8b: {  	[sflag:s0] =	ssyncadd.s32 @!p0 $0xFFFFFC00  }
0x8c: {  	_ =	swait.ge @!p0 [sflag:s0], $0x400  }
0x8d: {  	[sflag:s0] =	ssyncset.done @!p0 $0x0  }
0x8e: {  	[sflag:s0] =	ssyncadd.s32 @!p0 $0xFFFFFC00  }
0x8f: {  	_ =	swait.ge @!p0 [sflag:s0], $0x400  }
0x90: {  	[sflag:s0] =	ssyncset.done @!p0 $0x0  }
0x91: {  	[sflag:s0] =	ssyncadd.s32 @!p0 $0xFFFFFC00  }
0x92: {  	_ =	swait.ge @!p0 [sflag:s0], $0x400  }
0x93: {  	[sflag:s0] =	ssyncset.done @!p0 $0x0  }
0x94: {  	[sflag:s0] =	ssyncadd.s32 @!p0 $0xFFFFFC00  }
0x95: {  	_ =	swait.ge @!p0 [sflag:s0], $0x400  }
0x96: {  	[sflag:s0] =	ssyncset.done @!p0 $0x0  }
0x97: {  	[sflag:s0] =	ssyncadd.s32 @!p0 $0xFFFFFC00  }
0x98: {  	_ =	swait.ge @!p0 [sflag:s0], $0x400  }
0x99: {  	[sflag:s0] =	ssyncset.done @!p0 $0x0  }
0x9a: {  	s15 =	simm.s32 $0xA604;
	[sflag:s0] =	ssyncadd.s32 @!p0 $0xFFFFFC00  }
0x9b: {  	v2 =	vld [tilespmem:s15+$0x183]  }
0x9c: {  	v3 =	vld [tilespmem:s15+$0xFFFFFE7D]  }
0x9d: {  	v4 =	vld [tilespmem:s15+$0xFFFFFEFE]  }
0x9e: {  	v5 =	vld [tilespmem:s15+$0xFFFFFF7F]  }
0x9f: {  	s0 =	simm.s32 $0xC640;
	v6 =	vld [tilespmem:s15+$0x0]  }
0xa0: {  	v7 =	vld [tilespmem:s15+$0x81];
	[tilespmem:s0+$0x180] =	vst v2  }
0xa1: {  	[tilespmem:s0+$0xFFFFFE80] =	vst v3;
	v3 =	vld [tilespmem:s15+$0x102]  }
0xa2: {  	[tilespmem:s0+$0xFFFFFF00] =	vst v4;
	v4 =	vld [tilespmem:s15+$0xFFFFFDFC]  }
0xa3: {  	[tilespmem:s0+$0xFFFFFF80] =	vst v5;
	v2 =	vld [tilespmem:s15+$0x193]  }
0xa4: {  	[tilespmem:s0+$0x0] =	vst v6;
	v5 =	vld [tilespmem:s15+$0xFFFFFE8D]  }
0xa5: {  	[tilespmem:s0+$0x80] =	vst v7;
	v6 =	vld [tilespmem:s15+$0xFFFFFF0E]  }
0xa6: {  	v7 =	vld [tilespmem:s15+$0xFFFFFF8F];
	[tilespmem:s0+$0x100] =	vst v3  }
0xa7: {  	[tilespmem:s0+$0xFFFFFE00] =	vst v4;
	v3 =	vld [tilespmem:s15+$0x10]  }
0xa8: {  	[tilespmem:s0+$0x190] =	vst v2;
	v4 =	vld [tilespmem:s15+$0xFFFFFE0C]  }
0xa9: {  	[tilespmem:s0+$0xFFFFFE90] =	vst v5;
	v5 =	vld [tilespmem:s15+$0x91]  }
0xaa: {  	[tilespmem:s0+$0xFFFFFF10] =	vst v6;
	v2 =	vld [tilespmem:s15+$0x1A3]  }
0xab: {  	[tilespmem:s0+$0xFFFFFF90] =	vst v7;
	v6 =	vld [tilespmem:s15+$0x112]  }
0xac: {  	v7 =	vld [tilespmem:s15+$0xFFFFFE9D];
	[tilespmem:s0+$0x10] =	vst v3  }
0xad: {  	v3 =	vld [tilespmem:s15+$0xFFFFFF1E];
	[tilespmem:s0+$0xFFFFFE10] =	vst v4  }
0xae: {  	[tilespmem:s0+$0x90] =	vst v5;
	v5 =	vld [tilespmem:s15+$0xFFFFFF9F]  }
0xaf: {  	[tilespmem:s0+$0x1A0] =	vst v2;
	v4 =	vld [tilespmem:s15+$0xFFFFFE1C]  }
0xb0: {  	[tilespmem:s0+$0x110] =	vst v6;
	v2 =	vld [tilespmem:s15+$0x1B3]  }
0xb1: {  	v6 =	vld [tilespmem:s15+$0x20];
	[tilespmem:s0+$0xFFFFFEA0] =	vst v7  }
0xb2: {  	v7 =	vld [tilespmem:s15+$0xA1];
	[tilespmem:s0+$0xFFFFFF20] =	vst v3  }
0xb3: {  	v3 =	vld [tilespmem:s15+$0x122];
	[tilespmem:s0+$0xFFFFFFA0] =	vst v5  }
0xb4: {  	v5 =	vld [tilespmem:s15+$0xFFFFFEAD];
	[tilespmem:s0+$0xFFFFFE20] =	vst v4  }
0xb5: {  	[tilespmem:s0+$0x1B0] =	vst v2;
	v4 =	vld [tilespmem:s15+$0xFFFFFE2C]  }
0xb6: {  	[tilespmem:s0+$0x20] =	vst v6;
	v2 =	vld [tilespmem:s15+$0x1C3]  }
0xb7: {  	v6 =	vld [tilespmem:s15+$0xFFFFFF2E];
	[tilespmem:s0+$0xA0] =	vst v7  }
0xb8: {  	v7 =	vld [tilespmem:s15+$0xFFFFFFAF];
	[tilespmem:s0+$0x120] =	vst v3  }
0xb9: {  	v3 =	vld [tilespmem:s15+$0x30];
	[tilespmem:s0+$0xFFFFFEB0] =	vst v5  }
0xba: {  	v5 =	vld [tilespmem:s15+$0x132];
	[tilespmem:s0+$0xFFFFFE30] =	vst v4  }
0xbb: {  	v4 =	vld [tilespmem:s15+$0xB1];
	[tilespmem:s0+$0x1C0] =	vst v2  }
0xbc: {  	[tilespmem:s0+$0xFFFFFF30] =	vst v6;
	v2 =	vld [tilespmem:s15+$0x1D3]  }
0xbd: {  	[tilespmem:s0+$0xFFFFFFB0] =	vst v7;
	v7 =	vld [tilespmem:s15+$0xFFFFFEBD]  }
0xbe: {  	v6 =	vld [tilespmem:s15+$0xFFFFFE3C];
	[tilespmem:s0+$0x30] =	vst v3  }
0xbf: {  	v3 =	vld [tilespmem:s15+$0xFFFFFF3E];
	[tilespmem:s0+$0x130] =	vst v5  }
0xc0: {  	v5 =	vld [tilespmem:s15+$0x40];
	[tilespmem:s0+$0xB0] =	vst v4  }
0xc1: {  	v4 =	vld [tilespmem:s15+$0xFFFFFFBF];
	[tilespmem:s0+$0x1D0] =	vst v2  }
0xc2: {  	[tilespmem:s0+$0xFFFFFEC0] =	vst v7;
	v2 =	vld [tilespmem:s15+$0x1E3]  }
0xc3: {  	v7 =	vld [tilespmem:s15+$0x142];
	[tilespmem:s0+$0xFFFFFE40] =	vst v6  }
0xc4: {  	v6 =	vld [tilespmem:s15+$0xC1];
	[tilespmem:s0+$0xFFFFFF40] =	vst v3  }
0xc5: {  	v3 =	vld [tilespmem:s15+$0xFFFFFE4C];
	[tilespmem:s0+$0x40] =	vst v5  }
0xc6: {  	v5 =	vld [tilespmem:s15+$0xFFFFFF4E];
	[tilespmem:s0+$0xFFFFFFC0] =	vst v4  }
0xc7: {  	v4 =	vld [tilespmem:s15+$0xFFFFFECD];
	[tilespmem:s0+$0x1E0] =	vst v2  }
0xc8: {  	[tilespmem:s0+$0x140] =	vst v7;
	v2 =	vld [tilespmem:s15+$0x1F3]  }
0xc9: {  	v7 =	vld [tilespmem:s15+$0x50];
	[tilespmem:s0+$0xC0] =	vst v6  }
0xca: {  	v6 =	vld [tilespmem:s15+$0xFFFFFFCF];
	[tilespmem:s0+$0xFFFFFE50] =	vst v3  }
0xcb: {  	v3 =	vld [tilespmem:s15+$0x152];
	[tilespmem:s0+$0xFFFFFF50] =	vst v5  }
0xcc: {  	[tilespmem:s0+$0xFFFFFED0] =	vst v4;
	v4 =	vld [tilespmem:s15+$0xFFFFFE5C]  }
0xcd: {  	[tilespmem:s0+$0x1F0] =	vst v2;
	v2 =	vld [tilespmem:s15+$0xD1]  }
0xce: {  	[tilespmem:s0+$0x50] =	vst v7;
	v5 =	vld [tilespmem:s15+$0xFFFFFEDD]  }
0xcf: {  	[tilespmem:s0+$0xFFFFFFD0] =	vst v6;
	v6 =	vld [tilespmem:s15+$0xFFFFFF5E]  }
0xd0: {  	v7 =	vld [tilespmem:s15+$0xFFFFFFDF];
	[tilespmem:s0+$0x150] =	vst v3  }
0xd1: {  	v8 =	vld [tilespmem:s15+$0x162];
	[tilespmem:s0+$0xFFFFFE60] =	vst v4  }
0xd2: {  	[tilespmem:s0+$0xD0] =	vst v2;
	v2 =	vld [tilespmem:s15+$0x60]  }
0xd3: {  	[tilespmem:s0+$0xFFFFFEE0] =	vst v5;
	v4 =	vld [tilespmem:s15+$0xE1]  }
0xd4: {  	v63 =	vld [tilespmem:s15+$0xFFFFFE6C];
	[tilespmem:s0+$0xFFFFFF60] =	vst v6  }
0xd5: {  	v6 =	vld [tilespmem:s15+$0xFFFFFEED];
	[tilespmem:s0+$0xFFFFFFE0] =	vst v7  }
0xd6: {  	v5 =	vld [tilespmem:s15+$0xFFFFFF6E];
	[tilespmem:s0+$0x160] =	vst v8  }
0xd7: {  	v3 =	vld [tilespmem:s15+$0xFFFFFFEF];
	[tilespmem:s0+$0x60] =	vst v2  }
0xd8: {  	[tilespmem:s0+$0xE0] =	vst v4;
	v2 =	vld [tilespmem:s15+$0x70]  }
0xd9: {  	[tilespmem:s0+$0xFFFFFE70] =	vst v63;
	v4 =	vld [tilespmem:s15+$0xF1]  }
0xda: {  	s8 =	simm.s32 $0x0;
	s10 =	simm.s32 $0xAA0C;
	s1 =	sshll.u32 s6, $0x1;
	[tilespmem:s0+$0xFFFFFEF0] =	vst v6;
	v6 =	vld [tilespmem:s15+$0x172]  }
.LBB2_5:
0xdb: {  	v7 =	vld [tilespmem:s10+$0x183];
	s8 =	sadd.s32 $0x8, s8;
	[tilespmem:s0+$0xFFFFFF70] =	vst v5  }
0xdc: {  	v5 =	vld [tilespmem:s10+$0xFFFFFE7D];
	p1 =	slt.u32 s8, $0x38;
	[tilespmem:s0+$0xFFFFFFF0] =	vst v3  }
0xdd: {  	v3 =	vld [tilespmem:s10+$0xFFFFFEFE];
	[tilespmem:s0+$0x70] =	vst v2  }
0xde: {  	v2 =	vld [tilespmem:s10+$0xFFFFFF7F];
	[tilespmem:s0+$0xF0] =	vst v4  }
0xdf: {  	v4 =	vld [tilespmem:s10+$0x0];
	[tilespmem:s0+$0x170] =	vst v6;
	s0 =	sadd.s32 $0x400, s0  }
0xe0: {  	v6 =	vld [tilespmem:s10+$0x81];
	[tilespmem:s0+$0x180] =	vst v7  }
0xe1: {  	[tilespmem:s0+$0xFFFFFE80] =	vst v5;
	v5 =	vld [tilespmem:s10+$0x193]  }
0xe2: {  	[tilespmem:s0+$0xFFFFFF00] =	vst v3;
	v3 =	vld [tilespmem:s10+$0x102]  }
0xe3: {  	v7 =	vld [tilespmem:s10+$0xFFFFFDFC];
	[tilespmem:s0+$0xFFFFFF80] =	vst v2  }
0xe4: {  	v2 =	vld [tilespmem:s10+$0xFFFFFE8D];
	[tilespmem:s0+$0x0] =	vst v4  }
0xe5: {  	v4 =	vld [tilespmem:s10+$0xFFFFFF0E];
	[tilespmem:s0+$0x80] =	vst v6  }
0xe6: {  	v6 =	vld [tilespmem:s10+$0xFFFFFF8F];
	[tilespmem:s0+$0x190] =	vst v5  }
0xe7: {  	[tilespmem:s0+$0x100] =	vst v3;
	v3 =	vld [tilespmem:s10+$0x1A3]  }
0xe8: {  	[tilespmem:s0+$0xFFFFFE00] =	vst v7;
	v5 =	vld [tilespmem:s10+$0x10]  }
0xe9: {  	v7 =	vld [tilespmem:s10+$0xFFFFFE0C];
	[tilespmem:s0+$0xFFFFFE90] =	vst v2  }
0xea: {  	[tilespmem:s0+$0xFFFFFF10] =	vst v4;
	v2 =	vld [tilespmem:s10+$0x91]  }
0xeb: {  	[tilespmem:s0+$0xFFFFFF90] =	vst v6;
	v4 =	vld [tilespmem:s10+$0x112]  }
0xec: {  	v6 =	vld [tilespmem:s10+$0xFFFFFE9D];
	[tilespmem:s0+$0x1A0] =	vst v3  }
0xed: {  	[tilespmem:s0+$0x10] =	vst v5;
	v3 =	vld [tilespmem:s10+$0x1B3]  }
0xee: {  	[tilespmem:s0+$0xFFFFFE10] =	vst v7;
	v5 =	vld [tilespmem:s10+$0xFFFFFF1E]  }
0xef: {  	v7 =	vld [tilespmem:s10+$0xFFFFFE1C];
	[tilespmem:s0+$0x90] =	vst v2  }
0xf0: {  	v2 =	vld [tilespmem:s10+$0xFFFFFF9F];
	[tilespmem:s0+$0x110] =	vst v4  }
0xf1: {  	[tilespmem:s0+$0xFFFFFEA0] =	vst v6;
	v4 =	vld [tilespmem:s10+$0x20]  }
0xf2: {  	v6 =	vld [tilespmem:s10+$0xA1];
	[tilespmem:s0+$0x1B0] =	vst v3  }
0xf3: {  	[tilespmem:s0+$0xFFFFFF20] =	vst v5;
	v3 =	vld [tilespmem:s10+$0x1C3]  }
0xf4: {  	[tilespmem:s0+$0xFFFFFE20] =	vst v7;
	v5 =	vld [tilespmem:s10+$0x122]  }
0xf5: {  	v7 =	vld [tilespmem:s10+$0xFFFFFE2C];
	[tilespmem:s0+$0xFFFFFFA0] =	vst v2  }
0xf6: {  	v2 =	vld [tilespmem:s10+$0xFFFFFEAD];
	[tilespmem:s0+$0x20] =	vst v4  }
0xf7: {  	v4 =	vld [tilespmem:s10+$0xFFFFFF2E];
	[tilespmem:s0+$0xA0] =	vst v6  }
0xf8: {  	v6 =	vld [tilespmem:s10+$0xFFFFFFAF];
	[tilespmem:s0+$0x1C0] =	vst v3  }
0xf9: {  	[tilespmem:s0+$0x120] =	vst v5;
	v3 =	vld [tilespmem:s10+$0x1D3]  }
0xfa: {  	[tilespmem:s0+$0xFFFFFE30] =	vst v7;
	v5 =	vld [tilespmem:s10+$0x30]  }
0xfb: {  	[tilespmem:s0+$0xFFFFFEB0] =	vst v2;
	v2 =	vld [tilespmem:s10+$0xB1]  }
0xfc: {  	[tilespmem:s0+$0xFFFFFF30] =	vst v4;
	v4 =	vld [tilespmem:s10+$0x132]  }
0xfd: {  	v7 =	vld [tilespmem:s10+$0xFFFFFE3C];
	[tilespmem:s0+$0xFFFFFFB0] =	vst v6  }
0xfe: {  	v6 =	vld [tilespmem:s10+$0xFFFFFEBD];
	[tilespmem:s0+$0x1D0] =	vst v3  }
0xff: {  	[tilespmem:s0+$0x30] =	vst v5;
	v3 =	vld [tilespmem:s10+$0x1E3]  }
0x100: {  	v5 =	vld [tilespmem:s10+$0xFFFFFF3E];
	[tilespmem:s0+$0xB0] =	vst v2  }
0x101: {  	v2 =	vld [tilespmem:s10+$0xFFFFFFBF];
	[tilespmem:s0+$0x130] =	vst v4  }
0x102: {  	[tilespmem:s0+$0xFFFFFE40] =	vst v7;
	v4 =	vld [tilespmem:s10+$0x40]  }
0x103: {  	[tilespmem:s0+$0xFFFFFEC0] =	vst v6;
	v6 =	vld [tilespmem:s10+$0xC1]  }
0x104: {  	v7 =	vld [tilespmem:s10+$0x142];
	[tilespmem:s0+$0x1E0] =	vst v3  }
0x105: {  	[tilespmem:s0+$0xFFFFFF40] =	vst v5;
	v3 =	vld [tilespmem:s10+$0x1F3]  }
0x106: {  	v5 =	vld [tilespmem:s10+$0xFFFFFE4C];
	[tilespmem:s0+$0xFFFFFFC0] =	vst v2  }
0x107: {  	v2 =	vld [tilespmem:s10+$0xFFFFFECD];
	[tilespmem:s0+$0x40] =	vst v4  }
0x108: {  	v4 =	vld [tilespmem:s10+$0xFFFFFF4E];
	[tilespmem:s0+$0xC0] =	vst v6  }
0x109: {  	v6 =	vld [tilespmem:s10+$0xFFFFFFCF];
	[tilespmem:s0+$0x140] =	vst v7  }
0x10a: {  	v7 =	vld [tilespmem:s10+$0x50];
	[tilespmem:s0+$0x1F0] =	vst v3  }
0x10b: {  	[tilespmem:s0+$0xFFFFFE50] =	vst v5;
	v3 =	vld [tilespmem:s10+$0xD1]  }
0x10c: {  	[tilespmem:s0+$0xFFFFFED0] =	vst v2;
	v2 =	vld [tilespmem:s10+$0x152]  }
0x10d: {  	v5 =	vld [tilespmem:s10+$0xFFFFFE5C];
	[tilespmem:s0+$0xFFFFFF50] =	vst v4  }
0x10e: {  	v4 =	vld [tilespmem:s10+$0xFFFFFEDD];
	[tilespmem:s0+$0xFFFFFFD0] =	vst v6  }
0x10f: {  	v6 =	vld [tilespmem:s10+$0xFFFFFF5E];
	[tilespmem:s0+$0x50] =	vst v7  }
0x110: {  	v7 =	vld [tilespmem:s10+$0xFFFFFFDF];
	[tilespmem:s0+$0xD0] =	vst v3  }
0x111: {  	v3 =	vld [tilespmem:s10+$0x60];
	[tilespmem:s0+$0x150] =	vst v2  }
0x112: {  	[tilespmem:s0+$0xFFFFFE60] =	vst v5;
	v2 =	vld [tilespmem:s10+$0xE1]  }
0x113: {  	[tilespmem:s0+$0xFFFFFEE0] =	vst v4;
	v4 =	vld [tilespmem:s10+$0x162]  }
0x114: {  	v8 =	vld [tilespmem:s10+$0xFFFFFE6C];
	[tilespmem:s0+$0xFFFFFF60] =	vst v6  }
0x115: {  	v6 =	vld [tilespmem:s10+$0xFFFFFEED];
	[tilespmem:s0+$0xFFFFFFE0] =	vst v7  }
.Ltmp1:
0x116: {  	v5 =	vld [tilespmem:s10+$0xFFFFFF6E];
	[tilespmem:s0+$0x60] =	vst v3;
	(pc) =	sbr.rel @p1 .LBB2_5-.Ltmp1, $4  }
0x117: {  	v3 =	vld [tilespmem:s10+$0xFFFFFFEF];
	[tilespmem:s0+$0xE0] =	vst v2  }
0x118: {  	v2 =	vld [tilespmem:s10+$0x70];
	[tilespmem:s0+$0x160] =	vst v4  }
0x119: {  	[tilespmem:s0+$0xFFFFFE70] =	vst v8;
	v4 =	vld [tilespmem:s10+$0xF1]  }
0x11a: {  	[tilespmem:s0+$0xFFFFFEF0] =	vst v6;
	v6 =	vld [tilespmem:s10+$0x172];
	s10 =	sadd.s32 $0x408, s10  }
0x11b: {  	s1 =	sadd.s32 s5, s1  }
0x11c: {  	s10 =	sshrl.u32 s1, $0x5  }
0x11d: {  	[tilespmem:s0+$0xFFFFFF70] =	vst v5;
	s1 =	sshll.u32 s1, $0xA;
	s8 =	sshll.u32 s10, $0xF  }
0x11e: {  	[tilespmem:s0+$0xFFFFFFF0] =	vst v3;
	s10 =	sshll.u32 s10, $0x12;
	s11 =	ssub.s32 s1, s8  }
0x11f: {  	[tilespmem:s0+$0x70] =	vst v2;
	s11 =	sadd.s32 s10, s11  }
0x120: {  	[tilespmem:s0+$0xF0] =	vst v4;
	s14 =	sshrl.u32 s11, $0x3  }
0x121: {  	s15 =	simm.s32 $0xC440;
	[tilespmem:s0+$0x170] =	vst v6;
	s14 =	sadd.s32 s2, s14  }
0x122: {  	[hbm4b:s14+s3] =	stream.linear.scatter [tilespmem:s15], [sflag:$0x3], $0x400, $0x38;
	[tilespmem:$0x10440] =	vst v63  }
0x123: {  	s14 =	sadd.s32 $0x8000, s11  }
0x124: {  	s0 =	sshrl.u32 s14, $0x3  }
0x125: {  	s15 =	simm.s32 $0xC840;
	s0 =	sadd.s32 s2, s0  }
0x126: {  	[hbm4b:s0+s3] =	stream.linear.scatter [tilespmem:s15], [sflag:$0x3], $0x400, $0x38;
	[tilespmem:$0x10440] =	vst v63  }
0x127: {  	s15 =	sadd.s32 $0x10000, s11  }
0x128: {  	s0 =	sshrl.u32 s15, $0x3  }
0x129: {  	s14 =	sadd.s32 $0x18000, s11;
	s0 =	sadd.s32 s2, s0  }
0x12a: {  	[hbm4b:s0+s3] =	stream.linear.scatter [tilespmem:s16], [sflag:$0x3], $0x400, $0x38;
	[tilespmem:$0x10440] =	vst v63  }
0x12b: {  	s0 =	sshrl.u32 s14, $0x3  }
0x12c: {  	s15 =	sadd.s32 $0x20000, s11;
	s0 =	sadd.s32 s2, s0  }
0x12d: {  	[hbm4b:s0+s3] =	stream.linear.scatter [tilespmem:s17], [sflag:$0x3], $0x400, $0x38;
	[tilespmem:$0x10440] =	vst v63  }
0x12e: {  	s0 =	sshrl.u32 s15, $0x3  }
0x12f: {  	s14 =	sadd.s32 $0x28000, s11;
	s0 =	sadd.s32 s2, s0  }
0x130: {  	[hbm4b:s0+s3] =	stream.linear.scatter [tilespmem:s18], [sflag:$0x3], $0x400, $0x38;
	[tilespmem:$0x10440] =	vst v63  }
0x131: {  	s0 =	sshrl.u32 s14, $0x3  }
0x132: {  	s15 =	sadd.s32 $0x30000, s11;
	s0 =	sadd.s32 s2, s0  }
0x133: {  	[hbm4b:s0+s3] =	stream.linear.scatter [tilespmem:s19], [sflag:$0x3], $0x400, $0x38;
	[tilespmem:$0x10440] =	vst v63  }
0x134: {  	s0 =	sshrl.u32 s15, $0x3  }
0x135: {  	s11 =	sadd.s32 $0x38000, s11;
	s0 =	sadd.s32 s2, s0  }
0x136: {  	[hbm4b:s0+s3] =	stream.linear.scatter [tilespmem:s20], [sflag:$0x3], $0x400, $0x38;
	[tilespmem:$0x10440] =	vst v63  }
0x137: {  	s0 =	sshrl.u32 s11, $0x3  }
0x138: {  	p1 =	seq.s32 s6, $0x63;
	s0 =	sadd.s32 s2, s0  }
0x139: {  	[hbm4b:s0+s3] =	stream.linear.scatter [tilespmem:s21], [sflag:$0x3], $0x400, $0x38;
	[tilespmem:$0x10440] =	vst v63  }
0x13a: {  	s11 =	simm.s32 @!p1 $0x6400;
	s0 =	sadd.s32 @!p1 $0x100, s7;
	s7 =	simm.s32 @!p1 $0x80  }
0x13b: {  	[tilespmem:s11], [sflag:$0x1] =	stream.indirect.gather @!p1 [hbm4b:s4+s7], $0x40, s0, s7, $0xb8;
	[tilespmem:$0x10440] =	vst v63  }
0x13c: {  	s14 =	simm.s32 $0x0;
	_ =	swait.ge [sflag:s22], $0x2000  }
0x13d: {  	v2 =	vadd.s32 s14, v0;
	[sflag:s22] =	ssyncset.done $0x0  }
0x13e: {  	v2 =	vand.u32 $0xFF8, v2;
	s7 =	simm.s32 $0x8500;
	[sflag:s22] =	ssyncadd.s32 $0xFFFFE000  }
0x13f: {  	s15 =	simm.s32 $0x1;
	v2 =	vor.u32 v1, v2;
	v3 =	vld [tilespmem:s7+$0xFFFFFF00]  }
0x140: {  	v5 =	vadd.s32 s15, v0;
	s11 =	simm.s32 $0x2;
	v4 =	vld [tilespmem:s7+$0xFFFFFF40]  }
0x141: {  	s14 =	simm.s32 $0x3;
	v7 =	vadd.s32 s11, v0;
	v6 =	vld [tilespmem:s7+$0xFFFFFF80]  }
0x142: {  	v9 =	vadd.s32 s14, v0;
	s14 =	simm.s32 $0x4;
	s15 =	simm.s32 $0x810;
	v8 =	vld [tilespmem:s7+$0xFFFFFFC0]  }
0x143: {  	v12 =	vadd.s32 s14, v0;
	v10 =	vadd.s32 s15, v0;
	s15 =	simm.s32 $0x5;
	v11 =	vld [tilespmem:s7+$0x0]  }
0x144: {  	s11 =	simm.s32 $0x6;
	[tilespmem:v2+s13+$0x0] =	vst.idx.msk $0xffff, v3;
	v2 =	vand.u32 $0x1FF8, v10;
	v3 =	vld [tilespmem:s7+$0x40];
	v10 =	vadd.s32 s15, v0  }
0x145: {  	[tilespmem:v5+s13+$0x0] =	vst.idx.msk $0xffff, v4;
	v4 =	vld [tilespmem:s7+$0x80];
	v5 =	vadd.s32 s11, v0  }
0x146: {  	s14 =	simm.s32 $0x7;
	[tilespmem:v7+s13+$0x0] =	vst.idx.msk $0xffff, v6;
	v13 =	vld [tilespmem:s7+$0xFFFFFF10];
	v2 =	vor.u32 v1, v2  }
0x147: {  	s15 =	simm.s32 $0x811;
	[tilespmem:v9+s13+$0x0] =	vst.idx.msk $0xffff, v8;
	v6 =	vld [tilespmem:s7+$0xC0];
	v7 =	vadd.s32 s14, v0  }
0x148: {  	[tilespmem:v12+s13+$0x0] =	vst.idx.msk $0xffff, v11;
	v8 =	vld [tilespmem:s7+$0xFFFFFF50];
	v9 =	vadd.s32 s15, v0;
	s15 =	simm.s32 $0x812  }
0x149: {  	s14 =	simm.s32 $0x1020;
	s11 =	simm.s32 $0x813;
	v12 =	vld [tilespmem:s7+$0xFFFFFF90];
	v14 =	vadd.s32 s15, v0;
	[tilespmem:v10+s13+$0x0] =	vst.idx.msk $0xffff, v3  }
0x14a: {  	v11 =	vadd.s32 s14, v0;
	s14 =	simm.s32 $0x814;
	v3 =	vld [tilespmem:s7+$0xFFFFFFD0];
	v10 =	vadd.s32 s11, v0;
	[tilespmem:v5+s13+$0x0] =	vst.idx.msk $0xffff, v4  }
0x14b: {  	v4 =	vld [tilespmem:s7+$0x10];
	v5 =	vadd.s32 s14, v0;
	[tilespmem:v2+s13+$0x0] =	vst.idx.msk $0xffff, v13;
	v2 =	vand.u32 $0x1FF8, v11  }
0x14c: {  	s15 =	simm.s32 $0x815;
	[tilespmem:v7+s13+$0x0] =	vst.idx.msk $0xffff, v6;
	v11 =	vld [tilespmem:s7+$0xFFFFFF20];
	v2 =	vor.u32 v1, v2  }
0x14d: {  	v7 =	vadd.s32 s15, v0;
	s11 =	simm.s32 $0x816;
	[tilespmem:v9+s13+$0x0] =	vst.idx.msk $0xffff, v8;
	v6 =	vld [tilespmem:s7+$0x50]  }
0x14e: {  	s15 =	simm.s32 $0x817;
	v8 =	vld [tilespmem:s7+$0x90];
	v9 =	vadd.s32 s11, v0;
	[tilespmem:v14+s13+$0x0] =	vst.idx.msk $0xffff, v12  }
0x14f: {  	s14 =	simm.s32 $0x1830;
	[tilespmem:v10+s13+$0x0] =	vst.idx.msk $0xffff, v3;
	v3 =	vld [tilespmem:s7+$0xD0];
	v10 =	vadd.s32 s15, v0;
	s15 =	simm.s32 $0x1022  }
0x150: {  	v12 =	vadd.s32 s14, v0;
	s14 =	simm.s32 $0x1021;
	[tilespmem:v5+s13+$0x0] =	vst.idx.msk $0xffff, v4;
	v4 =	vld [tilespmem:s7+$0xFFFFFFA0];
	v5 =	vadd.s32 s15, v0  }
0x151: {  	[tilespmem:v2+s13+$0x0] =	vst.idx.msk $0xffff, v11;
	v2 =	vand.u32 $0x3FF8, v12;
	v11 =	vld [tilespmem:s7+$0xFFFFFF60];
	v12 =	vadd.s32 s14, v0  }
0x152: {  	s11 =	simm.s32 $0x1023;
	[tilespmem:v7+s13+$0x0] =	vst.idx.msk $0xffff, v6;
	v13 =	vld [tilespmem:s7+$0xFFFFFF30];
	v2 =	vor.u32 v1, v2  }
0x153: {  	v6 =	vld [tilespmem:s7+$0xFFFFFFE0];
	v7 =	vadd.s32 s11, v0;
	[tilespmem:v9+s13+$0x0] =	vst.idx.msk $0xffff, v8;
	s14 =	simm.s32 $0x1024  }
0x154: {  	v9 =	vld [tilespmem:s7+$0x20];
	s15 =	simm.s32 $0x1025;
	v14 =	vadd.s32 s14, v0;
	[tilespmem:v10+s13+$0x0] =	vst.idx.msk $0xffff, v3  }
0x155: {  	s14 =	simm.s32 $0x1027;
	v3 =	vld [tilespmem:s7+$0x60];
	v10 =	vadd.s32 s15, v0;
	[tilespmem:v5+s13+$0x0] =	vst.idx.msk $0xffff, v4  }
0x156: {  	s11 =	simm.s32 $0x1026;
	v16 =	vadd.s32 s14, v0;
	v15 =	vld [tilespmem:s7+$0xE0];
	[tilespmem:v12+s13+$0x0] =	vst.idx.msk $0xffff, v11  }
0x157: {  	s15 =	simm.s32 $0x1831;
	v12 =	vld [tilespmem:s7+$0xA0];
	[tilespmem:v2+s13+$0x0] =	vst.idx.msk $0xffff, v13;
	v13 =	vadd.s32 s11, v0  }
0x158: {  	s14 =	simm.s32 $0x1832;
	v18 =	vadd.s32 s15, v0;
	[tilespmem:v7+s13+$0x0] =	vst.idx.msk $0xffff, v6;
	v17 =	vld [tilespmem:s7+$0xFFFFFF70]  }
0x159: {  	s15 =	simm.s32 $0x1833;
	v8 =	vld [tilespmem:s7+$0xFFFFFFB0];
	v11 =	vadd.s32 s14, v0;
	[tilespmem:v14+s13+$0x0] =	vst.idx.msk $0xffff, v9  }
0x15a: {  	v5 =	vadd.s32 s15, v0;
	s14 =	simm.s32 $0x1834;
	v2 =	vld [tilespmem:s7+$0xFFFFFFF0];
	[tilespmem:v10+s13+$0x0] =	vst.idx.msk $0xffff, v3  }
0x15b: {  	s15 =	simm.s32 $0x1835;
	v9 =	vadd.s32 s14, v0;
	v3 =	vld [tilespmem:s7+$0x30];
	[tilespmem:v16+s13+$0x0] =	vst.idx.msk $0xffff, v15  }
0x15c: {  	s0 =	simm.s32 $0x8;
	v6 =	vadd.s32 s15, v0;
	s15 =	simm.s32 $0x1836;
	v4 =	vld [tilespmem:s7+$0x70];
	[tilespmem:v13+s13+$0x0] =	vst.idx.msk $0xffff, v12  }
0x15d: {  	s11 =	simm.s32 $0x10;
	s14 =	simm.s32 $0x1837;
	v10 =	vadd.s32 s15, v0;
	v12 =	vadd.s32 s0, v0;
	[tilespmem:v18+s13+$0x0] =	vst.idx.msk $0xffff, v17;
	v7 =	vld [tilespmem:s7+$0xB0]  }
.LBB2_7:
0x15e: {  	p1 =	slt.u32 s11, $0x78;
	v12 =	vand.u32 $0xFF8, v12;
	[tilespmem:v11+s13+$0x0] =	vst.idx.msk $0xffff, v8;
	v8 =	vld [tilespmem:s7+$0xF0];
	v11 =	vadd.s32 s14, v0;
	s7 =	sadd.s32 $0x200, s7  }
0x15f: {  	s14 =	sadd.s32 $0x1, s0;
	v13 =	vld [tilespmem:s7+$0xFFFFFF00];
	v12 =	vor.u32 v1, v12;
	[tilespmem:v5+s13+$0x0] =	vst.idx.msk $0xffff, v2  }
0x160: {  	v5 =	vadd.s32 s14, v0;
	s14 =	sadd.s32 $0x2, s0;
	v2 =	vld [tilespmem:s7+$0xFFFFFF40];
	[tilespmem:v9+s13+$0x0] =	vst.idx.msk $0xffff, v3  }
0x161: {  	v9 =	vadd.s32 s14, v0;
	s14 =	sadd.s32 $0x3, s0;
	v3 =	vld [tilespmem:s7+$0xFFFFFF80];
	[tilespmem:v6+s13+$0x0] =	vst.idx.msk $0xffff, v4  }
0x162: {  	s15 =	sadd.s32 $0x810, s0;
	v6 =	vadd.s32 s14, v0;
	s14 =	sadd.s32 $0x4, s0;
	v4 =	vld [tilespmem:s7+$0xFFFFFFC0];
	[tilespmem:v10+s13+$0x0] =	vst.idx.msk $0xffff, v7  }
0x163: {  	v7 =	vadd.s32 s15, v0;
	v14 =	vadd.s32 s14, v0;
	s14 =	sadd.s32 $0x5, s0;
	v10 =	vld [tilespmem:s7+$0x0];
	[tilespmem:v11+s13+$0x0] =	vst.idx.msk $0xffff, v8  }
0x164: {  	v7 =	vand.u32 $0x1FF8, v7;
	v11 =	vadd.s32 s14, v0;
	[tilespmem:v12+s13+$0x0] =	vst.idx.msk $0xffff, v13;
	v8 =	vld [tilespmem:s7+$0x40]  }
0x165: {  	s14 =	sadd.s32 $0x6, s0;
	v7 =	vor.u32 v1, v7;
	v12 =	vld [tilespmem:s7+$0xFFFFFF10];
	[tilespmem:v5+s13+$0x0] =	vst.idx.msk $0xffff, v2  }
0x166: {  	[tilespmem:v9+s13+$0x0] =	vst.idx.msk $0xffff, v3;
	v2 =	vld [tilespmem:s7+$0x80];
	v3 =	vadd.s32 s14, v0;
	s14 =	sadd.s32 $0x7, s0  }
0x167: {  	s15 =	sadd.s32 $0x811, s0;
	[tilespmem:v6+s13+$0x0] =	vst.idx.msk $0xffff, v4;
	v4 =	vld [tilespmem:s7+$0xC0];
	v5 =	vadd.s32 s14, v0  }
0x168: {  	v9 =	vadd.s32 s15, v0;
	s15 =	sadd.s32 $0x812, s0;
	s14 =	sadd.s32 $0x1020, s0;
	v6 =	vld [tilespmem:s7+$0xFFFFFF50];
	[tilespmem:v14+s13+$0x0] =	vst.idx.msk $0xffff, v10  }
0x169: {  	v10 =	vadd.s32 s14, v0;
	v14 =	vadd.s32 s15, v0;
	s14 =	sadd.s32 $0x813, s0;
	v13 =	vld [tilespmem:s7+$0xFFFFFF90];
	[tilespmem:v11+s13+$0x0] =	vst.idx.msk $0xffff, v8  }
0x16a: {  	[tilespmem:v7+s13+$0x0] =	vst.idx.msk $0xffff, v12;
	v7 =	vand.u32 $0x1FF8, v10;
	v8 =	vld [tilespmem:s7+$0xFFFFFFD0];
	v10 =	vadd.s32 s14, v0  }
0x16b: {  	s14 =	sadd.s32 $0x814, s0;
	v11 =	vld [tilespmem:s7+$0xFFFFFF20];
	v7 =	vor.u32 v1, v7;
	[tilespmem:v3+s13+$0x0] =	vst.idx.msk $0xffff, v2  }
0x16c: {  	v3 =	vadd.s32 s14, v0;
	s14 =	sadd.s32 $0x815, s0;
	v2 =	vld [tilespmem:s7+$0x10];
	[tilespmem:v5+s13+$0x0] =	vst.idx.msk $0xffff, v4  }
0x16d: {  	v5 =	vadd.s32 s14, v0;
	s14 =	sadd.s32 $0x816, s0;
	[tilespmem:v9+s13+$0x0] =	vst.idx.msk $0xffff, v6;
	v4 =	vld [tilespmem:s7+$0x50]  }
0x16e: {  	s15 =	sadd.s32 $0x1830, s0;
	v9 =	vadd.s32 s14, v0;
	s14 =	sadd.s32 $0x817, s0;
	[tilespmem:v14+s13+$0x0] =	vst.idx.msk $0xffff, v13;
	v6 =	vld [tilespmem:s7+$0x90]  }
0x16f: {  	v12 =	vadd.s32 s15, v0;
	s15 =	sadd.s32 $0x1021, s0;
	[tilespmem:v10+s13+$0x0] =	vst.idx.msk $0xffff, v8;
	v8 =	vld [tilespmem:s7+$0xD0];
	v10 =	vadd.s32 s14, v0  }
0x170: {  	[tilespmem:v7+s13+$0x0] =	vst.idx.msk $0xffff, v11;
	v7 =	vand.u32 $0x3FF8, v12;
	v11 =	vld [tilespmem:s7+$0xFFFFFF60];
	v12 =	vadd.s32 s15, v0  }
0x171: {  	s14 =	sadd.s32 $0x1022, s0;
	v13 =	vld [tilespmem:s7+$0xFFFFFF30];
	v7 =	vor.u32 v1, v7;
	[tilespmem:v3+s13+$0x0] =	vst.idx.msk $0xffff, v2  }
0x172: {  	v3 =	vadd.s32 s14, v0;
	s14 =	sadd.s32 $0x1023, s0;
	v2 =	vld [tilespmem:s7+$0xFFFFFFA0];
	[tilespmem:v5+s13+$0x0] =	vst.idx.msk $0xffff, v4  }
0x173: {  	v5 =	vadd.s32 s14, v0;
	s14 =	sadd.s32 $0x1024, s0;
	v4 =	vld [tilespmem:s7+$0xFFFFFFE0];
	[tilespmem:v9+s13+$0x0] =	vst.idx.msk $0xffff, v6  }
0x174: {  	v9 =	vadd.s32 s14, v0;
	s14 =	sadd.s32 $0x1025, s0;
	v6 =	vld [tilespmem:s7+$0x20];
	[tilespmem:v10+s13+$0x0] =	vst.idx.msk $0xffff, v8  }
0x175: {  	[tilespmem:v12+s13+$0x0] =	vst.idx.msk $0xffff, v11;
	v10 =	vld [tilespmem:s7+$0x60];
	v12 =	vadd.s32 s14, v0;
	s14 =	sadd.s32 $0x1026, s0  }
0x176: {  	[tilespmem:v7+s13+$0x0] =	vst.idx.msk $0xffff, v13;
	v7 =	vld [tilespmem:s7+$0xA0];
	v13 =	vadd.s32 s14, v0;
	s14 =	sadd.s32 $0x1027, s0  }
0x177: {  	s15 =	sadd.s32 $0x1831, s0;
	[tilespmem:v3+s13+$0x0] =	vst.idx.msk $0xffff, v2;
	v14 =	vld [tilespmem:s7+$0xE0];
	v15 =	vadd.s32 s14, v0  }
0x178: {  	v17 =	vadd.s32 s15, v0;
	s14 =	sadd.s32 $0x1832, s0;
	v16 =	vld [tilespmem:s7+$0xFFFFFF70];
	[tilespmem:v5+s13+$0x0] =	vst.idx.msk $0xffff, v4  }
.Ltmp2:
0x179: {  	v11 =	vadd.s32 s14, v0;
	s14 =	sadd.s32 $0x1833, s0;
	v8 =	vld [tilespmem:s7+$0xFFFFFFB0];
	[tilespmem:v9+s13+$0x0] =	vst.idx.msk $0xffff, v6;
	(pc) =	sbr.rel @p1 .LBB2_7-.Ltmp2, $4  }
0x17a: {  	v5 =	vadd.s32 s14, v0;
	s14 =	sadd.s32 $0x1834, s0;
	v2 =	vld [tilespmem:s7+$0xFFFFFFF0];
	[tilespmem:v12+s13+$0x0] =	vst.idx.msk $0xffff, v10  }
0x17b: {  	v9 =	vadd.s32 s14, v0;
	s14 =	sadd.s32 $0x1835, s0;
	v3 =	vld [tilespmem:s7+$0x30];
	[tilespmem:v13+s13+$0x0] =	vst.idx.msk $0xffff, v7  }
0x17c: {  	v6 =	vadd.s32 s14, v0;
	s14 =	sadd.s32 $0x1836, s0;
	v4 =	vld [tilespmem:s7+$0x70];
	[tilespmem:v15+s13+$0x0] =	vst.idx.msk $0xffff, v14  }
0x17d: {  	v12 =	vadd.s32 s11, v0;
	v10 =	vadd.s32 s14, v0;
	s14 =	sadd.s32 $0x1837, s0;
	s0 =	smov.u32 s11;
	s11 =	sadd.s32 $0x8, s11;
	[tilespmem:v17+s13+$0x0] =	vst.idx.msk $0xffff, v16;
	v7 =	vld [tilespmem:s7+$0xB0]  }
0x17e: {  	_ =	sdelay $0x3  }
0x17f: {  	v12 =	vand.u32 $0xFF8, v12;
	[tilespmem:v11+s13+$0x0] =	vst.idx.msk $0xffff, v8;
	v8 =	vld [tilespmem:s7+$0xF0];
	v41 =	vadd.s32 s14, v0;
	s7 =	sadd.s32 $0x200, s7  }
0x180: {  	s11 =	sadd.s32 $0x1, s0;
	v13 =	vld [tilespmem:s7+$0xFFFFFF00];
	v12 =	vor.u32 v1, v12;
	[tilespmem:v5+s13+$0x0] =	vst.idx.msk $0xffff, v2  }
0x181: {  	s14 =	sadd.s32 $0x2, s0;
	v2 =	vld [tilespmem:s7+$0xFFFFFF40];
	v5 =	vadd.s32 s11, v0;
	[tilespmem:v9+s13+$0x0] =	vst.idx.msk $0xffff, v3  }
0x182: {  	s15 =	sadd.s32 $0x3, s0;
	v42 =	vadd.s32 s14, v0;
	v3 =	vld [tilespmem:s7+$0xFFFFFF80];
	[tilespmem:v6+s13+$0x0] =	vst.idx.msk $0xffff, v4  }
0x183: {  	s14 =	sadd.s32 $0x810, s0;
	v4 =	vld [tilespmem:s7+$0xFFFFFFC0];
	v6 =	vadd.s32 s15, v0;
	s15 =	sadd.s32 $0x4, s0;
	[tilespmem:v10+s13+$0x0] =	vst.idx.msk $0xffff, v7  }
0x184: {  	v43 =	vld [tilespmem:s7+$0x0];
	v7 =	vadd.s32 s14, v0;
	v14 =	vadd.s32 s15, v0;
	s14 =	sadd.s32 $0x5, s0;
	[tilespmem:v41+s13+$0x0] =	vst.idx.msk $0xffff, v8  }
0x185: {  	v7 =	vand.u32 $0x1FF8, v7;
	v8 =	vld [tilespmem:s7+$0x40];
	v44 =	vadd.s32 s14, v0;
	[tilespmem:v12+s13+$0x0] =	vst.idx.msk $0xffff, v13  }
0x186: {  	s15 =	sadd.s32 $0x6, s0;
	v7 =	vor.u32 v1, v7;
	[tilespmem:v5+s13+$0x0] =	vst.idx.msk $0xffff, v2;
	v12 =	vld [tilespmem:s7+$0xFFFFFF10]  }
0x187: {  	s14 =	sadd.s32 $0x7, s0;
	v2 =	vld [tilespmem:s7+$0x80];
	[tilespmem:v42+s13+$0x0] =	vst.idx.msk $0xffff, v3;
	v3 =	vadd.s32 s15, v0  }
0x188: {  	v5 =	vadd.s32 s14, v0;
	s15 =	sadd.s32 $0x811, s0;
	[tilespmem:v6+s13+$0x0] =	vst.idx.msk $0xffff, v4;
	v4 =	vld [tilespmem:s7+$0xC0]  }
0x189: {  	v6 =	vld [tilespmem:s7+$0xFFFFFF50];
	v45 =	vadd.s32 s15, v0;
	s15 =	sadd.s32 $0x812, s0;
	[tilespmem:v14+s13+$0x0] =	vst.idx.msk $0xffff, v43  }
0x18a: {  	s11 =	sadd.s32 $0x1020, s0;
	v47 =	vld [tilespmem:s7+$0xFFFFFF90];
	v48 =	vadd.s32 s15, v0;
	s15 =	sadd.s32 $0x813, s0;
	[tilespmem:v44+s13+$0x0] =	vst.idx.msk $0xffff, v8  }
0x18b: {  	v46 =	vadd.s32 s11, v0;
	s14 =	sadd.s32 $0x814, s0;
	v8 =	vld [tilespmem:s7+$0xFFFFFFD0];
	v49 =	vadd.s32 s15, v0;
	[tilespmem:v7+s13+$0x0] =	vst.idx.msk $0xffff, v12  }
0x18c: {  	v7 =	vand.u32 $0x1FF8, v46;
	[tilespmem:v3+s13+$0x0] =	vst.idx.msk $0xffff, v2;
	v2 =	vld [tilespmem:s7+$0x10];
	v3 =	vadd.s32 s14, v0  }
0x18d: {  	s15 =	sadd.s32 $0x815, s0;
	v50 =	vld [tilespmem:s7+$0xFFFFFF20];
	v7 =	vor.u32 v1, v7;
	[tilespmem:v5+s13+$0x0] =	vst.idx.msk $0xffff, v4  }
0x18e: {  	s14 =	sadd.s32 $0x816, s0;
	[tilespmem:v45+s13+$0x0] =	vst.idx.msk $0xffff, v6;
	v4 =	vld [tilespmem:s7+$0x50];
	v5 =	vadd.s32 s15, v0  }
0x18f: {  	s11 =	sadd.s32 $0x817, s0;
	s15 =	sadd.s32 $0x1830, s0;
	v6 =	vld [tilespmem:s7+$0x90];
	v51 =	vadd.s32 s14, v0;
	[tilespmem:v48+s13+$0x0] =	vst.idx.msk $0xffff, v47  }
0x190: {  	v53 =	vadd.s32 s11, v0;
	v52 =	vadd.s32 s15, v0;
	s15 =	sadd.s32 $0x1021, s0;
	[tilespmem:v49+s13+$0x0] =	vst.idx.msk $0xffff, v8;
	v8 =	vld [tilespmem:s7+$0xD0]  }
0x191: {  	v54 =	vld [tilespmem:s7+$0xFFFFFF60];
	v55 =	vadd.s32 s15, v0;
	s15 =	sadd.s32 $0x1022, s0;
	[tilespmem:v3+s13+$0x0] =	vst.idx.msk $0xffff, v2  }
0x192: {  	s14 =	sadd.s32 $0x1023, s0;
	v2 =	vld [tilespmem:s7+$0xFFFFFFA0];
	v3 =	vadd.s32 s15, v0;
	[tilespmem:v7+s13+$0x0] =	vst.idx.msk $0xffff, v50  }
0x193: {  	v7 =	vand.u32 $0x3FF8, v52;
	[tilespmem:v5+s13+$0x0] =	vst.idx.msk $0xffff, v4;
	v4 =	vld [tilespmem:s7+$0xFFFFFFE0];
	v5 =	vadd.s32 s14, v0  }
0x194: {  	s15 =	sadd.s32 $0x1024, s0;
	[tilespmem:v51+s13+$0x0] =	vst.idx.msk $0xffff, v6;
	v56 =	vld [tilespmem:s7+$0xFFFFFF30];
	v7 =	vor.u32 v1, v7  }
0x195: {  	v6 =	vld [tilespmem:s7+$0x20];
	v57 =	vadd.s32 s15, v0;
	s14 =	sadd.s32 $0x1025, s0;
	s15 =	sadd.s32 $0x1026, s0;
	[tilespmem:v53+s13+$0x0] =	vst.idx.msk $0xffff, v8  }
0x196: {  	v58 =	vadd.s32 s14, v0;
	v59 =	vadd.s32 s15, v0;
	s14 =	sadd.s32 $0x1027, s0;
	s15 =	sadd.s32 $0x1831, s0;
	[tilespmem:v55+s13+$0x0] =	vst.idx.msk $0xffff, v54;
	v8 =	vld [tilespmem:s7+$0x60]  }
0x197: {  	v60 =	vadd.s32 s15, v0;
	s15 =	sadd.s32 $0x1832, s0;
	[tilespmem:v3+s13+$0x0] =	vst.idx.msk $0xffff, v2;
	v2 =	vld [tilespmem:s7+$0xE0];
	v3 =	vadd.s32 s14, v0  }
0x198: {  	[tilespmem:v5+s13+$0x0] =	vst.idx.msk $0xffff, v4;
	v4 =	vld [tilespmem:s7+$0xFFFFFFB0];
	v5 =	vadd.s32 s15, v0  }
0x199: {  	[tilespmem:v7+s13+$0x0] =	vst.idx.msk $0xffff, v56;
	v7 =	vld [tilespmem:s7+$0xA0]  }
0x19a: {  	v12 =	vld [tilespmem:s7+$0xFFFFFF70];
	s14 =	sadd.s32 $0x1833, s0;
	[tilespmem:v57+s13+$0x0] =	vst.idx.msk $0xffff, v6  }
0x19b: {  	v61 =	vadd.s32 s14, v0;
	s15 =	sadd.s32 $0x1834, s0;
	s14 =	sadd.s32 $0x1835, s0;
	v6 =	vld [tilespmem:s7+$0xFFFFFFF0];
	[tilespmem:v58+s13+$0x0] =	vst.idx.msk $0xffff, v8  }
0x19c: {  	v62 =	vadd.s32 s15, v0;
	v63 =	vadd.s32 s14, v0;
	s14 =	sadd.s32 $0x1837, s0;
	v8 =	vld [tilespmem:s7+$0x30];
	[tilespmem:v3+s13+$0x0] =	vst.idx.msk $0xffff, v2  }
0x19d: {  	[tilespmem:v5+s13+$0x0] =	vst.idx.msk $0xffff, v4;
	v4 =	vld [tilespmem:s7+$0xF0];
	v5 =	vadd.s32 s14, v0  }
0x19e: {  	s15 =	sadd.s32 $0x1836, s0;
	[tilespmem:v59+s13+$0x0] =	vst.idx.msk $0xffff, v7;
	v7 =	vld [tilespmem:s7+$0x70]  }
0x19f: {  	[tilespmem:v60+s13+$0x0] =	vst.idx.msk $0xffff, v12;
	v3 =	vadd.s32 s15, v0;
	v2 =	vld [tilespmem:s7+$0xB0]  }
0x1a0: {  	[tilespmem:v61+s13+$0x0] =	vst.idx.msk $0xffff, v6  }
0x1a1: {  	[tilespmem:v62+s13+$0x0] =	vst.idx.msk $0xffff, v8  }
0x1a2: {  	[tilespmem:v5+s13+$0x0] =	vst.idx.msk $0xffff, v4  }
0x1a3: {  	[tilespmem:v63+s13+$0x0] =	vst.idx.msk $0xffff, v7  }
0x1a4: {  	s0 =	simm.s32 @!p0 $0x4;
	[tilespmem:v3+s13+$0x0] =	vst.idx.msk $0xffff, v2  }
0x1a5: {  	_ =	swait.ge @!p0 [sflag:s0], $0x400  }
0x1a6: {  	[sflag:s0] =	ssyncset.done @!p0 $0x0  }
0x1a7: {  	[sflag:s0] =	ssyncadd.s32 @!p0 $0xFFFFFC00  }
0x1a8: {  	_ =	swait.ge @!p0 [sflag:s0], $0x400  }
0x1a9: {  	[sflag:s0] =	ssyncset.done @!p0 $0x0  }
0x1aa: {  	[sflag:s0] =	ssyncadd.s32 @!p0 $0xFFFFFC00  }
0x1ab: {  	_ =	swait.ge @!p0 [sflag:s0], $0x400  }
0x1ac: {  	[sflag:s0] =	ssyncset.done @!p0 $0x0  }
0x1ad: {  	[sflag:s0] =	ssyncadd.s32 @!p0 $0xFFFFFC00  }
0x1ae: {  	_ =	swait.ge @!p0 [sflag:s0], $0x400  }
0x1af: {  	[sflag:s0] =	ssyncset.done @!p0 $0x0  }
0x1b0: {  	[sflag:s0] =	ssyncadd.s32 @!p0 $0xFFFFFC00  }
0x1b1: {  	_ =	swait.ge @!p0 [sflag:s0], $0x400  }
0x1b2: {  	[sflag:s0] =	ssyncset.done @!p0 $0x0  }
0x1b3: {  	[sflag:s0] =	ssyncadd.s32 @!p0 $0xFFFFFC00  }
0x1b4: {  	_ =	swait.ge @!p0 [sflag:s0], $0x400  }
0x1b5: {  	[sflag:s0] =	ssyncset.done @!p0 $0x0  }
0x1b6: {  	[sflag:s0] =	ssyncadd.s32 @!p0 $0xFFFFFC00  }
0x1b7: {  	_ =	swait.ge @!p0 [sflag:s0], $0x400  }
0x1b8: {  	[sflag:s0] =	ssyncset.done @!p0 $0x0  }
0x1b9: {  	[sflag:s0] =	ssyncadd.s32 @!p0 $0xFFFFFC00  }
0x1ba: {  	_ =	swait.ge @!p0 [sflag:s0], $0x400  }
0x1bb: {  	[sflag:s0] =	ssyncset.done @!p0 $0x0  }
0x1bc: {  	s15 =	simm.s32 $0xA604;
	[sflag:s0] =	ssyncadd.s32 @!p0 $0xFFFFFC00  }
0x1bd: {  	v2 =	vld [tilespmem:s15+$0x183]  }
0x1be: {  	v3 =	vld [tilespmem:s15+$0xFFFFFE7D]  }
0x1bf: {  	v4 =	vld [tilespmem:s15+$0xFFFFFEFE]  }
0x1c0: {  	v5 =	vld [tilespmem:s15+$0xFFFFFF7F]  }
0x1c1: {  	s0 =	simm.s32 $0xE640;
	v6 =	vld [tilespmem:s15+$0x0]  }
0x1c2: {  	v7 =	vld [tilespmem:s15+$0x81];
	[tilespmem:s0+$0x180] =	vst v2  }
0x1c3: {  	[tilespmem:s0+$0xFFFFFE80] =	vst v3;
	v3 =	vld [tilespmem:s15+$0x102]  }
0x1c4: {  	[tilespmem:s0+$0xFFFFFF00] =	vst v4;
	v4 =	vld [tilespmem:s15+$0xFFFFFDFC]  }
0x1c5: {  	[tilespmem:s0+$0xFFFFFF80] =	vst v5;
	v2 =	vld [tilespmem:s15+$0x193]  }
0x1c6: {  	[tilespmem:s0+$0x0] =	vst v6;
	v5 =	vld [tilespmem:s15+$0xFFFFFE8D]  }
0x1c7: {  	[tilespmem:s0+$0x80] =	vst v7;
	v6 =	vld [tilespmem:s15+$0xFFFFFF0E]  }
0x1c8: {  	v7 =	vld [tilespmem:s15+$0xFFFFFF8F];
	[tilespmem:s0+$0x100] =	vst v3  }
0x1c9: {  	[tilespmem:s0+$0xFFFFFE00] =	vst v4;
	v3 =	vld [tilespmem:s15+$0x10]  }
0x1ca: {  	[tilespmem:s0+$0x190] =	vst v2;
	v4 =	vld [tilespmem:s15+$0xFFFFFE0C]  }
0x1cb: {  	[tilespmem:s0+$0xFFFFFE90] =	vst v5;
	v5 =	vld [tilespmem:s15+$0x91]  }
0x1cc: {  	[tilespmem:s0+$0xFFFFFF10] =	vst v6;
	v2 =	vld [tilespmem:s15+$0x1A3]  }
0x1cd: {  	[tilespmem:s0+$0xFFFFFF90] =	vst v7;
	v6 =	vld [tilespmem:s15+$0x112]  }
0x1ce: {  	v7 =	vld [tilespmem:s15+$0xFFFFFE9D];
	[tilespmem:s0+$0x10] =	vst v3  }
0x1cf: {  	v3 =	vld [tilespmem:s15+$0xFFFFFF1E];
	[tilespmem:s0+$0xFFFFFE10] =	vst v4  }
0x1d0: {  	[tilespmem:s0+$0x90] =	vst v5;
	v5 =	vld [tilespmem:s15+$0xFFFFFF9F]  }
0x1d1: {  	[tilespmem:s0+$0x1A0] =	vst v2;
	v4 =	vld [tilespmem:s15+$0xFFFFFE1C]  }
0x1d2: {  	[tilespmem:s0+$0x110] =	vst v6;
	v2 =	vld [tilespmem:s15+$0x1B3]  }
0x1d3: {  	v6 =	vld [tilespmem:s15+$0x20];
	[tilespmem:s0+$0xFFFFFEA0] =	vst v7  }
0x1d4: {  	v7 =	vld [tilespmem:s15+$0xA1];
	[tilespmem:s0+$0xFFFFFF20] =	vst v3  }
0x1d5: {  	v3 =	vld [tilespmem:s15+$0x122];
	[tilespmem:s0+$0xFFFFFFA0] =	vst v5  }
0x1d6: {  	v5 =	vld [tilespmem:s15+$0xFFFFFEAD];
	[tilespmem:s0+$0xFFFFFE20] =	vst v4  }
0x1d7: {  	[tilespmem:s0+$0x1B0] =	vst v2;
	v4 =	vld [tilespmem:s15+$0xFFFFFE2C]  }
0x1d8: {  	[tilespmem:s0+$0x20] =	vst v6;
	v2 =	vld [tilespmem:s15+$0x1C3]  }
0x1d9: {  	v6 =	vld [tilespmem:s15+$0xFFFFFF2E];
	[tilespmem:s0+$0xA0] =	vst v7  }
0x1da: {  	v7 =	vld [tilespmem:s15+$0xFFFFFFAF];
	[tilespmem:s0+$0x120] =	vst v3  }
0x1db: {  	v3 =	vld [tilespmem:s15+$0x30];
	[tilespmem:s0+$0xFFFFFEB0] =	vst v5  }
0x1dc: {  	v5 =	vld [tilespmem:s15+$0x132];
	[tilespmem:s0+$0xFFFFFE30] =	vst v4  }
0x1dd: {  	v4 =	vld [tilespmem:s15+$0xB1];
	[tilespmem:s0+$0x1C0] =	vst v2  }
0x1de: {  	[tilespmem:s0+$0xFFFFFF30] =	vst v6;
	v2 =	vld [tilespmem:s15+$0x1D3]  }
0x1df: {  	[tilespmem:s0+$0xFFFFFFB0] =	vst v7;
	v7 =	vld [tilespmem:s15+$0xFFFFFEBD]  }
0x1e0: {  	v6 =	vld [tilespmem:s15+$0xFFFFFE3C];
	[tilespmem:s0+$0x30] =	vst v3  }
0x1e1: {  	v3 =	vld [tilespmem:s15+$0xFFFFFF3E];
	[tilespmem:s0+$0x130] =	vst v5  }
0x1e2: {  	v5 =	vld [tilespmem:s15+$0x40];
	[tilespmem:s0+$0xB0] =	vst v4  }
0x1e3: {  	v4 =	vld [tilespmem:s15+$0xFFFFFFBF];
	[tilespmem:s0+$0x1D0] =	vst v2  }
0x1e4: {  	[tilespmem:s0+$0xFFFFFEC0] =	vst v7;
	v2 =	vld [tilespmem:s15+$0x1E3]  }
0x1e5: {  	v7 =	vld [tilespmem:s15+$0x142];
	[tilespmem:s0+$0xFFFFFE40] =	vst v6  }
0x1e6: {  	v6 =	vld [tilespmem:s15+$0xC1];
	[tilespmem:s0+$0xFFFFFF40] =	vst v3  }
0x1e7: {  	v3 =	vld [tilespmem:s15+$0xFFFFFE4C];
	[tilespmem:s0+$0x40] =	vst v5  }
0x1e8: {  	[tilespmem:s0+$0xFFFFFFC0] =	vst v4;
	v4 =	vld [tilespmem:s15+$0xFFFFFECD]  }
0x1e9: {  	v5 =	vld [tilespmem:s15+$0xFFFFFF4E];
	[tilespmem:s0+$0x1E0] =	vst v2  }
0x1ea: {  	[tilespmem:s0+$0x140] =	vst v7;
	v2 =	vld [tilespmem:s15+$0x1F3]  }
0x1eb: {  	v7 =	vld [tilespmem:s15+$0x50];
	[tilespmem:s0+$0xC0] =	vst v6  }
0x1ec: {  	v6 =	vld [tilespmem:s15+$0xFFFFFFCF];
	[tilespmem:s0+$0xFFFFFE50] =	vst v3  }
0x1ed: {  	v3 =	vld [tilespmem:s15+$0x152];
	[tilespmem:s0+$0xFFFFFED0] =	vst v4  }
0x1ee: {  	[tilespmem:s0+$0xFFFFFF50] =	vst v5;
	v5 =	vld [tilespmem:s15+$0xFFFFFEDD]  }
0x1ef: {  	[tilespmem:s0+$0x1F0] =	vst v2;
	v2 =	vld [tilespmem:s15+$0xD1]  }
0x1f0: {  	[tilespmem:s0+$0x50] =	vst v7;
	v4 =	vld [tilespmem:s15+$0xFFFFFE5C]  }
0x1f1: {  	[tilespmem:s0+$0xFFFFFFD0] =	vst v6;
	v6 =	vld [tilespmem:s15+$0xFFFFFF5E]  }
0x1f2: {  	v7 =	vld [tilespmem:s15+$0xFFFFFFDF];
	[tilespmem:s0+$0x150] =	vst v3  }
0x1f3: {  	[tilespmem:s0+$0xFFFFFEE0] =	vst v5;
	v5 =	vld [tilespmem:s15+$0x162]  }
0x1f4: {  	[tilespmem:s0+$0xD0] =	vst v2;
	v2 =	vld [tilespmem:s15+$0x60]  }
0x1f5: {  	[tilespmem:s0+$0xFFFFFE60] =	vst v4;
	v3 =	vld [tilespmem:s15+$0xE1]  }
0x1f6: {  	v8 =	vld [tilespmem:s15+$0xFFFFFE6C];
	[tilespmem:s0+$0xFFFFFF60] =	vst v6  }
0x1f7: {  	v6 =	vld [tilespmem:s15+$0xFFFFFEED];
	[tilespmem:s0+$0xFFFFFFE0] =	vst v7  }
0x1f8: {  	v4 =	vld [tilespmem:s15+$0xFFFFFF6E];
	[tilespmem:s0+$0x160] =	vst v5  }
0x1f9: {  	[tilespmem:s0+$0x60] =	vst v2;
	v2 =	vld [tilespmem:s15+$0xFFFFFFEF]  }
0x1fa: {  	[tilespmem:s0+$0xE0] =	vst v3;
	v3 =	vld [tilespmem:s15+$0x70]  }
0x1fb: {  	[tilespmem:s0+$0xFFFFFE70] =	vst v8;
	v5 =	vld [tilespmem:s15+$0xF1]  }
0x1fc: {  	s11 =	simm.s32 $0xAA0C;
	s7 =	simm.s32 $0x0;
	[tilespmem:s0+$0xFFFFFEF0] =	vst v6;
	v6 =	vld [tilespmem:s15+$0x172]  }
.LBB2_9:
0x1fd: {  	v7 =	vld [tilespmem:s11+$0x183];
	s7 =	sadd.s32 $0x8, s7;
	[tilespmem:s0+$0xFFFFFF70] =	vst v4  }
0x1fe: {  	v4 =	vld [tilespmem:s11+$0xFFFFFE7D];
	p0 =	slt.u32 s7, $0x38;
	[tilespmem:s0+$0xFFFFFFF0] =	vst v2  }
0x1ff: {  	v2 =	vld [tilespmem:s11+$0xFFFFFEFE];
	[tilespmem:s0+$0x70] =	vst v3  }
0x200: {  	v3 =	vld [tilespmem:s11+$0xFFFFFF7F];
	[tilespmem:s0+$0xF0] =	vst v5  }
0x201: {  	v5 =	vld [tilespmem:s11+$0x0];
	[tilespmem:s0+$0x170] =	vst v6;
	s0 =	sadd.s32 $0x400, s0  }
0x202: {  	v6 =	vld [tilespmem:s11+$0x81];
	[tilespmem:s0+$0x180] =	vst v7  }
0x203: {  	[tilespmem:s0+$0xFFFFFE80] =	vst v4;
	v4 =	vld [tilespmem:s11+$0x193]  }
0x204: {  	[tilespmem:s0+$0xFFFFFF00] =	vst v2;
	v2 =	vld [tilespmem:s11+$0x102]  }
0x205: {  	v7 =	vld [tilespmem:s11+$0xFFFFFDFC];
	[tilespmem:s0+$0xFFFFFF80] =	vst v3  }
0x206: {  	v3 =	vld [tilespmem:s11+$0xFFFFFE8D];
	[tilespmem:s0+$0x0] =	vst v5  }
0x207: {  	v5 =	vld [tilespmem:s11+$0xFFFFFF0E];
	[tilespmem:s0+$0x80] =	vst v6  }
0x208: {  	v6 =	vld [tilespmem:s11+$0xFFFFFF8F];
	[tilespmem:s0+$0x190] =	vst v4  }
0x209: {  	[tilespmem:s0+$0x100] =	vst v2;
	v2 =	vld [tilespmem:s11+$0x1A3]  }
0x20a: {  	[tilespmem:s0+$0xFFFFFE00] =	vst v7;
	v4 =	vld [tilespmem:s11+$0x10]  }
0x20b: {  	v7 =	vld [tilespmem:s11+$0xFFFFFE0C];
	[tilespmem:s0+$0xFFFFFE90] =	vst v3  }
0x20c: {  	[tilespmem:s0+$0xFFFFFF10] =	vst v5;
	v3 =	vld [tilespmem:s11+$0x91]  }
0x20d: {  	[tilespmem:s0+$0xFFFFFF90] =	vst v6;
	v5 =	vld [tilespmem:s11+$0x112]  }
0x20e: {  	v6 =	vld [tilespmem:s11+$0xFFFFFE9D];
	[tilespmem:s0+$0x1A0] =	vst v2  }
0x20f: {  	[tilespmem:s0+$0x10] =	vst v4;
	v2 =	vld [tilespmem:s11+$0x1B3]  }
0x210: {  	[tilespmem:s0+$0xFFFFFE10] =	vst v7;
	v4 =	vld [tilespmem:s11+$0xFFFFFF1E]  }
0x211: {  	v7 =	vld [tilespmem:s11+$0xFFFFFE1C];
	[tilespmem:s0+$0x90] =	vst v3  }
0x212: {  	v3 =	vld [tilespmem:s11+$0xFFFFFF9F];
	[tilespmem:s0+$0x110] =	vst v5  }
0x213: {  	[tilespmem:s0+$0xFFFFFEA0] =	vst v6;
	v5 =	vld [tilespmem:s11+$0x20]  }
0x214: {  	v6 =	vld [tilespmem:s11+$0xA1];
	[tilespmem:s0+$0x1B0] =	vst v2  }
0x215: {  	[tilespmem:s0+$0xFFFFFF20] =	vst v4;
	v2 =	vld [tilespmem:s11+$0x1C3]  }
0x216: {  	[tilespmem:s0+$0xFFFFFE20] =	vst v7;
	v4 =	vld [tilespmem:s11+$0x122]  }
0x217: {  	v7 =	vld [tilespmem:s11+$0xFFFFFE2C];
	[tilespmem:s0+$0xFFFFFFA0] =	vst v3  }
0x218: {  	v3 =	vld [tilespmem:s11+$0xFFFFFEAD];
	[tilespmem:s0+$0x20] =	vst v5  }
0x219: {  	v5 =	vld [tilespmem:s11+$0xFFFFFF2E];
	[tilespmem:s0+$0xA0] =	vst v6  }
0x21a: {  	v6 =	vld [tilespmem:s11+$0xFFFFFFAF];
	[tilespmem:s0+$0x1C0] =	vst v2  }
0x21b: {  	[tilespmem:s0+$0x120] =	vst v4;
	v2 =	vld [tilespmem:s11+$0x1D3]  }
0x21c: {  	[tilespmem:s0+$0xFFFFFE30] =	vst v7;
	v4 =	vld [tilespmem:s11+$0x30]  }
0x21d: {  	[tilespmem:s0+$0xFFFFFEB0] =	vst v3;
	v3 =	vld [tilespmem:s11+$0xB1]  }
0x21e: {  	[tilespmem:s0+$0xFFFFFF30] =	vst v5;
	v5 =	vld [tilespmem:s11+$0x132]  }
0x21f: {  	v7 =	vld [tilespmem:s11+$0xFFFFFE3C];
	[tilespmem:s0+$0xFFFFFFB0] =	vst v6  }
0x220: {  	v6 =	vld [tilespmem:s11+$0xFFFFFEBD];
	[tilespmem:s0+$0x1D0] =	vst v2  }
0x221: {  	[tilespmem:s0+$0x30] =	vst v4;
	v2 =	vld [tilespmem:s11+$0x1E3]  }
0x222: {  	v4 =	vld [tilespmem:s11+$0xFFFFFF3E];
	[tilespmem:s0+$0xB0] =	vst v3  }
0x223: {  	v3 =	vld [tilespmem:s11+$0xFFFFFFBF];
	[tilespmem:s0+$0x130] =	vst v5  }
0x224: {  	[tilespmem:s0+$0xFFFFFE40] =	vst v7;
	v5 =	vld [tilespmem:s11+$0x40]  }
0x225: {  	[tilespmem:s0+$0xFFFFFEC0] =	vst v6;
	v6 =	vld [tilespmem:s11+$0xC1]  }
0x226: {  	v7 =	vld [tilespmem:s11+$0x142];
	[tilespmem:s0+$0x1E0] =	vst v2  }
0x227: {  	[tilespmem:s0+$0xFFFFFF40] =	vst v4;
	v2 =	vld [tilespmem:s11+$0x1F3]  }
0x228: {  	v4 =	vld [tilespmem:s11+$0xFFFFFE4C];
	[tilespmem:s0+$0xFFFFFFC0] =	vst v3  }
0x229: {  	v3 =	vld [tilespmem:s11+$0xFFFFFECD];
	[tilespmem:s0+$0x40] =	vst v5  }
0x22a: {  	v5 =	vld [tilespmem:s11+$0xFFFFFF4E];
	[tilespmem:s0+$0xC0] =	vst v6  }
0x22b: {  	v6 =	vld [tilespmem:s11+$0xFFFFFFCF];
	[tilespmem:s0+$0x140] =	vst v7  }
0x22c: {  	v7 =	vld [tilespmem:s11+$0x50];
	[tilespmem:s0+$0x1F0] =	vst v2  }
0x22d: {  	[tilespmem:s0+$0xFFFFFE50] =	vst v4;
	v2 =	vld [tilespmem:s11+$0xD1]  }
0x22e: {  	[tilespmem:s0+$0xFFFFFED0] =	vst v3;
	v3 =	vld [tilespmem:s11+$0x152]  }
0x22f: {  	v4 =	vld [tilespmem:s11+$0xFFFFFE5C];
	[tilespmem:s0+$0xFFFFFF50] =	vst v5  }
0x230: {  	v5 =	vld [tilespmem:s11+$0xFFFFFEDD];
	[tilespmem:s0+$0xFFFFFFD0] =	vst v6  }
0x231: {  	v6 =	vld [tilespmem:s11+$0xFFFFFF5E];
	[tilespmem:s0+$0x50] =	vst v7  }
0x232: {  	v7 =	vld [tilespmem:s11+$0xFFFFFFDF];
	[tilespmem:s0+$0xD0] =	vst v2  }
0x233: {  	v2 =	vld [tilespmem:s11+$0x60];
	[tilespmem:s0+$0x150] =	vst v3  }
0x234: {  	[tilespmem:s0+$0xFFFFFE60] =	vst v4;
	v3 =	vld [tilespmem:s11+$0xE1]  }
0x235: {  	[tilespmem:s0+$0xFFFFFEE0] =	vst v5;
	v5 =	vld [tilespmem:s11+$0x162]  }
0x236: {  	v8 =	vld [tilespmem:s11+$0xFFFFFE6C];
	[tilespmem:s0+$0xFFFFFF60] =	vst v6  }
0x237: {  	v6 =	vld [tilespmem:s11+$0xFFFFFEED];
	[tilespmem:s0+$0xFFFFFFE0] =	vst v7  }
.Ltmp3:
0x238: {  	v4 =	vld [tilespmem:s11+$0xFFFFFF6E];
	[tilespmem:s0+$0x60] =	vst v2;
	(pc) =	sbr.rel @p0 .LBB2_9-.Ltmp3, $4  }
0x239: {  	v2 =	vld [tilespmem:s11+$0xFFFFFFEF];
	[tilespmem:s0+$0xE0] =	vst v3  }
0x23a: {  	v3 =	vld [tilespmem:s11+$0x70];
	[tilespmem:s0+$0x160] =	vst v5  }
0x23b: {  	[tilespmem:s0+$0xFFFFFE70] =	vst v8;
	v5 =	vld [tilespmem:s11+$0xF1]  }
0x23c: {  	[tilespmem:s0+$0xFFFFFEF0] =	vst v6;
	v6 =	vld [tilespmem:s11+$0x172];
	s11 =	sadd.s32 $0x408, s11  }
0x23d: {  	[tilespmem:s0+$0xFFFFFF70] =	vst v4;
	s1 =	sor.u32 $0x400, s1  }
0x23e: {  	[tilespmem:s0+$0xFFFFFFF0] =	vst v2;
	s1 =	ssub.s32 s1, s8  }
0x23f: {  	[tilespmem:s0+$0x70] =	vst v3;
	s1 =	sadd.s32 s10, s1  }
0x240: {  	[tilespmem:s0+$0xF0] =	vst v5;
	s7 =	sshrl.u32 s1, $0x3;
	s15 =	sadd.s32 $0x8000, s1  }
0x241: {  	[tilespmem:s0+$0x170] =	vst v6;
	s14 =	sadd.s32 s2, s7;
	s0 =	sshrl.u32 s15, $0x3  }
0x242: {  	[hbm4b:s14+s3] =	stream.linear.scatter [tilespmem:s23], [sflag:$0x4], $0x400, $0x38;
	[tilespmem:$0x10440] =	vst v63  }
0x243: {  	s7 =	sadd.s32 $0x10000, s1;
	s0 =	sadd.s32 s2, s0  }
0x244: {  	[hbm4b:s0+s3] =	stream.linear.scatter [tilespmem:s24], [sflag:$0x4], $0x400, $0x38;
	[tilespmem:$0x10440] =	vst v63  }
0x245: {  	s0 =	sshrl.u32 s7, $0x3  }
0x246: {  	s8 =	sadd.s32 $0x18000, s1;
	s0 =	sadd.s32 s2, s0  }
0x247: {  	[hbm4b:s0+s3] =	stream.linear.scatter [tilespmem:s25], [sflag:$0x4], $0x400, $0x38;
	[tilespmem:$0x10440] =	vst v63  }
0x248: {  	s0 =	sshrl.u32 s8, $0x3  }
0x249: {  	s10 =	sadd.s32 $0x20000, s1;
	s0 =	sadd.s32 s2, s0  }
0x24a: {  	[hbm4b:s0+s3] =	stream.linear.scatter [tilespmem:s26], [sflag:$0x4], $0x400, $0x38;
	[tilespmem:$0x10440] =	vst v63  }
0x24b: {  	s0 =	sshrl.u32 s10, $0x3  }
0x24c: {  	s11 =	sadd.s32 $0x28000, s1;
	s0 =	sadd.s32 s2, s0  }
0x24d: {  	[hbm4b:s0+s3] =	stream.linear.scatter [tilespmem:s28], [sflag:$0x4], $0x400, $0x38;
	[tilespmem:$0x10440] =	vst v63  }
0x24e: {  	s0 =	sshrl.u32 s11, $0x3  }
0x24f: {  	s6 =	sadd.s32 $0x1, s6;
	s14 =	sadd.s32 $0x30000, s1;
	s0 =	sadd.s32 s2, s0  }
0x250: {  	[hbm4b:s0+s3] =	stream.linear.scatter [tilespmem:s29], [sflag:$0x4], $0x400, $0x38;
	[tilespmem:$0x10440] =	vst v63  }
0x251: {  	p0 =	sne.s32 s6, $0x64;
	s0 =	sshrl.u32 s14, $0x3  }
.Ltmp4:
0x252: {  	s15 =	sadd.s32 $0x38000, s1;
	s0 =	sadd.s32 s2, s0;
	(pc) =	sbr.rel @p0 .LBB2_2-.Ltmp4, $4  }
0x253: {  	[hbm4b:s0+s3] =	stream.linear.scatter [tilespmem:s30], [sflag:$0x4], $0x400, $0x38;
	[tilespmem:$0x10440] =	vst v63  }
0x254: {  	s0 =	sshrl.u32 s15, $0x3  }
0x255: {  	s0 =	sadd.s32 s2, s0  }
0x256: {  	[hbm4b:s0+s3] =	stream.linear.scatter [tilespmem:s31], [sflag:$0x4], $0x400, $0x38;
	[tilespmem:$0x10440] =	vst v63  }
0x257: {  	s0 =	simm.s32 $0x3  }
0x258: {  	_ =	swait.ge [sflag:s0], $0x400  }
0x259: {  	[sflag:s0] =	ssyncset.done $0x0  }
0x25a: {  	[sflag:s0] =	ssyncadd.s32 $0xFFFFFC00  }
0x25b: {  	_ =	swait.ge [sflag:s0], $0x400  }
0x25c: {  	[sflag:s0] =	ssyncset.done $0x0  }
0x25d: {  	[sflag:s0] =	ssyncadd.s32 $0xFFFFFC00  }
0x25e: {  	_ =	swait.ge [sflag:s0], $0x400  }
0x25f: {  	[sflag:s0] =	ssyncset.done $0x0  }
0x260: {  	[sflag:s0] =	ssyncadd.s32 $0xFFFFFC00  }
0x261: {  	_ =	swait.ge [sflag:s0], $0x400  }
0x262: {  	[sflag:s0] =	ssyncset.done $0x0  }
0x263: {  	[sflag:s0] =	ssyncadd.s32 $0xFFFFFC00  }
0x264: {  	_ =	swait.ge [sflag:s0], $0x400  }
0x265: {  	[sflag:s0] =	ssyncset.done $0x0  }
0x266: {  	[sflag:s0] =	ssyncadd.s32 $0xFFFFFC00  }
0x267: {  	_ =	swait.ge [sflag:s0], $0x400  }
0x268: {  	[sflag:s0] =	ssyncset.done $0x0  }
0x269: {  	[sflag:s0] =	ssyncadd.s32 $0xFFFFFC00  }
0x26a: {  	_ =	swait.ge [sflag:s0], $0x400  }
0x26b: {  	[sflag:s0] =	ssyncset.done $0x0  }
0x26c: {  	[sflag:s0] =	ssyncadd.s32 $0xFFFFFC00  }
0x26d: {  	_ =	swait.ge [sflag:s0], $0x400  }
0x26e: {  	[sflag:s0] =	ssyncset.done $0x0  }
0x26f: {  	s1 =	simm.s32 $0x4;
	[sflag:s0] =	ssyncadd.s32 $0xFFFFFC00  }
0x270: {  	_ =	swait.ge [sflag:s1], $0x400  }
0x271: {  	[sflag:s1] =	ssyncset.done $0x0  }
0x272: {  	[sflag:s1] =	ssyncadd.s32 $0xFFFFFC00  }
0x273: {  	_ =	swait.ge [sflag:s1], $0x400  }
0x274: {  	[sflag:s1] =	ssyncset.done $0x0  }
0x275: {  	[sflag:s1] =	ssyncadd.s32 $0xFFFFFC00  }
0x276: {  	_ =	swait.ge [sflag:s1], $0x400  }
0x277: {  	[sflag:s1] =	ssyncset.done $0x0  }
0x278: {  	[sflag:s1] =	ssyncadd.s32 $0xFFFFFC00  }
0x279: {  	_ =	swait.ge [sflag:s1], $0x400  }
0x27a: {  	[sflag:s1] =	ssyncset.done $0x0  }
0x27b: {  	[sflag:s1] =	ssyncadd.s32 $0xFFFFFC00  }
0x27c: {  	_ =	swait.ge [sflag:s1], $0x400  }
0x27d: {  	[sflag:s1] =	ssyncset.done $0x0  }
0x27e: {  	[sflag:s1] =	ssyncadd.s32 $0xFFFFFC00  }
0x27f: {  	_ =	swait.ge [sflag:s1], $0x400  }
0x280: {  	[sflag:s1] =	ssyncset.done $0x0  }
0x281: {  	[sflag:s1] =	ssyncadd.s32 $0xFFFFFC00  }
0x282: {  	_ =	swait.ge [sflag:s1], $0x400  }
0x283: {  	[sflag:s1] =	ssyncset.done $0x0  }
0x284: {  	[sflag:s1] =	ssyncadd.s32 $0xFFFFFC00  }
0x285: {  	_ =	swait.ge [sflag:s1], $0x400  }
0x286: {  	s6 =	rddreg [dreg:$0x5]  }
0x287: {  	s15 =	rddreg [dreg:$0x4];
	s6 =	sadd.s32 $0x1, s6  }
0x288: {  	p0 =	sne.s32 s6, s15  }
.Ltmp5:
0x289: {  	_ = 	snop;
	(pc) =	sbr.rel @p0 .LBB2_1-.Ltmp5, $3  }
0x28a: {  	_ =	sdelay $0x1  }
0x28b: {  	[sflag:s1] =	ssyncset.done $0x0  }
0x28c: {  	[sflag:s1] =	ssyncadd.s32 $0xFFFFFC00  }
0x28d: {  	_ =	sfence.sel $0x180000  }
0x28e: {  	[bflag:$0x0] =	sbarrier.arrive $0xFFFF  }
0x28f: {  	_ =	strace $0x9000004A  }
0x290: {  	s0 =	stileid.u32;
	[bflag:$0x2] =	sbarrier.arrive $0xFFFF  }
0x291: {  	p0 =	sne.s32 s0, $0x0;
	s0 =	rddreg [dreg:$0x2]  }
0x292: {  	s0 =	sadd.s32 @!p0 $0x100000, s0  }
0x293: {  	[sflag:s0] =	ssyncadd.tile.s32 @!p0 $0x1;
	_ =	shalt  }
.Lfunc_end2:
_tile_overlayer_lowered:
.L_overlay_start_2:
0x294: {  	(tag) =	ssettag $0x2  }
0x295: {  	s0 =	rddreg [dreg:$0x0];
	s2 =	stileid.u32  }
0x296: {  	s1 =	rddreg [dreg:$0x1];
	p0 =	sne.s32 s2, $0x0  }
0x297: {  	s3 =	rddreg [dreg:$0x2];
	[bflag:$0x3] =	sbarrier.arrive $0xFFFF;
	s2 =	simm.s32 @!p0 $0x1C05  }
0x298: {  	[timem:s3], [sflag:s2] =	dma.local @!p0 [hbm:s0], s1  }
0x299: {  	s0 =	simm.s32 @!p0 $0x5  }
0x29a: {  	_ =	swait.ge @!p0 [sflag:s0], s1  }
0x29b: {  	s1 =	ssub.s32 @!p0 $0x0, s1;
	[sflag:s0] =	ssyncset.done @!p0 $0x0  }
0x29c: {  	[sflag:s0] =	ssyncadd.s32 @!p0 s1  }
0x29d: {  	[bflag:$0x3] =	sbarrier.arrive $0xFFFF  }
0x29e: {  	_ =	shalt  }

</sc_bundles>
